<compile_context>
chip_gen: v7x
topology: tpu7x:2x2x1
jax: 0.10.2.dev20260603
libtpu: 0.0.44.dev20260713+nightly
codegen_flags: <defaults>
</compile_context>

<pallas_src>
import functools

import jax
import jax.numpy as jnp
from jax import lax
from jax.experimental import pallas as pl
from jax.experimental.pallas import tpu as pltpu
from jax.experimental.pallas import tpu_sc as plsc

NUM_CODES = 8192
DIM = 256
TOKENS = 8192
BM = 1024
CHUNK_B = TOKENS // BM
CHUNK_T = CHUNK_B * BM

_SC_INFO = plsc.get_sparse_core_info()
_NC, _NS = _SC_INFO.num_cores, _SC_INFO.num_subcores
_NW = _NC * _NS
_BPW = CHUNK_T // _NW


def _dist_argmin_kernel(z_ref, w_ref, idx_ref, dmin_ref, csq_ref):
    @pl.when(pl.program_id(0) == 0)
    def _():
        w = w_ref[...]
        csq_ref[0, :] = jnp.sum(w * w, axis=1)

    z = jnp.transpose(z_ref[0], (1, 0))
    RB = 256
    CH = 128
    NCH = NUM_CODES // CH
    for r in range(BM // RB):
        z_r = z[r * RB:(r + 1) * RB, :]
        zsq = jnp.sum(z_r * z_r, axis=1, keepdims=True)
        mm2 = lax.dot_general(z_r + z_r, w_ref[...], (((1,), (1,)), ((), ())),
                              preferred_element_type=jnp.float32)
        m = (zsq + csq_ref[0, 0:CH][None, :]) - mm2[:, 0:CH]
        c = jnp.zeros((RB, CH), jnp.int32)
        for k in range(1, NCH):
            v = (zsq + csq_ref[0, k * CH:(k + 1) * CH][None, :]) - mm2[:, k * CH:(k + 1) * CH]
            c = jnp.where(v < m, k, c)
            m = jnp.minimum(v, m)
        jj = c * CH + lax.broadcasted_iota(jnp.int32, (RB, CH), 1)
        mn = jnp.min(m, axis=1, keepdims=True)
        idx = jnp.min(jnp.where(m == mn, jj, jnp.int32(2**30)), axis=1)
        idx_ref[0, 0, r * RB:(r + 1) * RB] = idx
        dmin_ref[0, 0, r * RB:(r + 1) * RB] = mn[:, 0]


def _dist_argmin(z_chunk, weight):
    return pl.pallas_call(
        _dist_argmin_kernel,
        grid=(CHUNK_B,),
        in_specs=[
            pl.BlockSpec((1, DIM, BM), lambda i: (i, 0, 0)),
            pl.BlockSpec((NUM_CODES, DIM), lambda i: (0, 0)),
        ],
        out_specs=[
            pl.BlockSpec((1, 1, BM), lambda i: (i, 0, 0)),
            pl.BlockSpec((1, 1, BM), lambda i: (i, 0, 0)),
        ],
        out_shape=[
            jax.ShapeDtypeStruct((CHUNK_B, 1, BM), jnp.int32),
            jax.ShapeDtypeStruct((CHUNK_B, 1, BM), jnp.float32),
        ],
        scratch_shapes=[pltpu.VMEM((1, NUM_CODES), jnp.float32)],
        compiler_params=pltpu.CompilerParams(
            dimension_semantics=("arbitrary",),
        ),
    )(z_chunk, weight)


@functools.partial(
    pl.kernel,
    mesh=plsc.VectorSubcoreMesh(core_axis_name="c", subcore_axis_name="s"),
    out_type=jax.ShapeDtypeStruct((CHUNK_T, DIM), jnp.float32),
    scratch_types=[
        pltpu.VMEM((_BPW,), jnp.int32),
        pltpu.VMEM((_BPW, DIM), jnp.float32),
        pltpu.SemaphoreType.DMA,
    ],
)
def _sc_gather(table_hbm, idx_hbm, out_hbm, idx_v, rows_v, sem):
    wid = lax.axis_index("s") * _NC + lax.axis_index("c")
    base = wid * _BPW
    pltpu.sync_copy(idx_hbm.at[pl.ds(base, _BPW)], idx_v)
    pltpu.async_copy(table_hbm.at[idx_v], rows_v, sem).wait()
    pltpu.sync_copy(rows_v, out_hbm.at[pl.ds(base, _BPW)])


def kernel(z, weight):
    b, d, h, w = z.shape
    z3 = z.reshape(b, d, h * w)
    idx3, dmin3 = _dist_argmin(z3, weight)
    zq = _sc_gather(weight, idx3.reshape(-1))
    commitment_loss = jnp.sum(dmin3) / jnp.float32(TOKENS * DIM)
    loss = 0.25 * commitment_loss
    q = jnp.transpose(zq.reshape(b, h * w, d), (0, 2, 1)).reshape(b, d, h, w)
    return (q, loss, commitment_loss)

# --- scband reference (transcript-rebuilt; emitter-appended) ---
"""Pipeline reference for scband-emavector-quantizer-9311489098060 (READ-ONLY COPY).

The authoritative reference and input builder live on the scoring server;
editing this copy changes nothing except your own understanding.
"""

import jax, jax.numpy as jnp
import numpy as np

NUM_CODEBOOK = 8192
EMBED_DIM = 256
BETA = 0.25


def setup_inputs(seed: int = 0) -> dict:
    key = jax.random.key(seed)
    k1, k2 = jax.random.split(key)
    z = jax.random.normal(k1, (8, 256, 32, 32), dtype=jnp.float32)
    # EmbeddingEMA weight buffer: uniform(-1/K, 1/K)
    weight = jax.random.uniform(k2, (NUM_CODEBOOK, EMBED_DIM), minval=-1.0 / NUM_CODEBOOK, maxval=1.0 / NUM_CODEBOOK, dtype=jnp.float32)
    return {"z": z, "weight": weight}


def reference(z, weight):
    # z: (B, D, H, W) -> (B, H, W, D)
    zp = jnp.transpose(z, (0, 2, 3, 1))
    b, h, w, d = zp.shape
    z_flat = zp.reshape(-1, d)
    codebook = weight  # normalize == 'none'
    # squared euclidean distance to every code
    distance = (
        jnp.sum(z_flat ** 2, axis=1, keepdims=True)
        + jnp.sum(codebook ** 2, axis=1)
        - 2.0 * jnp.matmul(z_flat, codebook.T)
    )
    vq_indices = jnp.argmin(distance, axis=1)
    z_quantized = jnp.take(weight, vq_indices, axis=0)  # F.embedding
    commitment_loss = jnp.mean((z_flat - jax.lax.stop_gradient(z_quantized)) ** 2)
    loss = BETA * commitment_loss
    # straight-through estimator
    z_q = z_flat + jax.lax.stop_gradient(z_quantized - z_flat)
    q = jnp.transpose(z_q.reshape(b, h, w, d), (0, 3, 1, 2))
    return (q, loss, commitment_loss)

if __name__ == "__main__":
    import jax
    _d = setup_inputs()
    print(jax.jit(kernel)(*tuple(_d.values())))

</pallas_src>

<mosaic_0001>
#map = affine_map<(d0, d1) -> (0, 0)>
#map1 = affine_map<(d0, d1) -> (0)>
module attributes {stable_mosaic.version = 14 : i64} {
  func.func @_sc_gather(%arg0: i32, %arg1: i32, %arg2: memref<8192x256xf32, #tpu.memory_space<hbm>>, %arg3: memref<8192xi32, #tpu.memory_space<hbm>>, %arg4: memref<8192x256xf32, #tpu.memory_space<hbm>>, %arg5: memref<256xi32, #tpu.memory_space<vmem>>, %arg6: memref<256x256xf32, #tpu.memory_space<vmem>>, %arg7: memref<!tpu.dma_semaphore, #tpu.memory_space<semaphore_mem>>) attributes {dimension_semantics = [#tpu.dimension_semantics<core_parallel>, #tpu.dimension_semantics<subcore_parallel>], iteration_bounds = array<i64: 2, 16>, scalar_prefetch = 0 : i64, scratch_operands = 3 : i64, tpu.core_type = #tpu.core_type<sc_vector_subcore>, window_params = [{transform_indices = #map}, {transform_indices = #map1}, {transform_indices = #map}]} {
    %mul3A = arith.constant 2 : i32
    %mul3A_0 = arith.muli %arg1, %mul3A : i32
    %add3A = arith.addi %mul3A_0, %arg0 : i32
    %mul3A_1 = arith.constant 256 : i32
    %mul3A_2 = arith.muli %add3A, %mul3A_1 : i32
    "tpu.region"() ({
      %run_scoped3A = tpu.sem_alloc : memref<!tpu.dma_semaphore, #tpu.memory_space<semaphore_mem>>
      %dma_start3A_7 = tpu.memref_slice %arg3[%mul3A_2] : memref<8192xi32, #tpu.memory_space<hbm>> -> memref<256xi32, #tpu.memory_space<hbm>>
      %dma_start3A_8 = tpu.memref_slice %arg3[%mul3A_2] : memref<8192xi32, #tpu.memory_space<hbm>> -> memref<256xi32, #tpu.memory_space<hbm>>
      tpu.enqueue_dma source(%dma_start3A_8 : memref<256xi32, #tpu.memory_space<hbm>>) target(%arg5 : memref<256xi32, #tpu.memory_space<vmem>>) target_semaphore(%run_scoped3A : memref<!tpu.dma_semaphore, #tpu.memory_space<semaphore_mem>>)
      %dma_wait3A_9 = tpu.memref_slice %arg3[%mul3A_2] : memref<8192xi32, #tpu.memory_space<hbm>> -> memref<256xi32, #tpu.memory_space<hbm>>
      %dma_wait3A_10 = tpu.memref_slice %arg3[%mul3A_2] : memref<8192xi32, #tpu.memory_space<hbm>> -> memref<256xi32, #tpu.memory_space<hbm>>
      tpu.wait_dma2 semaphore(%run_scoped3A : memref<!tpu.dma_semaphore, #tpu.memory_space<semaphore_mem>>) src(%dma_wait3A_10 : memref<256xi32, #tpu.memory_space<hbm>>) dst(%arg5 : memref<256xi32, #tpu.memory_space<vmem>>)
      tpu.yield
    }) : () -> ()
    %dma_start3A = arith.constant 0 : i32
    %dma_start3A_3 = arith.constant 0 : i32
    %dma_start3A_4 = tpu.memref_slice %arg2[%dma_start3A, %dma_start3A_3] : memref<8192x256xf32, #tpu.memory_space<hbm>> -> memref<8192x256xf32, #tpu.memory_space<hbm>>
    tpu.enqueue_indirect_dma source(%dma_start3A_4 : memref<8192x256xf32, #tpu.memory_space<hbm>>) target(%arg6 : memref<256x256xf32, #tpu.memory_space<vmem>>) offsets(%arg5 : memref<256xi32, #tpu.memory_space<vmem>>) semaphore(%arg7 : memref<!tpu.dma_semaphore, #tpu.memory_space<semaphore_mem>>)
    %dma_wait3A = arith.constant 0 : i32
    %dma_wait3A_5 = arith.constant 0 : i32
    %dma_wait3A_6 = tpu.memref_slice %arg2[%dma_wait3A, %dma_wait3A_5] : memref<8192x256xf32, #tpu.memory_space<hbm>> -> memref<8192x256xf32, #tpu.memory_space<hbm>>
    tpu.wait_indirect_dma semaphore(%arg7 : memref<!tpu.dma_semaphore, #tpu.memory_space<semaphore_mem>>) src(%dma_wait3A_6 : memref<8192x256xf32, #tpu.memory_space<hbm>>) dst(%arg6 : memref<256x256xf32, #tpu.memory_space<vmem>>)
    "tpu.region"() ({
      %run_scoped3A = tpu.sem_alloc : memref<!tpu.dma_semaphore, #tpu.memory_space<semaphore_mem>>
      %dma_start3A_7 = arith.constant 0 : i32
      %dma_start3A_8 = tpu.memref_slice %arg4[%mul3A_2, %dma_start3A_7] : memref<8192x256xf32, #tpu.memory_space<hbm>> -> memref<256x256xf32, #tpu.memory_space<hbm>>
      %dma_start3A_9 = arith.constant 0 : i32
      %dma_start3A_10 = tpu.memref_slice %arg4[%mul3A_2, %dma_start3A_9] : memref<8192x256xf32, #tpu.memory_space<hbm>> -> memref<256x256xf32, #tpu.memory_space<hbm>>
      tpu.enqueue_dma source(%arg6 : memref<256x256xf32, #tpu.memory_space<vmem>>) target(%dma_start3A_10 : memref<256x256xf32, #tpu.memory_space<hbm>>) target_semaphore(%run_scoped3A : memref<!tpu.dma_semaphore, #tpu.memory_space<semaphore_mem>>)
      %dma_wait3A_11 = arith.constant 0 : i32
      %dma_wait3A_12 = tpu.memref_slice %arg4[%mul3A_2, %dma_wait3A_11] : memref<8192x256xf32, #tpu.memory_space<hbm>> -> memref<256x256xf32, #tpu.memory_space<hbm>>
      %dma_wait3A_13 = arith.constant 0 : i32
      %dma_wait3A_14 = tpu.memref_slice %arg4[%mul3A_2, %dma_wait3A_13] : memref<8192x256xf32, #tpu.memory_space<hbm>> -> memref<256x256xf32, #tpu.memory_space<hbm>>
      tpu.wait_dma2 semaphore(%run_scoped3A : memref<!tpu.dma_semaphore, #tpu.memory_space<semaphore_mem>>) src(%arg6 : memref<256x256xf32, #tpu.memory_space<vmem>>) dst(%dma_wait3A_14 : memref<256x256xf32, #tpu.memory_space<hbm>>)
      tpu.yield
    }) : () -> ()
    return
  }
}

module attributes {stable_mosaic.version = 14 : i64} {
  func.func @_dist_argmin_kernel(%arg0: i32, %arg1: memref<1x256x1024xf32, #tpu.memory_space<vmem>>, %arg2: memref<8192x256xf32, #tpu.memory_space<vmem>>, %arg3: memref<1x1x1024xi32, #tpu.memory_space<vmem>>, %arg4: memref<1x1x1024xf32, #tpu.memory_space<vmem>>, %arg5: memref<1x8192xf32, #tpu.memory_space<vmem>>) attributes {dimension_semantics = [#tpu.dimension_semantics<arbitrary>], iteration_bounds = array<i64: 8>, scalar_prefetch = 0 : i64, scratch_operands = 1 : i64, tpu.core_type = #tpu.core_type<tc>, window_params = [{transform_indices = @transform_0, window_bounds = array<i64: 1, 256, 1024>}, {pipeline_mode = #tpu.pipeline_mode<synchronous>, transform_indices = @transform_1, window_bounds = array<i64: 8192, 256>}, {transform_indices = @transform_2, window_bounds = array<i64: 1, 1, 1024>}, {transform_indices = @transform_3, window_bounds = array<i64: 1, 1, 1024>}]} {
    %eq3A = arith.constant 0 : i32
    %eq3A_0 = arith.cmpi eq, %arg0, %eq3A : i32
    %convert_element_type3A = arith.extui %eq3A_0 : i1 to i32
    %cond3A = arith.constant 0 : i32
    %cond3A_1 = arith.cmpi ne, %convert_element_type3A, %cond3A : i32
    scf.if %cond3A_1 {
      %get3A_3975 = arith.constant 0 : index
      %get3A_3976 = arith.constant 0 : index
      %get3A_3977 = vector.load %arg2[%get3A_3975, %get3A_3976] : memref<8192x256xf32, #tpu.memory_space<vmem>>, vector<8192x256xf32>
      %mul3A_3978 = arith.mulf %get3A_3977, %get3A_3977 : vector<8192x256xf32>
      %reduce_sum3A_3979 = arith.constant dense<0.000000e+00> : vector<8192xf32>
      %reduce_sum3A_3980 = vector.multi_reduction <add>, %mul3A_3978, %reduce_sum3A_3979 [1] : vector<8192x256xf32> to vector<8192xf32>
      %swap3A_3981 = arith.constant 0 : index
      %swap3A_3982 = arith.constant 0 : index
      %swap3A_3983 = vector.load %arg5[%swap3A_3981, %swap3A_3982] : memref<1x8192xf32, #tpu.memory_space<vmem>>, vector<1x8192xf32>
      %swap3A_3984 = vector.shape_cast %swap3A_3983 : vector<1x8192xf32> to vector<8192xf32>
      %swap3A_3985 = vector.shape_cast %reduce_sum3A_3980 : vector<8192xf32> to vector<1x8192xf32>
      tpu.vector_store %arg5[%swap3A_3981, %swap3A_3982], %swap3A_3985 {strides = array<i32>} : memref<1x8192xf32, #tpu.memory_space<vmem>>, vector<1x8192xf32>,
    } else {
    }
    %get3A = arith.constant 0 : index
    %get3A_2 = arith.constant 0 : index
    %get3A_3 = arith.constant 0 : index
    %get3A_4 = vector.load %arg1[%get3A, %get3A_2, %get3A_3] : memref<1x256x1024xf32, #tpu.memory_space<vmem>>, vector<1x256x1024xf32>
    %get3A_5 = vector.shape_cast %get3A_4 : vector<1x256x1024xf32> to vector<256x1024xf32>
    %transpose3A = tpu.transpose %get3A_5, [1, 0] : vector<256x1024xf32> -> vector<1024x256xf32>
    %slice3A = vector.extract_strided_slice %transpose3A {offsets = [0, 0], sizes = [256, 256], strides = [1, 1]} : vector<1024x256xf32> to vector<256x256xf32>
    %mul3A = arith.mulf %slice3A, %slice3A : vector<256x256xf32>
    %reduce_sum3A = arith.constant dense<0.000000e+00> : vector<256xf32>
    %reduce_sum3A_6 = vector.multi_reduction <add>, %mul3A, %reduce_sum3A [1] : vector<256x256xf32> to vector<256xf32>
    %broadcast_in_dim3A = vector.shape_cast %reduce_sum3A_6 : vector<256xf32> to vector<256x1xf32>
    %add3A = arith.addf %slice3A, %slice3A : vector<256x256xf32>
    %get3A_7 = arith.constant 0 : index
    %get3A_8 = arith.constant 0 : index
    %get3A_9 = vector.load %arg2[%get3A_7, %get3A_8] : memref<8192x256xf32, #tpu.memory_space<vmem>>, vector<8192x256xf32>
    %dot_general3A = arith.constant dense<0.000000e+00> : vector<256x8192xf32>
    %dot_general3A_10 = tpu.matmul %add3A, %get3A_9, %dot_general3A {dimension_numbers = #tpu.dot_dimension_numbers<[1], [1], [0], [0], [0, 0, 1, 0], [], []>, transpose_lhs_hint = false} : vector<256x256xf32>, vector<8192x256xf32>, vector<256x8192xf32> -> vector<256x8192xf32>
    %get3A_11 = arith.constant 0 : index
    %get3A_12 = arith.constant 0 : index
    %get3A_13 = vector.load %arg5[%get3A_11, %get3A_12] : memref<1x8192xf32, #tpu.memory_space<vmem>>, vector<1x128xf32>
    %get3A_14 = vector.shape_cast %get3A_13 : vector<1x128xf32> to vector<128xf32>
    %broadcast_in_dim3A_15 = vector.shape_cast %get3A_14 : vector<128xf32> to vector<1x128xf32>
    %add3A_16 = vector.broadcast %broadcast_in_dim3A : vector<256x1xf32> to vector<256x128xf32>
    %add3A_17 = vector.broadcast %broadcast_in_dim3A_15 : vector<1x128xf32> to vector<256x128xf32>
    %add3A_18 = arith.addf %add3A_16, %add3A_17 : vector<256x128xf32>
    %slice3A_19 = vector.extract_strided_slice %dot_general3A_10 {offsets = [0, 0], sizes = [256, 128], strides = [1, 1]} : vector<256x8192xf32> to vector<256x128xf32>
    %sub3A = arith.subf %add3A_18, %slice3A_19 : vector<256x128xf32>
    %broadcast_in_dim3A_20 = arith.constant 0 : i32
    %broadcast_in_dim3A_21 = vector.broadcast %broadcast_in_dim3A_20 : i32 to vector<256x128xi32>
    %get3A_22 = arith.constant 0 : index
    %get3A_23 = arith.constant 128 : index
    %get3A_24 = vector.load %arg5[%get3A_22, %get3A_23] : memref<1x8192xf32, #tpu.memory_space<vmem>>, vector<1x128xf32>
    %get3A_25 = vector.shape_cast %get3A_24 : vector<1x128xf32> to vector<128xf32>
    %broadcast_in_dim3A_26 = vector.shape_cast %get3A_25 : vector<128xf32> to vector<1x128xf32>
    %add3A_27 = vector.broadcast %broadcast_in_dim3A : vector<256x1xf32> to vector<256x128xf32>
    %add3A_28 = vector.broadcast %broadcast_in_dim3A_26 : vector<1x128xf32> to vector<256x128xf32>
    %add3A_29 = arith.addf %add3A_27, %add3A_28 : vector<256x128xf32>
    %slice3A_30 = vector.extract_strided_slice %dot_general3A_10 {offsets = [0, 128], sizes = [256, 128], strides = [1, 1]} : vector<256x8192xf32> to vector<256x128xf32>
    %sub3A_31 = arith.subf %add3A_29, %slice3A_30 : vector<256x128xf32>
    %lt3A = arith.cmpf olt, %sub3A_31, %sub3A : vector<256x128xf32>
    %jit3A = arith.constant 1 : i32
    %broadcast_in_dim3A_32 = vector.broadcast %jit3A : i32 to vector<256x128xi32>
    %select_n3A = arith.select %lt3A, %broadcast_in_dim3A_32, %broadcast_in_dim3A_21 : vector<256x128xi1>, vector<256x128xi32>
    %min3A = arith.minimumf %sub3A_31, %sub3A : vector<256x128xf32>
    %get3A_33 = arith.constant 0 : index
    %get3A_34 = arith.constant 256 : index
    %get3A_35 = vector.load %arg5[%get3A_33, %get3A_34] : memref<1x8192xf32, #tpu.memory_space<vmem>>, vector<1x128xf32>
    %get3A_36 = vector.shape_cast %get3A_35 : vector<1x128xf32> to vector<128xf32>
    %broadcast_in_dim3A_37 = vector.shape_cast %get3A_36 : vector<128xf32> to vector<1x128xf32>
    %add3A_38 = vector.broadcast %broadcast_in_dim3A : vector<256x1xf32> to vector<256x128xf32>
    %add3A_39 = vector.broadcast %broadcast_in_dim3A_37 : vector<1x128xf32> to vector<256x128xf32>
    %add3A_40 = arith.addf %add3A_38, %add3A_39 : vector<256x128xf32>
    %slice3A_41 = vector.extract_strided_slice %dot_general3A_10 {offsets = [0, 256], sizes = [256, 128], strides = [1, 1]} : vector<256x8192xf32> to vector<256x128xf32>
    %sub3A_42 = arith.subf %add3A_40, %slice3A_41 : vector<256x128xf32>
    %lt3A_43 = arith.cmpf olt, %sub3A_42, %min3A : vector<256x128xf32>
    %jit3A_44 = arith.constant 2 : i32
    %broadcast_in_dim3A_45 = vector.broadcast %jit3A_44 : i32 to vector<256x128xi32>
    %select_n3A_46 = arith.select %lt3A_43, %broadcast_in_dim3A_45, %select_n3A : vector<256x128xi1>, vector<256x128xi32>
    %min3A_47 = arith.minimumf %sub3A_42, %min3A : vector<256x128xf32>
    %get3A_48 = arith.constant 0 : index
    %get3A_49 = arith.constant 384 : index
    %get3A_50 = vector.load %arg5[%get3A_48, %get3A_49] : memref<1x8192xf32, #tpu.memory_space<vmem>>, vector<1x128xf32>
    %get3A_51 = vector.shape_cast %get3A_50 : vector<1x128xf32> to vector<128xf32>
    %broadcast_in_dim3A_52 = vector.shape_cast %get3A_51 : vector<128xf32> to vector<1x128xf32>
    %add3A_53 = vector.broadcast %broadcast_in_dim3A : vector<256x1xf32> to vector<256x128xf32>
    %add3A_54 = vector.broadcast %broadcast_in_dim3A_52 : vector<1x128xf32> to vector<256x128xf32>
    %add3A_55 = arith.addf %add3A_53, %add3A_54 : vector<256x128xf32>
    %slice3A_56 = vector.extract_strided_slice %dot_general3A_10 {offsets = [0, 384], sizes = [256, 128], strides = [1, 1]} : vector<256x8192xf32> to vector<256x128xf32>
    %sub3A_57 = arith.subf %add3A_55, %slice3A_56 : vector<256x128xf32>
    %lt3A_58 = arith.cmpf olt, %sub3A_57, %min3A_47 : vector<256x128xf32>
    %jit3A_59 = arith.constant 3 : i32
    %broadcast_in_dim3A_60 = vector.broadcast %jit3A_59 : i32 to vector<256x128xi32>
    %select_n3A_61 = arith.select %lt3A_58, %broadcast_in_dim3A_60, %select_n3A_46 : vector<256x128xi1>, vector<256x128xi32>
    %min3A_62 = arith.minimumf %sub3A_57, %min3A_47 : vector<256x128xf32>
    %get3A_63 = arith.constant 0 : index
    %get3A_64 = arith.constant 512 : index
    %get3A_65 = vector.load %arg5[%get3A_63, %get3A_64] : memref<1x8192xf32, #tpu.memory_space<vmem>>, vector<1x128xf32>
    %get3A_66 = vector.shape_cast %get3A_65 : vector<1x128xf32> to vector<128xf32>
    %broadcast_in_dim3A_67 = vector.shape_cast %get3A_66 : vector<128xf32> to vector<1x128xf32>
    %add3A_68 = vector.broadcast %broadcast_in_dim3A : vector<256x1xf32> to vector<256x128xf32>
    %add3A_69 = vector.broadcast %broadcast_in_dim3A_67 : vector<1x128xf32> to vector<256x128xf32>
    %add3A_70 = arith.addf %add3A_68, %add3A_69 : vector<256x128xf32>
    %slice3A_71 = vector.extract_strided_slice %dot_general3A_10 {offsets = [0, 512], sizes = [256, 128], strides = [1, 1]} : vector<256x8192xf32> to vector<256x128xf32>
    %sub3A_72 = arith.subf %add3A_70, %slice3A_71 : vector<256x128xf32>
    %lt3A_73 = arith.cmpf olt, %sub3A_72, %min3A_62 : vector<256x128xf32>
    %jit3A_74 = arith.constant 4 : i32
    %broadcast_in_dim3A_75 = vector.broadcast %jit3A_74 : i32 to vector<256x128xi32>
    %select_n3A_76 = arith.select %lt3A_73, %broadcast_in_dim3A_75, %select_n3A_61 : vector<256x128xi1>, vector<256x128xi32>
    %min3A_77 = arith.minimumf %sub3A_72, %min3A_62 : vector<256x128xf32>
    %get3A_78 = arith.constant 0 : index
    %get3A_79 = arith.constant 640 : index
    %get3A_80 = vector.load %arg5[%get3A_78, %get3A_79] : memref<1x8192xf32, #tpu.memory_space<vmem>>, vector<1x128xf32>
    %get3A_81 = vector.shape_cast %get3A_80 : vector<1x128xf32> to vector<128xf32>
    %broadcast_in_dim3A_82 = vector.shape_cast %get3A_81 : vector<128xf32> to vector<1x128xf32>
    %add3A_83 = vector.broadcast %broadcast_in_dim3A : vector<256x1xf32> to vector<256x128xf32>
    %add3A_84 = vector.broadcast %broadcast_in_dim3A_82 : vector<1x128xf32> to vector<256x128xf32>
    %add3A_85 = arith.addf %add3A_83, %add3A_84 : vector<256x128xf32>
    %slice3A_86 = vector.extract_strided_slice %dot_general3A_10 {offsets = [0, 640], sizes = [256, 128], strides = [1, 1]} : vector<256x8192xf32> to vector<256x128xf32>
    %sub3A_87 = arith.subf %add3A_85, %slice3A_86 : vector<256x128xf32>
    %lt3A_88 = arith.cmpf olt, %sub3A_87, %min3A_77 : vector<256x128xf32>
    %jit3A_89 = arith.constant 5 : i32
    %broadcast_in_dim3A_90 = vector.broadcast %jit3A_89 : i32 to vector<256x128xi32>
    %select_n3A_91 = arith.select %lt3A_88, %broadcast_in_dim3A_90, %select_n3A_76 : vector<256x128xi1>, vector<256x128xi32>
    %min3A_92 = arith.minimumf %sub3A_87, %min3A_77 : vector<256x128xf32>
    %get3A_93 = arith.constant 0 : index
    %get3A_94 = arith.constant 768 : index
    %get3A_95 = vector.load %arg5[%get3A_93, %get3A_94] : memref<1x8192xf32, #tpu.memory_space<vmem>>, vector<1x128xf32>
    %get3A_96 = vector.shape_cast %get3A_95 : vector<1x128xf32> to vector<128xf32>
    %broadcast_in_dim3A_97 = vector.shape_cast %get3A_96 : vector<128xf32> to vector<1x128xf32>
    %add3A_98 = vector.broadcast %broadcast_in_dim3A : vector<256x1xf32> to vector<256x128xf32>
    %add3A_99 = vector.broadcast %broadcast_in_dim3A_97 : vector<1x128xf32> to vector<256x128xf32>
    %add3A_100 = arith.addf %add3A_98, %add3A_99 : vector<256x128xf32>
    %slice3A_101 = vector.extract_strided_slice %dot_general3A_10 {offsets = [0, 768], sizes = [256, 128], strides = [1, 1]} : vector<256x8192xf32> to vector<256x128xf32>
    %sub3A_102 = arith.subf %add3A_100, %slice3A_101 : vector<256x128xf32>
    %lt3A_103 = arith.cmpf olt, %sub3A_102, %min3A_92 : vector<256x128xf32>
    %jit3A_104 = arith.constant 6 : i32
    %broadcast_in_dim3A_105 = vector.broadcast %jit3A_104 : i32 to vector<256x128xi32>
    %select_n3A_106 = arith.select %lt3A_103, %broadcast_in_dim3A_105, %select_n3A_91 : vector<256x128xi1>, vector<256x128xi32>
    %min3A_107 = arith.minimumf %sub3A_102, %min3A_92 : vector<256x128xf32>
    %get3A_108 = arith.constant 0 : index
    %get3A_109 = arith.constant 896 : index
    %get3A_110 = vector.load %arg5[%get3A_108, %get3A_109] : memref<1x8192xf32, #tpu.memory_space<vmem>>, vector<1x128xf32>
    %get3A_111 = vector.shape_cast %get3A_110 : vector<1x128xf32> to vector<128xf32>
    %broadcast_in_dim3A_112 = vector.shape_cast %get3A_111 : vector<128xf32> to vector<1x128xf32>
    %add3A_113 = vector.broadcast %broadcast_in_dim3A : vector<256x1xf32> to vector<256x128xf32>
    %add3A_114 = vector.broadcast %broadcast_in_dim3A_112 : vector<1x128xf32> to vector<256x128xf32>
    %add3A_115 = arith.addf %add3A_113, %add3A_114 : vector<256x128xf32>
    %slice3A_116 = vector.extract_strided_slice %dot_general3A_10 {offsets = [0, 896], sizes = [256, 128], strides = [1, 1]} : vector<256x8192xf32> to vector<256x128xf32>
    %sub3A_117 = arith.subf %add3A_115, %slice3A_116 : vector<256x128xf32>
    %lt3A_118 = arith.cmpf olt, %sub3A_117, %min3A_107 : vector<256x128xf32>
    %jit3A_119 = arith.constant 7 : i32
    %broadcast_in_dim3A_120 = vector.broadcast %jit3A_119 : i32 to vector<256x128xi32>
    %select_n3A_121 = arith.select %lt3A_118, %broadcast_in_dim3A_120, %select_n3A_106 : vector<256x128xi1>, vector<256x128xi32>
    %min3A_122 = arith.minimumf %sub3A_117, %min3A_107 : vector<256x128xf32>
    %get3A_123 = arith.constant 0 : index
    %get3A_124 = arith.constant 1024 : index
    %get3A_125 = vector.load %arg5[%get3A_123, %get3A_124] : memref<1x8192xf32, #tpu.memory_space<vmem>>, vector<1x128xf32>
    %get3A_126 = vector.shape_cast %get3A_125 : vector<1x128xf32> to vector<128xf32>
    %broadcast_in_dim3A_127 = vector.shape_cast %get3A_126 : vector<128xf32> to vector<1x128xf32>
    %add3A_128 = vector.broadcast %broadcast_in_dim3A : vector<256x1xf32> to vector<256x128xf32>
    %add3A_129 = vector.broadcast %broadcast_in_dim3A_127 : vector<1x128xf32> to vector<256x128xf32>
    %add3A_130 = arith.addf %add3A_128, %add3A_129 : vector<256x128xf32>
    %slice3A_131 = vector.extract_strided_slice %dot_general3A_10 {offsets = [0, 1024], sizes = [256, 128], strides = [1, 1]} : vector<256x8192xf32> to vector<256x128xf32>
    %sub3A_132 = arith.subf %add3A_130, %slice3A_131 : vector<256x128xf32>
    %lt3A_133 = arith.cmpf olt, %sub3A_132, %min3A_122 : vector<256x128xf32>
    %jit3A_134 = arith.constant 8 : i32
    %broadcast_in_dim3A_135 = vector.broadcast %jit3A_134 : i32 to vector<256x128xi32>
    %select_n3A_136 = arith.select %lt3A_133, %broadcast_in_dim3A_135, %select_n3A_121 : vector<256x128xi1>, vector<256x128xi32>
    %min3A_137 = arith.minimumf %sub3A_132, %min3A_122 : vector<256x128xf32>
    %get3A_138 = arith.constant 0 : index
    %get3A_139 = arith.constant 1152 : index
    %get3A_140 = vector.load %arg5[%get3A_138, %get3A_139] : memref<1x8192xf32, #tpu.memory_space<vmem>>, vector<1x128xf32>
    %get3A_141 = vector.shape_cast %get3A_140 : vector<1x128xf32> to vector<128xf32>
    %broadcast_in_dim3A_142 = vector.shape_cast %get3A_141 : vector<128xf32> to vector<1x128xf32>
    %add3A_143 = vector.broadcast %broadcast_in_dim3A : vector<256x1xf32> to vector<256x128xf32>
    %add3A_144 = vector.broadcast %broadcast_in_dim3A_142 : vector<1x128xf32> to vector<256x128xf32>
    %add3A_145 = arith.addf %add3A_143, %add3A_144 : vector<256x128xf32>
    %slice3A_146 = vector.extract_strided_slice %dot_general3A_10 {offsets = [0, 1152], sizes = [256, 128], strides = [1, 1]} : vector<256x8192xf32> to vector<256x128xf32>
    %sub3A_147 = arith.subf %add3A_145, %slice3A_146 : vector<256x128xf32>
    %lt3A_148 = arith.cmpf olt, %sub3A_147, %min3A_137 : vector<256x128xf32>
    %jit3A_149 = arith.constant 9 : i32
    %broadcast_in_dim3A_150 = vector.broadcast %jit3A_149 : i32 to vector<256x128xi32>
    %select_n3A_151 = arith.select %lt3A_148, %broadcast_in_dim3A_150, %select_n3A_136 : vector<256x128xi1>, vector<256x128xi32>
    %min3A_152 = arith.minimumf %sub3A_147, %min3A_137 : vector<256x128xf32>
    %get3A_153 = arith.constant 0 : index
    %get3A_154 = arith.constant 1280 : index
    %get3A_155 = vector.load %arg5[%get3A_153, %get3A_154] : memref<1x8192xf32, #tpu.memory_space<vmem>>, vector<1x128xf32>
    %get3A_156 = vector.shape_cast %get3A_155 : vector<1x128xf32> to vector<128xf32>
    %broadcast_in_dim3A_157 = vector.shape_cast %get3A_156 : vector<128xf32> to vector<1x128xf32>
    %add3A_158 = vector.broadcast %broadcast_in_dim3A : vector<256x1xf32> to vector<256x128xf32>
    %add3A_159 = vector.broadcast %broadcast_in_dim3A_157 : vector<1x128xf32> to vector<256x128xf32>
    %add3A_160 = arith.addf %add3A_158, %add3A_159 : vector<256x128xf32>
    %slice3A_161 = vector.extract_strided_slice %dot_general3A_10 {offsets = [0, 1280], sizes = [256, 128], strides = [1, 1]} : vector<256x8192xf32> to vector<256x128xf32>
    %sub3A_162 = arith.subf %add3A_160, %slice3A_161 : vector<256x128xf32>
    %lt3A_163 = arith.cmpf olt, %sub3A_162, %min3A_152 : vector<256x128xf32>
    %jit3A_164 = arith.constant 10 : i32
    %broadcast_in_dim3A_165 = vector.broadcast %jit3A_164 : i32 to vector<256x128xi32>
    %select_n3A_166 = arith.select %lt3A_163, %broadcast_in_dim3A_165, %select_n3A_151 : vector<256x128xi1>, vector<256x128xi32>
    %min3A_167 = arith.minimumf %sub3A_162, %min3A_152 : vector<256x128xf32>
    %get3A_168 = arith.constant 0 : index
    %get3A_169 = arith.constant 1408 : index
    %get3A_170 = vector.load %arg5[%get3A_168, %get3A_169] : memref<1x8192xf32, #tpu.memory_space<vmem>>, vector<1x128xf32>
    %get3A_171 = vector.shape_cast %get3A_170 : vector<1x128xf32> to vector<128xf32>
    %broadcast_in_dim3A_172 = vector.shape_cast %get3A_171 : vector<128xf32> to vector<1x128xf32>
    %add3A_173 = vector.broadcast %broadcast_in_dim3A : vector<256x1xf32> to vector<256x128xf32>
    %add3A_174 = vector.broadcast %broadcast_in_dim3A_172 : vector<1x128xf32> to vector<256x128xf32>
    %add3A_175 = arith.addf %add3A_173, %add3A_174 : vector<256x128xf32>
    %slice3A_176 = vector.extract_strided_slice %dot_general3A_10 {offsets = [0, 1408], sizes = [256, 128], strides = [1, 1]} : vector<256x8192xf32> to vector<256x128xf32>
    %sub3A_177 = arith.subf %add3A_175, %slice3A_176 : vector<256x128xf32>
    %lt3A_178 = arith.cmpf olt, %sub3A_177, %min3A_167 : vector<256x128xf32>
    %jit3A_179 = arith.constant 11 : i32
    %broadcast_in_dim3A_180 = vector.broadcast %jit3A_179 : i32 to vector<256x128xi32>
    %select_n3A_181 = arith.select %lt3A_178, %broadcast_in_dim3A_180, %select_n3A_166 : vector<256x128xi1>, vector<256x128xi32>
    %min3A_182 = arith.minimumf %sub3A_177, %min3A_167 : vector<256x128xf32>
    %get3A_183 = arith.constant 0 : index
    %get3A_184 = arith.constant 1536 : index
    %get3A_185 = vector.load %arg5[%get3A_183, %get3A_184] : memref<1x8192xf32, #tpu.memory_space<vmem>>, vector<1x128xf32>
    %get3A_186 = vector.shape_cast %get3A_185 : vector<1x128xf32> to vector<128xf32>
    %broadcast_in_dim3A_187 = vector.shape_cast %get3A_186 : vector<128xf32> to vector<1x128xf32>
    %add3A_188 = vector.broadcast %broadcast_in_dim3A : vector<256x1xf32> to vector<256x128xf32>
    %add3A_189 = vector.broadcast %broadcast_in_dim3A_187 : vector<1x128xf32> to vector<256x128xf32>
    %add3A_190 = arith.addf %add3A_188, %add3A_189 : vector<256x128xf32>
    %slice3A_191 = vector.extract_strided_slice %dot_general3A_10 {offsets = [0, 1536], sizes = [256, 128], strides = [1, 1]} : vector<256x8192xf32> to vector<256x128xf32>
    %sub3A_192 = arith.subf %add3A_190, %slice3A_191 : vector<256x128xf32>
    %lt3A_193 = arith.cmpf olt, %sub3A_192, %min3A_182 : vector<256x128xf32>
    %jit3A_194 = arith.constant 12 : i32
    %broadcast_in_dim3A_195 = vector.broadcast %jit3A_194 : i32 to vector<256x128xi32>
    %select_n3A_196 = arith.select %lt3A_193, %broadcast_in_dim3A_195, %select_n3A_181 : vector<256x128xi1>, vector<256x128xi32>
    %min3A_197 = arith.minimumf %sub3A_192, %min3A_182 : vector<256x128xf32>
    %get3A_198 = arith.constant 0 : index
    %get3A_199 = arith.constant 1664 : index
    %get3A_200 = vector.load %arg5[%get3A_198, %get3A_199] : memref<1x8192xf32, #tpu.memory_space<vmem>>, vector<1x128xf32>
    %get3A_201 = vector.shape_cast %get3A_200 : vector<1x128xf32> to vector<128xf32>
    %broadcast_in_dim3A_202 = vector.shape_cast %get3A_201 : vector<128xf32> to vector<1x128xf32>
    %add3A_203 = vector.broadcast %broadcast_in_dim3A : vector<256x1xf32> to vector<256x128xf32>
    %add3A_204 = vector.broadcast %broadcast_in_dim3A_202 : vector<1x128xf32> to vector<256x128xf32>
    %add3A_205 = arith.addf %add3A_203, %add3A_204 : vector<256x128xf32>
    %slice3A_206 = vector.extract_strided_slice %dot_general3A_10 {offsets = [0, 1664], sizes = [256, 128], strides = [1, 1]} : vector<256x8192xf32> to vector<256x128xf32>
    %sub3A_207 = arith.subf %add3A_205, %slice3A_206 : vector<256x128xf32>
    %lt3A_208 = arith.cmpf olt, %sub3A_207, %min3A_197 : vector<256x128xf32>
    %jit3A_209 = arith.constant 13 : i32
    %broadcast_in_dim3A_210 = vector.broadcast %jit3A_209 : i32 to vector<256x128xi32>
    %select_n3A_211 = arith.select %lt3A_208, %broadcast_in_dim3A_210, %select_n3A_196 : vector<256x128xi1>, vector<256x128xi32>
    %min3A_212 = arith.minimumf %sub3A_207, %min3A_197 : vector<256x128xf32>
    %get3A_213 = arith.constant 0 : index
    %get3A_214 = arith.constant 1792 : index
    %get3A_215 = vector.load %arg5[%get3A_213, %get3A_214] : memref<1x8192xf32, #tpu.memory_space<vmem>>, vector<1x128xf32>
    %get3A_216 = vector.shape_cast %get3A_215 : vector<1x128xf32> to vector<128xf32>
    %broadcast_in_dim3A_217 = vector.shape_cast %get3A_216 : vector<128xf32> to vector<1x128xf32>
    %add3A_218 = vector.broadcast %broadcast_in_dim3A : vector<256x1xf32> to vector<256x128xf32>
    %add3A_219 = vector.broadcast %broadcast_in_dim3A_217 : vector<1x128xf32> to vector<256x128xf32>
    %add3A_220 = arith.addf %add3A_218, %add3A_219 : vector<256x128xf32>
    %slice3A_221 = vector.extract_strided_slice %dot_general3A_10 {offsets = [0, 1792], sizes = [256, 128], strides = [1, 1]} : vector<256x8192xf32> to vector<256x128xf32>
    %sub3A_222 = arith.subf %add3A_220, %slice3A_221 : vector<256x128xf32>
    %lt3A_223 = arith.cmpf olt, %sub3A_222, %min3A_212 : vector<256x128xf32>
    %jit3A_224 = arith.constant 14 : i32
    %broadcast_in_dim3A_225 = vector.broadcast %jit3A_224 : i32 to vector<256x128xi32>
    %select_n3A_226 = arith.select %lt3A_223, %broadcast_in_dim3A_225, %select_n3A_211 : vector<256x128xi1>, vector<256x128xi32>
    %min3A_227 = arith.minimumf %sub3A_222, %min3A_212 : vector<256x128xf32>
    %get3A_228 = arith.constant 0 : index
    %get3A_229 = arith.constant 1920 : index
    %get3A_230 = vector.load %arg5[%get3A_228, %get3A_229] : memref<1x8192xf32, #tpu.memory_space<vmem>>, vector<1x128xf32>
    %get3A_231 = vector.shape_cast %get3A_230 : vector<1x128xf32> to vector<128xf32>
    %broadcast_in_dim3A_232 = vector.shape_cast %get3A_231 : vector<128xf32> to vector<1x128xf32>
    %add3A_233 = vector.broadcast %broadcast_in_dim3A : vector<256x1xf32> to vector<256x128xf32>
    %add3A_234 = vector.broadcast %broadcast_in_dim3A_232 : vector<1x128xf32> to vector<256x128xf32>
    %add3A_235 = arith.addf %add3A_233, %add3A_234 : vector<256x128xf32>
    %slice3A_236 = vector.extract_strided_slice %dot_general3A_10 {offsets = [0, 1920], sizes = [256, 128], strides = [1, 1]} : vector<256x8192xf32> to vector<256x128xf32>
    %sub3A_237 = arith.subf %add3A_235, %slice3A_236 : vector<256x128xf32>
    %lt3A_238 = arith.cmpf olt, %sub3A_237, %min3A_227 : vector<256x128xf32>
    %jit3A_239 = arith.constant 15 : i32
    %broadcast_in_dim3A_240 = vector.broadcast %jit3A_239 : i32 to vector<256x128xi32>
    %select_n3A_241 = arith.select %lt3A_238, %broadcast_in_dim3A_240, %select_n3A_226 : vector<256x128xi1>, vector<256x128xi32>
    %min3A_242 = arith.minimumf %sub3A_237, %min3A_227 : vector<256x128xf32>
    %get3A_243 = arith.constant 0 : index
    %get3A_244 = arith.constant 2048 : index
    %get3A_245 = vector.load %arg5[%get3A_243, %get3A_244] : memref<1x8192xf32, #tpu.memory_space<vmem>>, vector<1x128xf32>
    %get3A_246 = vector.shape_cast %get3A_245 : vector<1x128xf32> to vector<128xf32>
    %broadcast_in_dim3A_247 = vector.shape_cast %get3A_246 : vector<128xf32> to vector<1x128xf32>
    %add3A_248 = vector.broadcast %broadcast_in_dim3A : vector<256x1xf32> to vector<256x128xf32>
    %add3A_249 = vector.broadcast %broadcast_in_dim3A_247 : vector<1x128xf32> to vector<256x128xf32>
    %add3A_250 = arith.addf %add3A_248, %add3A_249 : vector<256x128xf32>
    %slice3A_251 = vector.extract_strided_slice %dot_general3A_10 {offsets = [0, 2048], sizes = [256, 128], strides = [1, 1]} : vector<256x8192xf32> to vector<256x128xf32>
    %sub3A_252 = arith.subf %add3A_250, %slice3A_251 : vector<256x128xf32>
    %lt3A_253 = arith.cmpf olt, %sub3A_252, %min3A_242 : vector<256x128xf32>
    %jit3A_254 = arith.constant 16 : i32
    %broadcast_in_dim3A_255 = vector.broadcast %jit3A_254 : i32 to vector<256x128xi32>
    %select_n3A_256 = arith.select %lt3A_253, %broadcast_in_dim3A_255, %select_n3A_241 : vector<256x128xi1>, vector<256x128xi32>
    %min3A_257 = arith.minimumf %sub3A_252, %min3A_242 : vector<256x128xf32>
    %get3A_258 = arith.constant 0 : index
    %get3A_259 = arith.constant 2176 : index
    %get3A_260 = vector.load %arg5[%get3A_258, %get3A_259] : memref<1x8192xf32, #tpu.memory_space<vmem>>, vector<1x128xf32>
    %get3A_261 = vector.shape_cast %get3A_260 : vector<1x128xf32> to vector<128xf32>
    %broadcast_in_dim3A_262 = vector.shape_cast %get3A_261 : vector<128xf32> to vector<1x128xf32>
    %add3A_263 = vector.broadcast %broadcast_in_dim3A : vector<256x1xf32> to vector<256x128xf32>
    %add3A_264 = vector.broadcast %broadcast_in_dim3A_262 : vector<1x128xf32> to vector<256x128xf32>
    %add3A_265 = arith.addf %add3A_263, %add3A_264 : vector<256x128xf32>
    %slice3A_266 = vector.extract_strided_slice %dot_general3A_10 {offsets = [0, 2176], sizes = [256, 128], strides = [1, 1]} : vector<256x8192xf32> to vector<256x128xf32>
    %sub3A_267 = arith.subf %add3A_265, %slice3A_266 : vector<256x128xf32>
    %lt3A_268 = arith.cmpf olt, %sub3A_267, %min3A_257 : vector<256x128xf32>
    %jit3A_269 = arith.constant 17 : i32
    %broadcast_in_dim3A_270 = vector.broadcast %jit3A_269 : i32 to vector<256x128xi32>
    %select_n3A_271 = arith.select %lt3A_268, %broadcast_in_dim3A_270, %select_n3A_256 : vector<256x128xi1>, vector<256x128xi32>
    %min3A_272 = arith.minimumf %sub3A_267, %min3A_257 : vector<256x128xf32>
    %get3A_273 = arith.constant 0 : index
    %get3A_274 = arith.constant 2304 : index
    %get3A_275 = vector.load %arg5[%get3A_273, %get3A_274] : memref<1x8192xf32, #tpu.memory_space<vmem>>, vector<1x128xf32>
    %get3A_276 = vector.shape_cast %get3A_275 : vector<1x128xf32> to vector<128xf32>
    %broadcast_in_dim3A_277 = vector.shape_cast %get3A_276 : vector<128xf32> to vector<1x128xf32>
    %add3A_278 = vector.broadcast %broadcast_in_dim3A : vector<256x1xf32> to vector<256x128xf32>
    %add3A_279 = vector.broadcast %broadcast_in_dim3A_277 : vector<1x128xf32> to vector<256x128xf32>
    %add3A_280 = arith.addf %add3A_278, %add3A_279 : vector<256x128xf32>
    %slice3A_281 = vector.extract_strided_slice %dot_general3A_10 {offsets = [0, 2304], sizes = [256, 128], strides = [1, 1]} : vector<256x8192xf32> to vector<256x128xf32>
    %sub3A_282 = arith.subf %add3A_280, %slice3A_281 : vector<256x128xf32>
    %lt3A_283 = arith.cmpf olt, %sub3A_282, %min3A_272 : vector<256x128xf32>
    %jit3A_284 = arith.constant 18 : i32
    %broadcast_in_dim3A_285 = vector.broadcast %jit3A_284 : i32 to vector<256x128xi32>
    %select_n3A_286 = arith.select %lt3A_283, %broadcast_in_dim3A_285, %select_n3A_271 : vector<256x128xi1>, vector<256x128xi32>
    %min3A_287 = arith.minimumf %sub3A_282, %min3A_272 : vector<256x128xf32>
    %get3A_288 = arith.constant 0 : index
    %get3A_289 = arith.constant 2432 : index
    %get3A_290 = vector.load %arg5[%get3A_288, %get3A_289] : memref<1x8192xf32, #tpu.memory_space<vmem>>, vector<1x128xf32>
    %get3A_291 = vector.shape_cast %get3A_290 : vector<1x128xf32> to vector<128xf32>
    %broadcast_in_dim3A_292 = vector.shape_cast %get3A_291 : vector<128xf32> to vector<1x128xf32>
    %add3A_293 = vector.broadcast %broadcast_in_dim3A : vector<256x1xf32> to vector<256x128xf32>
    %add3A_294 = vector.broadcast %broadcast_in_dim3A_292 : vector<1x128xf32> to vector<256x128xf32>
    %add3A_295 = arith.addf %add3A_293, %add3A_294 : vector<256x128xf32>
    %slice3A_296 = vector.extract_strided_slice %dot_general3A_10 {offsets = [0, 2432], sizes = [256, 128], strides = [1, 1]} : vector<256x8192xf32> to vector<256x128xf32>
    %sub3A_297 = arith.subf %add3A_295, %slice3A_296 : vector<256x128xf32>
    %lt3A_298 = arith.cmpf olt, %sub3A_297, %min3A_287 : vector<256x128xf32>
    %jit3A_299 = arith.constant 19 : i32
    %broadcast_in_dim3A_300 = vector.broadcast %jit3A_299 : i32 to vector<256x128xi32>
    %select_n3A_301 = arith.select %lt3A_298, %broadcast_in_dim3A_300, %select_n3A_286 : vector<256x128xi1>, vector<256x128xi32>
    %min3A_302 = arith.minimumf %sub3A_297, %min3A_287 : vector<256x128xf32>
    %get3A_303 = arith.constant 0 : index
    %get3A_304 = arith.constant 2560 : index
    %get3A_305 = vector.load %arg5[%get3A_303, %get3A_304] : memref<1x8192xf32, #tpu.memory_space<vmem>>, vector<1x128xf32>
    %get3A_306 = vector.shape_cast %get3A_305 : vector<1x128xf32> to vector<128xf32>
    %broadcast_in_dim3A_307 = vector.shape_cast %get3A_306 : vector<128xf32> to vector<1x128xf32>
    %add3A_308 = vector.broadcast %broadcast_in_dim3A : vector<256x1xf32> to vector<256x128xf32>
    %add3A_309 = vector.broadcast %broadcast_in_dim3A_307 : vector<1x128xf32> to vector<256x128xf32>
    %add3A_310 = arith.addf %add3A_308, %add3A_309 : vector<256x128xf32>
    %slice3A_311 = vector.extract_strided_slice %dot_general3A_10 {offsets = [0, 2560], sizes = [256, 128], strides = [1, 1]} : vector<256x8192xf32> to vector<256x128xf32>
    %sub3A_312 = arith.subf %add3A_310, %slice3A_311 : vector<256x128xf32>
    %lt3A_313 = arith.cmpf olt, %sub3A_312, %min3A_302 : vector<256x128xf32>
    %jit3A_314 = arith.constant 20 : i32
    %broadcast_in_dim3A_315 = vector.broadcast %jit3A_314 : i32 to vector<256x128xi32>
    %select_n3A_316 = arith.select %lt3A_313, %broadcast_in_dim3A_315, %select_n3A_301 : vector<256x128xi1>, vector<256x128xi32>
    %min3A_317 = arith.minimumf %sub3A_312, %min3A_302 : vector<256x128xf32>
    %get3A_318 = arith.constant 0 : index
    %get3A_319 = arith.constant 2688 : index
    %get3A_320 = vector.load %arg5[%get3A_318, %get3A_319] : memref<1x8192xf32, #tpu.memory_space<vmem>>, vector<1x128xf32>
    %get3A_321 = vector.shape_cast %get3A_320 : vector<1x128xf32> to vector<128xf32>
    %broadcast_in_dim3A_322 = vector.shape_cast %get3A_321 : vector<128xf32> to vector<1x128xf32>
    %add3A_323 = vector.broadcast %broadcast_in_dim3A : vector<256x1xf32> to vector<256x128xf32>
    %add3A_324 = vector.broadcast %broadcast_in_dim3A_322 : vector<1x128xf32> to vector<256x128xf32>
    %add3A_325 = arith.addf %add3A_323, %add3A_324 : vector<256x128xf32>
    %slice3A_326 = vector.extract_strided_slice %dot_general3A_10 {offsets = [0, 2688], sizes = [256, 128], strides = [1, 1]} : vector<256x8192xf32> to vector<256x128xf32>
    %sub3A_327 = arith.subf %add3A_325, %slice3A_326 : vector<256x128xf32>
    %lt3A_328 = arith.cmpf olt, %sub3A_327, %min3A_317 : vector<256x128xf32>
    %jit3A_329 = arith.constant 21 : i32
    %broadcast_in_dim3A_330 = vector.broadcast %jit3A_329 : i32 to vector<256x128xi32>
    %select_n3A_331 = arith.select %lt3A_328, %broadcast_in_dim3A_330, %select_n3A_316 : vector<256x128xi1>, vector<256x128xi32>
    %min3A_332 = arith.minimumf %sub3A_327, %min3A_317 : vector<256x128xf32>
    %get3A_333 = arith.constant 0 : index
    %get3A_334 = arith.constant 2816 : index
    %get3A_335 = vector.load %arg5[%get3A_333, %get3A_334] : memref<1x8192xf32, #tpu.memory_space<vmem>>, vector<1x128xf32>
    %get3A_336 = vector.shape_cast %get3A_335 : vector<1x128xf32> to vector<128xf32>
    %broadcast_in_dim3A_337 = vector.shape_cast %get3A_336 : vector<128xf32> to vector<1x128xf32>
    %add3A_338 = vector.broadcast %broadcast_in_dim3A : vector<256x1xf32> to vector<256x128xf32>
    %add3A_339 = vector.broadcast %broadcast_in_dim3A_337 : vector<1x128xf32> to vector<256x128xf32>
    %add3A_340 = arith.addf %add3A_338, %add3A_339 : vector<256x128xf32>
    %slice3A_341 = vector.extract_strided_slice %dot_general3A_10 {offsets = [0, 2816], sizes = [256, 128], strides = [1, 1]} : vector<256x8192xf32> to vector<256x128xf32>
    %sub3A_342 = arith.subf %add3A_340, %slice3A_341 : vector<256x128xf32>
    %lt3A_343 = arith.cmpf olt, %sub3A_342, %min3A_332 : vector<256x128xf32>
    %jit3A_344 = arith.constant 22 : i32
    %broadcast_in_dim3A_345 = vector.broadcast %jit3A_344 : i32 to vector<256x128xi32>
    %select_n3A_346 = arith.select %lt3A_343, %broadcast_in_dim3A_345, %select_n3A_331 : vector<256x128xi1>, vector<256x128xi32>
    %min3A_347 = arith.minimumf %sub3A_342, %min3A_332 : vector<256x128xf32>
    %get3A_348 = arith.constant 0 : index
    %get3A_349 = arith.constant 2944 : index
    %get3A_350 = vector.load %arg5[%get3A_348, %get3A_349] : memref<1x8192xf32, #tpu.memory_space<vmem>>, vector<1x128xf32>
    %get3A_351 = vector.shape_cast %get3A_350 : vector<1x128xf32> to vector<128xf32>
    %broadcast_in_dim3A_352 = vector.shape_cast %get3A_351 : vector<128xf32> to vector<1x128xf32>
    %add3A_353 = vector.broadcast %broadcast_in_dim3A : vector<256x1xf32> to vector<256x128xf32>
    %add3A_354 = vector.broadcast %broadcast_in_dim3A_352 : vector<1x128xf32> to vector<256x128xf32>
    %add3A_355 = arith.addf %add3A_353, %add3A_354 : vector<256x128xf32>
    %slice3A_356 = vector.extract_strided_slice %dot_general3A_10 {offsets = [0, 2944], sizes = [256, 128], strides = [1, 1]} : vector<256x8192xf32> to vector<256x128xf32>
    %sub3A_357 = arith.subf %add3A_355, %slice3A_356 : vector<256x128xf32>
    %lt3A_358 = arith.cmpf olt, %sub3A_357, %min3A_347 : vector<256x128xf32>
    %jit3A_359 = arith.constant 23 : i32
    %broadcast_in_dim3A_360 = vector.broadcast %jit3A_359 : i32 to vector<256x128xi32>
    %select_n3A_361 = arith.select %lt3A_358, %broadcast_in_dim3A_360, %select_n3A_346 : vector<256x128xi1>, vector<256x128xi32>
    %min3A_362 = arith.minimumf %sub3A_357, %min3A_347 : vector<256x128xf32>
    %get3A_363 = arith.constant 0 : index
    %get3A_364 = arith.constant 3072 : index
    %get3A_365 = vector.load %arg5[%get3A_363, %get3A_364] : memref<1x8192xf32, #tpu.memory_space<vmem>>, vector<1x128xf32>
    %get3A_366 = vector.shape_cast %get3A_365 : vector<1x128xf32> to vector<128xf32>
    %broadcast_in_dim3A_367 = vector.shape_cast %get3A_366 : vector<128xf32> to vector<1x128xf32>
    %add3A_368 = vector.broadcast %broadcast_in_dim3A : vector<256x1xf32> to vector<256x128xf32>
    %add3A_369 = vector.broadcast %broadcast_in_dim3A_367 : vector<1x128xf32> to vector<256x128xf32>
    %add3A_370 = arith.addf %add3A_368, %add3A_369 : vector<256x128xf32>
    %slice3A_371 = vector.extract_strided_slice %dot_general3A_10 {offsets = [0, 3072], sizes = [256, 128], strides = [1, 1]} : vector<256x8192xf32> to vector<256x128xf32>
    %sub3A_372 = arith.subf %add3A_370, %slice3A_371 : vector<256x128xf32>
    %lt3A_373 = arith.cmpf olt, %sub3A_372, %min3A_362 : vector<256x128xf32>
    %jit3A_374 = arith.constant 24 : i32
    %broadcast_in_dim3A_375 = vector.broadcast %jit3A_374 : i32 to vector<256x128xi32>
    %select_n3A_376 = arith.select %lt3A_373, %broadcast_in_dim3A_375, %select_n3A_361 : vector<256x128xi1>, vector<256x128xi32>
    %min3A_377 = arith.minimumf %sub3A_372, %min3A_362 : vector<256x128xf32>
    %get3A_378 = arith.constant 0 : index
    %get3A_379 = arith.constant 3200 : index
    %get3A_380 = vector.load %arg5[%get3A_378, %get3A_379] : memref<1x8192xf32, #tpu.memory_space<vmem>>, vector<1x128xf32>
    %get3A_381 = vector.shape_cast %get3A_380 : vector<1x128xf32> to vector<128xf32>
    %broadcast_in_dim3A_382 = vector.shape_cast %get3A_381 : vector<128xf32> to vector<1x128xf32>
    %add3A_383 = vector.broadcast %broadcast_in_dim3A : vector<256x1xf32> to vector<256x128xf32>
    %add3A_384 = vector.broadcast %broadcast_in_dim3A_382 : vector<1x128xf32> to vector<256x128xf32>
    %add3A_385 = arith.addf %add3A_383, %add3A_384 : vector<256x128xf32>
    %slice3A_386 = vector.extract_strided_slice %dot_general3A_10 {offsets = [0, 3200], sizes = [256, 128], strides = [1, 1]} : vector<256x8192xf32> to vector<256x128xf32>
    %sub3A_387 = arith.subf %add3A_385, %slice3A_386 : vector<256x128xf32>
    %lt3A_388 = arith.cmpf olt, %sub3A_387, %min3A_377 : vector<256x128xf32>
    %jit3A_389 = arith.constant 25 : i32
    %broadcast_in_dim3A_390 = vector.broadcast %jit3A_389 : i32 to vector<256x128xi32>
    %select_n3A_391 = arith.select %lt3A_388, %broadcast_in_dim3A_390, %select_n3A_376 : vector<256x128xi1>, vector<256x128xi32>
    %min3A_392 = arith.minimumf %sub3A_387, %min3A_377 : vector<256x128xf32>
    %get3A_393 = arith.constant 0 : index
    %get3A_394 = arith.constant 3328 : index
    %get3A_395 = vector.load %arg5[%get3A_393, %get3A_394] : memref<1x8192xf32, #tpu.memory_space<vmem>>, vector<1x128xf32>
    %get3A_396 = vector.shape_cast %get3A_395 : vector<1x128xf32> to vector<128xf32>
    %broadcast_in_dim3A_397 = vector.shape_cast %get3A_396 : vector<128xf32> to vector<1x128xf32>
    %add3A_398 = vector.broadcast %broadcast_in_dim3A : vector<256x1xf32> to vector<256x128xf32>
    %add3A_399 = vector.broadcast %broadcast_in_dim3A_397 : vector<1x128xf32> to vector<256x128xf32>
    %add3A_400 = arith.addf %add3A_398, %add3A_399 : vector<256x128xf32>
    %slice3A_401 = vector.extract_strided_slice %dot_general3A_10 {offsets = [0, 3328], sizes = [256, 128], strides = [1, 1]} : vector<256x8192xf32> to vector<256x128xf32>
    %sub3A_402 = arith.subf %add3A_400, %slice3A_401 : vector<256x128xf32>
    %lt3A_403 = arith.cmpf olt, %sub3A_402, %min3A_392 : vector<256x128xf32>
    %jit3A_404 = arith.constant 26 : i32
    %broadcast_in_dim3A_405 = vector.broadcast %jit3A_404 : i32 to vector<256x128xi32>
    %select_n3A_406 = arith.select %lt3A_403, %broadcast_in_dim3A_405, %select_n3A_391 : vector<256x128xi1>, vector<256x128xi32>
    %min3A_407 = arith.minimumf %sub3A_402, %min3A_392 : vector<256x128xf32>
    %get3A_408 = arith.constant 0 : index
    %get3A_409 = arith.constant 3456 : index
    %get3A_410 = vector.load %arg5[%get3A_408, %get3A_409] : memref<1x8192xf32, #tpu.memory_space<vmem>>, vector<1x128xf32>
    %get3A_411 = vector.shape_cast %get3A_410 : vector<1x128xf32> to vector<128xf32>
    %broadcast_in_dim3A_412 = vector.shape_cast %get3A_411 : vector<128xf32> to vector<1x128xf32>
    %add3A_413 = vector.broadcast %broadcast_in_dim3A : vector<256x1xf32> to vector<256x128xf32>
    %add3A_414 = vector.broadcast %broadcast_in_dim3A_412 : vector<1x128xf32> to vector<256x128xf32>
    %add3A_415 = arith.addf %add3A_413, %add3A_414 : vector<256x128xf32>
    %slice3A_416 = vector.extract_strided_slice %dot_general3A_10 {offsets = [0, 3456], sizes = [256, 128], strides = [1, 1]} : vector<256x8192xf32> to vector<256x128xf32>
    %sub3A_417 = arith.subf %add3A_415, %slice3A_416 : vector<256x128xf32>
    %lt3A_418 = arith.cmpf olt, %sub3A_417, %min3A_407 : vector<256x128xf32>
    %jit3A_419 = arith.constant 27 : i32
    %broadcast_in_dim3A_420 = vector.broadcast %jit3A_419 : i32 to vector<256x128xi32>
    %select_n3A_421 = arith.select %lt3A_418, %broadcast_in_dim3A_420, %select_n3A_406 : vector<256x128xi1>, vector<256x128xi32>
    %min3A_422 = arith.minimumf %sub3A_417, %min3A_407 : vector<256x128xf32>
    %get3A_423 = arith.constant 0 : index
    %get3A_424 = arith.constant 3584 : index
    %get3A_425 = vector.load %arg5[%get3A_423, %get3A_424] : memref<1x8192xf32, #tpu.memory_space<vmem>>, vector<1x128xf32>
    %get3A_426 = vector.shape_cast %get3A_425 : vector<1x128xf32> to vector<128xf32>
    %broadcast_in_dim3A_427 = vector.shape_cast %get3A_426 : vector<128xf32> to vector<1x128xf32>
    %add3A_428 = vector.broadcast %broadcast_in_dim3A : vector<256x1xf32> to vector<256x128xf32>
    %add3A_429 = vector.broadcast %broadcast_in_dim3A_427 : vector<1x128xf32> to vector<256x128xf32>
    %add3A_430 = arith.addf %add3A_428, %add3A_429 : vector<256x128xf32>
    %slice3A_431 = vector.extract_strided_slice %dot_general3A_10 {offsets = [0, 3584], sizes = [256, 128], strides = [1, 1]} : vector<256x8192xf32> to vector<256x128xf32>
    %sub3A_432 = arith.subf %add3A_430, %slice3A_431 : vector<256x128xf32>
    %lt3A_433 = arith.cmpf olt, %sub3A_432, %min3A_422 : vector<256x128xf32>
    %jit3A_434 = arith.constant 28 : i32
    %broadcast_in_dim3A_435 = vector.broadcast %jit3A_434 : i32 to vector<256x128xi32>
    %select_n3A_436 = arith.select %lt3A_433, %broadcast_in_dim3A_435, %select_n3A_421 : vector<256x128xi1>, vector<256x128xi32>
    %min3A_437 = arith.minimumf %sub3A_432, %min3A_422 : vector<256x128xf32>
    %get3A_438 = arith.constant 0 : index
    %get3A_439 = arith.constant 3712 : index
    %get3A_440 = vector.load %arg5[%get3A_438, %get3A_439] : memref<1x8192xf32, #tpu.memory_space<vmem>>, vector<1x128xf32>
    %get3A_441 = vector.shape_cast %get3A_440 : vector<1x128xf32> to vector<128xf32>
    %broadcast_in_dim3A_442 = vector.shape_cast %get3A_441 : vector<128xf32> to vector<1x128xf32>
    %add3A_443 = vector.broadcast %broadcast_in_dim3A : vector<256x1xf32> to vector<256x128xf32>
    %add3A_444 = vector.broadcast %broadcast_in_dim3A_442 : vector<1x128xf32> to vector<256x128xf32>
    %add3A_445 = arith.addf %add3A_443, %add3A_444 : vector<256x128xf32>
    %slice3A_446 = vector.extract_strided_slice %dot_general3A_10 {offsets = [0, 3712], sizes = [256, 128], strides = [1, 1]} : vector<256x8192xf32> to vector<256x128xf32>
    %sub3A_447 = arith.subf %add3A_445, %slice3A_446 : vector<256x128xf32>
    %lt3A_448 = arith.cmpf olt, %sub3A_447, %min3A_437 : vector<256x128xf32>
    %jit3A_449 = arith.constant 29 : i32
    %broadcast_in_dim3A_450 = vector.broadcast %jit3A_449 : i32 to vector<256x128xi32>
    %select_n3A_451 = arith.select %lt3A_448, %broadcast_in_dim3A_450, %select_n3A_436 : vector<256x128xi1>, vector<256x128xi32>
    %min3A_452 = arith.minimumf %sub3A_447, %min3A_437 : vector<256x128xf32>
    %get3A_453 = arith.constant 0 : index
    %get3A_454 = arith.constant 3840 : index
    %get3A_455 = vector.load %arg5[%get3A_453, %get3A_454] : memref<1x8192xf32, #tpu.memory_space<vmem>>, vector<1x128xf32>
    %get3A_456 = vector.shape_cast %get3A_455 : vector<1x128xf32> to vector<128xf32>
    %broadcast_in_dim3A_457 = vector.shape_cast %get3A_456 : vector<128xf32> to vector<1x128xf32>
    %add3A_458 = vector.broadcast %broadcast_in_dim3A : vector<256x1xf32> to vector<256x128xf32>
    %add3A_459 = vector.broadcast %broadcast_in_dim3A_457 : vector<1x128xf32> to vector<256x128xf32>
    %add3A_460 = arith.addf %add3A_458, %add3A_459 : vector<256x128xf32>
    %slice3A_461 = vector.extract_strided_slice %dot_general3A_10 {offsets = [0, 3840], sizes = [256, 128], strides = [1, 1]} : vector<256x8192xf32> to vector<256x128xf32>
    %sub3A_462 = arith.subf %add3A_460, %slice3A_461 : vector<256x128xf32>
    %lt3A_463 = arith.cmpf olt, %sub3A_462, %min3A_452 : vector<256x128xf32>
    %jit3A_464 = arith.constant 30 : i32
    %broadcast_in_dim3A_465 = vector.broadcast %jit3A_464 : i32 to vector<256x128xi32>
    %select_n3A_466 = arith.select %lt3A_463, %broadcast_in_dim3A_465, %select_n3A_451 : vector<256x128xi1>, vector<256x128xi32>
    %min3A_467 = arith.minimumf %sub3A_462, %min3A_452 : vector<256x128xf32>
    %get3A_468 = arith.constant 0 : index
    %get3A_469 = arith.constant 3968 : index
    %get3A_470 = vector.load %arg5[%get3A_468, %get3A_469] : memref<1x8192xf32, #tpu.memory_space<vmem>>, vector<1x128xf32>
    %get3A_471 = vector.shape_cast %get3A_470 : vector<1x128xf32> to vector<128xf32>
    %broadcast_in_dim3A_472 = vector.shape_cast %get3A_471 : vector<128xf32> to vector<1x128xf32>
    %add3A_473 = vector.broadcast %broadcast_in_dim3A : vector<256x1xf32> to vector<256x128xf32>
    %add3A_474 = vector.broadcast %broadcast_in_dim3A_472 : vector<1x128xf32> to vector<256x128xf32>
    %add3A_475 = arith.addf %add3A_473, %add3A_474 : vector<256x128xf32>
    %slice3A_476 = vector.extract_strided_slice %dot_general3A_10 {offsets = [0, 3968], sizes = [256, 128], strides = [1, 1]} : vector<256x8192xf32> to vector<256x128xf32>
    %sub3A_477 = arith.subf %add3A_475, %slice3A_476 : vector<256x128xf32>
    %lt3A_478 = arith.cmpf olt, %sub3A_477, %min3A_467 : vector<256x128xf32>
    %jit3A_479 = arith.constant 31 : i32
    %broadcast_in_dim3A_480 = vector.broadcast %jit3A_479 : i32 to vector<256x128xi32>
    %select_n3A_481 = arith.select %lt3A_478, %broadcast_in_dim3A_480, %select_n3A_466 : vector<256x128xi1>, vector<256x128xi32>
    %min3A_482 = arith.minimumf %sub3A_477, %min3A_467 : vector<256x128xf32>
    %get3A_483 = arith.constant 0 : index
    %get3A_484 = arith.constant 4096 : index
    %get3A_485 = vector.load %arg5[%get3A_483, %get3A_484] : memref<1x8192xf32, #tpu.memory_space<vmem>>, vector<1x128xf32>
    %get3A_486 = vector.shape_cast %get3A_485 : vector<1x128xf32> to vector<128xf32>
    %broadcast_in_dim3A_487 = vector.shape_cast %get3A_486 : vector<128xf32> to vector<1x128xf32>
    %add3A_488 = vector.broadcast %broadcast_in_dim3A : vector<256x1xf32> to vector<256x128xf32>
    %add3A_489 = vector.broadcast %broadcast_in_dim3A_487 : vector<1x128xf32> to vector<256x128xf32>
    %add3A_490 = arith.addf %add3A_488, %add3A_489 : vector<256x128xf32>
    %slice3A_491 = vector.extract_strided_slice %dot_general3A_10 {offsets = [0, 4096], sizes = [256, 128], strides = [1, 1]} : vector<256x8192xf32> to vector<256x128xf32>
    %sub3A_492 = arith.subf %add3A_490, %slice3A_491 : vector<256x128xf32>
    %lt3A_493 = arith.cmpf olt, %sub3A_492, %min3A_482 : vector<256x128xf32>
    %jit3A_494 = arith.constant 32 : i32
    %broadcast_in_dim3A_495 = vector.broadcast %jit3A_494 : i32 to vector<256x128xi32>
    %select_n3A_496 = arith.select %lt3A_493, %broadcast_in_dim3A_495, %select_n3A_481 : vector<256x128xi1>, vector<256x128xi32>
    %min3A_497 = arith.minimumf %sub3A_492, %min3A_482 : vector<256x128xf32>
    %get3A_498 = arith.constant 0 : index
    %get3A_499 = arith.constant 4224 : index
    %get3A_500 = vector.load %arg5[%get3A_498, %get3A_499] : memref<1x8192xf32, #tpu.memory_space<vmem>>, vector<1x128xf32>
    %get3A_501 = vector.shape_cast %get3A_500 : vector<1x128xf32> to vector<128xf32>
    %broadcast_in_dim3A_502 = vector.shape_cast %get3A_501 : vector<128xf32> to vector<1x128xf32>
    %add3A_503 = vector.broadcast %broadcast_in_dim3A : vector<256x1xf32> to vector<256x128xf32>
    %add3A_504 = vector.broadcast %broadcast_in_dim3A_502 : vector<1x128xf32> to vector<256x128xf32>
    %add3A_505 = arith.addf %add3A_503, %add3A_504 : vector<256x128xf32>
    %slice3A_506 = vector.extract_strided_slice %dot_general3A_10 {offsets = [0, 4224], sizes = [256, 128], strides = [1, 1]} : vector<256x8192xf32> to vector<256x128xf32>
    %sub3A_507 = arith.subf %add3A_505, %slice3A_506 : vector<256x128xf32>
    %lt3A_508 = arith.cmpf olt, %sub3A_507, %min3A_497 : vector<256x128xf32>
    %jit3A_509 = arith.constant 33 : i32
    %broadcast_in_dim3A_510 = vector.broadcast %jit3A_509 : i32 to vector<256x128xi32>
    %select_n3A_511 = arith.select %lt3A_508, %broadcast_in_dim3A_510, %select_n3A_496 : vector<256x128xi1>, vector<256x128xi32>
    %min3A_512 = arith.minimumf %sub3A_507, %min3A_497 : vector<256x128xf32>
    %get3A_513 = arith.constant 0 : index
    %get3A_514 = arith.constant 4352 : index
    %get3A_515 = vector.load %arg5[%get3A_513, %get3A_514] : memref<1x8192xf32, #tpu.memory_space<vmem>>, vector<1x128xf32>
    %get3A_516 = vector.shape_cast %get3A_515 : vector<1x128xf32> to vector<128xf32>
    %broadcast_in_dim3A_517 = vector.shape_cast %get3A_516 : vector<128xf32> to vector<1x128xf32>
    %add3A_518 = vector.broadcast %broadcast_in_dim3A : vector<256x1xf32> to vector<256x128xf32>
    %add3A_519 = vector.broadcast %broadcast_in_dim3A_517 : vector<1x128xf32> to vector<256x128xf32>
    %add3A_520 = arith.addf %add3A_518, %add3A_519 : vector<256x128xf32>
    %slice3A_521 = vector.extract_strided_slice %dot_general3A_10 {offsets = [0, 4352], sizes = [256, 128], strides = [1, 1]} : vector<256x8192xf32> to vector<256x128xf32>
    %sub3A_522 = arith.subf %add3A_520, %slice3A_521 : vector<256x128xf32>
    %lt3A_523 = arith.cmpf olt, %sub3A_522, %min3A_512 : vector<256x128xf32>
    %jit3A_524 = arith.constant 34 : i32
    %broadcast_in_dim3A_525 = vector.broadcast %jit3A_524 : i32 to vector<256x128xi32>
    %select_n3A_526 = arith.select %lt3A_523, %broadcast_in_dim3A_525, %select_n3A_511 : vector<256x128xi1>, vector<256x128xi32>
    %min3A_527 = arith.minimumf %sub3A_522, %min3A_512 : vector<256x128xf32>
    %get3A_528 = arith.constant 0 : index
    %get3A_529 = arith.constant 4480 : index
    %get3A_530 = vector.load %arg5[%get3A_528, %get3A_529] : memref<1x8192xf32, #tpu.memory_space<vmem>>, vector<1x128xf32>
    %get3A_531 = vector.shape_cast %get3A_530 : vector<1x128xf32> to vector<128xf32>
    %broadcast_in_dim3A_532 = vector.shape_cast %get3A_531 : vector<128xf32> to vector<1x128xf32>
    %add3A_533 = vector.broadcast %broadcast_in_dim3A : vector<256x1xf32> to vector<256x128xf32>
    %add3A_534 = vector.broadcast %broadcast_in_dim3A_532 : vector<1x128xf32> to vector<256x128xf32>
    %add3A_535 = arith.addf %add3A_533, %add3A_534 : vector<256x128xf32>
    %slice3A_536 = vector.extract_strided_slice %dot_general3A_10 {offsets = [0, 4480], sizes = [256, 128], strides = [1, 1]} : vector<256x8192xf32> to vector<256x128xf32>
    %sub3A_537 = arith.subf %add3A_535, %slice3A_536 : vector<256x128xf32>
    %lt3A_538 = arith.cmpf olt, %sub3A_537, %min3A_527 : vector<256x128xf32>
    %jit3A_539 = arith.constant 35 : i32
    %broadcast_in_dim3A_540 = vector.broadcast %jit3A_539 : i32 to vector<256x128xi32>
    %select_n3A_541 = arith.select %lt3A_538, %broadcast_in_dim3A_540, %select_n3A_526 : vector<256x128xi1>, vector<256x128xi32>
    %min3A_542 = arith.minimumf %sub3A_537, %min3A_527 : vector<256x128xf32>
    %get3A_543 = arith.constant 0 : index
    %get3A_544 = arith.constant 4608 : index
    %get3A_545 = vector.load %arg5[%get3A_543, %get3A_544] : memref<1x8192xf32, #tpu.memory_space<vmem>>, vector<1x128xf32>
    %get3A_546 = vector.shape_cast %get3A_545 : vector<1x128xf32> to vector<128xf32>
    %broadcast_in_dim3A_547 = vector.shape_cast %get3A_546 : vector<128xf32> to vector<1x128xf32>
    %add3A_548 = vector.broadcast %broadcast_in_dim3A : vector<256x1xf32> to vector<256x128xf32>
    %add3A_549 = vector.broadcast %broadcast_in_dim3A_547 : vector<1x128xf32> to vector<256x128xf32>
    %add3A_550 = arith.addf %add3A_548, %add3A_549 : vector<256x128xf32>
    %slice3A_551 = vector.extract_strided_slice %dot_general3A_10 {offsets = [0, 4608], sizes = [256, 128], strides = [1, 1]} : vector<256x8192xf32> to vector<256x128xf32>
    %sub3A_552 = arith.subf %add3A_550, %slice3A_551 : vector<256x128xf32>
    %lt3A_553 = arith.cmpf olt, %sub3A_552, %min3A_542 : vector<256x128xf32>
    %jit3A_554 = arith.constant 36 : i32
    %broadcast_in_dim3A_555 = vector.broadcast %jit3A_554 : i32 to vector<256x128xi32>
    %select_n3A_556 = arith.select %lt3A_553, %broadcast_in_dim3A_555, %select_n3A_541 : vector<256x128xi1>, vector<256x128xi32>
    %min3A_557 = arith.minimumf %sub3A_552, %min3A_542 : vector<256x128xf32>
    %get3A_558 = arith.constant 0 : index
    %get3A_559 = arith.constant 4736 : index
    %get3A_560 = vector.load %arg5[%get3A_558, %get3A_559] : memref<1x8192xf32, #tpu.memory_space<vmem>>, vector<1x128xf32>
    %get3A_561 = vector.shape_cast %get3A_560 : vector<1x128xf32> to vector<128xf32>
    %broadcast_in_dim3A_562 = vector.shape_cast %get3A_561 : vector<128xf32> to vector<1x128xf32>
    %add3A_563 = vector.broadcast %broadcast_in_dim3A : vector<256x1xf32> to vector<256x128xf32>
    %add3A_564 = vector.broadcast %broadcast_in_dim3A_562 : vector<1x128xf32> to vector<256x128xf32>
    %add3A_565 = arith.addf %add3A_563, %add3A_564 : vector<256x128xf32>
    %slice3A_566 = vector.extract_strided_slice %dot_general3A_10 {offsets = [0, 4736], sizes = [256, 128], strides = [1, 1]} : vector<256x8192xf32> to vector<256x128xf32>
    %sub3A_567 = arith.subf %add3A_565, %slice3A_566 : vector<256x128xf32>
    %lt3A_568 = arith.cmpf olt, %sub3A_567, %min3A_557 : vector<256x128xf32>
    %jit3A_569 = arith.constant 37 : i32
    %broadcast_in_dim3A_570 = vector.broadcast %jit3A_569 : i32 to vector<256x128xi32>
    %select_n3A_571 = arith.select %lt3A_568, %broadcast_in_dim3A_570, %select_n3A_556 : vector<256x128xi1>, vector<256x128xi32>
    %min3A_572 = arith.minimumf %sub3A_567, %min3A_557 : vector<256x128xf32>
    %get3A_573 = arith.constant 0 : index
    %get3A_574 = arith.constant 4864 : index
    %get3A_575 = vector.load %arg5[%get3A_573, %get3A_574] : memref<1x8192xf32, #tpu.memory_space<vmem>>, vector<1x128xf32>
    %get3A_576 = vector.shape_cast %get3A_575 : vector<1x128xf32> to vector<128xf32>
    %broadcast_in_dim3A_577 = vector.shape_cast %get3A_576 : vector<128xf32> to vector<1x128xf32>
    %add3A_578 = vector.broadcast %broadcast_in_dim3A : vector<256x1xf32> to vector<256x128xf32>
    %add3A_579 = vector.broadcast %broadcast_in_dim3A_577 : vector<1x128xf32> to vector<256x128xf32>
    %add3A_580 = arith.addf %add3A_578, %add3A_579 : vector<256x128xf32>
    %slice3A_581 = vector.extract_strided_slice %dot_general3A_10 {offsets = [0, 4864], sizes = [256, 128], strides = [1, 1]} : vector<256x8192xf32> to vector<256x128xf32>
    %sub3A_582 = arith.subf %add3A_580, %slice3A_581 : vector<256x128xf32>
    %lt3A_583 = arith.cmpf olt, %sub3A_582, %min3A_572 : vector<256x128xf32>
    %jit3A_584 = arith.constant 38 : i32
    %broadcast_in_dim3A_585 = vector.broadcast %jit3A_584 : i32 to vector<256x128xi32>
    %select_n3A_586 = arith.select %lt3A_583, %broadcast_in_dim3A_585, %select_n3A_571 : vector<256x128xi1>, vector<256x128xi32>
    %min3A_587 = arith.minimumf %sub3A_582, %min3A_572 : vector<256x128xf32>
    %get3A_588 = arith.constant 0 : index
    %get3A_589 = arith.constant 4992 : index
    %get3A_590 = vector.load %arg5[%get3A_588, %get3A_589] : memref<1x8192xf32, #tpu.memory_space<vmem>>, vector<1x128xf32>
    %get3A_591 = vector.shape_cast %get3A_590 : vector<1x128xf32> to vector<128xf32>
    %broadcast_in_dim3A_592 = vector.shape_cast %get3A_591 : vector<128xf32> to vector<1x128xf32>
    %add3A_593 = vector.broadcast %broadcast_in_dim3A : vector<256x1xf32> to vector<256x128xf32>
    %add3A_594 = vector.broadcast %broadcast_in_dim3A_592 : vector<1x128xf32> to vector<256x128xf32>
    %add3A_595 = arith.addf %add3A_593, %add3A_594 : vector<256x128xf32>
    %slice3A_596 = vector.extract_strided_slice %dot_general3A_10 {offsets = [0, 4992], sizes = [256, 128], strides = [1, 1]} : vector<256x8192xf32> to vector<256x128xf32>
    %sub3A_597 = arith.subf %add3A_595, %slice3A_596 : vector<256x128xf32>
    %lt3A_598 = arith.cmpf olt, %sub3A_597, %min3A_587 : vector<256x128xf32>
    %jit3A_599 = arith.constant 39 : i32
    %broadcast_in_dim3A_600 = vector.broadcast %jit3A_599 : i32 to vector<256x128xi32>
    %select_n3A_601 = arith.select %lt3A_598, %broadcast_in_dim3A_600, %select_n3A_586 : vector<256x128xi1>, vector<256x128xi32>
    %min3A_602 = arith.minimumf %sub3A_597, %min3A_587 : vector<256x128xf32>
    %get3A_603 = arith.constant 0 : index
    %get3A_604 = arith.constant 5120 : index
    %get3A_605 = vector.load %arg5[%get3A_603, %get3A_604] : memref<1x8192xf32, #tpu.memory_space<vmem>>, vector<1x128xf32>
    %get3A_606 = vector.shape_cast %get3A_605 : vector<1x128xf32> to vector<128xf32>
    %broadcast_in_dim3A_607 = vector.shape_cast %get3A_606 : vector<128xf32> to vector<1x128xf32>
    %add3A_608 = vector.broadcast %broadcast_in_dim3A : vector<256x1xf32> to vector<256x128xf32>
    %add3A_609 = vector.broadcast %broadcast_in_dim3A_607 : vector<1x128xf32> to vector<256x128xf32>
    %add3A_610 = arith.addf %add3A_608, %add3A_609 : vector<256x128xf32>
    %slice3A_611 = vector.extract_strided_slice %dot_general3A_10 {offsets = [0, 5120], sizes = [256, 128], strides = [1, 1]} : vector<256x8192xf32> to vector<256x128xf32>
    %sub3A_612 = arith.subf %add3A_610, %slice3A_611 : vector<256x128xf32>
    %lt3A_613 = arith.cmpf olt, %sub3A_612, %min3A_602 : vector<256x128xf32>
    %jit3A_614 = arith.constant 40 : i32
    %broadcast_in_dim3A_615 = vector.broadcast %jit3A_614 : i32 to vector<256x128xi32>
    %select_n3A_616 = arith.select %lt3A_613, %broadcast_in_dim3A_615, %select_n3A_601 : vector<256x128xi1>, vector<256x128xi32>
    %min3A_617 = arith.minimumf %sub3A_612, %min3A_602 : vector<256x128xf32>
    %get3A_618 = arith.constant 0 : index
    %get3A_619 = arith.constant 5248 : index
    %get3A_620 = vector.load %arg5[%get3A_618, %get3A_619] : memref<1x8192xf32, #tpu.memory_space<vmem>>, vector<1x128xf32>
    %get3A_621 = vector.shape_cast %get3A_620 : vector<1x128xf32> to vector<128xf32>
    %broadcast_in_dim3A_622 = vector.shape_cast %get3A_621 : vector<128xf32> to vector<1x128xf32>
    %add3A_623 = vector.broadcast %broadcast_in_dim3A : vector<256x1xf32> to vector<256x128xf32>
    %add3A_624 = vector.broadcast %broadcast_in_dim3A_622 : vector<1x128xf32> to vector<256x128xf32>
    %add3A_625 = arith.addf %add3A_623, %add3A_624 : vector<256x128xf32>
    %slice3A_626 = vector.extract_strided_slice %dot_general3A_10 {offsets = [0, 5248], sizes = [256, 128], strides = [1, 1]} : vector<256x8192xf32> to vector<256x128xf32>
    %sub3A_627 = arith.subf %add3A_625, %slice3A_626 : vector<256x128xf32>
    %lt3A_628 = arith.cmpf olt, %sub3A_627, %min3A_617 : vector<256x128xf32>
    %jit3A_629 = arith.constant 41 : i32
    %broadcast_in_dim3A_630 = vector.broadcast %jit3A_629 : i32 to vector<256x128xi32>
    %select_n3A_631 = arith.select %lt3A_628, %broadcast_in_dim3A_630, %select_n3A_616 : vector<256x128xi1>, vector<256x128xi32>
    %min3A_632 = arith.minimumf %sub3A_627, %min3A_617 : vector<256x128xf32>
    %get3A_633 = arith.constant 0 : index
    %get3A_634 = arith.constant 5376 : index
    %get3A_635 = vector.load %arg5[%get3A_633, %get3A_634] : memref<1x8192xf32, #tpu.memory_space<vmem>>, vector<1x128xf32>
    %get3A_636 = vector.shape_cast %get3A_635 : vector<1x128xf32> to vector<128xf32>
    %broadcast_in_dim3A_637 = vector.shape_cast %get3A_636 : vector<128xf32> to vector<1x128xf32>
    %add3A_638 = vector.broadcast %broadcast_in_dim3A : vector<256x1xf32> to vector<256x128xf32>
    %add3A_639 = vector.broadcast %broadcast_in_dim3A_637 : vector<1x128xf32> to vector<256x128xf32>
    %add3A_640 = arith.addf %add3A_638, %add3A_639 : vector<256x128xf32>
    %slice3A_641 = vector.extract_strided_slice %dot_general3A_10 {offsets = [0, 5376], sizes = [256, 128], strides = [1, 1]} : vector<256x8192xf32> to vector<256x128xf32>
    %sub3A_642 = arith.subf %add3A_640, %slice3A_641 : vector<256x128xf32>
    %lt3A_643 = arith.cmpf olt, %sub3A_642, %min3A_632 : vector<256x128xf32>
    %jit3A_644 = arith.constant 42 : i32
    %broadcast_in_dim3A_645 = vector.broadcast %jit3A_644 : i32 to vector<256x128xi32>
    %select_n3A_646 = arith.select %lt3A_643, %broadcast_in_dim3A_645, %select_n3A_631 : vector<256x128xi1>, vector<256x128xi32>
    %min3A_647 = arith.minimumf %sub3A_642, %min3A_632 : vector<256x128xf32>
    %get3A_648 = arith.constant 0 : index
    %get3A_649 = arith.constant 5504 : index
    %get3A_650 = vector.load %arg5[%get3A_648, %get3A_649] : memref<1x8192xf32, #tpu.memory_space<vmem>>, vector<1x128xf32>
    %get3A_651 = vector.shape_cast %get3A_650 : vector<1x128xf32> to vector<128xf32>
    %broadcast_in_dim3A_652 = vector.shape_cast %get3A_651 : vector<128xf32> to vector<1x128xf32>
    %add3A_653 = vector.broadcast %broadcast_in_dim3A : vector<256x1xf32> to vector<256x128xf32>
    %add3A_654 = vector.broadcast %broadcast_in_dim3A_652 : vector<1x128xf32> to vector<256x128xf32>
    %add3A_655 = arith.addf %add3A_653, %add3A_654 : vector<256x128xf32>
    %slice3A_656 = vector.extract_strided_slice %dot_general3A_10 {offsets = [0, 5504], sizes = [256, 128], strides = [1, 1]} : vector<256x8192xf32> to vector<256x128xf32>
    %sub3A_657 = arith.subf %add3A_655, %slice3A_656 : vector<256x128xf32>
    %lt3A_658 = arith.cmpf olt, %sub3A_657, %min3A_647 : vector<256x128xf32>
    %jit3A_659 = arith.constant 43 : i32
    %broadcast_in_dim3A_660 = vector.broadcast %jit3A_659 : i32 to vector<256x128xi32>
    %select_n3A_661 = arith.select %lt3A_658, %broadcast_in_dim3A_660, %select_n3A_646 : vector<256x128xi1>, vector<256x128xi32>
    %min3A_662 = arith.minimumf %sub3A_657, %min3A_647 : vector<256x128xf32>
    %get3A_663 = arith.constant 0 : index
    %get3A_664 = arith.constant 5632 : index
    %get3A_665 = vector.load %arg5[%get3A_663, %get3A_664] : memref<1x8192xf32, #tpu.memory_space<vmem>>, vector<1x128xf32>
    %get3A_666 = vector.shape_cast %get3A_665 : vector<1x128xf32> to vector<128xf32>
    %broadcast_in_dim3A_667 = vector.shape_cast %get3A_666 : vector<128xf32> to vector<1x128xf32>
    %add3A_668 = vector.broadcast %broadcast_in_dim3A : vector<256x1xf32> to vector<256x128xf32>
    %add3A_669 = vector.broadcast %broadcast_in_dim3A_667 : vector<1x128xf32> to vector<256x128xf32>
    %add3A_670 = arith.addf %add3A_668, %add3A_669 : vector<256x128xf32>
    %slice3A_671 = vector.extract_strided_slice %dot_general3A_10 {offsets = [0, 5632], sizes = [256, 128], strides = [1, 1]} : vector<256x8192xf32> to vector<256x128xf32>
    %sub3A_672 = arith.subf %add3A_670, %slice3A_671 : vector<256x128xf32>
    %lt3A_673 = arith.cmpf olt, %sub3A_672, %min3A_662 : vector<256x128xf32>
    %jit3A_674 = arith.constant 44 : i32
    %broadcast_in_dim3A_675 = vector.broadcast %jit3A_674 : i32 to vector<256x128xi32>
    %select_n3A_676 = arith.select %lt3A_673, %broadcast_in_dim3A_675, %select_n3A_661 : vector<256x128xi1>, vector<256x128xi32>
    %min3A_677 = arith.minimumf %sub3A_672, %min3A_662 : vector<256x128xf32>
    %get3A_678 = arith.constant 0 : index
    %get3A_679 = arith.constant 5760 : index
    %get3A_680 = vector.load %arg5[%get3A_678, %get3A_679] : memref<1x8192xf32, #tpu.memory_space<vmem>>, vector<1x128xf32>
    %get3A_681 = vector.shape_cast %get3A_680 : vector<1x128xf32> to vector<128xf32>
    %broadcast_in_dim3A_682 = vector.shape_cast %get3A_681 : vector<128xf32> to vector<1x128xf32>
    %add3A_683 = vector.broadcast %broadcast_in_dim3A : vector<256x1xf32> to vector<256x128xf32>
    %add3A_684 = vector.broadcast %broadcast_in_dim3A_682 : vector<1x128xf32> to vector<256x128xf32>
    %add3A_685 = arith.addf %add3A_683, %add3A_684 : vector<256x128xf32>
    %slice3A_686 = vector.extract_strided_slice %dot_general3A_10 {offsets = [0, 5760], sizes = [256, 128], strides = [1, 1]} : vector<256x8192xf32> to vector<256x128xf32>
    %sub3A_687 = arith.subf %add3A_685, %slice3A_686 : vector<256x128xf32>
    %lt3A_688 = arith.cmpf olt, %sub3A_687, %min3A_677 : vector<256x128xf32>
    %jit3A_689 = arith.constant 45 : i32
    %broadcast_in_dim3A_690 = vector.broadcast %jit3A_689 : i32 to vector<256x128xi32>
    %select_n3A_691 = arith.select %lt3A_688, %broadcast_in_dim3A_690, %select_n3A_676 : vector<256x128xi1>, vector<256x128xi32>
    %min3A_692 = arith.minimumf %sub3A_687, %min3A_677 : vector<256x128xf32>
    %get3A_693 = arith.constant 0 : index
    %get3A_694 = arith.constant 5888 : index
    %get3A_695 = vector.load %arg5[%get3A_693, %get3A_694] : memref<1x8192xf32, #tpu.memory_space<vmem>>, vector<1x128xf32>
    %get3A_696 = vector.shape_cast %get3A_695 : vector<1x128xf32> to vector<128xf32>
    %broadcast_in_dim3A_697 = vector.shape_cast %get3A_696 : vector<128xf32> to vector<1x128xf32>
    %add3A_698 = vector.broadcast %broadcast_in_dim3A : vector<256x1xf32> to vector<256x128xf32>
    %add3A_699 = vector.broadcast %broadcast_in_dim3A_697 : vector<1x128xf32> to vector<256x128xf32>
    %add3A_700 = arith.addf %add3A_698, %add3A_699 : vector<256x128xf32>
    %slice3A_701 = vector.extract_strided_slice %dot_general3A_10 {offsets = [0, 5888], sizes = [256, 128], strides = [1, 1]} : vector<256x8192xf32> to vector<256x128xf32>
    %sub3A_702 = arith.subf %add3A_700, %slice3A_701 : vector<256x128xf32>
    %lt3A_703 = arith.cmpf olt, %sub3A_702, %min3A_692 : vector<256x128xf32>
    %jit3A_704 = arith.constant 46 : i32
    %broadcast_in_dim3A_705 = vector.broadcast %jit3A_704 : i32 to vector<256x128xi32>
    %select_n3A_706 = arith.select %lt3A_703, %broadcast_in_dim3A_705, %select_n3A_691 : vector<256x128xi1>, vector<256x128xi32>
    %min3A_707 = arith.minimumf %sub3A_702, %min3A_692 : vector<256x128xf32>
    %get3A_708 = arith.constant 0 : index
    %get3A_709 = arith.constant 6016 : index
    %get3A_710 = vector.load %arg5[%get3A_708, %get3A_709] : memref<1x8192xf32, #tpu.memory_space<vmem>>, vector<1x128xf32>
    %get3A_711 = vector.shape_cast %get3A_710 : vector<1x128xf32> to vector<128xf32>
    %broadcast_in_dim3A_712 = vector.shape_cast %get3A_711 : vector<128xf32> to vector<1x128xf32>
    %add3A_713 = vector.broadcast %broadcast_in_dim3A : vector<256x1xf32> to vector<256x128xf32>
    %add3A_714 = vector.broadcast %broadcast_in_dim3A_712 : vector<1x128xf32> to vector<256x128xf32>
    %add3A_715 = arith.addf %add3A_713, %add3A_714 : vector<256x128xf32>
    %slice3A_716 = vector.extract_strided_slice %dot_general3A_10 {offsets = [0, 6016], sizes = [256, 128], strides = [1, 1]} : vector<256x8192xf32> to vector<256x128xf32>
    %sub3A_717 = arith.subf %add3A_715, %slice3A_716 : vector<256x128xf32>
    %lt3A_718 = arith.cmpf olt, %sub3A_717, %min3A_707 : vector<256x128xf32>
    %jit3A_719 = arith.constant 47 : i32
    %broadcast_in_dim3A_720 = vector.broadcast %jit3A_719 : i32 to vector<256x128xi32>
    %select_n3A_721 = arith.select %lt3A_718, %broadcast_in_dim3A_720, %select_n3A_706 : vector<256x128xi1>, vector<256x128xi32>
    %min3A_722 = arith.minimumf %sub3A_717, %min3A_707 : vector<256x128xf32>
    %get3A_723 = arith.constant 0 : index
    %get3A_724 = arith.constant 6144 : index
    %get3A_725 = vector.load %arg5[%get3A_723, %get3A_724] : memref<1x8192xf32, #tpu.memory_space<vmem>>, vector<1x128xf32>
    %get3A_726 = vector.shape_cast %get3A_725 : vector<1x128xf32> to vector<128xf32>
    %broadcast_in_dim3A_727 = vector.shape_cast %get3A_726 : vector<128xf32> to vector<1x128xf32>
    %add3A_728 = vector.broadcast %broadcast_in_dim3A : vector<256x1xf32> to vector<256x128xf32>
    %add3A_729 = vector.broadcast %broadcast_in_dim3A_727 : vector<1x128xf32> to vector<256x128xf32>
    %add3A_730 = arith.addf %add3A_728, %add3A_729 : vector<256x128xf32>
    %slice3A_731 = vector.extract_strided_slice %dot_general3A_10 {offsets = [0, 6144], sizes = [256, 128], strides = [1, 1]} : vector<256x8192xf32> to vector<256x128xf32>
    %sub3A_732 = arith.subf %add3A_730, %slice3A_731 : vector<256x128xf32>
    %lt3A_733 = arith.cmpf olt, %sub3A_732, %min3A_722 : vector<256x128xf32>
    %jit3A_734 = arith.constant 48 : i32
    %broadcast_in_dim3A_735 = vector.broadcast %jit3A_734 : i32 to vector<256x128xi32>
    %select_n3A_736 = arith.select %lt3A_733, %broadcast_in_dim3A_735, %select_n3A_721 : vector<256x128xi1>, vector<256x128xi32>
    %min3A_737 = arith.minimumf %sub3A_732, %min3A_722 : vector<256x128xf32>
    %get3A_738 = arith.constant 0 : index
    %get3A_739 = arith.constant 6272 : index
    %get3A_740 = vector.load %arg5[%get3A_738, %get3A_739] : memref<1x8192xf32, #tpu.memory_space<vmem>>, vector<1x128xf32>
    %get3A_741 = vector.shape_cast %get3A_740 : vector<1x128xf32> to vector<128xf32>
    %broadcast_in_dim3A_742 = vector.shape_cast %get3A_741 : vector<128xf32> to vector<1x128xf32>
    %add3A_743 = vector.broadcast %broadcast_in_dim3A : vector<256x1xf32> to vector<256x128xf32>
    %add3A_744 = vector.broadcast %broadcast_in_dim3A_742 : vector<1x128xf32> to vector<256x128xf32>
    %add3A_745 = arith.addf %add3A_743, %add3A_744 : vector<256x128xf32>
    %slice3A_746 = vector.extract_strided_slice %dot_general3A_10 {offsets = [0, 6272], sizes = [256, 128], strides = [1, 1]} : vector<256x8192xf32> to vector<256x128xf32>
    %sub3A_747 = arith.subf %add3A_745, %slice3A_746 : vector<256x128xf32>
    %lt3A_748 = arith.cmpf olt, %sub3A_747, %min3A_737 : vector<256x128xf32>
    %jit3A_749 = arith.constant 49 : i32
    %broadcast_in_dim3A_750 = vector.broadcast %jit3A_749 : i32 to vector<256x128xi32>
    %select_n3A_751 = arith.select %lt3A_748, %broadcast_in_dim3A_750, %select_n3A_736 : vector<256x128xi1>, vector<256x128xi32>
    %min3A_752 = arith.minimumf %sub3A_747, %min3A_737 : vector<256x128xf32>
    %get3A_753 = arith.constant 0 : index
    %get3A_754 = arith.constant 6400 : index
    %get3A_755 = vector.load %arg5[%get3A_753, %get3A_754] : memref<1x8192xf32, #tpu.memory_space<vmem>>, vector<1x128xf32>
    %get3A_756 = vector.shape_cast %get3A_755 : vector<1x128xf32> to vector<128xf32>
    %broadcast_in_dim3A_757 = vector.shape_cast %get3A_756 : vector<128xf32> to vector<1x128xf32>
    %add3A_758 = vector.broadcast %broadcast_in_dim3A : vector<256x1xf32> to vector<256x128xf32>
    %add3A_759 = vector.broadcast %broadcast_in_dim3A_757 : vector<1x128xf32> to vector<256x128xf32>
    %add3A_760 = arith.addf %add3A_758, %add3A_759 : vector<256x128xf32>
    %slice3A_761 = vector.extract_strided_slice %dot_general3A_10 {offsets = [0, 6400], sizes = [256, 128], strides = [1, 1]} : vector<256x8192xf32> to vector<256x128xf32>
    %sub3A_762 = arith.subf %add3A_760, %slice3A_761 : vector<256x128xf32>
    %lt3A_763 = arith.cmpf olt, %sub3A_762, %min3A_752 : vector<256x128xf32>
    %jit3A_764 = arith.constant 50 : i32
    %broadcast_in_dim3A_765 = vector.broadcast %jit3A_764 : i32 to vector<256x128xi32>
    %select_n3A_766 = arith.select %lt3A_763, %broadcast_in_dim3A_765, %select_n3A_751 : vector<256x128xi1>, vector<256x128xi32>
    %min3A_767 = arith.minimumf %sub3A_762, %min3A_752 : vector<256x128xf32>
    %get3A_768 = arith.constant 0 : index
    %get3A_769 = arith.constant 6528 : index
    %get3A_770 = vector.load %arg5[%get3A_768, %get3A_769] : memref<1x8192xf32, #tpu.memory_space<vmem>>, vector<1x128xf32>
    %get3A_771 = vector.shape_cast %get3A_770 : vector<1x128xf32> to vector<128xf32>
    %broadcast_in_dim3A_772 = vector.shape_cast %get3A_771 : vector<128xf32> to vector<1x128xf32>
    %add3A_773 = vector.broadcast %broadcast_in_dim3A : vector<256x1xf32> to vector<256x128xf32>
    %add3A_774 = vector.broadcast %broadcast_in_dim3A_772 : vector<1x128xf32> to vector<256x128xf32>
    %add3A_775 = arith.addf %add3A_773, %add3A_774 : vector<256x128xf32>
    %slice3A_776 = vector.extract_strided_slice %dot_general3A_10 {offsets = [0, 6528], sizes = [256, 128], strides = [1, 1]} : vector<256x8192xf32> to vector<256x128xf32>
    %sub3A_777 = arith.subf %add3A_775, %slice3A_776 : vector<256x128xf32>
    %lt3A_778 = arith.cmpf olt, %sub3A_777, %min3A_767 : vector<256x128xf32>
    %jit3A_779 = arith.constant 51 : i32
    %broadcast_in_dim3A_780 = vector.broadcast %jit3A_779 : i32 to vector<256x128xi32>
    %select_n3A_781 = arith.select %lt3A_778, %broadcast_in_dim3A_780, %select_n3A_766 : vector<256x128xi1>, vector<256x128xi32>
    %min3A_782 = arith.minimumf %sub3A_777, %min3A_767 : vector<256x128xf32>
    %get3A_783 = arith.constant 0 : index
    %get3A_784 = arith.constant 6656 : index
    %get3A_785 = vector.load %arg5[%get3A_783, %get3A_784] : memref<1x8192xf32, #tpu.memory_space<vmem>>, vector<1x128xf32>
    %get3A_786 = vector.shape_cast %get3A_785 : vector<1x128xf32> to vector<128xf32>
    %broadcast_in_dim3A_787 = vector.shape_cast %get3A_786 : vector<128xf32> to vector<1x128xf32>
    %add3A_788 = vector.broadcast %broadcast_in_dim3A : vector<256x1xf32> to vector<256x128xf32>
    %add3A_789 = vector.broadcast %broadcast_in_dim3A_787 : vector<1x128xf32> to vector<256x128xf32>
    %add3A_790 = arith.addf %add3A_788, %add3A_789 : vector<256x128xf32>
    %slice3A_791 = vector.extract_strided_slice %dot_general3A_10 {offsets = [0, 6656], sizes = [256, 128], strides = [1, 1]} : vector<256x8192xf32> to vector<256x128xf32>
    %sub3A_792 = arith.subf %add3A_790, %slice3A_791 : vector<256x128xf32>
    %lt3A_793 = arith.cmpf olt, %sub3A_792, %min3A_782 : vector<256x128xf32>
    %jit3A_794 = arith.constant 52 : i32
    %broadcast_in_dim3A_795 = vector.broadcast %jit3A_794 : i32 to vector<256x128xi32>
    %select_n3A_796 = arith.select %lt3A_793, %broadcast_in_dim3A_795, %select_n3A_781 : vector<256x128xi1>, vector<256x128xi32>
    %min3A_797 = arith.minimumf %sub3A_792, %min3A_782 : vector<256x128xf32>
    %get3A_798 = arith.constant 0 : index
    %get3A_799 = arith.constant 6784 : index
    %get3A_800 = vector.load %arg5[%get3A_798, %get3A_799] : memref<1x8192xf32, #tpu.memory_space<vmem>>, vector<1x128xf32>
    %get3A_801 = vector.shape_cast %get3A_800 : vector<1x128xf32> to vector<128xf32>
    %broadcast_in_dim3A_802 = vector.shape_cast %get3A_801 : vector<128xf32> to vector<1x128xf32>
    %add3A_803 = vector.broadcast %broadcast_in_dim3A : vector<256x1xf32> to vector<256x128xf32>
    %add3A_804 = vector.broadcast %broadcast_in_dim3A_802 : vector<1x128xf32> to vector<256x128xf32>
    %add3A_805 = arith.addf %add3A_803, %add3A_804 : vector<256x128xf32>
    %slice3A_806 = vector.extract_strided_slice %dot_general3A_10 {offsets = [0, 6784], sizes = [256, 128], strides = [1, 1]} : vector<256x8192xf32> to vector<256x128xf32>
    %sub3A_807 = arith.subf %add3A_805, %slice3A_806 : vector<256x128xf32>
    %lt3A_808 = arith.cmpf olt, %sub3A_807, %min3A_797 : vector<256x128xf32>
    %jit3A_809 = arith.constant 53 : i32
    %broadcast_in_dim3A_810 = vector.broadcast %jit3A_809 : i32 to vector<256x128xi32>
    %select_n3A_811 = arith.select %lt3A_808, %broadcast_in_dim3A_810, %select_n3A_796 : vector<256x128xi1>, vector<256x128xi32>
    %min3A_812 = arith.minimumf %sub3A_807, %min3A_797 : vector<256x128xf32>
    %get3A_813 = arith.constant 0 : index
    %get3A_814 = arith.constant 6912 : index
    %get3A_815 = vector.load %arg5[%get3A_813, %get3A_814] : memref<1x8192xf32, #tpu.memory_space<vmem>>, vector<1x128xf32>
    %get3A_816 = vector.shape_cast %get3A_815 : vector<1x128xf32> to vector<128xf32>
    %broadcast_in_dim3A_817 = vector.shape_cast %get3A_816 : vector<128xf32> to vector<1x128xf32>
    %add3A_818 = vector.broadcast %broadcast_in_dim3A : vector<256x1xf32> to vector<256x128xf32>
    %add3A_819 = vector.broadcast %broadcast_in_dim3A_817 : vector<1x128xf32> to vector<256x128xf32>
    %add3A_820 = arith.addf %add3A_818, %add3A_819 : vector<256x128xf32>
    %slice3A_821 = vector.extract_strided_slice %dot_general3A_10 {offsets = [0, 6912], sizes = [256, 128], strides = [1, 1]} : vector<256x8192xf32> to vector<256x128xf32>
    %sub3A_822 = arith.subf %add3A_820, %slice3A_821 : vector<256x128xf32>
    %lt3A_823 = arith.cmpf olt, %sub3A_822, %min3A_812 : vector<256x128xf32>
    %jit3A_824 = arith.constant 54 : i32
    %broadcast_in_dim3A_825 = vector.broadcast %jit3A_824 : i32 to vector<256x128xi32>
    %select_n3A_826 = arith.select %lt3A_823, %broadcast_in_dim3A_825, %select_n3A_811 : vector<256x128xi1>, vector<256x128xi32>
    %min3A_827 = arith.minimumf %sub3A_822, %min3A_812 : vector<256x128xf32>
    %get3A_828 = arith.constant 0 : index
    %get3A_829 = arith.constant 7040 : index
    %get3A_830 = vector.load %arg5[%get3A_828, %get3A_829] : memref<1x8192xf32, #tpu.memory_space<vmem>>, vector<1x128xf32>
    %get3A_831 = vector.shape_cast %get3A_830 : vector<1x128xf32> to vector<128xf32>
    %broadcast_in_dim3A_832 = vector.shape_cast %get3A_831 : vector<128xf32> to vector<1x128xf32>
    %add3A_833 = vector.broadcast %broadcast_in_dim3A : vector<256x1xf32> to vector<256x128xf32>
    %add3A_834 = vector.broadcast %broadcast_in_dim3A_832 : vector<1x128xf32> to vector<256x128xf32>
    %add3A_835 = arith.addf %add3A_833, %add3A_834 : vector<256x128xf32>
    %slice3A_836 = vector.extract_strided_slice %dot_general3A_10 {offsets = [0, 7040], sizes = [256, 128], strides = [1, 1]} : vector<256x8192xf32> to vector<256x128xf32>
    %sub3A_837 = arith.subf %add3A_835, %slice3A_836 : vector<256x128xf32>
    %lt3A_838 = arith.cmpf olt, %sub3A_837, %min3A_827 : vector<256x128xf32>
    %jit3A_839 = arith.constant 55 : i32
    %broadcast_in_dim3A_840 = vector.broadcast %jit3A_839 : i32 to vector<256x128xi32>
    %select_n3A_841 = arith.select %lt3A_838, %broadcast_in_dim3A_840, %select_n3A_826 : vector<256x128xi1>, vector<256x128xi32>
    %min3A_842 = arith.minimumf %sub3A_837, %min3A_827 : vector<256x128xf32>
    %get3A_843 = arith.constant 0 : index
    %get3A_844 = arith.constant 7168 : index
    %get3A_845 = vector.load %arg5[%get3A_843, %get3A_844] : memref<1x8192xf32, #tpu.memory_space<vmem>>, vector<1x128xf32>
    %get3A_846 = vector.shape_cast %get3A_845 : vector<1x128xf32> to vector<128xf32>
    %broadcast_in_dim3A_847 = vector.shape_cast %get3A_846 : vector<128xf32> to vector<1x128xf32>
    %add3A_848 = vector.broadcast %broadcast_in_dim3A : vector<256x1xf32> to vector<256x128xf32>
    %add3A_849 = vector.broadcast %broadcast_in_dim3A_847 : vector<1x128xf32> to vector<256x128xf32>
    %add3A_850 = arith.addf %add3A_848, %add3A_849 : vector<256x128xf32>
    %slice3A_851 = vector.extract_strided_slice %dot_general3A_10 {offsets = [0, 7168], sizes = [256, 128], strides = [1, 1]} : vector<256x8192xf32> to vector<256x128xf32>
    %sub3A_852 = arith.subf %add3A_850, %slice3A_851 : vector<256x128xf32>
    %lt3A_853 = arith.cmpf olt, %sub3A_852, %min3A_842 : vector<256x128xf32>
    %jit3A_854 = arith.constant 56 : i32
    %broadcast_in_dim3A_855 = vector.broadcast %jit3A_854 : i32 to vector<256x128xi32>
    %select_n3A_856 = arith.select %lt3A_853, %broadcast_in_dim3A_855, %select_n3A_841 : vector<256x128xi1>, vector<256x128xi32>
    %min3A_857 = arith.minimumf %sub3A_852, %min3A_842 : vector<256x128xf32>
    %get3A_858 = arith.constant 0 : index
    %get3A_859 = arith.constant 7296 : index
    %get3A_860 = vector.load %arg5[%get3A_858, %get3A_859] : memref<1x8192xf32, #tpu.memory_space<vmem>>, vector<1x128xf32>
    %get3A_861 = vector.shape_cast %get3A_860 : vector<1x128xf32> to vector<128xf32>
    %broadcast_in_dim3A_862 = vector.shape_cast %get3A_861 : vector<128xf32> to vector<1x128xf32>
    %add3A_863 = vector.broadcast %broadcast_in_dim3A : vector<256x1xf32> to vector<256x128xf32>
    %add3A_864 = vector.broadcast %broadcast_in_dim3A_862 : vector<1x128xf32> to vector<256x128xf32>
    %add3A_865 = arith.addf %add3A_863, %add3A_864 : vector<256x128xf32>
    %slice3A_866 = vector.extract_strided_slice %dot_general3A_10 {offsets = [0, 7296], sizes = [256, 128], strides = [1, 1]} : vector<256x8192xf32> to vector<256x128xf32>
    %sub3A_867 = arith.subf %add3A_865, %slice3A_866 : vector<256x128xf32>
    %lt3A_868 = arith.cmpf olt, %sub3A_867, %min3A_857 : vector<256x128xf32>
    %jit3A_869 = arith.constant 57 : i32
    %broadcast_in_dim3A_870 = vector.broadcast %jit3A_869 : i32 to vector<256x128xi32>
    %select_n3A_871 = arith.select %lt3A_868, %broadcast_in_dim3A_870, %select_n3A_856 : vector<256x128xi1>, vector<256x128xi32>
    %min3A_872 = arith.minimumf %sub3A_867, %min3A_857 : vector<256x128xf32>
    %get3A_873 = arith.constant 0 : index
    %get3A_874 = arith.constant 7424 : index
    %get3A_875 = vector.load %arg5[%get3A_873, %get3A_874] : memref<1x8192xf32, #tpu.memory_space<vmem>>, vector<1x128xf32>
    %get3A_876 = vector.shape_cast %get3A_875 : vector<1x128xf32> to vector<128xf32>
    %broadcast_in_dim3A_877 = vector.shape_cast %get3A_876 : vector<128xf32> to vector<1x128xf32>
    %add3A_878 = vector.broadcast %broadcast_in_dim3A : vector<256x1xf32> to vector<256x128xf32>
    %add3A_879 = vector.broadcast %broadcast_in_dim3A_877 : vector<1x128xf32> to vector<256x128xf32>
    %add3A_880 = arith.addf %add3A_878, %add3A_879 : vector<256x128xf32>
    %slice3A_881 = vector.extract_strided_slice %dot_general3A_10 {offsets = [0, 7424], sizes = [256, 128], strides = [1, 1]} : vector<256x8192xf32> to vector<256x128xf32>
    %sub3A_882 = arith.subf %add3A_880, %slice3A_881 : vector<256x128xf32>
    %lt3A_883 = arith.cmpf olt, %sub3A_882, %min3A_872 : vector<256x128xf32>
    %jit3A_884 = arith.constant 58 : i32
    %broadcast_in_dim3A_885 = vector.broadcast %jit3A_884 : i32 to vector<256x128xi32>
    %select_n3A_886 = arith.select %lt3A_883, %broadcast_in_dim3A_885, %select_n3A_871 : vector<256x128xi1>, vector<256x128xi32>
    %min3A_887 = arith.minimumf %sub3A_882, %min3A_872 : vector<256x128xf32>
    %get3A_888 = arith.constant 0 : index
    %get3A_889 = arith.constant 7552 : index
    %get3A_890 = vector.load %arg5[%get3A_888, %get3A_889] : memref<1x8192xf32, #tpu.memory_space<vmem>>, vector<1x128xf32>
    %get3A_891 = vector.shape_cast %get3A_890 : vector<1x128xf32> to vector<128xf32>
    %broadcast_in_dim3A_892 = vector.shape_cast %get3A_891 : vector<128xf32> to vector<1x128xf32>
    %add3A_893 = vector.broadcast %broadcast_in_dim3A : vector<256x1xf32> to vector<256x128xf32>
    %add3A_894 = vector.broadcast %broadcast_in_dim3A_892 : vector<1x128xf32> to vector<256x128xf32>
    %add3A_895 = arith.addf %add3A_893, %add3A_894 : vector<256x128xf32>
    %slice3A_896 = vector.extract_strided_slice %dot_general3A_10 {offsets = [0, 7552], sizes = [256, 128], strides = [1, 1]} : vector<256x8192xf32> to vector<256x128xf32>
    %sub3A_897 = arith.subf %add3A_895, %slice3A_896 : vector<256x128xf32>
    %lt3A_898 = arith.cmpf olt, %sub3A_897, %min3A_887 : vector<256x128xf32>
    %jit3A_899 = arith.constant 59 : i32
    %broadcast_in_dim3A_900 = vector.broadcast %jit3A_899 : i32 to vector<256x128xi32>
    %select_n3A_901 = arith.select %lt3A_898, %broadcast_in_dim3A_900, %select_n3A_886 : vector<256x128xi1>, vector<256x128xi32>
    %min3A_902 = arith.minimumf %sub3A_897, %min3A_887 : vector<256x128xf32>
    %get3A_903 = arith.constant 0 : index
    %get3A_904 = arith.constant 7680 : index
    %get3A_905 = vector.load %arg5[%get3A_903, %get3A_904] : memref<1x8192xf32, #tpu.memory_space<vmem>>, vector<1x128xf32>
    %get3A_906 = vector.shape_cast %get3A_905 : vector<1x128xf32> to vector<128xf32>
    %broadcast_in_dim3A_907 = vector.shape_cast %get3A_906 : vector<128xf32> to vector<1x128xf32>
    %add3A_908 = vector.broadcast %broadcast_in_dim3A : vector<256x1xf32> to vector<256x128xf32>
    %add3A_909 = vector.broadcast %broadcast_in_dim3A_907 : vector<1x128xf32> to vector<256x128xf32>
    %add3A_910 = arith.addf %add3A_908, %add3A_909 : vector<256x128xf32>
    %slice3A_911 = vector.extract_strided_slice %dot_general3A_10 {offsets = [0, 7680], sizes = [256, 128], strides = [1, 1]} : vector<256x8192xf32> to vector<256x128xf32>
    %sub3A_912 = arith.subf %add3A_910, %slice3A_911 : vector<256x128xf32>
    %lt3A_913 = arith.cmpf olt, %sub3A_912, %min3A_902 : vector<256x128xf32>
    %jit3A_914 = arith.constant 60 : i32
    %broadcast_in_dim3A_915 = vector.broadcast %jit3A_914 : i32 to vector<256x128xi32>
    %select_n3A_916 = arith.select %lt3A_913, %broadcast_in_dim3A_915, %select_n3A_901 : vector<256x128xi1>, vector<256x128xi32>
    %min3A_917 = arith.minimumf %sub3A_912, %min3A_902 : vector<256x128xf32>
    %get3A_918 = arith.constant 0 : index
    %get3A_919 = arith.constant 7808 : index
    %get3A_920 = vector.load %arg5[%get3A_918, %get3A_919] : memref<1x8192xf32, #tpu.memory_space<vmem>>, vector<1x128xf32>
    %get3A_921 = vector.shape_cast %get3A_920 : vector<1x128xf32> to vector<128xf32>
    %broadcast_in_dim3A_922 = vector.shape_cast %get3A_921 : vector<128xf32> to vector<1x128xf32>
    %add3A_923 = vector.broadcast %broadcast_in_dim3A : vector<256x1xf32> to vector<256x128xf32>
    %add3A_924 = vector.broadcast %broadcast_in_dim3A_922 : vector<1x128xf32> to vector<256x128xf32>
    %add3A_925 = arith.addf %add3A_923, %add3A_924 : vector<256x128xf32>
    %slice3A_926 = vector.extract_strided_slice %dot_general3A_10 {offsets = [0, 7808], sizes = [256, 128], strides = [1, 1]} : vector<256x8192xf32> to vector<256x128xf32>
    %sub3A_927 = arith.subf %add3A_925, %slice3A_926 : vector<256x128xf32>
    %lt3A_928 = arith.cmpf olt, %sub3A_927, %min3A_917 : vector<256x128xf32>
    %jit3A_929 = arith.constant 61 : i32
    %broadcast_in_dim3A_930 = vector.broadcast %jit3A_929 : i32 to vector<256x128xi32>
    %select_n3A_931 = arith.select %lt3A_928, %broadcast_in_dim3A_930, %select_n3A_916 : vector<256x128xi1>, vector<256x128xi32>
    %min3A_932 = arith.minimumf %sub3A_927, %min3A_917 : vector<256x128xf32>
    %get3A_933 = arith.constant 0 : index
    %get3A_934 = arith.constant 7936 : index
    %get3A_935 = vector.load %arg5[%get3A_933, %get3A_934] : memref<1x8192xf32, #tpu.memory_space<vmem>>, vector<1x128xf32>
    %get3A_936 = vector.shape_cast %get3A_935 : vector<1x128xf32> to vector<128xf32>
    %broadcast_in_dim3A_937 = vector.shape_cast %get3A_936 : vector<128xf32> to vector<1x128xf32>
    %add3A_938 = vector.broadcast %broadcast_in_dim3A : vector<256x1xf32> to vector<256x128xf32>
    %add3A_939 = vector.broadcast %broadcast_in_dim3A_937 : vector<1x128xf32> to vector<256x128xf32>
    %add3A_940 = arith.addf %add3A_938, %add3A_939 : vector<256x128xf32>
    %slice3A_941 = vector.extract_strided_slice %dot_general3A_10 {offsets = [0, 7936], sizes = [256, 128], strides = [1, 1]} : vector<256x8192xf32> to vector<256x128xf32>
    %sub3A_942 = arith.subf %add3A_940, %slice3A_941 : vector<256x128xf32>
    %lt3A_943 = arith.cmpf olt, %sub3A_942, %min3A_932 : vector<256x128xf32>
    %jit3A_944 = arith.constant 62 : i32
    %broadcast_in_dim3A_945 = vector.broadcast %jit3A_944 : i32 to vector<256x128xi32>
    %select_n3A_946 = arith.select %lt3A_943, %broadcast_in_dim3A_945, %select_n3A_931 : vector<256x128xi1>, vector<256x128xi32>
    %min3A_947 = arith.minimumf %sub3A_942, %min3A_932 : vector<256x128xf32>
    %get3A_948 = arith.constant 0 : index
    %get3A_949 = arith.constant 8064 : index
    %get3A_950 = vector.load %arg5[%get3A_948, %get3A_949] : memref<1x8192xf32, #tpu.memory_space<vmem>>, vector<1x128xf32>
    %get3A_951 = vector.shape_cast %get3A_950 : vector<1x128xf32> to vector<128xf32>
    %broadcast_in_dim3A_952 = vector.shape_cast %get3A_951 : vector<128xf32> to vector<1x128xf32>
    %add3A_953 = vector.broadcast %broadcast_in_dim3A : vector<256x1xf32> to vector<256x128xf32>
    %add3A_954 = vector.broadcast %broadcast_in_dim3A_952 : vector<1x128xf32> to vector<256x128xf32>
    %add3A_955 = arith.addf %add3A_953, %add3A_954 : vector<256x128xf32>
    %slice3A_956 = vector.extract_strided_slice %dot_general3A_10 {offsets = [0, 8064], sizes = [256, 128], strides = [1, 1]} : vector<256x8192xf32> to vector<256x128xf32>
    %sub3A_957 = arith.subf %add3A_955, %slice3A_956 : vector<256x128xf32>
    %lt3A_958 = arith.cmpf olt, %sub3A_957, %min3A_947 : vector<256x128xf32>
    %jit3A_959 = arith.constant 63 : i32
    %broadcast_in_dim3A_960 = vector.broadcast %jit3A_959 : i32 to vector<256x128xi32>
    %select_n3A_961 = arith.select %lt3A_958, %broadcast_in_dim3A_960, %select_n3A_946 : vector<256x128xi1>, vector<256x128xi32>
    %min3A_962 = arith.minimumf %sub3A_957, %min3A_947 : vector<256x128xf32>
    %mul3A_963 = arith.constant 128 : i32
    %mul3A_964 = vector.broadcast %mul3A_963 : i32 to vector<256x128xi32>
    %mul3A_965 = arith.muli %select_n3A_961, %mul3A_964 : vector<256x128xi32>
    %iota3A = tpu.iota {dimensions = array<i32: 1>} : vector<256x128xi32>
    %add3A_966 = arith.addi %mul3A_965, %iota3A : vector<256x128xi32>
    %reduce_min3A = arith.constant dense<0x7F800000> : vector<256xf32>
    %reduce_min3A_967 = vector.multi_reduction <minimumf>, %min3A_962, %reduce_min3A [1] : vector<256x128xf32> to vector<256xf32>
    %broadcast_in_dim3A_968 = vector.shape_cast %reduce_min3A_967 : vector<256xf32> to vector<256x1xf32>
    %eq3A_969 = vector.broadcast %broadcast_in_dim3A_968 : vector<256x1xf32> to vector<256x128xf32>
    %eq3A_970 = arith.cmpf oeq, %min3A_962, %eq3A_969 : vector<256x128xf32>
    %jit3A_971 = arith.constant 1073741824 : i32
    %broadcast_in_dim3A_972 = vector.broadcast %jit3A_971 : i32 to vector<256x128xi32>
    %select_n3A_973 = arith.select %eq3A_970, %add3A_966, %broadcast_in_dim3A_972 : vector<256x128xi1>, vector<256x128xi32>
    %reduce_min3A_974 = arith.constant dense<2147483647> : vector<256xi32>
    %reduce_min3A_975 = vector.multi_reduction <minsi>, %select_n3A_973, %reduce_min3A_974 [1] : vector<256x128xi32> to vector<256xi32>
    %swap3A = arith.constant 0 : index
    %swap3A_976 = arith.constant 0 : index
    %swap3A_977 = arith.constant 0 : index
    %swap3A_978 = vector.load %arg3[%swap3A, %swap3A_976, %swap3A_977] : memref<1x1x1024xi32, #tpu.memory_space<vmem>>, vector<1x1x256xi32>
    %swap3A_979 = vector.shape_cast %swap3A_978 : vector<1x1x256xi32> to vector<256xi32>
    %swap3A_980 = vector.shape_cast %reduce_min3A_975 : vector<256xi32> to vector<1x1x256xi32>
    tpu.vector_store %arg3[%swap3A, %swap3A_976, %swap3A_977], %swap3A_980 {strides = array<i32>} : memref<1x1x1024xi32, #tpu.memory_space<vmem>>, vector<1x1x256xi32>,
    %squeeze3A = vector.shape_cast %broadcast_in_dim3A_968 : vector<256x1xf32> to vector<256xf32>
    %swap3A_981 = arith.constant 0 : index
    %swap3A_982 = arith.constant 0 : index
    %swap3A_983 = arith.constant 0 : index
    %swap3A_984 = vector.load %arg4[%swap3A_981, %swap3A_982, %swap3A_983] : memref<1x1x1024xf32, #tpu.memory_space<vmem>>, vector<1x1x256xf32>
    %swap3A_985 = vector.shape_cast %swap3A_984 : vector<1x1x256xf32> to vector<256xf32>
    %swap3A_986 = vector.shape_cast %squeeze3A : vector<256xf32> to vector<1x1x256xf32>
    tpu.vector_store %arg4[%swap3A_981, %swap3A_982, %swap3A_983], %swap3A_986 {strides = array<i32>} : memref<1x1x1024xf32, #tpu.memory_space<vmem>>, vector<1x1x256xf32>,
    %slice3A_987 = vector.extract_strided_slice %transpose3A {offsets = [256, 0], sizes = [256, 256], strides = [1, 1]} : vector<1024x256xf32> to vector<256x256xf32>
    %mul3A_988 = arith.mulf %slice3A_987, %slice3A_987 : vector<256x256xf32>
    %reduce_sum3A_989 = arith.constant dense<0.000000e+00> : vector<256xf32>
    %reduce_sum3A_990 = vector.multi_reduction <add>, %mul3A_988, %reduce_sum3A_989 [1] : vector<256x256xf32> to vector<256xf32>
    %broadcast_in_dim3A_991 = vector.shape_cast %reduce_sum3A_990 : vector<256xf32> to vector<256x1xf32>
    %add3A_992 = arith.addf %slice3A_987, %slice3A_987 : vector<256x256xf32>
    %get3A_993 = arith.constant 0 : index
    %get3A_994 = arith.constant 0 : index
    %get3A_995 = vector.load %arg2[%get3A_993, %get3A_994] : memref<8192x256xf32, #tpu.memory_space<vmem>>, vector<8192x256xf32>
    %dot_general3A_996 = arith.constant dense<0.000000e+00> : vector<256x8192xf32>
    %dot_general3A_997 = tpu.matmul %add3A_992, %get3A_995, %dot_general3A_996 {dimension_numbers = #tpu.dot_dimension_numbers<[1], [1], [0], [0], [0, 0, 1, 0], [], []>, transpose_lhs_hint = false} : vector<256x256xf32>, vector<8192x256xf32>, vector<256x8192xf32> -> vector<256x8192xf32>
    %get3A_998 = arith.constant 0 : index
    %get3A_999 = arith.constant 0 : index
    %get3A_1000 = vector.load %arg5[%get3A_998, %get3A_999] : memref<1x8192xf32, #tpu.memory_space<vmem>>, vector<1x128xf32>
    %get3A_1001 = vector.shape_cast %get3A_1000 : vector<1x128xf32> to vector<128xf32>
    %broadcast_in_dim3A_1002 = vector.shape_cast %get3A_1001 : vector<128xf32> to vector<1x128xf32>
    %add3A_1003 = vector.broadcast %broadcast_in_dim3A_991 : vector<256x1xf32> to vector<256x128xf32>
    %add3A_1004 = vector.broadcast %broadcast_in_dim3A_1002 : vector<1x128xf32> to vector<256x128xf32>
    %add3A_1005 = arith.addf %add3A_1003, %add3A_1004 : vector<256x128xf32>
    %slice3A_1006 = vector.extract_strided_slice %dot_general3A_997 {offsets = [0, 0], sizes = [256, 128], strides = [1, 1]} : vector<256x8192xf32> to vector<256x128xf32>
    %sub3A_1007 = arith.subf %add3A_1005, %slice3A_1006 : vector<256x128xf32>
    %broadcast_in_dim3A_1008 = arith.constant 0 : i32
    %broadcast_in_dim3A_1009 = vector.broadcast %broadcast_in_dim3A_1008 : i32 to vector<256x128xi32>
    %get3A_1010 = arith.constant 0 : index
    %get3A_1011 = arith.constant 128 : index
    %get3A_1012 = vector.load %arg5[%get3A_1010, %get3A_1011] : memref<1x8192xf32, #tpu.memory_space<vmem>>, vector<1x128xf32>
    %get3A_1013 = vector.shape_cast %get3A_1012 : vector<1x128xf32> to vector<128xf32>
    %broadcast_in_dim3A_1014 = vector.shape_cast %get3A_1013 : vector<128xf32> to vector<1x128xf32>
    %add3A_1015 = vector.broadcast %broadcast_in_dim3A_991 : vector<256x1xf32> to vector<256x128xf32>
    %add3A_1016 = vector.broadcast %broadcast_in_dim3A_1014 : vector<1x128xf32> to vector<256x128xf32>
    %add3A_1017 = arith.addf %add3A_1015, %add3A_1016 : vector<256x128xf32>
    %slice3A_1018 = vector.extract_strided_slice %dot_general3A_997 {offsets = [0, 128], sizes = [256, 128], strides = [1, 1]} : vector<256x8192xf32> to vector<256x128xf32>
    %sub3A_1019 = arith.subf %add3A_1017, %slice3A_1018 : vector<256x128xf32>
    %lt3A_1020 = arith.cmpf olt, %sub3A_1019, %sub3A_1007 : vector<256x128xf32>
    %jit3A_1021 = arith.constant 1 : i32
    %broadcast_in_dim3A_1022 = vector.broadcast %jit3A_1021 : i32 to vector<256x128xi32>
    %select_n3A_1023 = arith.select %lt3A_1020, %broadcast_in_dim3A_1022, %broadcast_in_dim3A_1009 : vector<256x128xi1>, vector<256x128xi32>
    %min3A_1024 = arith.minimumf %sub3A_1019, %sub3A_1007 : vector<256x128xf32>
    %get3A_1025 = arith.constant 0 : index
    %get3A_1026 = arith.constant 256 : index
    %get3A_1027 = vector.load %arg5[%get3A_1025, %get3A_1026] : memref<1x8192xf32, #tpu.memory_space<vmem>>, vector<1x128xf32>
    %get3A_1028 = vector.shape_cast %get3A_1027 : vector<1x128xf32> to vector<128xf32>
    %broadcast_in_dim3A_1029 = vector.shape_cast %get3A_1028 : vector<128xf32> to vector<1x128xf32>
    %add3A_1030 = vector.broadcast %broadcast_in_dim3A_991 : vector<256x1xf32> to vector<256x128xf32>
    %add3A_1031 = vector.broadcast %broadcast_in_dim3A_1029 : vector<1x128xf32> to vector<256x128xf32>
    %add3A_1032 = arith.addf %add3A_1030, %add3A_1031 : vector<256x128xf32>
    %slice3A_1033 = vector.extract_strided_slice %dot_general3A_997 {offsets = [0, 256], sizes = [256, 128], strides = [1, 1]} : vector<256x8192xf32> to vector<256x128xf32>
    %sub3A_1034 = arith.subf %add3A_1032, %slice3A_1033 : vector<256x128xf32>
    %lt3A_1035 = arith.cmpf olt, %sub3A_1034, %min3A_1024 : vector<256x128xf32>
    %jit3A_1036 = arith.constant 2 : i32
    %broadcast_in_dim3A_1037 = vector.broadcast %jit3A_1036 : i32 to vector<256x128xi32>
    %select_n3A_1038 = arith.select %lt3A_1035, %broadcast_in_dim3A_1037, %select_n3A_1023 : vector<256x128xi1>, vector<256x128xi32>
    %min3A_1039 = arith.minimumf %sub3A_1034, %min3A_1024 : vector<256x128xf32>
    %get3A_1040 = arith.constant 0 : index
    %get3A_1041 = arith.constant 384 : index
    %get3A_1042 = vector.load %arg5[%get3A_1040, %get3A_1041] : memref<1x8192xf32, #tpu.memory_space<vmem>>, vector<1x128xf32>
    %get3A_1043 = vector.shape_cast %get3A_1042 : vector<1x128xf32> to vector<128xf32>
    %broadcast_in_dim3A_1044 = vector.shape_cast %get3A_1043 : vector<128xf32> to vector<1x128xf32>
    %add3A_1045 = vector.broadcast %broadcast_in_dim3A_991 : vector<256x1xf32> to vector<256x128xf32>
    %add3A_1046 = vector.broadcast %broadcast_in_dim3A_1044 : vector<1x128xf32> to vector<256x128xf32>
    %add3A_1047 = arith.addf %add3A_1045, %add3A_1046 : vector<256x128xf32>
    %slice3A_1048 = vector.extract_strided_slice %dot_general3A_997 {offsets = [0, 384], sizes = [256, 128], strides = [1, 1]} : vector<256x8192xf32> to vector<256x128xf32>
    %sub3A_1049 = arith.subf %add3A_1047, %slice3A_1048 : vector<256x128xf32>
    %lt3A_1050 = arith.cmpf olt, %sub3A_1049, %min3A_1039 : vector<256x128xf32>
    %jit3A_1051 = arith.constant 3 : i32
    %broadcast_in_dim3A_1052 = vector.broadcast %jit3A_1051 : i32 to vector<256x128xi32>
    %select_n3A_1053 = arith.select %lt3A_1050, %broadcast_in_dim3A_1052, %select_n3A_1038 : vector<256x128xi1>, vector<256x128xi32>
    %min3A_1054 = arith.minimumf %sub3A_1049, %min3A_1039 : vector<256x128xf32>
    %get3A_1055 = arith.constant 0 : index
    %get3A_1056 = arith.constant 512 : index
    %get3A_1057 = vector.load %arg5[%get3A_1055, %get3A_1056] : memref<1x8192xf32, #tpu.memory_space<vmem>>, vector<1x128xf32>
    %get3A_1058 = vector.shape_cast %get3A_1057 : vector<1x128xf32> to vector<128xf32>
    %broadcast_in_dim3A_1059 = vector.shape_cast %get3A_1058 : vector<128xf32> to vector<1x128xf32>
    %add3A_1060 = vector.broadcast %broadcast_in_dim3A_991 : vector<256x1xf32> to vector<256x128xf32>
    %add3A_1061 = vector.broadcast %broadcast_in_dim3A_1059 : vector<1x128xf32> to vector<256x128xf32>
    %add3A_1062 = arith.addf %add3A_1060, %add3A_1061 : vector<256x128xf32>
    %slice3A_1063 = vector.extract_strided_slice %dot_general3A_997 {offsets = [0, 512], sizes = [256, 128], strides = [1, 1]} : vector<256x8192xf32> to vector<256x128xf32>
    %sub3A_1064 = arith.subf %add3A_1062, %slice3A_1063 : vector<256x128xf32>
    %lt3A_1065 = arith.cmpf olt, %sub3A_1064, %min3A_1054 : vector<256x128xf32>
    %jit3A_1066 = arith.constant 4 : i32
    %broadcast_in_dim3A_1067 = vector.broadcast %jit3A_1066 : i32 to vector<256x128xi32>
    %select_n3A_1068 = arith.select %lt3A_1065, %broadcast_in_dim3A_1067, %select_n3A_1053 : vector<256x128xi1>, vector<256x128xi32>
    %min3A_1069 = arith.minimumf %sub3A_1064, %min3A_1054 : vector<256x128xf32>
    %get3A_1070 = arith.constant 0 : index
    %get3A_1071 = arith.constant 640 : index
    %get3A_1072 = vector.load %arg5[%get3A_1070, %get3A_1071] : memref<1x8192xf32, #tpu.memory_space<vmem>>, vector<1x128xf32>
    %get3A_1073 = vector.shape_cast %get3A_1072 : vector<1x128xf32> to vector<128xf32>
    %broadcast_in_dim3A_1074 = vector.shape_cast %get3A_1073 : vector<128xf32> to vector<1x128xf32>
    %add3A_1075 = vector.broadcast %broadcast_in_dim3A_991 : vector<256x1xf32> to vector<256x128xf32>
    %add3A_1076 = vector.broadcast %broadcast_in_dim3A_1074 : vector<1x128xf32> to vector<256x128xf32>
    %add3A_1077 = arith.addf %add3A_1075, %add3A_1076 : vector<256x128xf32>
    %slice3A_1078 = vector.extract_strided_slice %dot_general3A_997 {offsets = [0, 640], sizes = [256, 128], strides = [1, 1]} : vector<256x8192xf32> to vector<256x128xf32>
    %sub3A_1079 = arith.subf %add3A_1077, %slice3A_1078 : vector<256x128xf32>
    %lt3A_1080 = arith.cmpf olt, %sub3A_1079, %min3A_1069 : vector<256x128xf32>
    %jit3A_1081 = arith.constant 5 : i32
    %broadcast_in_dim3A_1082 = vector.broadcast %jit3A_1081 : i32 to vector<256x128xi32>
    %select_n3A_1083 = arith.select %lt3A_1080, %broadcast_in_dim3A_1082, %select_n3A_1068 : vector<256x128xi1>, vector<256x128xi32>
    %min3A_1084 = arith.minimumf %sub3A_1079, %min3A_1069 : vector<256x128xf32>
    %get3A_1085 = arith.constant 0 : index
    %get3A_1086 = arith.constant 768 : index
    %get3A_1087 = vector.load %arg5[%get3A_1085, %get3A_1086] : memref<1x8192xf32, #tpu.memory_space<vmem>>, vector<1x128xf32>
    %get3A_1088 = vector.shape_cast %get3A_1087 : vector<1x128xf32> to vector<128xf32>
    %broadcast_in_dim3A_1089 = vector.shape_cast %get3A_1088 : vector<128xf32> to vector<1x128xf32>
    %add3A_1090 = vector.broadcast %broadcast_in_dim3A_991 : vector<256x1xf32> to vector<256x128xf32>
    %add3A_1091 = vector.broadcast %broadcast_in_dim3A_1089 : vector<1x128xf32> to vector<256x128xf32>
    %add3A_1092 = arith.addf %add3A_1090, %add3A_1091 : vector<256x128xf32>
    %slice3A_1093 = vector.extract_strided_slice %dot_general3A_997 {offsets = [0, 768], sizes = [256, 128], strides = [1, 1]} : vector<256x8192xf32> to vector<256x128xf32>
    %sub3A_1094 = arith.subf %add3A_1092, %slice3A_1093 : vector<256x128xf32>
    %lt3A_1095 = arith.cmpf olt, %sub3A_1094, %min3A_1084 : vector<256x128xf32>
    %jit3A_1096 = arith.constant 6 : i32
    %broadcast_in_dim3A_1097 = vector.broadcast %jit3A_1096 : i32 to vector<256x128xi32>
    %select_n3A_1098 = arith.select %lt3A_1095, %broadcast_in_dim3A_1097, %select_n3A_1083 : vector<256x128xi1>, vector<256x128xi32>
    %min3A_1099 = arith.minimumf %sub3A_1094, %min3A_1084 : vector<256x128xf32>
    %get3A_1100 = arith.constant 0 : index
    %get3A_1101 = arith.constant 896 : index
    %get3A_1102 = vector.load %arg5[%get3A_1100, %get3A_1101] : memref<1x8192xf32, #tpu.memory_space<vmem>>, vector<1x128xf32>
    %get3A_1103 = vector.shape_cast %get3A_1102 : vector<1x128xf32> to vector<128xf32>
    %broadcast_in_dim3A_1104 = vector.shape_cast %get3A_1103 : vector<128xf32> to vector<1x128xf32>
    %add3A_1105 = vector.broadcast %broadcast_in_dim3A_991 : vector<256x1xf32> to vector<256x128xf32>
    %add3A_1106 = vector.broadcast %broadcast_in_dim3A_1104 : vector<1x128xf32> to vector<256x128xf32>
    %add3A_1107 = arith.addf %add3A_1105, %add3A_1106 : vector<256x128xf32>
    %slice3A_1108 = vector.extract_strided_slice %dot_general3A_997 {offsets = [0, 896], sizes = [256, 128], strides = [1, 1]} : vector<256x8192xf32> to vector<256x128xf32>
    %sub3A_1109 = arith.subf %add3A_1107, %slice3A_1108 : vector<256x128xf32>
    %lt3A_1110 = arith.cmpf olt, %sub3A_1109, %min3A_1099 : vector<256x128xf32>
    %jit3A_1111 = arith.constant 7 : i32
    %broadcast_in_dim3A_1112 = vector.broadcast %jit3A_1111 : i32 to vector<256x128xi32>
    %select_n3A_1113 = arith.select %lt3A_1110, %broadcast_in_dim3A_1112, %select_n3A_1098 : vector<256x128xi1>, vector<256x128xi32>
    %min3A_1114 = arith.minimumf %sub3A_1109, %min3A_1099 : vector<256x128xf32>
    %get3A_1115 = arith.constant 0 : index
    %get3A_1116 = arith.constant 1024 : index
    %get3A_1117 = vector.load %arg5[%get3A_1115, %get3A_1116] : memref<1x8192xf32, #tpu.memory_space<vmem>>, vector<1x128xf32>
    %get3A_1118 = vector.shape_cast %get3A_1117 : vector<1x128xf32> to vector<128xf32>
    %broadcast_in_dim3A_1119 = vector.shape_cast %get3A_1118 : vector<128xf32> to vector<1x128xf32>
    %add3A_1120 = vector.broadcast %broadcast_in_dim3A_991 : vector<256x1xf32> to vector<256x128xf32>
    %add3A_1121 = vector.broadcast %broadcast_in_dim3A_1119 : vector<1x128xf32> to vector<256x128xf32>
    %add3A_1122 = arith.addf %add3A_1120, %add3A_1121 : vector<256x128xf32>
    %slice3A_1123 = vector.extract_strided_slice %dot_general3A_997 {offsets = [0, 1024], sizes = [256, 128], strides = [1, 1]} : vector<256x8192xf32> to vector<256x128xf32>
    %sub3A_1124 = arith.subf %add3A_1122, %slice3A_1123 : vector<256x128xf32>
    %lt3A_1125 = arith.cmpf olt, %sub3A_1124, %min3A_1114 : vector<256x128xf32>
    %jit3A_1126 = arith.constant 8 : i32
    %broadcast_in_dim3A_1127 = vector.broadcast %jit3A_1126 : i32 to vector<256x128xi32>
    %select_n3A_1128 = arith.select %lt3A_1125, %broadcast_in_dim3A_1127, %select_n3A_1113 : vector<256x128xi1>, vector<256x128xi32>
    %min3A_1129 = arith.minimumf %sub3A_1124, %min3A_1114 : vector<256x128xf32>
    %get3A_1130 = arith.constant 0 : index
    %get3A_1131 = arith.constant 1152 : index
    %get3A_1132 = vector.load %arg5[%get3A_1130, %get3A_1131] : memref<1x8192xf32, #tpu.memory_space<vmem>>, vector<1x128xf32>
    %get3A_1133 = vector.shape_cast %get3A_1132 : vector<1x128xf32> to vector<128xf32>
    %broadcast_in_dim3A_1134 = vector.shape_cast %get3A_1133 : vector<128xf32> to vector<1x128xf32>
    %add3A_1135 = vector.broadcast %broadcast_in_dim3A_991 : vector<256x1xf32> to vector<256x128xf32>
    %add3A_1136 = vector.broadcast %broadcast_in_dim3A_1134 : vector<1x128xf32> to vector<256x128xf32>
    %add3A_1137 = arith.addf %add3A_1135, %add3A_1136 : vector<256x128xf32>
    %slice3A_1138 = vector.extract_strided_slice %dot_general3A_997 {offsets = [0, 1152], sizes = [256, 128], strides = [1, 1]} : vector<256x8192xf32> to vector<256x128xf32>
    %sub3A_1139 = arith.subf %add3A_1137, %slice3A_1138 : vector<256x128xf32>
    %lt3A_1140 = arith.cmpf olt, %sub3A_1139, %min3A_1129 : vector<256x128xf32>
    %jit3A_1141 = arith.constant 9 : i32
    %broadcast_in_dim3A_1142 = vector.broadcast %jit3A_1141 : i32 to vector<256x128xi32>
    %select_n3A_1143 = arith.select %lt3A_1140, %broadcast_in_dim3A_1142, %select_n3A_1128 : vector<256x128xi1>, vector<256x128xi32>
    %min3A_1144 = arith.minimumf %sub3A_1139, %min3A_1129 : vector<256x128xf32>
    %get3A_1145 = arith.constant 0 : index
    %get3A_1146 = arith.constant 1280 : index
    %get3A_1147 = vector.load %arg5[%get3A_1145, %get3A_1146] : memref<1x8192xf32, #tpu.memory_space<vmem>>, vector<1x128xf32>
    %get3A_1148 = vector.shape_cast %get3A_1147 : vector<1x128xf32> to vector<128xf32>
    %broadcast_in_dim3A_1149 = vector.shape_cast %get3A_1148 : vector<128xf32> to vector<1x128xf32>
    %add3A_1150 = vector.broadcast %broadcast_in_dim3A_991 : vector<256x1xf32> to vector<256x128xf32>
    %add3A_1151 = vector.broadcast %broadcast_in_dim3A_1149 : vector<1x128xf32> to vector<256x128xf32>
    %add3A_1152 = arith.addf %add3A_1150, %add3A_1151 : vector<256x128xf32>
    %slice3A_1153 = vector.extract_strided_slice %dot_general3A_997 {offsets = [0, 1280], sizes = [256, 128], strides = [1, 1]} : vector<256x8192xf32> to vector<256x128xf32>
    %sub3A_1154 = arith.subf %add3A_1152, %slice3A_1153 : vector<256x128xf32>
    %lt3A_1155 = arith.cmpf olt, %sub3A_1154, %min3A_1144 : vector<256x128xf32>
    %jit3A_1156 = arith.constant 10 : i32
    %broadcast_in_dim3A_1157 = vector.broadcast %jit3A_1156 : i32 to vector<256x128xi32>
    %select_n3A_1158 = arith.select %lt3A_1155, %broadcast_in_dim3A_1157, %select_n3A_1143 : vector<256x128xi1>, vector<256x128xi32>
    %min3A_1159 = arith.minimumf %sub3A_1154, %min3A_1144 : vector<256x128xf32>
    %get3A_1160 = arith.constant 0 : index
    %get3A_1161 = arith.constant 1408 : index
    %get3A_1162 = vector.load %arg5[%get3A_1160, %get3A_1161] : memref<1x8192xf32, #tpu.memory_space<vmem>>, vector<1x128xf32>
    %get3A_1163 = vector.shape_cast %get3A_1162 : vector<1x128xf32> to vector<128xf32>
    %broadcast_in_dim3A_1164 = vector.shape_cast %get3A_1163 : vector<128xf32> to vector<1x128xf32>
    %add3A_1165 = vector.broadcast %broadcast_in_dim3A_991 : vector<256x1xf32> to vector<256x128xf32>
    %add3A_1166 = vector.broadcast %broadcast_in_dim3A_1164 : vector<1x128xf32> to vector<256x128xf32>
    %add3A_1167 = arith.addf %add3A_1165, %add3A_1166 : vector<256x128xf32>
    %slice3A_1168 = vector.extract_strided_slice %dot_general3A_997 {offsets = [0, 1408], sizes = [256, 128], strides = [1, 1]} : vector<256x8192xf32> to vector<256x128xf32>
    %sub3A_1169 = arith.subf %add3A_1167, %slice3A_1168 : vector<256x128xf32>
    %lt3A_1170 = arith.cmpf olt, %sub3A_1169, %min3A_1159 : vector<256x128xf32>
    %jit3A_1171 = arith.constant 11 : i32
    %broadcast_in_dim3A_1172 = vector.broadcast %jit3A_1171 : i32 to vector<256x128xi32>
    %select_n3A_1173 = arith.select %lt3A_1170, %broadcast_in_dim3A_1172, %select_n3A_1158 : vector<256x128xi1>, vector<256x128xi32>
    %min3A_1174 = arith.minimumf %sub3A_1169, %min3A_1159 : vector<256x128xf32>
    %get3A_1175 = arith.constant 0 : index
    %get3A_1176 = arith.constant 1536 : index
    %get3A_1177 = vector.load %arg5[%get3A_1175, %get3A_1176] : memref<1x8192xf32, #tpu.memory_space<vmem>>, vector<1x128xf32>
    %get3A_1178 = vector.shape_cast %get3A_1177 : vector<1x128xf32> to vector<128xf32>
    %broadcast_in_dim3A_1179 = vector.shape_cast %get3A_1178 : vector<128xf32> to vector<1x128xf32>
    %add3A_1180 = vector.broadcast %broadcast_in_dim3A_991 : vector<256x1xf32> to vector<256x128xf32>
    %add3A_1181 = vector.broadcast %broadcast_in_dim3A_1179 : vector<1x128xf32> to vector<256x128xf32>
    %add3A_1182 = arith.addf %add3A_1180, %add3A_1181 : vector<256x128xf32>
    %slice3A_1183 = vector.extract_strided_slice %dot_general3A_997 {offsets = [0, 1536], sizes = [256, 128], strides = [1, 1]} : vector<256x8192xf32> to vector<256x128xf32>
    %sub3A_1184 = arith.subf %add3A_1182, %slice3A_1183 : vector<256x128xf32>
    %lt3A_1185 = arith.cmpf olt, %sub3A_1184, %min3A_1174 : vector<256x128xf32>
    %jit3A_1186 = arith.constant 12 : i32
    %broadcast_in_dim3A_1187 = vector.broadcast %jit3A_1186 : i32 to vector<256x128xi32>
    %select_n3A_1188 = arith.select %lt3A_1185, %broadcast_in_dim3A_1187, %select_n3A_1173 : vector<256x128xi1>, vector<256x128xi32>
    %min3A_1189 = arith.minimumf %sub3A_1184, %min3A_1174 : vector<256x128xf32>
    %get3A_1190 = arith.constant 0 : index
    %get3A_1191 = arith.constant 1664 : index
    %get3A_1192 = vector.load %arg5[%get3A_1190, %get3A_1191] : memref<1x8192xf32, #tpu.memory_space<vmem>>, vector<1x128xf32>
    %get3A_1193 = vector.shape_cast %get3A_1192 : vector<1x128xf32> to vector<128xf32>
    %broadcast_in_dim3A_1194 = vector.shape_cast %get3A_1193 : vector<128xf32> to vector<1x128xf32>
    %add3A_1195 = vector.broadcast %broadcast_in_dim3A_991 : vector<256x1xf32> to vector<256x128xf32>
    %add3A_1196 = vector.broadcast %broadcast_in_dim3A_1194 : vector<1x128xf32> to vector<256x128xf32>
    %add3A_1197 = arith.addf %add3A_1195, %add3A_1196 : vector<256x128xf32>
    %slice3A_1198 = vector.extract_strided_slice %dot_general3A_997 {offsets = [0, 1664], sizes = [256, 128], strides = [1, 1]} : vector<256x8192xf32> to vector<256x128xf32>
    %sub3A_1199 = arith.subf %add3A_1197, %slice3A_1198 : vector<256x128xf32>
    %lt3A_1200 = arith.cmpf olt, %sub3A_1199, %min3A_1189 : vector<256x128xf32>
    %jit3A_1201 = arith.constant 13 : i32
    %broadcast_in_dim3A_1202 = vector.broadcast %jit3A_1201 : i32 to vector<256x128xi32>
    %select_n3A_1203 = arith.select %lt3A_1200, %broadcast_in_dim3A_1202, %select_n3A_1188 : vector<256x128xi1>, vector<256x128xi32>
    %min3A_1204 = arith.minimumf %sub3A_1199, %min3A_1189 : vector<256x128xf32>
    %get3A_1205 = arith.constant 0 : index
    %get3A_1206 = arith.constant 1792 : index
    %get3A_1207 = vector.load %arg5[%get3A_1205, %get3A_1206] : memref<1x8192xf32, #tpu.memory_space<vmem>>, vector<1x128xf32>
    %get3A_1208 = vector.shape_cast %get3A_1207 : vector<1x128xf32> to vector<128xf32>
    %broadcast_in_dim3A_1209 = vector.shape_cast %get3A_1208 : vector<128xf32> to vector<1x128xf32>
    %add3A_1210 = vector.broadcast %broadcast_in_dim3A_991 : vector<256x1xf32> to vector<256x128xf32>
    %add3A_1211 = vector.broadcast %broadcast_in_dim3A_1209 : vector<1x128xf32> to vector<256x128xf32>
    %add3A_1212 = arith.addf %add3A_1210, %add3A_1211 : vector<256x128xf32>
    %slice3A_1213 = vector.extract_strided_slice %dot_general3A_997 {offsets = [0, 1792], sizes = [256, 128], strides = [1, 1]} : vector<256x8192xf32> to vector<256x128xf32>
    %sub3A_1214 = arith.subf %add3A_1212, %slice3A_1213 : vector<256x128xf32>
    %lt3A_1215 = arith.cmpf olt, %sub3A_1214, %min3A_1204 : vector<256x128xf32>
    %jit3A_1216 = arith.constant 14 : i32
    %broadcast_in_dim3A_1217 = vector.broadcast %jit3A_1216 : i32 to vector<256x128xi32>
    %select_n3A_1218 = arith.select %lt3A_1215, %broadcast_in_dim3A_1217, %select_n3A_1203 : vector<256x128xi1>, vector<256x128xi32>
    %min3A_1219 = arith.minimumf %sub3A_1214, %min3A_1204 : vector<256x128xf32>
    %get3A_1220 = arith.constant 0 : index
    %get3A_1221 = arith.constant 1920 : index
    %get3A_1222 = vector.load %arg5[%get3A_1220, %get3A_1221] : memref<1x8192xf32, #tpu.memory_space<vmem>>, vector<1x128xf32>
    %get3A_1223 = vector.shape_cast %get3A_1222 : vector<1x128xf32> to vector<128xf32>
    %broadcast_in_dim3A_1224 = vector.shape_cast %get3A_1223 : vector<128xf32> to vector<1x128xf32>
    %add3A_1225 = vector.broadcast %broadcast_in_dim3A_991 : vector<256x1xf32> to vector<256x128xf32>
    %add3A_1226 = vector.broadcast %broadcast_in_dim3A_1224 : vector<1x128xf32> to vector<256x128xf32>
    %add3A_1227 = arith.addf %add3A_1225, %add3A_1226 : vector<256x128xf32>
    %slice3A_1228 = vector.extract_strided_slice %dot_general3A_997 {offsets = [0, 1920], sizes = [256, 128], strides = [1, 1]} : vector<256x8192xf32> to vector<256x128xf32>
    %sub3A_1229 = arith.subf %add3A_1227, %slice3A_1228 : vector<256x128xf32>
    %lt3A_1230 = arith.cmpf olt, %sub3A_1229, %min3A_1219 : vector<256x128xf32>
    %jit3A_1231 = arith.constant 15 : i32
    %broadcast_in_dim3A_1232 = vector.broadcast %jit3A_1231 : i32 to vector<256x128xi32>
    %select_n3A_1233 = arith.select %lt3A_1230, %broadcast_in_dim3A_1232, %select_n3A_1218 : vector<256x128xi1>, vector<256x128xi32>
    %min3A_1234 = arith.minimumf %sub3A_1229, %min3A_1219 : vector<256x128xf32>
    %get3A_1235 = arith.constant 0 : index
    %get3A_1236 = arith.constant 2048 : index
    %get3A_1237 = vector.load %arg5[%get3A_1235, %get3A_1236] : memref<1x8192xf32, #tpu.memory_space<vmem>>, vector<1x128xf32>
    %get3A_1238 = vector.shape_cast %get3A_1237 : vector<1x128xf32> to vector<128xf32>
    %broadcast_in_dim3A_1239 = vector.shape_cast %get3A_1238 : vector<128xf32> to vector<1x128xf32>
    %add3A_1240 = vector.broadcast %broadcast_in_dim3A_991 : vector<256x1xf32> to vector<256x128xf32>
    %add3A_1241 = vector.broadcast %broadcast_in_dim3A_1239 : vector<1x128xf32> to vector<256x128xf32>
    %add3A_1242 = arith.addf %add3A_1240, %add3A_1241 : vector<256x128xf32>
    %slice3A_1243 = vector.extract_strided_slice %dot_general3A_997 {offsets = [0, 2048], sizes = [256, 128], strides = [1, 1]} : vector<256x8192xf32> to vector<256x128xf32>
    %sub3A_1244 = arith.subf %add3A_1242, %slice3A_1243 : vector<256x128xf32>
    %lt3A_1245 = arith.cmpf olt, %sub3A_1244, %min3A_1234 : vector<256x128xf32>
    %jit3A_1246 = arith.constant 16 : i32
    %broadcast_in_dim3A_1247 = vector.broadcast %jit3A_1246 : i32 to vector<256x128xi32>
    %select_n3A_1248 = arith.select %lt3A_1245, %broadcast_in_dim3A_1247, %select_n3A_1233 : vector<256x128xi1>, vector<256x128xi32>
    %min3A_1249 = arith.minimumf %sub3A_1244, %min3A_1234 : vector<256x128xf32>
    %get3A_1250 = arith.constant 0 : index
    %get3A_1251 = arith.constant 2176 : index
    %get3A_1252 = vector.load %arg5[%get3A_1250, %get3A_1251] : memref<1x8192xf32, #tpu.memory_space<vmem>>, vector<1x128xf32>
    %get3A_1253 = vector.shape_cast %get3A_1252 : vector<1x128xf32> to vector<128xf32>
    %broadcast_in_dim3A_1254 = vector.shape_cast %get3A_1253 : vector<128xf32> to vector<1x128xf32>
    %add3A_1255 = vector.broadcast %broadcast_in_dim3A_991 : vector<256x1xf32> to vector<256x128xf32>
    %add3A_1256 = vector.broadcast %broadcast_in_dim3A_1254 : vector<1x128xf32> to vector<256x128xf32>
    %add3A_1257 = arith.addf %add3A_1255, %add3A_1256 : vector<256x128xf32>
    %slice3A_1258 = vector.extract_strided_slice %dot_general3A_997 {offsets = [0, 2176], sizes = [256, 128], strides = [1, 1]} : vector<256x8192xf32> to vector<256x128xf32>
    %sub3A_1259 = arith.subf %add3A_1257, %slice3A_1258 : vector<256x128xf32>
    %lt3A_1260 = arith.cmpf olt, %sub3A_1259, %min3A_1249 : vector<256x128xf32>
    %jit3A_1261 = arith.constant 17 : i32
    %broadcast_in_dim3A_1262 = vector.broadcast %jit3A_1261 : i32 to vector<256x128xi32>
    %select_n3A_1263 = arith.select %lt3A_1260, %broadcast_in_dim3A_1262, %select_n3A_1248 : vector<256x128xi1>, vector<256x128xi32>
    %min3A_1264 = arith.minimumf %sub3A_1259, %min3A_1249 : vector<256x128xf32>
    %get3A_1265 = arith.constant 0 : index
    %get3A_1266 = arith.constant 2304 : index
    %get3A_1267 = vector.load %arg5[%get3A_1265, %get3A_1266] : memref<1x8192xf32, #tpu.memory_space<vmem>>, vector<1x128xf32>
    %get3A_1268 = vector.shape_cast %get3A_1267 : vector<1x128xf32> to vector<128xf32>
    %broadcast_in_dim3A_1269 = vector.shape_cast %get3A_1268 : vector<128xf32> to vector<1x128xf32>
    %add3A_1270 = vector.broadcast %broadcast_in_dim3A_991 : vector<256x1xf32> to vector<256x128xf32>
    %add3A_1271 = vector.broadcast %broadcast_in_dim3A_1269 : vector<1x128xf32> to vector<256x128xf32>
    %add3A_1272 = arith.addf %add3A_1270, %add3A_1271 : vector<256x128xf32>
    %slice3A_1273 = vector.extract_strided_slice %dot_general3A_997 {offsets = [0, 2304], sizes = [256, 128], strides = [1, 1]} : vector<256x8192xf32> to vector<256x128xf32>
    %sub3A_1274 = arith.subf %add3A_1272, %slice3A_1273 : vector<256x128xf32>
    %lt3A_1275 = arith.cmpf olt, %sub3A_1274, %min3A_1264 : vector<256x128xf32>
    %jit3A_1276 = arith.constant 18 : i32
    %broadcast_in_dim3A_1277 = vector.broadcast %jit3A_1276 : i32 to vector<256x128xi32>
    %select_n3A_1278 = arith.select %lt3A_1275, %broadcast_in_dim3A_1277, %select_n3A_1263 : vector<256x128xi1>, vector<256x128xi32>
    %min3A_1279 = arith.minimumf %sub3A_1274, %min3A_1264 : vector<256x128xf32>
    %get3A_1280 = arith.constant 0 : index
    %get3A_1281 = arith.constant 2432 : index
    %get3A_1282 = vector.load %arg5[%get3A_1280, %get3A_1281] : memref<1x8192xf32, #tpu.memory_space<vmem>>, vector<1x128xf32>
    %get3A_1283 = vector.shape_cast %get3A_1282 : vector<1x128xf32> to vector<128xf32>
    %broadcast_in_dim3A_1284 = vector.shape_cast %get3A_1283 : vector<128xf32> to vector<1x128xf32>
    %add3A_1285 = vector.broadcast %broadcast_in_dim3A_991 : vector<256x1xf32> to vector<256x128xf32>
    %add3A_1286 = vector.broadcast %broadcast_in_dim3A_1284 : vector<1x128xf32> to vector<256x128xf32>
    %add3A_1287 = arith.addf %add3A_1285, %add3A_1286 : vector<256x128xf32>
    %slice3A_1288 = vector.extract_strided_slice %dot_general3A_997 {offsets = [0, 2432], sizes = [256, 128], strides = [1, 1]} : vector<256x8192xf32> to vector<256x128xf32>
    %sub3A_1289 = arith.subf %add3A_1287, %slice3A_1288 : vector<256x128xf32>
    %lt3A_1290 = arith.cmpf olt, %sub3A_1289, %min3A_1279 : vector<256x128xf32>
    %jit3A_1291 = arith.constant 19 : i32
    %broadcast_in_dim3A_1292 = vector.broadcast %jit3A_1291 : i32 to vector<256x128xi32>
    %select_n3A_1293 = arith.select %lt3A_1290, %broadcast_in_dim3A_1292, %select_n3A_1278 : vector<256x128xi1>, vector<256x128xi32>
    %min3A_1294 = arith.minimumf %sub3A_1289, %min3A_1279 : vector<256x128xf32>
    %get3A_1295 = arith.constant 0 : index
    %get3A_1296 = arith.constant 2560 : index
    %get3A_1297 = vector.load %arg5[%get3A_1295, %get3A_1296] : memref<1x8192xf32, #tpu.memory_space<vmem>>, vector<1x128xf32>
    %get3A_1298 = vector.shape_cast %get3A_1297 : vector<1x128xf32> to vector<128xf32>
    %broadcast_in_dim3A_1299 = vector.shape_cast %get3A_1298 : vector<128xf32> to vector<1x128xf32>
    %add3A_1300 = vector.broadcast %broadcast_in_dim3A_991 : vector<256x1xf32> to vector<256x128xf32>
    %add3A_1301 = vector.broadcast %broadcast_in_dim3A_1299 : vector<1x128xf32> to vector<256x128xf32>
    %add3A_1302 = arith.addf %add3A_1300, %add3A_1301 : vector<256x128xf32>
    %slice3A_1303 = vector.extract_strided_slice %dot_general3A_997 {offsets = [0, 2560], sizes = [256, 128], strides = [1, 1]} : vector<256x8192xf32> to vector<256x128xf32>
    %sub3A_1304 = arith.subf %add3A_1302, %slice3A_1303 : vector<256x128xf32>
    %lt3A_1305 = arith.cmpf olt, %sub3A_1304, %min3A_1294 : vector<256x128xf32>
    %jit3A_1306 = arith.constant 20 : i32
    %broadcast_in_dim3A_1307 = vector.broadcast %jit3A_1306 : i32 to vector<256x128xi32>
    %select_n3A_1308 = arith.select %lt3A_1305, %broadcast_in_dim3A_1307, %select_n3A_1293 : vector<256x128xi1>, vector<256x128xi32>
    %min3A_1309 = arith.minimumf %sub3A_1304, %min3A_1294 : vector<256x128xf32>
    %get3A_1310 = arith.constant 0 : index
    %get3A_1311 = arith.constant 2688 : index
    %get3A_1312 = vector.load %arg5[%get3A_1310, %get3A_1311] : memref<1x8192xf32, #tpu.memory_space<vmem>>, vector<1x128xf32>
    %get3A_1313 = vector.shape_cast %get3A_1312 : vector<1x128xf32> to vector<128xf32>
    %broadcast_in_dim3A_1314 = vector.shape_cast %get3A_1313 : vector<128xf32> to vector<1x128xf32>
    %add3A_1315 = vector.broadcast %broadcast_in_dim3A_991 : vector<256x1xf32> to vector<256x128xf32>
    %add3A_1316 = vector.broadcast %broadcast_in_dim3A_1314 : vector<1x128xf32> to vector<256x128xf32>
    %add3A_1317 = arith.addf %add3A_1315, %add3A_1316 : vector<256x128xf32>
    %slice3A_1318 = vector.extract_strided_slice %dot_general3A_997 {offsets = [0, 2688], sizes = [256, 128], strides = [1, 1]} : vector<256x8192xf32> to vector<256x128xf32>
    %sub3A_1319 = arith.subf %add3A_1317, %slice3A_1318 : vector<256x128xf32>
    %lt3A_1320 = arith.cmpf olt, %sub3A_1319, %min3A_1309 : vector<256x128xf32>
    %jit3A_1321 = arith.constant 21 : i32
    %broadcast_in_dim3A_1322 = vector.broadcast %jit3A_1321 : i32 to vector<256x128xi32>
    %select_n3A_1323 = arith.select %lt3A_1320, %broadcast_in_dim3A_1322, %select_n3A_1308 : vector<256x128xi1>, vector<256x128xi32>
    %min3A_1324 = arith.minimumf %sub3A_1319, %min3A_1309 : vector<256x128xf32>
    %get3A_1325 = arith.constant 0 : index
    %get3A_1326 = arith.constant 2816 : index
    %get3A_1327 = vector.load %arg5[%get3A_1325, %get3A_1326] : memref<1x8192xf32, #tpu.memory_space<vmem>>, vector<1x128xf32>
    %get3A_1328 = vector.shape_cast %get3A_1327 : vector<1x128xf32> to vector<128xf32>
    %broadcast_in_dim3A_1329 = vector.shape_cast %get3A_1328 : vector<128xf32> to vector<1x128xf32>
    %add3A_1330 = vector.broadcast %broadcast_in_dim3A_991 : vector<256x1xf32> to vector<256x128xf32>
    %add3A_1331 = vector.broadcast %broadcast_in_dim3A_1329 : vector<1x128xf32> to vector<256x128xf32>
    %add3A_1332 = arith.addf %add3A_1330, %add3A_1331 : vector<256x128xf32>
    %slice3A_1333 = vector.extract_strided_slice %dot_general3A_997 {offsets = [0, 2816], sizes = [256, 128], strides = [1, 1]} : vector<256x8192xf32> to vector<256x128xf32>
    %sub3A_1334 = arith.subf %add3A_1332, %slice3A_1333 : vector<256x128xf32>
    %lt3A_1335 = arith.cmpf olt, %sub3A_1334, %min3A_1324 : vector<256x128xf32>
    %jit3A_1336 = arith.constant 22 : i32
    %broadcast_in_dim3A_1337 = vector.broadcast %jit3A_1336 : i32 to vector<256x128xi32>
    %select_n3A_1338 = arith.select %lt3A_1335, %broadcast_in_dim3A_1337, %select_n3A_1323 : vector<256x128xi1>, vector<256x128xi32>
    %min3A_1339 = arith.minimumf %sub3A_1334, %min3A_1324 : vector<256x128xf32>
    %get3A_1340 = arith.constant 0 : index
    %get3A_1341 = arith.constant 2944 : index
    %get3A_1342 = vector.load %arg5[%get3A_1340, %get3A_1341] : memref<1x8192xf32, #tpu.memory_space<vmem>>, vector<1x128xf32>
    %get3A_1343 = vector.shape_cast %get3A_1342 : vector<1x128xf32> to vector<128xf32>
    %broadcast_in_dim3A_1344 = vector.shape_cast %get3A_1343 : vector<128xf32> to vector<1x128xf32>
    %add3A_1345 = vector.broadcast %broadcast_in_dim3A_991 : vector<256x1xf32> to vector<256x128xf32>
    %add3A_1346 = vector.broadcast %broadcast_in_dim3A_1344 : vector<1x128xf32> to vector<256x128xf32>
    %add3A_1347 = arith.addf %add3A_1345, %add3A_1346 : vector<256x128xf32>
    %slice3A_1348 = vector.extract_strided_slice %dot_general3A_997 {offsets = [0, 2944], sizes = [256, 128], strides = [1, 1]} : vector<256x8192xf32> to vector<256x128xf32>
    %sub3A_1349 = arith.subf %add3A_1347, %slice3A_1348 : vector<256x128xf32>
    %lt3A_1350 = arith.cmpf olt, %sub3A_1349, %min3A_1339 : vector<256x128xf32>
    %jit3A_1351 = arith.constant 23 : i32
    %broadcast_in_dim3A_1352 = vector.broadcast %jit3A_1351 : i32 to vector<256x128xi32>
    %select_n3A_1353 = arith.select %lt3A_1350, %broadcast_in_dim3A_1352, %select_n3A_1338 : vector<256x128xi1>, vector<256x128xi32>
    %min3A_1354 = arith.minimumf %sub3A_1349, %min3A_1339 : vector<256x128xf32>
    %get3A_1355 = arith.constant 0 : index
    %get3A_1356 = arith.constant 3072 : index
    %get3A_1357 = vector.load %arg5[%get3A_1355, %get3A_1356] : memref<1x8192xf32, #tpu.memory_space<vmem>>, vector<1x128xf32>
    %get3A_1358 = vector.shape_cast %get3A_1357 : vector<1x128xf32> to vector<128xf32>
    %broadcast_in_dim3A_1359 = vector.shape_cast %get3A_1358 : vector<128xf32> to vector<1x128xf32>
    %add3A_1360 = vector.broadcast %broadcast_in_dim3A_991 : vector<256x1xf32> to vector<256x128xf32>
    %add3A_1361 = vector.broadcast %broadcast_in_dim3A_1359 : vector<1x128xf32> to vector<256x128xf32>
    %add3A_1362 = arith.addf %add3A_1360, %add3A_1361 : vector<256x128xf32>
    %slice3A_1363 = vector.extract_strided_slice %dot_general3A_997 {offsets = [0, 3072], sizes = [256, 128], strides = [1, 1]} : vector<256x8192xf32> to vector<256x128xf32>
    %sub3A_1364 = arith.subf %add3A_1362, %slice3A_1363 : vector<256x128xf32>
    %lt3A_1365 = arith.cmpf olt, %sub3A_1364, %min3A_1354 : vector<256x128xf32>
    %jit3A_1366 = arith.constant 24 : i32
    %broadcast_in_dim3A_1367 = vector.broadcast %jit3A_1366 : i32 to vector<256x128xi32>
    %select_n3A_1368 = arith.select %lt3A_1365, %broadcast_in_dim3A_1367, %select_n3A_1353 : vector<256x128xi1>, vector<256x128xi32>
    %min3A_1369 = arith.minimumf %sub3A_1364, %min3A_1354 : vector<256x128xf32>
    %get3A_1370 = arith.constant 0 : index
    %get3A_1371 = arith.constant 3200 : index
    %get3A_1372 = vector.load %arg5[%get3A_1370, %get3A_1371] : memref<1x8192xf32, #tpu.memory_space<vmem>>, vector<1x128xf32>
    %get3A_1373 = vector.shape_cast %get3A_1372 : vector<1x128xf32> to vector<128xf32>
    %broadcast_in_dim3A_1374 = vector.shape_cast %get3A_1373 : vector<128xf32> to vector<1x128xf32>
    %add3A_1375 = vector.broadcast %broadcast_in_dim3A_991 : vector<256x1xf32> to vector<256x128xf32>
    %add3A_1376 = vector.broadcast %broadcast_in_dim3A_1374 : vector<1x128xf32> to vector<256x128xf32>
    %add3A_1377 = arith.addf %add3A_1375, %add3A_1376 : vector<256x128xf32>
    %slice3A_1378 = vector.extract_strided_slice %dot_general3A_997 {offsets = [0, 3200], sizes = [256, 128], strides = [1, 1]} : vector<256x8192xf32> to vector<256x128xf32>
    %sub3A_1379 = arith.subf %add3A_1377, %slice3A_1378 : vector<256x128xf32>
    %lt3A_1380 = arith.cmpf olt, %sub3A_1379, %min3A_1369 : vector<256x128xf32>
    %jit3A_1381 = arith.constant 25 : i32
    %broadcast_in_dim3A_1382 = vector.broadcast %jit3A_1381 : i32 to vector<256x128xi32>
    %select_n3A_1383 = arith.select %lt3A_1380, %broadcast_in_dim3A_1382, %select_n3A_1368 : vector<256x128xi1>, vector<256x128xi32>
    %min3A_1384 = arith.minimumf %sub3A_1379, %min3A_1369 : vector<256x128xf32>
    %get3A_1385 = arith.constant 0 : index
    %get3A_1386 = arith.constant 3328 : index
    %get3A_1387 = vector.load %arg5[%get3A_1385, %get3A_1386] : memref<1x8192xf32, #tpu.memory_space<vmem>>, vector<1x128xf32>
    %get3A_1388 = vector.shape_cast %get3A_1387 : vector<1x128xf32> to vector<128xf32>
    %broadcast_in_dim3A_1389 = vector.shape_cast %get3A_1388 : vector<128xf32> to vector<1x128xf32>
    %add3A_1390 = vector.broadcast %broadcast_in_dim3A_991 : vector<256x1xf32> to vector<256x128xf32>
    %add3A_1391 = vector.broadcast %broadcast_in_dim3A_1389 : vector<1x128xf32> to vector<256x128xf32>
    %add3A_1392 = arith.addf %add3A_1390, %add3A_1391 : vector<256x128xf32>
    %slice3A_1393 = vector.extract_strided_slice %dot_general3A_997 {offsets = [0, 3328], sizes = [256, 128], strides = [1, 1]} : vector<256x8192xf32> to vector<256x128xf32>
    %sub3A_1394 = arith.subf %add3A_1392, %slice3A_1393 : vector<256x128xf32>
    %lt3A_1395 = arith.cmpf olt, %sub3A_1394, %min3A_1384 : vector<256x128xf32>
    %jit3A_1396 = arith.constant 26 : i32
    %broadcast_in_dim3A_1397 = vector.broadcast %jit3A_1396 : i32 to vector<256x128xi32>
    %select_n3A_1398 = arith.select %lt3A_1395, %broadcast_in_dim3A_1397, %select_n3A_1383 : vector<256x128xi1>, vector<256x128xi32>
    %min3A_1399 = arith.minimumf %sub3A_1394, %min3A_1384 : vector<256x128xf32>
    %get3A_1400 = arith.constant 0 : index
    %get3A_1401 = arith.constant 3456 : index
    %get3A_1402 = vector.load %arg5[%get3A_1400, %get3A_1401] : memref<1x8192xf32, #tpu.memory_space<vmem>>, vector<1x128xf32>
    %get3A_1403 = vector.shape_cast %get3A_1402 : vector<1x128xf32> to vector<128xf32>
    %broadcast_in_dim3A_1404 = vector.shape_cast %get3A_1403 : vector<128xf32> to vector<1x128xf32>
    %add3A_1405 = vector.broadcast %broadcast_in_dim3A_991 : vector<256x1xf32> to vector<256x128xf32>
    %add3A_1406 = vector.broadcast %broadcast_in_dim3A_1404 : vector<1x128xf32> to vector<256x128xf32>
    %add3A_1407 = arith.addf %add3A_1405, %add3A_1406 : vector<256x128xf32>
    %slice3A_1408 = vector.extract_strided_slice %dot_general3A_997 {offsets = [0, 3456], sizes = [256, 128], strides = [1, 1]} : vector<256x8192xf32> to vector<256x128xf32>
    %sub3A_1409 = arith.subf %add3A_1407, %slice3A_1408 : vector<256x128xf32>
    %lt3A_1410 = arith.cmpf olt, %sub3A_1409, %min3A_1399 : vector<256x128xf32>
    %jit3A_1411 = arith.constant 27 : i32
    %broadcast_in_dim3A_1412 = vector.broadcast %jit3A_1411 : i32 to vector<256x128xi32>
    %select_n3A_1413 = arith.select %lt3A_1410, %broadcast_in_dim3A_1412, %select_n3A_1398 : vector<256x128xi1>, vector<256x128xi32>
    %min3A_1414 = arith.minimumf %sub3A_1409, %min3A_1399 : vector<256x128xf32>
    %get3A_1415 = arith.constant 0 : index
    %get3A_1416 = arith.constant 3584 : index
    %get3A_1417 = vector.load %arg5[%get3A_1415, %get3A_1416] : memref<1x8192xf32, #tpu.memory_space<vmem>>, vector<1x128xf32>
    %get3A_1418 = vector.shape_cast %get3A_1417 : vector<1x128xf32> to vector<128xf32>
    %broadcast_in_dim3A_1419 = vector.shape_cast %get3A_1418 : vector<128xf32> to vector<1x128xf32>
    %add3A_1420 = vector.broadcast %broadcast_in_dim3A_991 : vector<256x1xf32> to vector<256x128xf32>
    %add3A_1421 = vector.broadcast %broadcast_in_dim3A_1419 : vector<1x128xf32> to vector<256x128xf32>
    %add3A_1422 = arith.addf %add3A_1420, %add3A_1421 : vector<256x128xf32>
    %slice3A_1423 = vector.extract_strided_slice %dot_general3A_997 {offsets = [0, 3584], sizes = [256, 128], strides = [1, 1]} : vector<256x8192xf32> to vector<256x128xf32>
    %sub3A_1424 = arith.subf %add3A_1422, %slice3A_1423 : vector<256x128xf32>
    %lt3A_1425 = arith.cmpf olt, %sub3A_1424, %min3A_1414 : vector<256x128xf32>
    %jit3A_1426 = arith.constant 28 : i32
    %broadcast_in_dim3A_1427 = vector.broadcast %jit3A_1426 : i32 to vector<256x128xi32>
    %select_n3A_1428 = arith.select %lt3A_1425, %broadcast_in_dim3A_1427, %select_n3A_1413 : vector<256x128xi1>, vector<256x128xi32>
    %min3A_1429 = arith.minimumf %sub3A_1424, %min3A_1414 : vector<256x128xf32>
    %get3A_1430 = arith.constant 0 : index
    %get3A_1431 = arith.constant 3712 : index
    %get3A_1432 = vector.load %arg5[%get3A_1430, %get3A_1431] : memref<1x8192xf32, #tpu.memory_space<vmem>>, vector<1x128xf32>
    %get3A_1433 = vector.shape_cast %get3A_1432 : vector<1x128xf32> to vector<128xf32>
    %broadcast_in_dim3A_1434 = vector.shape_cast %get3A_1433 : vector<128xf32> to vector<1x128xf32>
    %add3A_1435 = vector.broadcast %broadcast_in_dim3A_991 : vector<256x1xf32> to vector<256x128xf32>
    %add3A_1436 = vector.broadcast %broadcast_in_dim3A_1434 : vector<1x128xf32> to vector<256x128xf32>
    %add3A_1437 = arith.addf %add3A_1435, %add3A_1436 : vector<256x128xf32>
    %slice3A_1438 = vector.extract_strided_slice %dot_general3A_997 {offsets = [0, 3712], sizes = [256, 128], strides = [1, 1]} : vector<256x8192xf32> to vector<256x128xf32>
    %sub3A_1439 = arith.subf %add3A_1437, %slice3A_1438 : vector<256x128xf32>
    %lt3A_1440 = arith.cmpf olt, %sub3A_1439, %min3A_1429 : vector<256x128xf32>
    %jit3A_1441 = arith.constant 29 : i32
    %broadcast_in_dim3A_1442 = vector.broadcast %jit3A_1441 : i32 to vector<256x128xi32>
    %select_n3A_1443 = arith.select %lt3A_1440, %broadcast_in_dim3A_1442, %select_n3A_1428 : vector<256x128xi1>, vector<256x128xi32>
    %min3A_1444 = arith.minimumf %sub3A_1439, %min3A_1429 : vector<256x128xf32>
    %get3A_1445 = arith.constant 0 : index
    %get3A_1446 = arith.constant 3840 : index
    %get3A_1447 = vector.load %arg5[%get3A_1445, %get3A_1446] : memref<1x8192xf32, #tpu.memory_space<vmem>>, vector<1x128xf32>
    %get3A_1448 = vector.shape_cast %get3A_1447 : vector<1x128xf32> to vector<128xf32>
    %broadcast_in_dim3A_1449 = vector.shape_cast %get3A_1448 : vector<128xf32> to vector<1x128xf32>
    %add3A_1450 = vector.broadcast %broadcast_in_dim3A_991 : vector<256x1xf32> to vector<256x128xf32>
    %add3A_1451 = vector.broadcast %broadcast_in_dim3A_1449 : vector<1x128xf32> to vector<256x128xf32>
    %add3A_1452 = arith.addf %add3A_1450, %add3A_1451 : vector<256x128xf32>
    %slice3A_1453 = vector.extract_strided_slice %dot_general3A_997 {offsets = [0, 3840], sizes = [256, 128], strides = [1, 1]} : vector<256x8192xf32> to vector<256x128xf32>
    %sub3A_1454 = arith.subf %add3A_1452, %slice3A_1453 : vector<256x128xf32>
    %lt3A_1455 = arith.cmpf olt, %sub3A_1454, %min3A_1444 : vector<256x128xf32>
    %jit3A_1456 = arith.constant 30 : i32
    %broadcast_in_dim3A_1457 = vector.broadcast %jit3A_1456 : i32 to vector<256x128xi32>
    %select_n3A_1458 = arith.select %lt3A_1455, %broadcast_in_dim3A_1457, %select_n3A_1443 : vector<256x128xi1>, vector<256x128xi32>
    %min3A_1459 = arith.minimumf %sub3A_1454, %min3A_1444 : vector<256x128xf32>
    %get3A_1460 = arith.constant 0 : index
    %get3A_1461 = arith.constant 3968 : index
    %get3A_1462 = vector.load %arg5[%get3A_1460, %get3A_1461] : memref<1x8192xf32, #tpu.memory_space<vmem>>, vector<1x128xf32>
    %get3A_1463 = vector.shape_cast %get3A_1462 : vector<1x128xf32> to vector<128xf32>
    %broadcast_in_dim3A_1464 = vector.shape_cast %get3A_1463 : vector<128xf32> to vector<1x128xf32>
    %add3A_1465 = vector.broadcast %broadcast_in_dim3A_991 : vector<256x1xf32> to vector<256x128xf32>
    %add3A_1466 = vector.broadcast %broadcast_in_dim3A_1464 : vector<1x128xf32> to vector<256x128xf32>
    %add3A_1467 = arith.addf %add3A_1465, %add3A_1466 : vector<256x128xf32>
    %slice3A_1468 = vector.extract_strided_slice %dot_general3A_997 {offsets = [0, 3968], sizes = [256, 128], strides = [1, 1]} : vector<256x8192xf32> to vector<256x128xf32>
    %sub3A_1469 = arith.subf %add3A_1467, %slice3A_1468 : vector<256x128xf32>
    %lt3A_1470 = arith.cmpf olt, %sub3A_1469, %min3A_1459 : vector<256x128xf32>
    %jit3A_1471 = arith.constant 31 : i32
    %broadcast_in_dim3A_1472 = vector.broadcast %jit3A_1471 : i32 to vector<256x128xi32>
    %select_n3A_1473 = arith.select %lt3A_1470, %broadcast_in_dim3A_1472, %select_n3A_1458 : vector<256x128xi1>, vector<256x128xi32>
    %min3A_1474 = arith.minimumf %sub3A_1469, %min3A_1459 : vector<256x128xf32>
    %get3A_1475 = arith.constant 0 : index
    %get3A_1476 = arith.constant 4096 : index
    %get3A_1477 = vector.load %arg5[%get3A_1475, %get3A_1476] : memref<1x8192xf32, #tpu.memory_space<vmem>>, vector<1x128xf32>
    %get3A_1478 = vector.shape_cast %get3A_1477 : vector<1x128xf32> to vector<128xf32>
    %broadcast_in_dim3A_1479 = vector.shape_cast %get3A_1478 : vector<128xf32> to vector<1x128xf32>
    %add3A_1480 = vector.broadcast %broadcast_in_dim3A_991 : vector<256x1xf32> to vector<256x128xf32>
    %add3A_1481 = vector.broadcast %broadcast_in_dim3A_1479 : vector<1x128xf32> to vector<256x128xf32>
    %add3A_1482 = arith.addf %add3A_1480, %add3A_1481 : vector<256x128xf32>
    %slice3A_1483 = vector.extract_strided_slice %dot_general3A_997 {offsets = [0, 4096], sizes = [256, 128], strides = [1, 1]} : vector<256x8192xf32> to vector<256x128xf32>
    %sub3A_1484 = arith.subf %add3A_1482, %slice3A_1483 : vector<256x128xf32>
    %lt3A_1485 = arith.cmpf olt, %sub3A_1484, %min3A_1474 : vector<256x128xf32>
    %jit3A_1486 = arith.constant 32 : i32
    %broadcast_in_dim3A_1487 = vector.broadcast %jit3A_1486 : i32 to vector<256x128xi32>
    %select_n3A_1488 = arith.select %lt3A_1485, %broadcast_in_dim3A_1487, %select_n3A_1473 : vector<256x128xi1>, vector<256x128xi32>
    %min3A_1489 = arith.minimumf %sub3A_1484, %min3A_1474 : vector<256x128xf32>
    %get3A_1490 = arith.constant 0 : index
    %get3A_1491 = arith.constant 4224 : index
    %get3A_1492 = vector.load %arg5[%get3A_1490, %get3A_1491] : memref<1x8192xf32, #tpu.memory_space<vmem>>, vector<1x128xf32>
    %get3A_1493 = vector.shape_cast %get3A_1492 : vector<1x128xf32> to vector<128xf32>
    %broadcast_in_dim3A_1494 = vector.shape_cast %get3A_1493 : vector<128xf32> to vector<1x128xf32>
    %add3A_1495 = vector.broadcast %broadcast_in_dim3A_991 : vector<256x1xf32> to vector<256x128xf32>
    %add3A_1496 = vector.broadcast %broadcast_in_dim3A_1494 : vector<1x128xf32> to vector<256x128xf32>
    %add3A_1497 = arith.addf %add3A_1495, %add3A_1496 : vector<256x128xf32>
    %slice3A_1498 = vector.extract_strided_slice %dot_general3A_997 {offsets = [0, 4224], sizes = [256, 128], strides = [1, 1]} : vector<256x8192xf32> to vector<256x128xf32>
    %sub3A_1499 = arith.subf %add3A_1497, %slice3A_1498 : vector<256x128xf32>
    %lt3A_1500 = arith.cmpf olt, %sub3A_1499, %min3A_1489 : vector<256x128xf32>
    %jit3A_1501 = arith.constant 33 : i32
    %broadcast_in_dim3A_1502 = vector.broadcast %jit3A_1501 : i32 to vector<256x128xi32>
    %select_n3A_1503 = arith.select %lt3A_1500, %broadcast_in_dim3A_1502, %select_n3A_1488 : vector<256x128xi1>, vector<256x128xi32>
    %min3A_1504 = arith.minimumf %sub3A_1499, %min3A_1489 : vector<256x128xf32>
    %get3A_1505 = arith.constant 0 : index
    %get3A_1506 = arith.constant 4352 : index
    %get3A_1507 = vector.load %arg5[%get3A_1505, %get3A_1506] : memref<1x8192xf32, #tpu.memory_space<vmem>>, vector<1x128xf32>
    %get3A_1508 = vector.shape_cast %get3A_1507 : vector<1x128xf32> to vector<128xf32>
    %broadcast_in_dim3A_1509 = vector.shape_cast %get3A_1508 : vector<128xf32> to vector<1x128xf32>
    %add3A_1510 = vector.broadcast %broadcast_in_dim3A_991 : vector<256x1xf32> to vector<256x128xf32>
    %add3A_1511 = vector.broadcast %broadcast_in_dim3A_1509 : vector<1x128xf32> to vector<256x128xf32>
    %add3A_1512 = arith.addf %add3A_1510, %add3A_1511 : vector<256x128xf32>
    %slice3A_1513 = vector.extract_strided_slice %dot_general3A_997 {offsets = [0, 4352], sizes = [256, 128], strides = [1, 1]} : vector<256x8192xf32> to vector<256x128xf32>
    %sub3A_1514 = arith.subf %add3A_1512, %slice3A_1513 : vector<256x128xf32>
    %lt3A_1515 = arith.cmpf olt, %sub3A_1514, %min3A_1504 : vector<256x128xf32>
    %jit3A_1516 = arith.constant 34 : i32
    %broadcast_in_dim3A_1517 = vector.broadcast %jit3A_1516 : i32 to vector<256x128xi32>
    %select_n3A_1518 = arith.select %lt3A_1515, %broadcast_in_dim3A_1517, %select_n3A_1503 : vector<256x128xi1>, vector<256x128xi32>
    %min3A_1519 = arith.minimumf %sub3A_1514, %min3A_1504 : vector<256x128xf32>
    %get3A_1520 = arith.constant 0 : index
    %get3A_1521 = arith.constant 4480 : index
    %get3A_1522 = vector.load %arg5[%get3A_1520, %get3A_1521] : memref<1x8192xf32, #tpu.memory_space<vmem>>, vector<1x128xf32>
    %get3A_1523 = vector.shape_cast %get3A_1522 : vector<1x128xf32> to vector<128xf32>
    %broadcast_in_dim3A_1524 = vector.shape_cast %get3A_1523 : vector<128xf32> to vector<1x128xf32>
    %add3A_1525 = vector.broadcast %broadcast_in_dim3A_991 : vector<256x1xf32> to vector<256x128xf32>
    %add3A_1526 = vector.broadcast %broadcast_in_dim3A_1524 : vector<1x128xf32> to vector<256x128xf32>
    %add3A_1527 = arith.addf %add3A_1525, %add3A_1526 : vector<256x128xf32>
    %slice3A_1528 = vector.extract_strided_slice %dot_general3A_997 {offsets = [0, 4480], sizes = [256, 128], strides = [1, 1]} : vector<256x8192xf32> to vector<256x128xf32>
    %sub3A_1529 = arith.subf %add3A_1527, %slice3A_1528 : vector<256x128xf32>
    %lt3A_1530 = arith.cmpf olt, %sub3A_1529, %min3A_1519 : vector<256x128xf32>
    %jit3A_1531 = arith.constant 35 : i32
    %broadcast_in_dim3A_1532 = vector.broadcast %jit3A_1531 : i32 to vector<256x128xi32>
    %select_n3A_1533 = arith.select %lt3A_1530, %broadcast_in_dim3A_1532, %select_n3A_1518 : vector<256x128xi1>, vector<256x128xi32>
    %min3A_1534 = arith.minimumf %sub3A_1529, %min3A_1519 : vector<256x128xf32>
    %get3A_1535 = arith.constant 0 : index
    %get3A_1536 = arith.constant 4608 : index
    %get3A_1537 = vector.load %arg5[%get3A_1535, %get3A_1536] : memref<1x8192xf32, #tpu.memory_space<vmem>>, vector<1x128xf32>
    %get3A_1538 = vector.shape_cast %get3A_1537 : vector<1x128xf32> to vector<128xf32>
    %broadcast_in_dim3A_1539 = vector.shape_cast %get3A_1538 : vector<128xf32> to vector<1x128xf32>
    %add3A_1540 = vector.broadcast %broadcast_in_dim3A_991 : vector<256x1xf32> to vector<256x128xf32>
    %add3A_1541 = vector.broadcast %broadcast_in_dim3A_1539 : vector<1x128xf32> to vector<256x128xf32>
    %add3A_1542 = arith.addf %add3A_1540, %add3A_1541 : vector<256x128xf32>
    %slice3A_1543 = vector.extract_strided_slice %dot_general3A_997 {offsets = [0, 4608], sizes = [256, 128], strides = [1, 1]} : vector<256x8192xf32> to vector<256x128xf32>
    %sub3A_1544 = arith.subf %add3A_1542, %slice3A_1543 : vector<256x128xf32>
    %lt3A_1545 = arith.cmpf olt, %sub3A_1544, %min3A_1534 : vector<256x128xf32>
    %jit3A_1546 = arith.constant 36 : i32
    %broadcast_in_dim3A_1547 = vector.broadcast %jit3A_1546 : i32 to vector<256x128xi32>
    %select_n3A_1548 = arith.select %lt3A_1545, %broadcast_in_dim3A_1547, %select_n3A_1533 : vector<256x128xi1>, vector<256x128xi32>
    %min3A_1549 = arith.minimumf %sub3A_1544, %min3A_1534 : vector<256x128xf32>
    %get3A_1550 = arith.constant 0 : index
    %get3A_1551 = arith.constant 4736 : index
    %get3A_1552 = vector.load %arg5[%get3A_1550, %get3A_1551] : memref<1x8192xf32, #tpu.memory_space<vmem>>, vector<1x128xf32>
    %get3A_1553 = vector.shape_cast %get3A_1552 : vector<1x128xf32> to vector<128xf32>
    %broadcast_in_dim3A_1554 = vector.shape_cast %get3A_1553 : vector<128xf32> to vector<1x128xf32>
    %add3A_1555 = vector.broadcast %broadcast_in_dim3A_991 : vector<256x1xf32> to vector<256x128xf32>
    %add3A_1556 = vector.broadcast %broadcast_in_dim3A_1554 : vector<1x128xf32> to vector<256x128xf32>
    %add3A_1557 = arith.addf %add3A_1555, %add3A_1556 : vector<256x128xf32>
    %slice3A_1558 = vector.extract_strided_slice %dot_general3A_997 {offsets = [0, 4736], sizes = [256, 128], strides = [1, 1]} : vector<256x8192xf32> to vector<256x128xf32>
    %sub3A_1559 = arith.subf %add3A_1557, %slice3A_1558 : vector<256x128xf32>
    %lt3A_1560 = arith.cmpf olt, %sub3A_1559, %min3A_1549 : vector<256x128xf32>
    %jit3A_1561 = arith.constant 37 : i32
    %broadcast_in_dim3A_1562 = vector.broadcast %jit3A_1561 : i32 to vector<256x128xi32>
    %select_n3A_1563 = arith.select %lt3A_1560, %broadcast_in_dim3A_1562, %select_n3A_1548 : vector<256x128xi1>, vector<256x128xi32>
    %min3A_1564 = arith.minimumf %sub3A_1559, %min3A_1549 : vector<256x128xf32>
    %get3A_1565 = arith.constant 0 : index
    %get3A_1566 = arith.constant 4864 : index
    %get3A_1567 = vector.load %arg5[%get3A_1565, %get3A_1566] : memref<1x8192xf32, #tpu.memory_space<vmem>>, vector<1x128xf32>
    %get3A_1568 = vector.shape_cast %get3A_1567 : vector<1x128xf32> to vector<128xf32>
    %broadcast_in_dim3A_1569 = vector.shape_cast %get3A_1568 : vector<128xf32> to vector<1x128xf32>
    %add3A_1570 = vector.broadcast %broadcast_in_dim3A_991 : vector<256x1xf32> to vector<256x128xf32>
    %add3A_1571 = vector.broadcast %broadcast_in_dim3A_1569 : vector<1x128xf32> to vector<256x128xf32>
    %add3A_1572 = arith.addf %add3A_1570, %add3A_1571 : vector<256x128xf32>
    %slice3A_1573 = vector.extract_strided_slice %dot_general3A_997 {offsets = [0, 4864], sizes = [256, 128], strides = [1, 1]} : vector<256x8192xf32> to vector<256x128xf32>
    %sub3A_1574 = arith.subf %add3A_1572, %slice3A_1573 : vector<256x128xf32>
    %lt3A_1575 = arith.cmpf olt, %sub3A_1574, %min3A_1564 : vector<256x128xf32>
    %jit3A_1576 = arith.constant 38 : i32
    %broadcast_in_dim3A_1577 = vector.broadcast %jit3A_1576 : i32 to vector<256x128xi32>
    %select_n3A_1578 = arith.select %lt3A_1575, %broadcast_in_dim3A_1577, %select_n3A_1563 : vector<256x128xi1>, vector<256x128xi32>
    %min3A_1579 = arith.minimumf %sub3A_1574, %min3A_1564 : vector<256x128xf32>
    %get3A_1580 = arith.constant 0 : index
    %get3A_1581 = arith.constant 4992 : index
    %get3A_1582 = vector.load %arg5[%get3A_1580, %get3A_1581] : memref<1x8192xf32, #tpu.memory_space<vmem>>, vector<1x128xf32>
    %get3A_1583 = vector.shape_cast %get3A_1582 : vector<1x128xf32> to vector<128xf32>
    %broadcast_in_dim3A_1584 = vector.shape_cast %get3A_1583 : vector<128xf32> to vector<1x128xf32>
    %add3A_1585 = vector.broadcast %broadcast_in_dim3A_991 : vector<256x1xf32> to vector<256x128xf32>
    %add3A_1586 = vector.broadcast %broadcast_in_dim3A_1584 : vector<1x128xf32> to vector<256x128xf32>
    %add3A_1587 = arith.addf %add3A_1585, %add3A_1586 : vector<256x128xf32>
    %slice3A_1588 = vector.extract_strided_slice %dot_general3A_997 {offsets = [0, 4992], sizes = [256, 128], strides = [1, 1]} : vector<256x8192xf32> to vector<256x128xf32>
    %sub3A_1589 = arith.subf %add3A_1587, %slice3A_1588 : vector<256x128xf32>
    %lt3A_1590 = arith.cmpf olt, %sub3A_1589, %min3A_1579 : vector<256x128xf32>
    %jit3A_1591 = arith.constant 39 : i32
    %broadcast_in_dim3A_1592 = vector.broadcast %jit3A_1591 : i32 to vector<256x128xi32>
    %select_n3A_1593 = arith.select %lt3A_1590, %broadcast_in_dim3A_1592, %select_n3A_1578 : vector<256x128xi1>, vector<256x128xi32>
    %min3A_1594 = arith.minimumf %sub3A_1589, %min3A_1579 : vector<256x128xf32>
    %get3A_1595 = arith.constant 0 : index
    %get3A_1596 = arith.constant 5120 : index
    %get3A_1597 = vector.load %arg5[%get3A_1595, %get3A_1596] : memref<1x8192xf32, #tpu.memory_space<vmem>>, vector<1x128xf32>
    %get3A_1598 = vector.shape_cast %get3A_1597 : vector<1x128xf32> to vector<128xf32>
    %broadcast_in_dim3A_1599 = vector.shape_cast %get3A_1598 : vector<128xf32> to vector<1x128xf32>
    %add3A_1600 = vector.broadcast %broadcast_in_dim3A_991 : vector<256x1xf32> to vector<256x128xf32>
    %add3A_1601 = vector.broadcast %broadcast_in_dim3A_1599 : vector<1x128xf32> to vector<256x128xf32>
    %add3A_1602 = arith.addf %add3A_1600, %add3A_1601 : vector<256x128xf32>
    %slice3A_1603 = vector.extract_strided_slice %dot_general3A_997 {offsets = [0, 5120], sizes = [256, 128], strides = [1, 1]} : vector<256x8192xf32> to vector<256x128xf32>
    %sub3A_1604 = arith.subf %add3A_1602, %slice3A_1603 : vector<256x128xf32>
    %lt3A_1605 = arith.cmpf olt, %sub3A_1604, %min3A_1594 : vector<256x128xf32>
    %jit3A_1606 = arith.constant 40 : i32
    %broadcast_in_dim3A_1607 = vector.broadcast %jit3A_1606 : i32 to vector<256x128xi32>
    %select_n3A_1608 = arith.select %lt3A_1605, %broadcast_in_dim3A_1607, %select_n3A_1593 : vector<256x128xi1>, vector<256x128xi32>
    %min3A_1609 = arith.minimumf %sub3A_1604, %min3A_1594 : vector<256x128xf32>
    %get3A_1610 = arith.constant 0 : index
    %get3A_1611 = arith.constant 5248 : index
    %get3A_1612 = vector.load %arg5[%get3A_1610, %get3A_1611] : memref<1x8192xf32, #tpu.memory_space<vmem>>, vector<1x128xf32>
    %get3A_1613 = vector.shape_cast %get3A_1612 : vector<1x128xf32> to vector<128xf32>
    %broadcast_in_dim3A_1614 = vector.shape_cast %get3A_1613 : vector<128xf32> to vector<1x128xf32>
    %add3A_1615 = vector.broadcast %broadcast_in_dim3A_991 : vector<256x1xf32> to vector<256x128xf32>
    %add3A_1616 = vector.broadcast %broadcast_in_dim3A_1614 : vector<1x128xf32> to vector<256x128xf32>
    %add3A_1617 = arith.addf %add3A_1615, %add3A_1616 : vector<256x128xf32>
    %slice3A_1618 = vector.extract_strided_slice %dot_general3A_997 {offsets = [0, 5248], sizes = [256, 128], strides = [1, 1]} : vector<256x8192xf32> to vector<256x128xf32>
    %sub3A_1619 = arith.subf %add3A_1617, %slice3A_1618 : vector<256x128xf32>
    %lt3A_1620 = arith.cmpf olt, %sub3A_1619, %min3A_1609 : vector<256x128xf32>
    %jit3A_1621 = arith.constant 41 : i32
    %broadcast_in_dim3A_1622 = vector.broadcast %jit3A_1621 : i32 to vector<256x128xi32>
    %select_n3A_1623 = arith.select %lt3A_1620, %broadcast_in_dim3A_1622, %select_n3A_1608 : vector<256x128xi1>, vector<256x128xi32>
    %min3A_1624 = arith.minimumf %sub3A_1619, %min3A_1609 : vector<256x128xf32>
    %get3A_1625 = arith.constant 0 : index
    %get3A_1626 = arith.constant 5376 : index
    %get3A_1627 = vector.load %arg5[%get3A_1625, %get3A_1626] : memref<1x8192xf32, #tpu.memory_space<vmem>>, vector<1x128xf32>
    %get3A_1628 = vector.shape_cast %get3A_1627 : vector<1x128xf32> to vector<128xf32>
    %broadcast_in_dim3A_1629 = vector.shape_cast %get3A_1628 : vector<128xf32> to vector<1x128xf32>
    %add3A_1630 = vector.broadcast %broadcast_in_dim3A_991 : vector<256x1xf32> to vector<256x128xf32>
    %add3A_1631 = vector.broadcast %broadcast_in_dim3A_1629 : vector<1x128xf32> to vector<256x128xf32>
    %add3A_1632 = arith.addf %add3A_1630, %add3A_1631 : vector<256x128xf32>
    %slice3A_1633 = vector.extract_strided_slice %dot_general3A_997 {offsets = [0, 5376], sizes = [256, 128], strides = [1, 1]} : vector<256x8192xf32> to vector<256x128xf32>
    %sub3A_1634 = arith.subf %add3A_1632, %slice3A_1633 : vector<256x128xf32>
    %lt3A_1635 = arith.cmpf olt, %sub3A_1634, %min3A_1624 : vector<256x128xf32>
    %jit3A_1636 = arith.constant 42 : i32
    %broadcast_in_dim3A_1637 = vector.broadcast %jit3A_1636 : i32 to vector<256x128xi32>
    %select_n3A_1638 = arith.select %lt3A_1635, %broadcast_in_dim3A_1637, %select_n3A_1623 : vector<256x128xi1>, vector<256x128xi32>
    %min3A_1639 = arith.minimumf %sub3A_1634, %min3A_1624 : vector<256x128xf32>
    %get3A_1640 = arith.constant 0 : index
    %get3A_1641 = arith.constant 5504 : index
    %get3A_1642 = vector.load %arg5[%get3A_1640, %get3A_1641] : memref<1x8192xf32, #tpu.memory_space<vmem>>, vector<1x128xf32>
    %get3A_1643 = vector.shape_cast %get3A_1642 : vector<1x128xf32> to vector<128xf32>
    %broadcast_in_dim3A_1644 = vector.shape_cast %get3A_1643 : vector<128xf32> to vector<1x128xf32>
    %add3A_1645 = vector.broadcast %broadcast_in_dim3A_991 : vector<256x1xf32> to vector<256x128xf32>
    %add3A_1646 = vector.broadcast %broadcast_in_dim3A_1644 : vector<1x128xf32> to vector<256x128xf32>
    %add3A_1647 = arith.addf %add3A_1645, %add3A_1646 : vector<256x128xf32>
    %slice3A_1648 = vector.extract_strided_slice %dot_general3A_997 {offsets = [0, 5504], sizes = [256, 128], strides = [1, 1]} : vector<256x8192xf32> to vector<256x128xf32>
    %sub3A_1649 = arith.subf %add3A_1647, %slice3A_1648 : vector<256x128xf32>
    %lt3A_1650 = arith.cmpf olt, %sub3A_1649, %min3A_1639 : vector<256x128xf32>
    %jit3A_1651 = arith.constant 43 : i32
    %broadcast_in_dim3A_1652 = vector.broadcast %jit3A_1651 : i32 to vector<256x128xi32>
    %select_n3A_1653 = arith.select %lt3A_1650, %broadcast_in_dim3A_1652, %select_n3A_1638 : vector<256x128xi1>, vector<256x128xi32>
    %min3A_1654 = arith.minimumf %sub3A_1649, %min3A_1639 : vector<256x128xf32>
    %get3A_1655 = arith.constant 0 : index
    %get3A_1656 = arith.constant 5632 : index
    %get3A_1657 = vector.load %arg5[%get3A_1655, %get3A_1656] : memref<1x8192xf32, #tpu.memory_space<vmem>>, vector<1x128xf32>
    %get3A_1658 = vector.shape_cast %get3A_1657 : vector<1x128xf32> to vector<128xf32>
    %broadcast_in_dim3A_1659 = vector.shape_cast %get3A_1658 : vector<128xf32> to vector<1x128xf32>
    %add3A_1660 = vector.broadcast %broadcast_in_dim3A_991 : vector<256x1xf32> to vector<256x128xf32>
    %add3A_1661 = vector.broadcast %broadcast_in_dim3A_1659 : vector<1x128xf32> to vector<256x128xf32>
    %add3A_1662 = arith.addf %add3A_1660, %add3A_1661 : vector<256x128xf32>
    %slice3A_1663 = vector.extract_strided_slice %dot_general3A_997 {offsets = [0, 5632], sizes = [256, 128], strides = [1, 1]} : vector<256x8192xf32> to vector<256x128xf32>
    %sub3A_1664 = arith.subf %add3A_1662, %slice3A_1663 : vector<256x128xf32>
    %lt3A_1665 = arith.cmpf olt, %sub3A_1664, %min3A_1654 : vector<256x128xf32>
    %jit3A_1666 = arith.constant 44 : i32
    %broadcast_in_dim3A_1667 = vector.broadcast %jit3A_1666 : i32 to vector<256x128xi32>
    %select_n3A_1668 = arith.select %lt3A_1665, %broadcast_in_dim3A_1667, %select_n3A_1653 : vector<256x128xi1>, vector<256x128xi32>
    %min3A_1669 = arith.minimumf %sub3A_1664, %min3A_1654 : vector<256x128xf32>
    %get3A_1670 = arith.constant 0 : index
    %get3A_1671 = arith.constant 5760 : index
    %get3A_1672 = vector.load %arg5[%get3A_1670, %get3A_1671] : memref<1x8192xf32, #tpu.memory_space<vmem>>, vector<1x128xf32>
    %get3A_1673 = vector.shape_cast %get3A_1672 : vector<1x128xf32> to vector<128xf32>
    %broadcast_in_dim3A_1674 = vector.shape_cast %get3A_1673 : vector<128xf32> to vector<1x128xf32>
    %add3A_1675 = vector.broadcast %broadcast_in_dim3A_991 : vector<256x1xf32> to vector<256x128xf32>
    %add3A_1676 = vector.broadcast %broadcast_in_dim3A_1674 : vector<1x128xf32> to vector<256x128xf32>
    %add3A_1677 = arith.addf %add3A_1675, %add3A_1676 : vector<256x128xf32>
    %slice3A_1678 = vector.extract_strided_slice %dot_general3A_997 {offsets = [0, 5760], sizes = [256, 128], strides = [1, 1]} : vector<256x8192xf32> to vector<256x128xf32>
    %sub3A_1679 = arith.subf %add3A_1677, %slice3A_1678 : vector<256x128xf32>
    %lt3A_1680 = arith.cmpf olt, %sub3A_1679, %min3A_1669 : vector<256x128xf32>
    %jit3A_1681 = arith.constant 45 : i32
    %broadcast_in_dim3A_1682 = vector.broadcast %jit3A_1681 : i32 to vector<256x128xi32>
    %select_n3A_1683 = arith.select %lt3A_1680, %broadcast_in_dim3A_1682, %select_n3A_1668 : vector<256x128xi1>, vector<256x128xi32>
    %min3A_1684 = arith.minimumf %sub3A_1679, %min3A_1669 : vector<256x128xf32>
    %get3A_1685 = arith.constant 0 : index
    %get3A_1686 = arith.constant 5888 : index
    %get3A_1687 = vector.load %arg5[%get3A_1685, %get3A_1686] : memref<1x8192xf32, #tpu.memory_space<vmem>>, vector<1x128xf32>
    %get3A_1688 = vector.shape_cast %get3A_1687 : vector<1x128xf32> to vector<128xf32>
    %broadcast_in_dim3A_1689 = vector.shape_cast %get3A_1688 : vector<128xf32> to vector<1x128xf32>
    %add3A_1690 = vector.broadcast %broadcast_in_dim3A_991 : vector<256x1xf32> to vector<256x128xf32>
    %add3A_1691 = vector.broadcast %broadcast_in_dim3A_1689 : vector<1x128xf32> to vector<256x128xf32>
    %add3A_1692 = arith.addf %add3A_1690, %add3A_1691 : vector<256x128xf32>
    %slice3A_1693 = vector.extract_strided_slice %dot_general3A_997 {offsets = [0, 5888], sizes = [256, 128], strides = [1, 1]} : vector<256x8192xf32> to vector<256x128xf32>
    %sub3A_1694 = arith.subf %add3A_1692, %slice3A_1693 : vector<256x128xf32>
    %lt3A_1695 = arith.cmpf olt, %sub3A_1694, %min3A_1684 : vector<256x128xf32>
    %jit3A_1696 = arith.constant 46 : i32
    %broadcast_in_dim3A_1697 = vector.broadcast %jit3A_1696 : i32 to vector<256x128xi32>
    %select_n3A_1698 = arith.select %lt3A_1695, %broadcast_in_dim3A_1697, %select_n3A_1683 : vector<256x128xi1>, vector<256x128xi32>
    %min3A_1699 = arith.minimumf %sub3A_1694, %min3A_1684 : vector<256x128xf32>
    %get3A_1700 = arith.constant 0 : index
    %get3A_1701 = arith.constant 6016 : index
    %get3A_1702 = vector.load %arg5[%get3A_1700, %get3A_1701] : memref<1x8192xf32, #tpu.memory_space<vmem>>, vector<1x128xf32>
    %get3A_1703 = vector.shape_cast %get3A_1702 : vector<1x128xf32> to vector<128xf32>
    %broadcast_in_dim3A_1704 = vector.shape_cast %get3A_1703 : vector<128xf32> to vector<1x128xf32>
    %add3A_1705 = vector.broadcast %broadcast_in_dim3A_991 : vector<256x1xf32> to vector<256x128xf32>
    %add3A_1706 = vector.broadcast %broadcast_in_dim3A_1704 : vector<1x128xf32> to vector<256x128xf32>
    %add3A_1707 = arith.addf %add3A_1705, %add3A_1706 : vector<256x128xf32>
    %slice3A_1708 = vector.extract_strided_slice %dot_general3A_997 {offsets = [0, 6016], sizes = [256, 128], strides = [1, 1]} : vector<256x8192xf32> to vector<256x128xf32>
    %sub3A_1709 = arith.subf %add3A_1707, %slice3A_1708 : vector<256x128xf32>
    %lt3A_1710 = arith.cmpf olt, %sub3A_1709, %min3A_1699 : vector<256x128xf32>
    %jit3A_1711 = arith.constant 47 : i32
    %broadcast_in_dim3A_1712 = vector.broadcast %jit3A_1711 : i32 to vector<256x128xi32>
    %select_n3A_1713 = arith.select %lt3A_1710, %broadcast_in_dim3A_1712, %select_n3A_1698 : vector<256x128xi1>, vector<256x128xi32>
    %min3A_1714 = arith.minimumf %sub3A_1709, %min3A_1699 : vector<256x128xf32>
    %get3A_1715 = arith.constant 0 : index
    %get3A_1716 = arith.constant 6144 : index
    %get3A_1717 = vector.load %arg5[%get3A_1715, %get3A_1716] : memref<1x8192xf32, #tpu.memory_space<vmem>>, vector<1x128xf32>
    %get3A_1718 = vector.shape_cast %get3A_1717 : vector<1x128xf32> to vector<128xf32>
    %broadcast_in_dim3A_1719 = vector.shape_cast %get3A_1718 : vector<128xf32> to vector<1x128xf32>
    %add3A_1720 = vector.broadcast %broadcast_in_dim3A_991 : vector<256x1xf32> to vector<256x128xf32>
    %add3A_1721 = vector.broadcast %broadcast_in_dim3A_1719 : vector<1x128xf32> to vector<256x128xf32>
    %add3A_1722 = arith.addf %add3A_1720, %add3A_1721 : vector<256x128xf32>
    %slice3A_1723 = vector.extract_strided_slice %dot_general3A_997 {offsets = [0, 6144], sizes = [256, 128], strides = [1, 1]} : vector<256x8192xf32> to vector<256x128xf32>
    %sub3A_1724 = arith.subf %add3A_1722, %slice3A_1723 : vector<256x128xf32>
    %lt3A_1725 = arith.cmpf olt, %sub3A_1724, %min3A_1714 : vector<256x128xf32>
    %jit3A_1726 = arith.constant 48 : i32
    %broadcast_in_dim3A_1727 = vector.broadcast %jit3A_1726 : i32 to vector<256x128xi32>
    %select_n3A_1728 = arith.select %lt3A_1725, %broadcast_in_dim3A_1727, %select_n3A_1713 : vector<256x128xi1>, vector<256x128xi32>
    %min3A_1729 = arith.minimumf %sub3A_1724, %min3A_1714 : vector<256x128xf32>
    %get3A_1730 = arith.constant 0 : index
    %get3A_1731 = arith.constant 6272 : index
    %get3A_1732 = vector.load %arg5[%get3A_1730, %get3A_1731] : memref<1x8192xf32, #tpu.memory_space<vmem>>, vector<1x128xf32>
    %get3A_1733 = vector.shape_cast %get3A_1732 : vector<1x128xf32> to vector<128xf32>
    %broadcast_in_dim3A_1734 = vector.shape_cast %get3A_1733 : vector<128xf32> to vector<1x128xf32>
    %add3A_1735 = vector.broadcast %broadcast_in_dim3A_991 : vector<256x1xf32> to vector<256x128xf32>
    %add3A_1736 = vector.broadcast %broadcast_in_dim3A_1734 : vector<1x128xf32> to vector<256x128xf32>
    %add3A_1737 = arith.addf %add3A_1735, %add3A_1736 : vector<256x128xf32>
    %slice3A_1738 = vector.extract_strided_slice %dot_general3A_997 {offsets = [0, 6272], sizes = [256, 128], strides = [1, 1]} : vector<256x8192xf32> to vector<256x128xf32>
    %sub3A_1739 = arith.subf %add3A_1737, %slice3A_1738 : vector<256x128xf32>
    %lt3A_1740 = arith.cmpf olt, %sub3A_1739, %min3A_1729 : vector<256x128xf32>
    %jit3A_1741 = arith.constant 49 : i32
    %broadcast_in_dim3A_1742 = vector.broadcast %jit3A_1741 : i32 to vector<256x128xi32>
    %select_n3A_1743 = arith.select %lt3A_1740, %broadcast_in_dim3A_1742, %select_n3A_1728 : vector<256x128xi1>, vector<256x128xi32>
    %min3A_1744 = arith.minimumf %sub3A_1739, %min3A_1729 : vector<256x128xf32>
    %get3A_1745 = arith.constant 0 : index
    %get3A_1746 = arith.constant 6400 : index
    %get3A_1747 = vector.load %arg5[%get3A_1745, %get3A_1746] : memref<1x8192xf32, #tpu.memory_space<vmem>>, vector<1x128xf32>
    %get3A_1748 = vector.shape_cast %get3A_1747 : vector<1x128xf32> to vector<128xf32>
    %broadcast_in_dim3A_1749 = vector.shape_cast %get3A_1748 : vector<128xf32> to vector<1x128xf32>
    %add3A_1750 = vector.broadcast %broadcast_in_dim3A_991 : vector<256x1xf32> to vector<256x128xf32>
    %add3A_1751 = vector.broadcast %broadcast_in_dim3A_1749 : vector<1x128xf32> to vector<256x128xf32>
    %add3A_1752 = arith.addf %add3A_1750, %add3A_1751 : vector<256x128xf32>
    %slice3A_1753 = vector.extract_strided_slice %dot_general3A_997 {offsets = [0, 6400], sizes = [256, 128], strides = [1, 1]} : vector<256x8192xf32> to vector<256x128xf32>
    %sub3A_1754 = arith.subf %add3A_1752, %slice3A_1753 : vector<256x128xf32>
    %lt3A_1755 = arith.cmpf olt, %sub3A_1754, %min3A_1744 : vector<256x128xf32>
    %jit3A_1756 = arith.constant 50 : i32
    %broadcast_in_dim3A_1757 = vector.broadcast %jit3A_1756 : i32 to vector<256x128xi32>
    %select_n3A_1758 = arith.select %lt3A_1755, %broadcast_in_dim3A_1757, %select_n3A_1743 : vector<256x128xi1>, vector<256x128xi32>
    %min3A_1759 = arith.minimumf %sub3A_1754, %min3A_1744 : vector<256x128xf32>
    %get3A_1760 = arith.constant 0 : index
    %get3A_1761 = arith.constant 6528 : index
    %get3A_1762 = vector.load %arg5[%get3A_1760, %get3A_1761] : memref<1x8192xf32, #tpu.memory_space<vmem>>, vector<1x128xf32>
    %get3A_1763 = vector.shape_cast %get3A_1762 : vector<1x128xf32> to vector<128xf32>
    %broadcast_in_dim3A_1764 = vector.shape_cast %get3A_1763 : vector<128xf32> to vector<1x128xf32>
    %add3A_1765 = vector.broadcast %broadcast_in_dim3A_991 : vector<256x1xf32> to vector<256x128xf32>
    %add3A_1766 = vector.broadcast %broadcast_in_dim3A_1764 : vector<1x128xf32> to vector<256x128xf32>
    %add3A_1767 = arith.addf %add3A_1765, %add3A_1766 : vector<256x128xf32>
    %slice3A_1768 = vector.extract_strided_slice %dot_general3A_997 {offsets = [0, 6528], sizes = [256, 128], strides = [1, 1]} : vector<256x8192xf32> to vector<256x128xf32>
    %sub3A_1769 = arith.subf %add3A_1767, %slice3A_1768 : vector<256x128xf32>
    %lt3A_1770 = arith.cmpf olt, %sub3A_1769, %min3A_1759 : vector<256x128xf32>
    %jit3A_1771 = arith.constant 51 : i32
    %broadcast_in_dim3A_1772 = vector.broadcast %jit3A_1771 : i32 to vector<256x128xi32>
    %select_n3A_1773 = arith.select %lt3A_1770, %broadcast_in_dim3A_1772, %select_n3A_1758 : vector<256x128xi1>, vector<256x128xi32>
    %min3A_1774 = arith.minimumf %sub3A_1769, %min3A_1759 : vector<256x128xf32>
    %get3A_1775 = arith.constant 0 : index
    %get3A_1776 = arith.constant 6656 : index
    %get3A_1777 = vector.load %arg5[%get3A_1775, %get3A_1776] : memref<1x8192xf32, #tpu.memory_space<vmem>>, vector<1x128xf32>
    %get3A_1778 = vector.shape_cast %get3A_1777 : vector<1x128xf32> to vector<128xf32>
    %broadcast_in_dim3A_1779 = vector.shape_cast %get3A_1778 : vector<128xf32> to vector<1x128xf32>
    %add3A_1780 = vector.broadcast %broadcast_in_dim3A_991 : vector<256x1xf32> to vector<256x128xf32>
    %add3A_1781 = vector.broadcast %broadcast_in_dim3A_1779 : vector<1x128xf32> to vector<256x128xf32>
    %add3A_1782 = arith.addf %add3A_1780, %add3A_1781 : vector<256x128xf32>
    %slice3A_1783 = vector.extract_strided_slice %dot_general3A_997 {offsets = [0, 6656], sizes = [256, 128], strides = [1, 1]} : vector<256x8192xf32> to vector<256x128xf32>
    %sub3A_1784 = arith.subf %add3A_1782, %slice3A_1783 : vector<256x128xf32>
    %lt3A_1785 = arith.cmpf olt, %sub3A_1784, %min3A_1774 : vector<256x128xf32>
    %jit3A_1786 = arith.constant 52 : i32
    %broadcast_in_dim3A_1787 = vector.broadcast %jit3A_1786 : i32 to vector<256x128xi32>
    %select_n3A_1788 = arith.select %lt3A_1785, %broadcast_in_dim3A_1787, %select_n3A_1773 : vector<256x128xi1>, vector<256x128xi32>
    %min3A_1789 = arith.minimumf %sub3A_1784, %min3A_1774 : vector<256x128xf32>
    %get3A_1790 = arith.constant 0 : index
    %get3A_1791 = arith.constant 6784 : index
    %get3A_1792 = vector.load %arg5[%get3A_1790, %get3A_1791] : memref<1x8192xf32, #tpu.memory_space<vmem>>, vector<1x128xf32>
    %get3A_1793 = vector.shape_cast %get3A_1792 : vector<1x128xf32> to vector<128xf32>
    %broadcast_in_dim3A_1794 = vector.shape_cast %get3A_1793 : vector<128xf32> to vector<1x128xf32>
    %add3A_1795 = vector.broadcast %broadcast_in_dim3A_991 : vector<256x1xf32> to vector<256x128xf32>
    %add3A_1796 = vector.broadcast %broadcast_in_dim3A_1794 : vector<1x128xf32> to vector<256x128xf32>
    %add3A_1797 = arith.addf %add3A_1795, %add3A_1796 : vector<256x128xf32>
    %slice3A_1798 = vector.extract_strided_slice %dot_general3A_997 {offsets = [0, 6784], sizes = [256, 128], strides = [1, 1]} : vector<256x8192xf32> to vector<256x128xf32>
    %sub3A_1799 = arith.subf %add3A_1797, %slice3A_1798 : vector<256x128xf32>
    %lt3A_1800 = arith.cmpf olt, %sub3A_1799, %min3A_1789 : vector<256x128xf32>
    %jit3A_1801 = arith.constant 53 : i32
    %broadcast_in_dim3A_1802 = vector.broadcast %jit3A_1801 : i32 to vector<256x128xi32>
    %select_n3A_1803 = arith.select %lt3A_1800, %broadcast_in_dim3A_1802, %select_n3A_1788 : vector<256x128xi1>, vector<256x128xi32>
    %min3A_1804 = arith.minimumf %sub3A_1799, %min3A_1789 : vector<256x128xf32>
    %get3A_1805 = arith.constant 0 : index
    %get3A_1806 = arith.constant 6912 : index
    %get3A_1807 = vector.load %arg5[%get3A_1805, %get3A_1806] : memref<1x8192xf32, #tpu.memory_space<vmem>>, vector<1x128xf32>
    %get3A_1808 = vector.shape_cast %get3A_1807 : vector<1x128xf32> to vector<128xf32>
    %broadcast_in_dim3A_1809 = vector.shape_cast %get3A_1808 : vector<128xf32> to vector<1x128xf32>
    %add3A_1810 = vector.broadcast %broadcast_in_dim3A_991 : vector<256x1xf32> to vector<256x128xf32>
    %add3A_1811 = vector.broadcast %broadcast_in_dim3A_1809 : vector<1x128xf32> to vector<256x128xf32>
    %add3A_1812 = arith.addf %add3A_1810, %add3A_1811 : vector<256x128xf32>
    %slice3A_1813 = vector.extract_strided_slice %dot_general3A_997 {offsets = [0, 6912], sizes = [256, 128], strides = [1, 1]} : vector<256x8192xf32> to vector<256x128xf32>
    %sub3A_1814 = arith.subf %add3A_1812, %slice3A_1813 : vector<256x128xf32>
    %lt3A_1815 = arith.cmpf olt, %sub3A_1814, %min3A_1804 : vector<256x128xf32>
    %jit3A_1816 = arith.constant 54 : i32
    %broadcast_in_dim3A_1817 = vector.broadcast %jit3A_1816 : i32 to vector<256x128xi32>
    %select_n3A_1818 = arith.select %lt3A_1815, %broadcast_in_dim3A_1817, %select_n3A_1803 : vector<256x128xi1>, vector<256x128xi32>
    %min3A_1819 = arith.minimumf %sub3A_1814, %min3A_1804 : vector<256x128xf32>
    %get3A_1820 = arith.constant 0 : index
    %get3A_1821 = arith.constant 7040 : index
    %get3A_1822 = vector.load %arg5[%get3A_1820, %get3A_1821] : memref<1x8192xf32, #tpu.memory_space<vmem>>, vector<1x128xf32>
    %get3A_1823 = vector.shape_cast %get3A_1822 : vector<1x128xf32> to vector<128xf32>
    %broadcast_in_dim3A_1824 = vector.shape_cast %get3A_1823 : vector<128xf32> to vector<1x128xf32>
    %add3A_1825 = vector.broadcast %broadcast_in_dim3A_991 : vector<256x1xf32> to vector<256x128xf32>
    %add3A_1826 = vector.broadcast %broadcast_in_dim3A_1824 : vector<1x128xf32> to vector<256x128xf32>
    %add3A_1827 = arith.addf %add3A_1825, %add3A_1826 : vector<256x128xf32>
    %slice3A_1828 = vector.extract_strided_slice %dot_general3A_997 {offsets = [0, 7040], sizes = [256, 128], strides = [1, 1]} : vector<256x8192xf32> to vector<256x128xf32>
    %sub3A_1829 = arith.subf %add3A_1827, %slice3A_1828 : vector<256x128xf32>
    %lt3A_1830 = arith.cmpf olt, %sub3A_1829, %min3A_1819 : vector<256x128xf32>
    %jit3A_1831 = arith.constant 55 : i32
    %broadcast_in_dim3A_1832 = vector.broadcast %jit3A_1831 : i32 to vector<256x128xi32>
    %select_n3A_1833 = arith.select %lt3A_1830, %broadcast_in_dim3A_1832, %select_n3A_1818 : vector<256x128xi1>, vector<256x128xi32>
    %min3A_1834 = arith.minimumf %sub3A_1829, %min3A_1819 : vector<256x128xf32>
    %get3A_1835 = arith.constant 0 : index
    %get3A_1836 = arith.constant 7168 : index
    %get3A_1837 = vector.load %arg5[%get3A_1835, %get3A_1836] : memref<1x8192xf32, #tpu.memory_space<vmem>>, vector<1x128xf32>
    %get3A_1838 = vector.shape_cast %get3A_1837 : vector<1x128xf32> to vector<128xf32>
    %broadcast_in_dim3A_1839 = vector.shape_cast %get3A_1838 : vector<128xf32> to vector<1x128xf32>
    %add3A_1840 = vector.broadcast %broadcast_in_dim3A_991 : vector<256x1xf32> to vector<256x128xf32>
    %add3A_1841 = vector.broadcast %broadcast_in_dim3A_1839 : vector<1x128xf32> to vector<256x128xf32>
    %add3A_1842 = arith.addf %add3A_1840, %add3A_1841 : vector<256x128xf32>
    %slice3A_1843 = vector.extract_strided_slice %dot_general3A_997 {offsets = [0, 7168], sizes = [256, 128], strides = [1, 1]} : vector<256x8192xf32> to vector<256x128xf32>
    %sub3A_1844 = arith.subf %add3A_1842, %slice3A_1843 : vector<256x128xf32>
    %lt3A_1845 = arith.cmpf olt, %sub3A_1844, %min3A_1834 : vector<256x128xf32>
    %jit3A_1846 = arith.constant 56 : i32
    %broadcast_in_dim3A_1847 = vector.broadcast %jit3A_1846 : i32 to vector<256x128xi32>
    %select_n3A_1848 = arith.select %lt3A_1845, %broadcast_in_dim3A_1847, %select_n3A_1833 : vector<256x128xi1>, vector<256x128xi32>
    %min3A_1849 = arith.minimumf %sub3A_1844, %min3A_1834 : vector<256x128xf32>
    %get3A_1850 = arith.constant 0 : index
    %get3A_1851 = arith.constant 7296 : index
    %get3A_1852 = vector.load %arg5[%get3A_1850, %get3A_1851] : memref<1x8192xf32, #tpu.memory_space<vmem>>, vector<1x128xf32>
    %get3A_1853 = vector.shape_cast %get3A_1852 : vector<1x128xf32> to vector<128xf32>
    %broadcast_in_dim3A_1854 = vector.shape_cast %get3A_1853 : vector<128xf32> to vector<1x128xf32>
    %add3A_1855 = vector.broadcast %broadcast_in_dim3A_991 : vector<256x1xf32> to vector<256x128xf32>
    %add3A_1856 = vector.broadcast %broadcast_in_dim3A_1854 : vector<1x128xf32> to vector<256x128xf32>
    %add3A_1857 = arith.addf %add3A_1855, %add3A_1856 : vector<256x128xf32>
    %slice3A_1858 = vector.extract_strided_slice %dot_general3A_997 {offsets = [0, 7296], sizes = [256, 128], strides = [1, 1]} : vector<256x8192xf32> to vector<256x128xf32>
    %sub3A_1859 = arith.subf %add3A_1857, %slice3A_1858 : vector<256x128xf32>
    %lt3A_1860 = arith.cmpf olt, %sub3A_1859, %min3A_1849 : vector<256x128xf32>
    %jit3A_1861 = arith.constant 57 : i32
    %broadcast_in_dim3A_1862 = vector.broadcast %jit3A_1861 : i32 to vector<256x128xi32>
    %select_n3A_1863 = arith.select %lt3A_1860, %broadcast_in_dim3A_1862, %select_n3A_1848 : vector<256x128xi1>, vector<256x128xi32>
    %min3A_1864 = arith.minimumf %sub3A_1859, %min3A_1849 : vector<256x128xf32>
    %get3A_1865 = arith.constant 0 : index
    %get3A_1866 = arith.constant 7424 : index
    %get3A_1867 = vector.load %arg5[%get3A_1865, %get3A_1866] : memref<1x8192xf32, #tpu.memory_space<vmem>>, vector<1x128xf32>
    %get3A_1868 = vector.shape_cast %get3A_1867 : vector<1x128xf32> to vector<128xf32>
    %broadcast_in_dim3A_1869 = vector.shape_cast %get3A_1868 : vector<128xf32> to vector<1x128xf32>
    %add3A_1870 = vector.broadcast %broadcast_in_dim3A_991 : vector<256x1xf32> to vector<256x128xf32>
    %add3A_1871 = vector.broadcast %broadcast_in_dim3A_1869 : vector<1x128xf32> to vector<256x128xf32>
    %add3A_1872 = arith.addf %add3A_1870, %add3A_1871 : vector<256x128xf32>
    %slice3A_1873 = vector.extract_strided_slice %dot_general3A_997 {offsets = [0, 7424], sizes = [256, 128], strides = [1, 1]} : vector<256x8192xf32> to vector<256x128xf32>
    %sub3A_1874 = arith.subf %add3A_1872, %slice3A_1873 : vector<256x128xf32>
    %lt3A_1875 = arith.cmpf olt, %sub3A_1874, %min3A_1864 : vector<256x128xf32>
    %jit3A_1876 = arith.constant 58 : i32
    %broadcast_in_dim3A_1877 = vector.broadcast %jit3A_1876 : i32 to vector<256x128xi32>
    %select_n3A_1878 = arith.select %lt3A_1875, %broadcast_in_dim3A_1877, %select_n3A_1863 : vector<256x128xi1>, vector<256x128xi32>
    %min3A_1879 = arith.minimumf %sub3A_1874, %min3A_1864 : vector<256x128xf32>
    %get3A_1880 = arith.constant 0 : index
    %get3A_1881 = arith.constant 7552 : index
    %get3A_1882 = vector.load %arg5[%get3A_1880, %get3A_1881] : memref<1x8192xf32, #tpu.memory_space<vmem>>, vector<1x128xf32>
    %get3A_1883 = vector.shape_cast %get3A_1882 : vector<1x128xf32> to vector<128xf32>
    %broadcast_in_dim3A_1884 = vector.shape_cast %get3A_1883 : vector<128xf32> to vector<1x128xf32>
    %add3A_1885 = vector.broadcast %broadcast_in_dim3A_991 : vector<256x1xf32> to vector<256x128xf32>
    %add3A_1886 = vector.broadcast %broadcast_in_dim3A_1884 : vector<1x128xf32> to vector<256x128xf32>
    %add3A_1887 = arith.addf %add3A_1885, %add3A_1886 : vector<256x128xf32>
    %slice3A_1888 = vector.extract_strided_slice %dot_general3A_997 {offsets = [0, 7552], sizes = [256, 128], strides = [1, 1]} : vector<256x8192xf32> to vector<256x128xf32>
    %sub3A_1889 = arith.subf %add3A_1887, %slice3A_1888 : vector<256x128xf32>
    %lt3A_1890 = arith.cmpf olt, %sub3A_1889, %min3A_1879 : vector<256x128xf32>
    %jit3A_1891 = arith.constant 59 : i32
    %broadcast_in_dim3A_1892 = vector.broadcast %jit3A_1891 : i32 to vector<256x128xi32>
    %select_n3A_1893 = arith.select %lt3A_1890, %broadcast_in_dim3A_1892, %select_n3A_1878 : vector<256x128xi1>, vector<256x128xi32>
    %min3A_1894 = arith.minimumf %sub3A_1889, %min3A_1879 : vector<256x128xf32>
    %get3A_1895 = arith.constant 0 : index
    %get3A_1896 = arith.constant 7680 : index
    %get3A_1897 = vector.load %arg5[%get3A_1895, %get3A_1896] : memref<1x8192xf32, #tpu.memory_space<vmem>>, vector<1x128xf32>
    %get3A_1898 = vector.shape_cast %get3A_1897 : vector<1x128xf32> to vector<128xf32>
    %broadcast_in_dim3A_1899 = vector.shape_cast %get3A_1898 : vector<128xf32> to vector<1x128xf32>
    %add3A_1900 = vector.broadcast %broadcast_in_dim3A_991 : vector<256x1xf32> to vector<256x128xf32>
    %add3A_1901 = vector.broadcast %broadcast_in_dim3A_1899 : vector<1x128xf32> to vector<256x128xf32>
    %add3A_1902 = arith.addf %add3A_1900, %add3A_1901 : vector<256x128xf32>
    %slice3A_1903 = vector.extract_strided_slice %dot_general3A_997 {offsets = [0, 7680], sizes = [256, 128], strides = [1, 1]} : vector<256x8192xf32> to vector<256x128xf32>
    %sub3A_1904 = arith.subf %add3A_1902, %slice3A_1903 : vector<256x128xf32>
    %lt3A_1905 = arith.cmpf olt, %sub3A_1904, %min3A_1894 : vector<256x128xf32>
    %jit3A_1906 = arith.constant 60 : i32
    %broadcast_in_dim3A_1907 = vector.broadcast %jit3A_1906 : i32 to vector<256x128xi32>
    %select_n3A_1908 = arith.select %lt3A_1905, %broadcast_in_dim3A_1907, %select_n3A_1893 : vector<256x128xi1>, vector<256x128xi32>
    %min3A_1909 = arith.minimumf %sub3A_1904, %min3A_1894 : vector<256x128xf32>
    %get3A_1910 = arith.constant 0 : index
    %get3A_1911 = arith.constant 7808 : index
    %get3A_1912 = vector.load %arg5[%get3A_1910, %get3A_1911] : memref<1x8192xf32, #tpu.memory_space<vmem>>, vector<1x128xf32>
    %get3A_1913 = vector.shape_cast %get3A_1912 : vector<1x128xf32> to vector<128xf32>
    %broadcast_in_dim3A_1914 = vector.shape_cast %get3A_1913 : vector<128xf32> to vector<1x128xf32>
    %add3A_1915 = vector.broadcast %broadcast_in_dim3A_991 : vector<256x1xf32> to vector<256x128xf32>
    %add3A_1916 = vector.broadcast %broadcast_in_dim3A_1914 : vector<1x128xf32> to vector<256x128xf32>
    %add3A_1917 = arith.addf %add3A_1915, %add3A_1916 : vector<256x128xf32>
    %slice3A_1918 = vector.extract_strided_slice %dot_general3A_997 {offsets = [0, 7808], sizes = [256, 128], strides = [1, 1]} : vector<256x8192xf32> to vector<256x128xf32>
    %sub3A_1919 = arith.subf %add3A_1917, %slice3A_1918 : vector<256x128xf32>
    %lt3A_1920 = arith.cmpf olt, %sub3A_1919, %min3A_1909 : vector<256x128xf32>
    %jit3A_1921 = arith.constant 61 : i32
    %broadcast_in_dim3A_1922 = vector.broadcast %jit3A_1921 : i32 to vector<256x128xi32>
    %select_n3A_1923 = arith.select %lt3A_1920, %broadcast_in_dim3A_1922, %select_n3A_1908 : vector<256x128xi1>, vector<256x128xi32>
    %min3A_1924 = arith.minimumf %sub3A_1919, %min3A_1909 : vector<256x128xf32>
    %get3A_1925 = arith.constant 0 : index
    %get3A_1926 = arith.constant 7936 : index
    %get3A_1927 = vector.load %arg5[%get3A_1925, %get3A_1926] : memref<1x8192xf32, #tpu.memory_space<vmem>>, vector<1x128xf32>
    %get3A_1928 = vector.shape_cast %get3A_1927 : vector<1x128xf32> to vector<128xf32>
    %broadcast_in_dim3A_1929 = vector.shape_cast %get3A_1928 : vector<128xf32> to vector<1x128xf32>
    %add3A_1930 = vector.broadcast %broadcast_in_dim3A_991 : vector<256x1xf32> to vector<256x128xf32>
    %add3A_1931 = vector.broadcast %broadcast_in_dim3A_1929 : vector<1x128xf32> to vector<256x128xf32>
    %add3A_1932 = arith.addf %add3A_1930, %add3A_1931 : vector<256x128xf32>
    %slice3A_1933 = vector.extract_strided_slice %dot_general3A_997 {offsets = [0, 7936], sizes = [256, 128], strides = [1, 1]} : vector<256x8192xf32> to vector<256x128xf32>
    %sub3A_1934 = arith.subf %add3A_1932, %slice3A_1933 : vector<256x128xf32>
    %lt3A_1935 = arith.cmpf olt, %sub3A_1934, %min3A_1924 : vector<256x128xf32>
    %jit3A_1936 = arith.constant 62 : i32
    %broadcast_in_dim3A_1937 = vector.broadcast %jit3A_1936 : i32 to vector<256x128xi32>
    %select_n3A_1938 = arith.select %lt3A_1935, %broadcast_in_dim3A_1937, %select_n3A_1923 : vector<256x128xi1>, vector<256x128xi32>
    %min3A_1939 = arith.minimumf %sub3A_1934, %min3A_1924 : vector<256x128xf32>
    %get3A_1940 = arith.constant 0 : index
    %get3A_1941 = arith.constant 8064 : index
    %get3A_1942 = vector.load %arg5[%get3A_1940, %get3A_1941] : memref<1x8192xf32, #tpu.memory_space<vmem>>, vector<1x128xf32>
    %get3A_1943 = vector.shape_cast %get3A_1942 : vector<1x128xf32> to vector<128xf32>
    %broadcast_in_dim3A_1944 = vector.shape_cast %get3A_1943 : vector<128xf32> to vector<1x128xf32>
    %add3A_1945 = vector.broadcast %broadcast_in_dim3A_991 : vector<256x1xf32> to vector<256x128xf32>
    %add3A_1946 = vector.broadcast %broadcast_in_dim3A_1944 : vector<1x128xf32> to vector<256x128xf32>
    %add3A_1947 = arith.addf %add3A_1945, %add3A_1946 : vector<256x128xf32>
    %slice3A_1948 = vector.extract_strided_slice %dot_general3A_997 {offsets = [0, 8064], sizes = [256, 128], strides = [1, 1]} : vector<256x8192xf32> to vector<256x128xf32>
    %sub3A_1949 = arith.subf %add3A_1947, %slice3A_1948 : vector<256x128xf32>
    %lt3A_1950 = arith.cmpf olt, %sub3A_1949, %min3A_1939 : vector<256x128xf32>
    %jit3A_1951 = arith.constant 63 : i32
    %broadcast_in_dim3A_1952 = vector.broadcast %jit3A_1951 : i32 to vector<256x128xi32>
    %select_n3A_1953 = arith.select %lt3A_1950, %broadcast_in_dim3A_1952, %select_n3A_1938 : vector<256x128xi1>, vector<256x128xi32>
    %min3A_1954 = arith.minimumf %sub3A_1949, %min3A_1939 : vector<256x128xf32>
    %mul3A_1955 = arith.constant 128 : i32
    %mul3A_1956 = vector.broadcast %mul3A_1955 : i32 to vector<256x128xi32>
    %mul3A_1957 = arith.muli %select_n3A_1953, %mul3A_1956 : vector<256x128xi32>
    %iota3A_1958 = tpu.iota {dimensions = array<i32: 1>} : vector<256x128xi32>
    %add3A_1959 = arith.addi %mul3A_1957, %iota3A_1958 : vector<256x128xi32>
    %reduce_min3A_1960 = arith.constant dense<0x7F800000> : vector<256xf32>
    %reduce_min3A_1961 = vector.multi_reduction <minimumf>, %min3A_1954, %reduce_min3A_1960 [1] : vector<256x128xf32> to vector<256xf32>
    %broadcast_in_dim3A_1962 = vector.shape_cast %reduce_min3A_1961 : vector<256xf32> to vector<256x1xf32>
    %eq3A_1963 = vector.broadcast %broadcast_in_dim3A_1962 : vector<256x1xf32> to vector<256x128xf32>
    %eq3A_1964 = arith.cmpf oeq, %min3A_1954, %eq3A_1963 : vector<256x128xf32>
    %jit3A_1965 = arith.constant 1073741824 : i32
    %broadcast_in_dim3A_1966 = vector.broadcast %jit3A_1965 : i32 to vector<256x128xi32>
    %select_n3A_1967 = arith.select %eq3A_1964, %add3A_1959, %broadcast_in_dim3A_1966 : vector<256x128xi1>, vector<256x128xi32>
    %reduce_min3A_1968 = arith.constant dense<2147483647> : vector<256xi32>
    %reduce_min3A_1969 = vector.multi_reduction <minsi>, %select_n3A_1967, %reduce_min3A_1968 [1] : vector<256x128xi32> to vector<256xi32>
    %swap3A_1970 = arith.constant 0 : index
    %swap3A_1971 = arith.constant 0 : index
    %swap3A_1972 = arith.constant 256 : index
    %swap3A_1973 = vector.load %arg3[%swap3A_1970, %swap3A_1971, %swap3A_1972] : memref<1x1x1024xi32, #tpu.memory_space<vmem>>, vector<1x1x256xi32>
    %swap3A_1974 = vector.shape_cast %swap3A_1973 : vector<1x1x256xi32> to vector<256xi32>
    %swap3A_1975 = vector.shape_cast %reduce_min3A_1969 : vector<256xi32> to vector<1x1x256xi32>
    tpu.vector_store %arg3[%swap3A_1970, %swap3A_1971, %swap3A_1972], %swap3A_1975 {strides = array<i32>} : memref<1x1x1024xi32, #tpu.memory_space<vmem>>, vector<1x1x256xi32>,
    %squeeze3A_1976 = vector.shape_cast %broadcast_in_dim3A_1962 : vector<256x1xf32> to vector<256xf32>
    %swap3A_1977 = arith.constant 0 : index
    %swap3A_1978 = arith.constant 0 : index
    %swap3A_1979 = arith.constant 256 : index
    %swap3A_1980 = vector.load %arg4[%swap3A_1977, %swap3A_1978, %swap3A_1979] : memref<1x1x1024xf32, #tpu.memory_space<vmem>>, vector<1x1x256xf32>
    %swap3A_1981 = vector.shape_cast %swap3A_1980 : vector<1x1x256xf32> to vector<256xf32>
    %swap3A_1982 = vector.shape_cast %squeeze3A_1976 : vector<256xf32> to vector<1x1x256xf32>
    tpu.vector_store %arg4[%swap3A_1977, %swap3A_1978, %swap3A_1979], %swap3A_1982 {strides = array<i32>} : memref<1x1x1024xf32, #tpu.memory_space<vmem>>, vector<1x1x256xf32>,
    %slice3A_1983 = vector.extract_strided_slice %transpose3A {offsets = [512, 0], sizes = [256, 256], strides = [1, 1]} : vector<1024x256xf32> to vector<256x256xf32>
    %mul3A_1984 = arith.mulf %slice3A_1983, %slice3A_1983 : vector<256x256xf32>
    %reduce_sum3A_1985 = arith.constant dense<0.000000e+00> : vector<256xf32>
    %reduce_sum3A_1986 = vector.multi_reduction <add>, %mul3A_1984, %reduce_sum3A_1985 [1] : vector<256x256xf32> to vector<256xf32>
    %broadcast_in_dim3A_1987 = vector.shape_cast %reduce_sum3A_1986 : vector<256xf32> to vector<256x1xf32>
    %add3A_1988 = arith.addf %slice3A_1983, %slice3A_1983 : vector<256x256xf32>
    %get3A_1989 = arith.constant 0 : index
    %get3A_1990 = arith.constant 0 : index
    %get3A_1991 = vector.load %arg2[%get3A_1989, %get3A_1990] : memref<8192x256xf32, #tpu.memory_space<vmem>>, vector<8192x256xf32>
    %dot_general3A_1992 = arith.constant dense<0.000000e+00> : vector<256x8192xf32>
    %dot_general3A_1993 = tpu.matmul %add3A_1988, %get3A_1991, %dot_general3A_1992 {dimension_numbers = #tpu.dot_dimension_numbers<[1], [1], [0], [0], [0, 0, 1, 0], [], []>, transpose_lhs_hint = false} : vector<256x256xf32>, vector<8192x256xf32>, vector<256x8192xf32> -> vector<256x8192xf32>
    %get3A_1994 = arith.constant 0 : index
    %get3A_1995 = arith.constant 0 : index
    %get3A_1996 = vector.load %arg5[%get3A_1994, %get3A_1995] : memref<1x8192xf32, #tpu.memory_space<vmem>>, vector<1x128xf32>
    %get3A_1997 = vector.shape_cast %get3A_1996 : vector<1x128xf32> to vector<128xf32>
    %broadcast_in_dim3A_1998 = vector.shape_cast %get3A_1997 : vector<128xf32> to vector<1x128xf32>
    %add3A_1999 = vector.broadcast %broadcast_in_dim3A_1987 : vector<256x1xf32> to vector<256x128xf32>
    %add3A_2000 = vector.broadcast %broadcast_in_dim3A_1998 : vector<1x128xf32> to vector<256x128xf32>
    %add3A_2001 = arith.addf %add3A_1999, %add3A_2000 : vector<256x128xf32>
    %slice3A_2002 = vector.extract_strided_slice %dot_general3A_1993 {offsets = [0, 0], sizes = [256, 128], strides = [1, 1]} : vector<256x8192xf32> to vector<256x128xf32>
    %sub3A_2003 = arith.subf %add3A_2001, %slice3A_2002 : vector<256x128xf32>
    %broadcast_in_dim3A_2004 = arith.constant 0 : i32
    %broadcast_in_dim3A_2005 = vector.broadcast %broadcast_in_dim3A_2004 : i32 to vector<256x128xi32>
    %get3A_2006 = arith.constant 0 : index
    %get3A_2007 = arith.constant 128 : index
    %get3A_2008 = vector.load %arg5[%get3A_2006, %get3A_2007] : memref<1x8192xf32, #tpu.memory_space<vmem>>, vector<1x128xf32>
    %get3A_2009 = vector.shape_cast %get3A_2008 : vector<1x128xf32> to vector<128xf32>
    %broadcast_in_dim3A_2010 = vector.shape_cast %get3A_2009 : vector<128xf32> to vector<1x128xf32>
    %add3A_2011 = vector.broadcast %broadcast_in_dim3A_1987 : vector<256x1xf32> to vector<256x128xf32>
    %add3A_2012 = vector.broadcast %broadcast_in_dim3A_2010 : vector<1x128xf32> to vector<256x128xf32>
    %add3A_2013 = arith.addf %add3A_2011, %add3A_2012 : vector<256x128xf32>
    %slice3A_2014 = vector.extract_strided_slice %dot_general3A_1993 {offsets = [0, 128], sizes = [256, 128], strides = [1, 1]} : vector<256x8192xf32> to vector<256x128xf32>
    %sub3A_2015 = arith.subf %add3A_2013, %slice3A_2014 : vector<256x128xf32>
    %lt3A_2016 = arith.cmpf olt, %sub3A_2015, %sub3A_2003 : vector<256x128xf32>
    %jit3A_2017 = arith.constant 1 : i32
    %broadcast_in_dim3A_2018 = vector.broadcast %jit3A_2017 : i32 to vector<256x128xi32>
    %select_n3A_2019 = arith.select %lt3A_2016, %broadcast_in_dim3A_2018, %broadcast_in_dim3A_2005 : vector<256x128xi1>, vector<256x128xi32>
    %min3A_2020 = arith.minimumf %sub3A_2015, %sub3A_2003 : vector<256x128xf32>
    %get3A_2021 = arith.constant 0 : index
    %get3A_2022 = arith.constant 256 : index
    %get3A_2023 = vector.load %arg5[%get3A_2021, %get3A_2022] : memref<1x8192xf32, #tpu.memory_space<vmem>>, vector<1x128xf32>
    %get3A_2024 = vector.shape_cast %get3A_2023 : vector<1x128xf32> to vector<128xf32>
    %broadcast_in_dim3A_2025 = vector.shape_cast %get3A_2024 : vector<128xf32> to vector<1x128xf32>
    %add3A_2026 = vector.broadcast %broadcast_in_dim3A_1987 : vector<256x1xf32> to vector<256x128xf32>
    %add3A_2027 = vector.broadcast %broadcast_in_dim3A_2025 : vector<1x128xf32> to vector<256x128xf32>
    %add3A_2028 = arith.addf %add3A_2026, %add3A_2027 : vector<256x128xf32>
    %slice3A_2029 = vector.extract_strided_slice %dot_general3A_1993 {offsets = [0, 256], sizes = [256, 128], strides = [1, 1]} : vector<256x8192xf32> to vector<256x128xf32>
    %sub3A_2030 = arith.subf %add3A_2028, %slice3A_2029 : vector<256x128xf32>
    %lt3A_2031 = arith.cmpf olt, %sub3A_2030, %min3A_2020 : vector<256x128xf32>
    %jit3A_2032 = arith.constant 2 : i32
    %broadcast_in_dim3A_2033 = vector.broadcast %jit3A_2032 : i32 to vector<256x128xi32>
    %select_n3A_2034 = arith.select %lt3A_2031, %broadcast_in_dim3A_2033, %select_n3A_2019 : vector<256x128xi1>, vector<256x128xi32>
    %min3A_2035 = arith.minimumf %sub3A_2030, %min3A_2020 : vector<256x128xf32>
    %get3A_2036 = arith.constant 0 : index
    %get3A_2037 = arith.constant 384 : index
    %get3A_2038 = vector.load %arg5[%get3A_2036, %get3A_2037] : memref<1x8192xf32, #tpu.memory_space<vmem>>, vector<1x128xf32>
    %get3A_2039 = vector.shape_cast %get3A_2038 : vector<1x128xf32> to vector<128xf32>
    %broadcast_in_dim3A_2040 = vector.shape_cast %get3A_2039 : vector<128xf32> to vector<1x128xf32>
    %add3A_2041 = vector.broadcast %broadcast_in_dim3A_1987 : vector<256x1xf32> to vector<256x128xf32>
    %add3A_2042 = vector.broadcast %broadcast_in_dim3A_2040 : vector<1x128xf32> to vector<256x128xf32>
    %add3A_2043 = arith.addf %add3A_2041, %add3A_2042 : vector<256x128xf32>
    %slice3A_2044 = vector.extract_strided_slice %dot_general3A_1993 {offsets = [0, 384], sizes = [256, 128], strides = [1, 1]} : vector<256x8192xf32> to vector<256x128xf32>
    %sub3A_2045 = arith.subf %add3A_2043, %slice3A_2044 : vector<256x128xf32>
    %lt3A_2046 = arith.cmpf olt, %sub3A_2045, %min3A_2035 : vector<256x128xf32>
    %jit3A_2047 = arith.constant 3 : i32
    %broadcast_in_dim3A_2048 = vector.broadcast %jit3A_2047 : i32 to vector<256x128xi32>
    %select_n3A_2049 = arith.select %lt3A_2046, %broadcast_in_dim3A_2048, %select_n3A_2034 : vector<256x128xi1>, vector<256x128xi32>
    %min3A_2050 = arith.minimumf %sub3A_2045, %min3A_2035 : vector<256x128xf32>
    %get3A_2051 = arith.constant 0 : index
    %get3A_2052 = arith.constant 512 : index
    %get3A_2053 = vector.load %arg5[%get3A_2051, %get3A_2052] : memref<1x8192xf32, #tpu.memory_space<vmem>>, vector<1x128xf32>
    %get3A_2054 = vector.shape_cast %get3A_2053 : vector<1x128xf32> to vector<128xf32>
    %broadcast_in_dim3A_2055 = vector.shape_cast %get3A_2054 : vector<128xf32> to vector<1x128xf32>
    %add3A_2056 = vector.broadcast %broadcast_in_dim3A_1987 : vector<256x1xf32> to vector<256x128xf32>
    %add3A_2057 = vector.broadcast %broadcast_in_dim3A_2055 : vector<1x128xf32> to vector<256x128xf32>
    %add3A_2058 = arith.addf %add3A_2056, %add3A_2057 : vector<256x128xf32>
    %slice3A_2059 = vector.extract_strided_slice %dot_general3A_1993 {offsets = [0, 512], sizes = [256, 128], strides = [1, 1]} : vector<256x8192xf32> to vector<256x128xf32>
    %sub3A_2060 = arith.subf %add3A_2058, %slice3A_2059 : vector<256x128xf32>
    %lt3A_2061 = arith.cmpf olt, %sub3A_2060, %min3A_2050 : vector<256x128xf32>
    %jit3A_2062 = arith.constant 4 : i32
    %broadcast_in_dim3A_2063 = vector.broadcast %jit3A_2062 : i32 to vector<256x128xi32>
    %select_n3A_2064 = arith.select %lt3A_2061, %broadcast_in_dim3A_2063, %select_n3A_2049 : vector<256x128xi1>, vector<256x128xi32>
    %min3A_2065 = arith.minimumf %sub3A_2060, %min3A_2050 : vector<256x128xf32>
    %get3A_2066 = arith.constant 0 : index
    %get3A_2067 = arith.constant 640 : index
    %get3A_2068 = vector.load %arg5[%get3A_2066, %get3A_2067] : memref<1x8192xf32, #tpu.memory_space<vmem>>, vector<1x128xf32>
    %get3A_2069 = vector.shape_cast %get3A_2068 : vector<1x128xf32> to vector<128xf32>
    %broadcast_in_dim3A_2070 = vector.shape_cast %get3A_2069 : vector<128xf32> to vector<1x128xf32>
    %add3A_2071 = vector.broadcast %broadcast_in_dim3A_1987 : vector<256x1xf32> to vector<256x128xf32>
    %add3A_2072 = vector.broadcast %broadcast_in_dim3A_2070 : vector<1x128xf32> to vector<256x128xf32>
    %add3A_2073 = arith.addf %add3A_2071, %add3A_2072 : vector<256x128xf32>
    %slice3A_2074 = vector.extract_strided_slice %dot_general3A_1993 {offsets = [0, 640], sizes = [256, 128], strides = [1, 1]} : vector<256x8192xf32> to vector<256x128xf32>
    %sub3A_2075 = arith.subf %add3A_2073, %slice3A_2074 : vector<256x128xf32>
    %lt3A_2076 = arith.cmpf olt, %sub3A_2075, %min3A_2065 : vector<256x128xf32>
    %jit3A_2077 = arith.constant 5 : i32
    %broadcast_in_dim3A_2078 = vector.broadcast %jit3A_2077 : i32 to vector<256x128xi32>
    %select_n3A_2079 = arith.select %lt3A_2076, %broadcast_in_dim3A_2078, %select_n3A_2064 : vector<256x128xi1>, vector<256x128xi32>
    %min3A_2080 = arith.minimumf %sub3A_2075, %min3A_2065 : vector<256x128xf32>
    %get3A_2081 = arith.constant 0 : index
    %get3A_2082 = arith.constant 768 : index
    %get3A_2083 = vector.load %arg5[%get3A_2081, %get3A_2082] : memref<1x8192xf32, #tpu.memory_space<vmem>>, vector<1x128xf32>
    %get3A_2084 = vector.shape_cast %get3A_2083 : vector<1x128xf32> to vector<128xf32>
    %broadcast_in_dim3A_2085 = vector.shape_cast %get3A_2084 : vector<128xf32> to vector<1x128xf32>
    %add3A_2086 = vector.broadcast %broadcast_in_dim3A_1987 : vector<256x1xf32> to vector<256x128xf32>
    %add3A_2087 = vector.broadcast %broadcast_in_dim3A_2085 : vector<1x128xf32> to vector<256x128xf32>
    %add3A_2088 = arith.addf %add3A_2086, %add3A_2087 : vector<256x128xf32>
    %slice3A_2089 = vector.extract_strided_slice %dot_general3A_1993 {offsets = [0, 768], sizes = [256, 128], strides = [1, 1]} : vector<256x8192xf32> to vector<256x128xf32>
    %sub3A_2090 = arith.subf %add3A_2088, %slice3A_2089 : vector<256x128xf32>
    %lt3A_2091 = arith.cmpf olt, %sub3A_2090, %min3A_2080 : vector<256x128xf32>
    %jit3A_2092 = arith.constant 6 : i32
    %broadcast_in_dim3A_2093 = vector.broadcast %jit3A_2092 : i32 to vector<256x128xi32>
    %select_n3A_2094 = arith.select %lt3A_2091, %broadcast_in_dim3A_2093, %select_n3A_2079 : vector<256x128xi1>, vector<256x128xi32>
    %min3A_2095 = arith.minimumf %sub3A_2090, %min3A_2080 : vector<256x128xf32>
    %get3A_2096 = arith.constant 0 : index
    %get3A_2097 = arith.constant 896 : index
    %get3A_2098 = vector.load %arg5[%get3A_2096, %get3A_2097] : memref<1x8192xf32, #tpu.memory_space<vmem>>, vector<1x128xf32>
    %get3A_2099 = vector.shape_cast %get3A_2098 : vector<1x128xf32> to vector<128xf32>
    %broadcast_in_dim3A_2100 = vector.shape_cast %get3A_2099 : vector<128xf32> to vector<1x128xf32>
    %add3A_2101 = vector.broadcast %broadcast_in_dim3A_1987 : vector<256x1xf32> to vector<256x128xf32>
    %add3A_2102 = vector.broadcast %broadcast_in_dim3A_2100 : vector<1x128xf32> to vector<256x128xf32>
    %add3A_2103 = arith.addf %add3A_2101, %add3A_2102 : vector<256x128xf32>
    %slice3A_2104 = vector.extract_strided_slice %dot_general3A_1993 {offsets = [0, 896], sizes = [256, 128], strides = [1, 1]} : vector<256x8192xf32> to vector<256x128xf32>
    %sub3A_2105 = arith.subf %add3A_2103, %slice3A_2104 : vector<256x128xf32>
    %lt3A_2106 = arith.cmpf olt, %sub3A_2105, %min3A_2095 : vector<256x128xf32>
    %jit3A_2107 = arith.constant 7 : i32
    %broadcast_in_dim3A_2108 = vector.broadcast %jit3A_2107 : i32 to vector<256x128xi32>
    %select_n3A_2109 = arith.select %lt3A_2106, %broadcast_in_dim3A_2108, %select_n3A_2094 : vector<256x128xi1>, vector<256x128xi32>
    %min3A_2110 = arith.minimumf %sub3A_2105, %min3A_2095 : vector<256x128xf32>
    %get3A_2111 = arith.constant 0 : index
    %get3A_2112 = arith.constant 1024 : index
    %get3A_2113 = vector.load %arg5[%get3A_2111, %get3A_2112] : memref<1x8192xf32, #tpu.memory_space<vmem>>, vector<1x128xf32>
    %get3A_2114 = vector.shape_cast %get3A_2113 : vector<1x128xf32> to vector<128xf32>
    %broadcast_in_dim3A_2115 = vector.shape_cast %get3A_2114 : vector<128xf32> to vector<1x128xf32>
    %add3A_2116 = vector.broadcast %broadcast_in_dim3A_1987 : vector<256x1xf32> to vector<256x128xf32>
    %add3A_2117 = vector.broadcast %broadcast_in_dim3A_2115 : vector<1x128xf32> to vector<256x128xf32>
    %add3A_2118 = arith.addf %add3A_2116, %add3A_2117 : vector<256x128xf32>
    %slice3A_2119 = vector.extract_strided_slice %dot_general3A_1993 {offsets = [0, 1024], sizes = [256, 128], strides = [1, 1]} : vector<256x8192xf32> to vector<256x128xf32>
    %sub3A_2120 = arith.subf %add3A_2118, %slice3A_2119 : vector<256x128xf32>
    %lt3A_2121 = arith.cmpf olt, %sub3A_2120, %min3A_2110 : vector<256x128xf32>
    %jit3A_2122 = arith.constant 8 : i32
    %broadcast_in_dim3A_2123 = vector.broadcast %jit3A_2122 : i32 to vector<256x128xi32>
    %select_n3A_2124 = arith.select %lt3A_2121, %broadcast_in_dim3A_2123, %select_n3A_2109 : vector<256x128xi1>, vector<256x128xi32>
    %min3A_2125 = arith.minimumf %sub3A_2120, %min3A_2110 : vector<256x128xf32>
    %get3A_2126 = arith.constant 0 : index
    %get3A_2127 = arith.constant 1152 : index
    %get3A_2128 = vector.load %arg5[%get3A_2126, %get3A_2127] : memref<1x8192xf32, #tpu.memory_space<vmem>>, vector<1x128xf32>
    %get3A_2129 = vector.shape_cast %get3A_2128 : vector<1x128xf32> to vector<128xf32>
    %broadcast_in_dim3A_2130 = vector.shape_cast %get3A_2129 : vector<128xf32> to vector<1x128xf32>
    %add3A_2131 = vector.broadcast %broadcast_in_dim3A_1987 : vector<256x1xf32> to vector<256x128xf32>
    %add3A_2132 = vector.broadcast %broadcast_in_dim3A_2130 : vector<1x128xf32> to vector<256x128xf32>
    %add3A_2133 = arith.addf %add3A_2131, %add3A_2132 : vector<256x128xf32>
    %slice3A_2134 = vector.extract_strided_slice %dot_general3A_1993 {offsets = [0, 1152], sizes = [256, 128], strides = [1, 1]} : vector<256x8192xf32> to vector<256x128xf32>
    %sub3A_2135 = arith.subf %add3A_2133, %slice3A_2134 : vector<256x128xf32>
    %lt3A_2136 = arith.cmpf olt, %sub3A_2135, %min3A_2125 : vector<256x128xf32>
    %jit3A_2137 = arith.constant 9 : i32
    %broadcast_in_dim3A_2138 = vector.broadcast %jit3A_2137 : i32 to vector<256x128xi32>
    %select_n3A_2139 = arith.select %lt3A_2136, %broadcast_in_dim3A_2138, %select_n3A_2124 : vector<256x128xi1>, vector<256x128xi32>
    %min3A_2140 = arith.minimumf %sub3A_2135, %min3A_2125 : vector<256x128xf32>
    %get3A_2141 = arith.constant 0 : index
    %get3A_2142 = arith.constant 1280 : index
    %get3A_2143 = vector.load %arg5[%get3A_2141, %get3A_2142] : memref<1x8192xf32, #tpu.memory_space<vmem>>, vector<1x128xf32>
    %get3A_2144 = vector.shape_cast %get3A_2143 : vector<1x128xf32> to vector<128xf32>
    %broadcast_in_dim3A_2145 = vector.shape_cast %get3A_2144 : vector<128xf32> to vector<1x128xf32>
    %add3A_2146 = vector.broadcast %broadcast_in_dim3A_1987 : vector<256x1xf32> to vector<256x128xf32>
    %add3A_2147 = vector.broadcast %broadcast_in_dim3A_2145 : vector<1x128xf32> to vector<256x128xf32>
    %add3A_2148 = arith.addf %add3A_2146, %add3A_2147 : vector<256x128xf32>
    %slice3A_2149 = vector.extract_strided_slice %dot_general3A_1993 {offsets = [0, 1280], sizes = [256, 128], strides = [1, 1]} : vector<256x8192xf32> to vector<256x128xf32>
    %sub3A_2150 = arith.subf %add3A_2148, %slice3A_2149 : vector<256x128xf32>
    %lt3A_2151 = arith.cmpf olt, %sub3A_2150, %min3A_2140 : vector<256x128xf32>
    %jit3A_2152 = arith.constant 10 : i32
    %broadcast_in_dim3A_2153 = vector.broadcast %jit3A_2152 : i32 to vector<256x128xi32>
    %select_n3A_2154 = arith.select %lt3A_2151, %broadcast_in_dim3A_2153, %select_n3A_2139 : vector<256x128xi1>, vector<256x128xi32>
    %min3A_2155 = arith.minimumf %sub3A_2150, %min3A_2140 : vector<256x128xf32>
    %get3A_2156 = arith.constant 0 : index
    %get3A_2157 = arith.constant 1408 : index
    %get3A_2158 = vector.load %arg5[%get3A_2156, %get3A_2157] : memref<1x8192xf32, #tpu.memory_space<vmem>>, vector<1x128xf32>
    %get3A_2159 = vector.shape_cast %get3A_2158 : vector<1x128xf32> to vector<128xf32>
    %broadcast_in_dim3A_2160 = vector.shape_cast %get3A_2159 : vector<128xf32> to vector<1x128xf32>
    %add3A_2161 = vector.broadcast %broadcast_in_dim3A_1987 : vector<256x1xf32> to vector<256x128xf32>
    %add3A_2162 = vector.broadcast %broadcast_in_dim3A_2160 : vector<1x128xf32> to vector<256x128xf32>
    %add3A_2163 = arith.addf %add3A_2161, %add3A_2162 : vector<256x128xf32>
    %slice3A_2164 = vector.extract_strided_slice %dot_general3A_1993 {offsets = [0, 1408], sizes = [256, 128], strides = [1, 1]} : vector<256x8192xf32> to vector<256x128xf32>
    %sub3A_2165 = arith.subf %add3A_2163, %slice3A_2164 : vector<256x128xf32>
    %lt3A_2166 = arith.cmpf olt, %sub3A_2165, %min3A_2155 : vector<256x128xf32>
    %jit3A_2167 = arith.constant 11 : i32
    %broadcast_in_dim3A_2168 = vector.broadcast %jit3A_2167 : i32 to vector<256x128xi32>
    %select_n3A_2169 = arith.select %lt3A_2166, %broadcast_in_dim3A_2168, %select_n3A_2154 : vector<256x128xi1>, vector<256x128xi32>
    %min3A_2170 = arith.minimumf %sub3A_2165, %min3A_2155 : vector<256x128xf32>
    %get3A_2171 = arith.constant 0 : index
    %get3A_2172 = arith.constant 1536 : index
    %get3A_2173 = vector.load %arg5[%get3A_2171, %get3A_2172] : memref<1x8192xf32, #tpu.memory_space<vmem>>, vector<1x128xf32>
    %get3A_2174 = vector.shape_cast %get3A_2173 : vector<1x128xf32> to vector<128xf32>
    %broadcast_in_dim3A_2175 = vector.shape_cast %get3A_2174 : vector<128xf32> to vector<1x128xf32>
    %add3A_2176 = vector.broadcast %broadcast_in_dim3A_1987 : vector<256x1xf32> to vector<256x128xf32>
    %add3A_2177 = vector.broadcast %broadcast_in_dim3A_2175 : vector<1x128xf32> to vector<256x128xf32>
    %add3A_2178 = arith.addf %add3A_2176, %add3A_2177 : vector<256x128xf32>
    %slice3A_2179 = vector.extract_strided_slice %dot_general3A_1993 {offsets = [0, 1536], sizes = [256, 128], strides = [1, 1]} : vector<256x8192xf32> to vector<256x128xf32>
    %sub3A_2180 = arith.subf %add3A_2178, %slice3A_2179 : vector<256x128xf32>
    %lt3A_2181 = arith.cmpf olt, %sub3A_2180, %min3A_2170 : vector<256x128xf32>
    %jit3A_2182 = arith.constant 12 : i32
    %broadcast_in_dim3A_2183 = vector.broadcast %jit3A_2182 : i32 to vector<256x128xi32>
    %select_n3A_2184 = arith.select %lt3A_2181, %broadcast_in_dim3A_2183, %select_n3A_2169 : vector<256x128xi1>, vector<256x128xi32>
    %min3A_2185 = arith.minimumf %sub3A_2180, %min3A_2170 : vector<256x128xf32>
    %get3A_2186 = arith.constant 0 : index
    %get3A_2187 = arith.constant 1664 : index
    %get3A_2188 = vector.load %arg5[%get3A_2186, %get3A_2187] : memref<1x8192xf32, #tpu.memory_space<vmem>>, vector<1x128xf32>
    %get3A_2189 = vector.shape_cast %get3A_2188 : vector<1x128xf32> to vector<128xf32>
    %broadcast_in_dim3A_2190 = vector.shape_cast %get3A_2189 : vector<128xf32> to vector<1x128xf32>
    %add3A_2191 = vector.broadcast %broadcast_in_dim3A_1987 : vector<256x1xf32> to vector<256x128xf32>
    %add3A_2192 = vector.broadcast %broadcast_in_dim3A_2190 : vector<1x128xf32> to vector<256x128xf32>
    %add3A_2193 = arith.addf %add3A_2191, %add3A_2192 : vector<256x128xf32>
    %slice3A_2194 = vector.extract_strided_slice %dot_general3A_1993 {offsets = [0, 1664], sizes = [256, 128], strides = [1, 1]} : vector<256x8192xf32> to vector<256x128xf32>
    %sub3A_2195 = arith.subf %add3A_2193, %slice3A_2194 : vector<256x128xf32>
    %lt3A_2196 = arith.cmpf olt, %sub3A_2195, %min3A_2185 : vector<256x128xf32>
    %jit3A_2197 = arith.constant 13 : i32
    %broadcast_in_dim3A_2198 = vector.broadcast %jit3A_2197 : i32 to vector<256x128xi32>
    %select_n3A_2199 = arith.select %lt3A_2196, %broadcast_in_dim3A_2198, %select_n3A_2184 : vector<256x128xi1>, vector<256x128xi32>
    %min3A_2200 = arith.minimumf %sub3A_2195, %min3A_2185 : vector<256x128xf32>
    %get3A_2201 = arith.constant 0 : index
    %get3A_2202 = arith.constant 1792 : index
    %get3A_2203 = vector.load %arg5[%get3A_2201, %get3A_2202] : memref<1x8192xf32, #tpu.memory_space<vmem>>, vector<1x128xf32>
    %get3A_2204 = vector.shape_cast %get3A_2203 : vector<1x128xf32> to vector<128xf32>
    %broadcast_in_dim3A_2205 = vector.shape_cast %get3A_2204 : vector<128xf32> to vector<1x128xf32>
    %add3A_2206 = vector.broadcast %broadcast_in_dim3A_1987 : vector<256x1xf32> to vector<256x128xf32>
    %add3A_2207 = vector.broadcast %broadcast_in_dim3A_2205 : vector<1x128xf32> to vector<256x128xf32>
    %add3A_2208 = arith.addf %add3A_2206, %add3A_2207 : vector<256x128xf32>
    %slice3A_2209 = vector.extract_strided_slice %dot_general3A_1993 {offsets = [0, 1792], sizes = [256, 128], strides = [1, 1]} : vector<256x8192xf32> to vector<256x128xf32>
    %sub3A_2210 = arith.subf %add3A_2208, %slice3A_2209 : vector<256x128xf32>
    %lt3A_2211 = arith.cmpf olt, %sub3A_2210, %min3A_2200 : vector<256x128xf32>
    %jit3A_2212 = arith.constant 14 : i32
    %broadcast_in_dim3A_2213 = vector.broadcast %jit3A_2212 : i32 to vector<256x128xi32>
    %select_n3A_2214 = arith.select %lt3A_2211, %broadcast_in_dim3A_2213, %select_n3A_2199 : vector<256x128xi1>, vector<256x128xi32>
    %min3A_2215 = arith.minimumf %sub3A_2210, %min3A_2200 : vector<256x128xf32>
    %get3A_2216 = arith.constant 0 : index
    %get3A_2217 = arith.constant 1920 : index
    %get3A_2218 = vector.load %arg5[%get3A_2216, %get3A_2217] : memref<1x8192xf32, #tpu.memory_space<vmem>>, vector<1x128xf32>
    %get3A_2219 = vector.shape_cast %get3A_2218 : vector<1x128xf32> to vector<128xf32>
    %broadcast_in_dim3A_2220 = vector.shape_cast %get3A_2219 : vector<128xf32> to vector<1x128xf32>
    %add3A_2221 = vector.broadcast %broadcast_in_dim3A_1987 : vector<256x1xf32> to vector<256x128xf32>
    %add3A_2222 = vector.broadcast %broadcast_in_dim3A_2220 : vector<1x128xf32> to vector<256x128xf32>
    %add3A_2223 = arith.addf %add3A_2221, %add3A_2222 : vector<256x128xf32>
    %slice3A_2224 = vector.extract_strided_slice %dot_general3A_1993 {offsets = [0, 1920], sizes = [256, 128], strides = [1, 1]} : vector<256x8192xf32> to vector<256x128xf32>
    %sub3A_2225 = arith.subf %add3A_2223, %slice3A_2224 : vector<256x128xf32>
    %lt3A_2226 = arith.cmpf olt, %sub3A_2225, %min3A_2215 : vector<256x128xf32>
    %jit3A_2227 = arith.constant 15 : i32
    %broadcast_in_dim3A_2228 = vector.broadcast %jit3A_2227 : i32 to vector<256x128xi32>
    %select_n3A_2229 = arith.select %lt3A_2226, %broadcast_in_dim3A_2228, %select_n3A_2214 : vector<256x128xi1>, vector<256x128xi32>
    %min3A_2230 = arith.minimumf %sub3A_2225, %min3A_2215 : vector<256x128xf32>
    %get3A_2231 = arith.constant 0 : index
    %get3A_2232 = arith.constant 2048 : index
    %get3A_2233 = vector.load %arg5[%get3A_2231, %get3A_2232] : memref<1x8192xf32, #tpu.memory_space<vmem>>, vector<1x128xf32>
    %get3A_2234 = vector.shape_cast %get3A_2233 : vector<1x128xf32> to vector<128xf32>
    %broadcast_in_dim3A_2235 = vector.shape_cast %get3A_2234 : vector<128xf32> to vector<1x128xf32>
    %add3A_2236 = vector.broadcast %broadcast_in_dim3A_1987 : vector<256x1xf32> to vector<256x128xf32>
    %add3A_2237 = vector.broadcast %broadcast_in_dim3A_2235 : vector<1x128xf32> to vector<256x128xf32>
    %add3A_2238 = arith.addf %add3A_2236, %add3A_2237 : vector<256x128xf32>
    %slice3A_2239 = vector.extract_strided_slice %dot_general3A_1993 {offsets = [0, 2048], sizes = [256, 128], strides = [1, 1]} : vector<256x8192xf32> to vector<256x128xf32>
    %sub3A_2240 = arith.subf %add3A_2238, %slice3A_2239 : vector<256x128xf32>
    %lt3A_2241 = arith.cmpf olt, %sub3A_2240, %min3A_2230 : vector<256x128xf32>
    %jit3A_2242 = arith.constant 16 : i32
    %broadcast_in_dim3A_2243 = vector.broadcast %jit3A_2242 : i32 to vector<256x128xi32>
    %select_n3A_2244 = arith.select %lt3A_2241, %broadcast_in_dim3A_2243, %select_n3A_2229 : vector<256x128xi1>, vector<256x128xi32>
    %min3A_2245 = arith.minimumf %sub3A_2240, %min3A_2230 : vector<256x128xf32>
    %get3A_2246 = arith.constant 0 : index
    %get3A_2247 = arith.constant 2176 : index
    %get3A_2248 = vector.load %arg5[%get3A_2246, %get3A_2247] : memref<1x8192xf32, #tpu.memory_space<vmem>>, vector<1x128xf32>
    %get3A_2249 = vector.shape_cast %get3A_2248 : vector<1x128xf32> to vector<128xf32>
    %broadcast_in_dim3A_2250 = vector.shape_cast %get3A_2249 : vector<128xf32> to vector<1x128xf32>
    %add3A_2251 = vector.broadcast %broadcast_in_dim3A_1987 : vector<256x1xf32> to vector<256x128xf32>
    %add3A_2252 = vector.broadcast %broadcast_in_dim3A_2250 : vector<1x128xf32> to vector<256x128xf32>
    %add3A_2253 = arith.addf %add3A_2251, %add3A_2252 : vector<256x128xf32>
    %slice3A_2254 = vector.extract_strided_slice %dot_general3A_1993 {offsets = [0, 2176], sizes = [256, 128], strides = [1, 1]} : vector<256x8192xf32> to vector<256x128xf32>
    %sub3A_2255 = arith.subf %add3A_2253, %slice3A_2254 : vector<256x128xf32>
    %lt3A_2256 = arith.cmpf olt, %sub3A_2255, %min3A_2245 : vector<256x128xf32>
    %jit3A_2257 = arith.constant 17 : i32
    %broadcast_in_dim3A_2258 = vector.broadcast %jit3A_2257 : i32 to vector<256x128xi32>
    %select_n3A_2259 = arith.select %lt3A_2256, %broadcast_in_dim3A_2258, %select_n3A_2244 : vector<256x128xi1>, vector<256x128xi32>
    %min3A_2260 = arith.minimumf %sub3A_2255, %min3A_2245 : vector<256x128xf32>
    %get3A_2261 = arith.constant 0 : index
    %get3A_2262 = arith.constant 2304 : index
    %get3A_2263 = vector.load %arg5[%get3A_2261, %get3A_2262] : memref<1x8192xf32, #tpu.memory_space<vmem>>, vector<1x128xf32>
    %get3A_2264 = vector.shape_cast %get3A_2263 : vector<1x128xf32> to vector<128xf32>
    %broadcast_in_dim3A_2265 = vector.shape_cast %get3A_2264 : vector<128xf32> to vector<1x128xf32>
    %add3A_2266 = vector.broadcast %broadcast_in_dim3A_1987 : vector<256x1xf32> to vector<256x128xf32>
    %add3A_2267 = vector.broadcast %broadcast_in_dim3A_2265 : vector<1x128xf32> to vector<256x128xf32>
    %add3A_2268 = arith.addf %add3A_2266, %add3A_2267 : vector<256x128xf32>
    %slice3A_2269 = vector.extract_strided_slice %dot_general3A_1993 {offsets = [0, 2304], sizes = [256, 128], strides = [1, 1]} : vector<256x8192xf32> to vector<256x128xf32>
    %sub3A_2270 = arith.subf %add3A_2268, %slice3A_2269 : vector<256x128xf32>
    %lt3A_2271 = arith.cmpf olt, %sub3A_2270, %min3A_2260 : vector<256x128xf32>
    %jit3A_2272 = arith.constant 18 : i32
    %broadcast_in_dim3A_2273 = vector.broadcast %jit3A_2272 : i32 to vector<256x128xi32>
    %select_n3A_2274 = arith.select %lt3A_2271, %broadcast_in_dim3A_2273, %select_n3A_2259 : vector<256x128xi1>, vector<256x128xi32>
    %min3A_2275 = arith.minimumf %sub3A_2270, %min3A_2260 : vector<256x128xf32>
    %get3A_2276 = arith.constant 0 : index
    %get3A_2277 = arith.constant 2432 : index
    %get3A_2278 = vector.load %arg5[%get3A_2276, %get3A_2277] : memref<1x8192xf32, #tpu.memory_space<vmem>>, vector<1x128xf32>
    %get3A_2279 = vector.shape_cast %get3A_2278 : vector<1x128xf32> to vector<128xf32>
    %broadcast_in_dim3A_2280 = vector.shape_cast %get3A_2279 : vector<128xf32> to vector<1x128xf32>
    %add3A_2281 = vector.broadcast %broadcast_in_dim3A_1987 : vector<256x1xf32> to vector<256x128xf32>
    %add3A_2282 = vector.broadcast %broadcast_in_dim3A_2280 : vector<1x128xf32> to vector<256x128xf32>
    %add3A_2283 = arith.addf %add3A_2281, %add3A_2282 : vector<256x128xf32>
    %slice3A_2284 = vector.extract_strided_slice %dot_general3A_1993 {offsets = [0, 2432], sizes = [256, 128], strides = [1, 1]} : vector<256x8192xf32> to vector<256x128xf32>
    %sub3A_2285 = arith.subf %add3A_2283, %slice3A_2284 : vector<256x128xf32>
    %lt3A_2286 = arith.cmpf olt, %sub3A_2285, %min3A_2275 : vector<256x128xf32>
    %jit3A_2287 = arith.constant 19 : i32
    %broadcast_in_dim3A_2288 = vector.broadcast %jit3A_2287 : i32 to vector<256x128xi32>
    %select_n3A_2289 = arith.select %lt3A_2286, %broadcast_in_dim3A_2288, %select_n3A_2274 : vector<256x128xi1>, vector<256x128xi32>
    %min3A_2290 = arith.minimumf %sub3A_2285, %min3A_2275 : vector<256x128xf32>
    %get3A_2291 = arith.constant 0 : index
    %get3A_2292 = arith.constant 2560 : index
    %get3A_2293 = vector.load %arg5[%get3A_2291, %get3A_2292] : memref<1x8192xf32, #tpu.memory_space<vmem>>, vector<1x128xf32>
    %get3A_2294 = vector.shape_cast %get3A_2293 : vector<1x128xf32> to vector<128xf32>
    %broadcast_in_dim3A_2295 = vector.shape_cast %get3A_2294 : vector<128xf32> to vector<1x128xf32>
    %add3A_2296 = vector.broadcast %broadcast_in_dim3A_1987 : vector<256x1xf32> to vector<256x128xf32>
    %add3A_2297 = vector.broadcast %broadcast_in_dim3A_2295 : vector<1x128xf32> to vector<256x128xf32>
    %add3A_2298 = arith.addf %add3A_2296, %add3A_2297 : vector<256x128xf32>
    %slice3A_2299 = vector.extract_strided_slice %dot_general3A_1993 {offsets = [0, 2560], sizes = [256, 128], strides = [1, 1]} : vector<256x8192xf32> to vector<256x128xf32>
    %sub3A_2300 = arith.subf %add3A_2298, %slice3A_2299 : vector<256x128xf32>
    %lt3A_2301 = arith.cmpf olt, %sub3A_2300, %min3A_2290 : vector<256x128xf32>
    %jit3A_2302 = arith.constant 20 : i32
    %broadcast_in_dim3A_2303 = vector.broadcast %jit3A_2302 : i32 to vector<256x128xi32>
    %select_n3A_2304 = arith.select %lt3A_2301, %broadcast_in_dim3A_2303, %select_n3A_2289 : vector<256x128xi1>, vector<256x128xi32>
    %min3A_2305 = arith.minimumf %sub3A_2300, %min3A_2290 : vector<256x128xf32>
    %get3A_2306 = arith.constant 0 : index
    %get3A_2307 = arith.constant 2688 : index
    %get3A_2308 = vector.load %arg5[%get3A_2306, %get3A_2307] : memref<1x8192xf32, #tpu.memory_space<vmem>>, vector<1x128xf32>
    %get3A_2309 = vector.shape_cast %get3A_2308 : vector<1x128xf32> to vector<128xf32>
    %broadcast_in_dim3A_2310 = vector.shape_cast %get3A_2309 : vector<128xf32> to vector<1x128xf32>
    %add3A_2311 = vector.broadcast %broadcast_in_dim3A_1987 : vector<256x1xf32> to vector<256x128xf32>
    %add3A_2312 = vector.broadcast %broadcast_in_dim3A_2310 : vector<1x128xf32> to vector<256x128xf32>
    %add3A_2313 = arith.addf %add3A_2311, %add3A_2312 : vector<256x128xf32>
    %slice3A_2314 = vector.extract_strided_slice %dot_general3A_1993 {offsets = [0, 2688], sizes = [256, 128], strides = [1, 1]} : vector<256x8192xf32> to vector<256x128xf32>
    %sub3A_2315 = arith.subf %add3A_2313, %slice3A_2314 : vector<256x128xf32>
    %lt3A_2316 = arith.cmpf olt, %sub3A_2315, %min3A_2305 : vector<256x128xf32>
    %jit3A_2317 = arith.constant 21 : i32
    %broadcast_in_dim3A_2318 = vector.broadcast %jit3A_2317 : i32 to vector<256x128xi32>
    %select_n3A_2319 = arith.select %lt3A_2316, %broadcast_in_dim3A_2318, %select_n3A_2304 : vector<256x128xi1>, vector<256x128xi32>
    %min3A_2320 = arith.minimumf %sub3A_2315, %min3A_2305 : vector<256x128xf32>
    %get3A_2321 = arith.constant 0 : index
    %get3A_2322 = arith.constant 2816 : index
    %get3A_2323 = vector.load %arg5[%get3A_2321, %get3A_2322] : memref<1x8192xf32, #tpu.memory_space<vmem>>, vector<1x128xf32>
    %get3A_2324 = vector.shape_cast %get3A_2323 : vector<1x128xf32> to vector<128xf32>
    %broadcast_in_dim3A_2325 = vector.shape_cast %get3A_2324 : vector<128xf32> to vector<1x128xf32>
    %add3A_2326 = vector.broadcast %broadcast_in_dim3A_1987 : vector<256x1xf32> to vector<256x128xf32>
    %add3A_2327 = vector.broadcast %broadcast_in_dim3A_2325 : vector<1x128xf32> to vector<256x128xf32>
    %add3A_2328 = arith.addf %add3A_2326, %add3A_2327 : vector<256x128xf32>
    %slice3A_2329 = vector.extract_strided_slice %dot_general3A_1993 {offsets = [0, 2816], sizes = [256, 128], strides = [1, 1]} : vector<256x8192xf32> to vector<256x128xf32>
    %sub3A_2330 = arith.subf %add3A_2328, %slice3A_2329 : vector<256x128xf32>
    %lt3A_2331 = arith.cmpf olt, %sub3A_2330, %min3A_2320 : vector<256x128xf32>
    %jit3A_2332 = arith.constant 22 : i32
    %broadcast_in_dim3A_2333 = vector.broadcast %jit3A_2332 : i32 to vector<256x128xi32>
    %select_n3A_2334 = arith.select %lt3A_2331, %broadcast_in_dim3A_2333, %select_n3A_2319 : vector<256x128xi1>, vector<256x128xi32>
    %min3A_2335 = arith.minimumf %sub3A_2330, %min3A_2320 : vector<256x128xf32>
    %get3A_2336 = arith.constant 0 : index
    %get3A_2337 = arith.constant 2944 : index
    %get3A_2338 = vector.load %arg5[%get3A_2336, %get3A_2337] : memref<1x8192xf32, #tpu.memory_space<vmem>>, vector<1x128xf32>
    %get3A_2339 = vector.shape_cast %get3A_2338 : vector<1x128xf32> to vector<128xf32>
    %broadcast_in_dim3A_2340 = vector.shape_cast %get3A_2339 : vector<128xf32> to vector<1x128xf32>
    %add3A_2341 = vector.broadcast %broadcast_in_dim3A_1987 : vector<256x1xf32> to vector<256x128xf32>
    %add3A_2342 = vector.broadcast %broadcast_in_dim3A_2340 : vector<1x128xf32> to vector<256x128xf32>
    %add3A_2343 = arith.addf %add3A_2341, %add3A_2342 : vector<256x128xf32>
    %slice3A_2344 = vector.extract_strided_slice %dot_general3A_1993 {offsets = [0, 2944], sizes = [256, 128], strides = [1, 1]} : vector<256x8192xf32> to vector<256x128xf32>
    %sub3A_2345 = arith.subf %add3A_2343, %slice3A_2344 : vector<256x128xf32>
    %lt3A_2346 = arith.cmpf olt, %sub3A_2345, %min3A_2335 : vector<256x128xf32>
    %jit3A_2347 = arith.constant 23 : i32
    %broadcast_in_dim3A_2348 = vector.broadcast %jit3A_2347 : i32 to vector<256x128xi32>
    %select_n3A_2349 = arith.select %lt3A_2346, %broadcast_in_dim3A_2348, %select_n3A_2334 : vector<256x128xi1>, vector<256x128xi32>
    %min3A_2350 = arith.minimumf %sub3A_2345, %min3A_2335 : vector<256x128xf32>
    %get3A_2351 = arith.constant 0 : index
    %get3A_2352 = arith.constant 3072 : index
    %get3A_2353 = vector.load %arg5[%get3A_2351, %get3A_2352] : memref<1x8192xf32, #tpu.memory_space<vmem>>, vector<1x128xf32>
    %get3A_2354 = vector.shape_cast %get3A_2353 : vector<1x128xf32> to vector<128xf32>
    %broadcast_in_dim3A_2355 = vector.shape_cast %get3A_2354 : vector<128xf32> to vector<1x128xf32>
    %add3A_2356 = vector.broadcast %broadcast_in_dim3A_1987 : vector<256x1xf32> to vector<256x128xf32>
    %add3A_2357 = vector.broadcast %broadcast_in_dim3A_2355 : vector<1x128xf32> to vector<256x128xf32>
    %add3A_2358 = arith.addf %add3A_2356, %add3A_2357 : vector<256x128xf32>
    %slice3A_2359 = vector.extract_strided_slice %dot_general3A_1993 {offsets = [0, 3072], sizes = [256, 128], strides = [1, 1]} : vector<256x8192xf32> to vector<256x128xf32>
    %sub3A_2360 = arith.subf %add3A_2358, %slice3A_2359 : vector<256x128xf32>
    %lt3A_2361 = arith.cmpf olt, %sub3A_2360, %min3A_2350 : vector<256x128xf32>
    %jit3A_2362 = arith.constant 24 : i32
    %broadcast_in_dim3A_2363 = vector.broadcast %jit3A_2362 : i32 to vector<256x128xi32>
    %select_n3A_2364 = arith.select %lt3A_2361, %broadcast_in_dim3A_2363, %select_n3A_2349 : vector<256x128xi1>, vector<256x128xi32>
    %min3A_2365 = arith.minimumf %sub3A_2360, %min3A_2350 : vector<256x128xf32>
    %get3A_2366 = arith.constant 0 : index
    %get3A_2367 = arith.constant 3200 : index
    %get3A_2368 = vector.load %arg5[%get3A_2366, %get3A_2367] : memref<1x8192xf32, #tpu.memory_space<vmem>>, vector<1x128xf32>
    %get3A_2369 = vector.shape_cast %get3A_2368 : vector<1x128xf32> to vector<128xf32>
    %broadcast_in_dim3A_2370 = vector.shape_cast %get3A_2369 : vector<128xf32> to vector<1x128xf32>
    %add3A_2371 = vector.broadcast %broadcast_in_dim3A_1987 : vector<256x1xf32> to vector<256x128xf32>
    %add3A_2372 = vector.broadcast %broadcast_in_dim3A_2370 : vector<1x128xf32> to vector<256x128xf32>
    %add3A_2373 = arith.addf %add3A_2371, %add3A_2372 : vector<256x128xf32>
    %slice3A_2374 = vector.extract_strided_slice %dot_general3A_1993 {offsets = [0, 3200], sizes = [256, 128], strides = [1, 1]} : vector<256x8192xf32> to vector<256x128xf32>
    %sub3A_2375 = arith.subf %add3A_2373, %slice3A_2374 : vector<256x128xf32>
    %lt3A_2376 = arith.cmpf olt, %sub3A_2375, %min3A_2365 : vector<256x128xf32>
    %jit3A_2377 = arith.constant 25 : i32
    %broadcast_in_dim3A_2378 = vector.broadcast %jit3A_2377 : i32 to vector<256x128xi32>
    %select_n3A_2379 = arith.select %lt3A_2376, %broadcast_in_dim3A_2378, %select_n3A_2364 : vector<256x128xi1>, vector<256x128xi32>
    %min3A_2380 = arith.minimumf %sub3A_2375, %min3A_2365 : vector<256x128xf32>
    %get3A_2381 = arith.constant 0 : index
    %get3A_2382 = arith.constant 3328 : index
    %get3A_2383 = vector.load %arg5[%get3A_2381, %get3A_2382] : memref<1x8192xf32, #tpu.memory_space<vmem>>, vector<1x128xf32>
    %get3A_2384 = vector.shape_cast %get3A_2383 : vector<1x128xf32> to vector<128xf32>
    %broadcast_in_dim3A_2385 = vector.shape_cast %get3A_2384 : vector<128xf32> to vector<1x128xf32>
    %add3A_2386 = vector.broadcast %broadcast_in_dim3A_1987 : vector<256x1xf32> to vector<256x128xf32>
    %add3A_2387 = vector.broadcast %broadcast_in_dim3A_2385 : vector<1x128xf32> to vector<256x128xf32>
    %add3A_2388 = arith.addf %add3A_2386, %add3A_2387 : vector<256x128xf32>
    %slice3A_2389 = vector.extract_strided_slice %dot_general3A_1993 {offsets = [0, 3328], sizes = [256, 128], strides = [1, 1]} : vector<256x8192xf32> to vector<256x128xf32>
    %sub3A_2390 = arith.subf %add3A_2388, %slice3A_2389 : vector<256x128xf32>
    %lt3A_2391 = arith.cmpf olt, %sub3A_2390, %min3A_2380 : vector<256x128xf32>
    %jit3A_2392 = arith.constant 26 : i32
    %broadcast_in_dim3A_2393 = vector.broadcast %jit3A_2392 : i32 to vector<256x128xi32>
    %select_n3A_2394 = arith.select %lt3A_2391, %broadcast_in_dim3A_2393, %select_n3A_2379 : vector<256x128xi1>, vector<256x128xi32>
    %min3A_2395 = arith.minimumf %sub3A_2390, %min3A_2380 : vector<256x128xf32>
    %get3A_2396 = arith.constant 0 : index
    %get3A_2397 = arith.constant 3456 : index
    %get3A_2398 = vector.load %arg5[%get3A_2396, %get3A_2397] : memref<1x8192xf32, #tpu.memory_space<vmem>>, vector<1x128xf32>
    %get3A_2399 = vector.shape_cast %get3A_2398 : vector<1x128xf32> to vector<128xf32>
    %broadcast_in_dim3A_2400 = vector.shape_cast %get3A_2399 : vector<128xf32> to vector<1x128xf32>
    %add3A_2401 = vector.broadcast %broadcast_in_dim3A_1987 : vector<256x1xf32> to vector<256x128xf32>
    %add3A_2402 = vector.broadcast %broadcast_in_dim3A_2400 : vector<1x128xf32> to vector<256x128xf32>
    %add3A_2403 = arith.addf %add3A_2401, %add3A_2402 : vector<256x128xf32>
    %slice3A_2404 = vector.extract_strided_slice %dot_general3A_1993 {offsets = [0, 3456], sizes = [256, 128], strides = [1, 1]} : vector<256x8192xf32> to vector<256x128xf32>
    %sub3A_2405 = arith.subf %add3A_2403, %slice3A_2404 : vector<256x128xf32>
    %lt3A_2406 = arith.cmpf olt, %sub3A_2405, %min3A_2395 : vector<256x128xf32>
    %jit3A_2407 = arith.constant 27 : i32
    %broadcast_in_dim3A_2408 = vector.broadcast %jit3A_2407 : i32 to vector<256x128xi32>
    %select_n3A_2409 = arith.select %lt3A_2406, %broadcast_in_dim3A_2408, %select_n3A_2394 : vector<256x128xi1>, vector<256x128xi32>
    %min3A_2410 = arith.minimumf %sub3A_2405, %min3A_2395 : vector<256x128xf32>
    %get3A_2411 = arith.constant 0 : index
    %get3A_2412 = arith.constant 3584 : index
    %get3A_2413 = vector.load %arg5[%get3A_2411, %get3A_2412] : memref<1x8192xf32, #tpu.memory_space<vmem>>, vector<1x128xf32>
    %get3A_2414 = vector.shape_cast %get3A_2413 : vector<1x128xf32> to vector<128xf32>
    %broadcast_in_dim3A_2415 = vector.shape_cast %get3A_2414 : vector<128xf32> to vector<1x128xf32>
    %add3A_2416 = vector.broadcast %broadcast_in_dim3A_1987 : vector<256x1xf32> to vector<256x128xf32>
    %add3A_2417 = vector.broadcast %broadcast_in_dim3A_2415 : vector<1x128xf32> to vector<256x128xf32>
    %add3A_2418 = arith.addf %add3A_2416, %add3A_2417 : vector<256x128xf32>
    %slice3A_2419 = vector.extract_strided_slice %dot_general3A_1993 {offsets = [0, 3584], sizes = [256, 128], strides = [1, 1]} : vector<256x8192xf32> to vector<256x128xf32>
    %sub3A_2420 = arith.subf %add3A_2418, %slice3A_2419 : vector<256x128xf32>
    %lt3A_2421 = arith.cmpf olt, %sub3A_2420, %min3A_2410 : vector<256x128xf32>
    %jit3A_2422 = arith.constant 28 : i32
    %broadcast_in_dim3A_2423 = vector.broadcast %jit3A_2422 : i32 to vector<256x128xi32>
    %select_n3A_2424 = arith.select %lt3A_2421, %broadcast_in_dim3A_2423, %select_n3A_2409 : vector<256x128xi1>, vector<256x128xi32>
    %min3A_2425 = arith.minimumf %sub3A_2420, %min3A_2410 : vector<256x128xf32>
    %get3A_2426 = arith.constant 0 : index
    %get3A_2427 = arith.constant 3712 : index
    %get3A_2428 = vector.load %arg5[%get3A_2426, %get3A_2427] : memref<1x8192xf32, #tpu.memory_space<vmem>>, vector<1x128xf32>
    %get3A_2429 = vector.shape_cast %get3A_2428 : vector<1x128xf32> to vector<128xf32>
    %broadcast_in_dim3A_2430 = vector.shape_cast %get3A_2429 : vector<128xf32> to vector<1x128xf32>
    %add3A_2431 = vector.broadcast %broadcast_in_dim3A_1987 : vector<256x1xf32> to vector<256x128xf32>
    %add3A_2432 = vector.broadcast %broadcast_in_dim3A_2430 : vector<1x128xf32> to vector<256x128xf32>
    %add3A_2433 = arith.addf %add3A_2431, %add3A_2432 : vector<256x128xf32>
    %slice3A_2434 = vector.extract_strided_slice %dot_general3A_1993 {offsets = [0, 3712], sizes = [256, 128], strides = [1, 1]} : vector<256x8192xf32> to vector<256x128xf32>
    %sub3A_2435 = arith.subf %add3A_2433, %slice3A_2434 : vector<256x128xf32>
    %lt3A_2436 = arith.cmpf olt, %sub3A_2435, %min3A_2425 : vector<256x128xf32>
    %jit3A_2437 = arith.constant 29 : i32
    %broadcast_in_dim3A_2438 = vector.broadcast %jit3A_2437 : i32 to vector<256x128xi32>
    %select_n3A_2439 = arith.select %lt3A_2436, %broadcast_in_dim3A_2438, %select_n3A_2424 : vector<256x128xi1>, vector<256x128xi32>
    %min3A_2440 = arith.minimumf %sub3A_2435, %min3A_2425 : vector<256x128xf32>
    %get3A_2441 = arith.constant 0 : index
    %get3A_2442 = arith.constant 3840 : index
    %get3A_2443 = vector.load %arg5[%get3A_2441, %get3A_2442] : memref<1x8192xf32, #tpu.memory_space<vmem>>, vector<1x128xf32>
    %get3A_2444 = vector.shape_cast %get3A_2443 : vector<1x128xf32> to vector<128xf32>
    %broadcast_in_dim3A_2445 = vector.shape_cast %get3A_2444 : vector<128xf32> to vector<1x128xf32>
    %add3A_2446 = vector.broadcast %broadcast_in_dim3A_1987 : vector<256x1xf32> to vector<256x128xf32>
    %add3A_2447 = vector.broadcast %broadcast_in_dim3A_2445 : vector<1x128xf32> to vector<256x128xf32>
    %add3A_2448 = arith.addf %add3A_2446, %add3A_2447 : vector<256x128xf32>
    %slice3A_2449 = vector.extract_strided_slice %dot_general3A_1993 {offsets = [0, 3840], sizes = [256, 128], strides = [1, 1]} : vector<256x8192xf32> to vector<256x128xf32>
    %sub3A_2450 = arith.subf %add3A_2448, %slice3A_2449 : vector<256x128xf32>
    %lt3A_2451 = arith.cmpf olt, %sub3A_2450, %min3A_2440 : vector<256x128xf32>
    %jit3A_2452 = arith.constant 30 : i32
    %broadcast_in_dim3A_2453 = vector.broadcast %jit3A_2452 : i32 to vector<256x128xi32>
    %select_n3A_2454 = arith.select %lt3A_2451, %broadcast_in_dim3A_2453, %select_n3A_2439 : vector<256x128xi1>, vector<256x128xi32>
    %min3A_2455 = arith.minimumf %sub3A_2450, %min3A_2440 : vector<256x128xf32>
    %get3A_2456 = arith.constant 0 : index
    %get3A_2457 = arith.constant 3968 : index
    %get3A_2458 = vector.load %arg5[%get3A_2456, %get3A_2457] : memref<1x8192xf32, #tpu.memory_space<vmem>>, vector<1x128xf32>
    %get3A_2459 = vector.shape_cast %get3A_2458 : vector<1x128xf32> to vector<128xf32>
    %broadcast_in_dim3A_2460 = vector.shape_cast %get3A_2459 : vector<128xf32> to vector<1x128xf32>
    %add3A_2461 = vector.broadcast %broadcast_in_dim3A_1987 : vector<256x1xf32> to vector<256x128xf32>
    %add3A_2462 = vector.broadcast %broadcast_in_dim3A_2460 : vector<1x128xf32> to vector<256x128xf32>
    %add3A_2463 = arith.addf %add3A_2461, %add3A_2462 : vector<256x128xf32>
    %slice3A_2464 = vector.extract_strided_slice %dot_general3A_1993 {offsets = [0, 3968], sizes = [256, 128], strides = [1, 1]} : vector<256x8192xf32> to vector<256x128xf32>
    %sub3A_2465 = arith.subf %add3A_2463, %slice3A_2464 : vector<256x128xf32>
    %lt3A_2466 = arith.cmpf olt, %sub3A_2465, %min3A_2455 : vector<256x128xf32>
    %jit3A_2467 = arith.constant 31 : i32
    %broadcast_in_dim3A_2468 = vector.broadcast %jit3A_2467 : i32 to vector<256x128xi32>
    %select_n3A_2469 = arith.select %lt3A_2466, %broadcast_in_dim3A_2468, %select_n3A_2454 : vector<256x128xi1>, vector<256x128xi32>
    %min3A_2470 = arith.minimumf %sub3A_2465, %min3A_2455 : vector<256x128xf32>
    %get3A_2471 = arith.constant 0 : index
    %get3A_2472 = arith.constant 4096 : index
    %get3A_2473 = vector.load %arg5[%get3A_2471, %get3A_2472] : memref<1x8192xf32, #tpu.memory_space<vmem>>, vector<1x128xf32>
    %get3A_2474 = vector.shape_cast %get3A_2473 : vector<1x128xf32> to vector<128xf32>
    %broadcast_in_dim3A_2475 = vector.shape_cast %get3A_2474 : vector<128xf32> to vector<1x128xf32>
    %add3A_2476 = vector.broadcast %broadcast_in_dim3A_1987 : vector<256x1xf32> to vector<256x128xf32>
    %add3A_2477 = vector.broadcast %broadcast_in_dim3A_2475 : vector<1x128xf32> to vector<256x128xf32>
    %add3A_2478 = arith.addf %add3A_2476, %add3A_2477 : vector<256x128xf32>
    %slice3A_2479 = vector.extract_strided_slice %dot_general3A_1993 {offsets = [0, 4096], sizes = [256, 128], strides = [1, 1]} : vector<256x8192xf32> to vector<256x128xf32>
    %sub3A_2480 = arith.subf %add3A_2478, %slice3A_2479 : vector<256x128xf32>
    %lt3A_2481 = arith.cmpf olt, %sub3A_2480, %min3A_2470 : vector<256x128xf32>
    %jit3A_2482 = arith.constant 32 : i32
    %broadcast_in_dim3A_2483 = vector.broadcast %jit3A_2482 : i32 to vector<256x128xi32>
    %select_n3A_2484 = arith.select %lt3A_2481, %broadcast_in_dim3A_2483, %select_n3A_2469 : vector<256x128xi1>, vector<256x128xi32>
    %min3A_2485 = arith.minimumf %sub3A_2480, %min3A_2470 : vector<256x128xf32>
    %get3A_2486 = arith.constant 0 : index
    %get3A_2487 = arith.constant 4224 : index
    %get3A_2488 = vector.load %arg5[%get3A_2486, %get3A_2487] : memref<1x8192xf32, #tpu.memory_space<vmem>>, vector<1x128xf32>
    %get3A_2489 = vector.shape_cast %get3A_2488 : vector<1x128xf32> to vector<128xf32>
    %broadcast_in_dim3A_2490 = vector.shape_cast %get3A_2489 : vector<128xf32> to vector<1x128xf32>
    %add3A_2491 = vector.broadcast %broadcast_in_dim3A_1987 : vector<256x1xf32> to vector<256x128xf32>
    %add3A_2492 = vector.broadcast %broadcast_in_dim3A_2490 : vector<1x128xf32> to vector<256x128xf32>
    %add3A_2493 = arith.addf %add3A_2491, %add3A_2492 : vector<256x128xf32>
    %slice3A_2494 = vector.extract_strided_slice %dot_general3A_1993 {offsets = [0, 4224], sizes = [256, 128], strides = [1, 1]} : vector<256x8192xf32> to vector<256x128xf32>
    %sub3A_2495 = arith.subf %add3A_2493, %slice3A_2494 : vector<256x128xf32>
    %lt3A_2496 = arith.cmpf olt, %sub3A_2495, %min3A_2485 : vector<256x128xf32>
    %jit3A_2497 = arith.constant 33 : i32
    %broadcast_in_dim3A_2498 = vector.broadcast %jit3A_2497 : i32 to vector<256x128xi32>
    %select_n3A_2499 = arith.select %lt3A_2496, %broadcast_in_dim3A_2498, %select_n3A_2484 : vector<256x128xi1>, vector<256x128xi32>
    %min3A_2500 = arith.minimumf %sub3A_2495, %min3A_2485 : vector<256x128xf32>
    %get3A_2501 = arith.constant 0 : index
    %get3A_2502 = arith.constant 4352 : index
    %get3A_2503 = vector.load %arg5[%get3A_2501, %get3A_2502] : memref<1x8192xf32, #tpu.memory_space<vmem>>, vector<1x128xf32>
    %get3A_2504 = vector.shape_cast %get3A_2503 : vector<1x128xf32> to vector<128xf32>
    %broadcast_in_dim3A_2505 = vector.shape_cast %get3A_2504 : vector<128xf32> to vector<1x128xf32>
    %add3A_2506 = vector.broadcast %broadcast_in_dim3A_1987 : vector<256x1xf32> to vector<256x128xf32>
    %add3A_2507 = vector.broadcast %broadcast_in_dim3A_2505 : vector<1x128xf32> to vector<256x128xf32>
    %add3A_2508 = arith.addf %add3A_2506, %add3A_2507 : vector<256x128xf32>
    %slice3A_2509 = vector.extract_strided_slice %dot_general3A_1993 {offsets = [0, 4352], sizes = [256, 128], strides = [1, 1]} : vector<256x8192xf32> to vector<256x128xf32>
    %sub3A_2510 = arith.subf %add3A_2508, %slice3A_2509 : vector<256x128xf32>
    %lt3A_2511 = arith.cmpf olt, %sub3A_2510, %min3A_2500 : vector<256x128xf32>
    %jit3A_2512 = arith.constant 34 : i32
    %broadcast_in_dim3A_2513 = vector.broadcast %jit3A_2512 : i32 to vector<256x128xi32>
    %select_n3A_2514 = arith.select %lt3A_2511, %broadcast_in_dim3A_2513, %select_n3A_2499 : vector<256x128xi1>, vector<256x128xi32>
    %min3A_2515 = arith.minimumf %sub3A_2510, %min3A_2500 : vector<256x128xf32>
    %get3A_2516 = arith.constant 0 : index
    %get3A_2517 = arith.constant 4480 : index
    %get3A_2518 = vector.load %arg5[%get3A_2516, %get3A_2517] : memref<1x8192xf32, #tpu.memory_space<vmem>>, vector<1x128xf32>
    %get3A_2519 = vector.shape_cast %get3A_2518 : vector<1x128xf32> to vector<128xf32>
    %broadcast_in_dim3A_2520 = vector.shape_cast %get3A_2519 : vector<128xf32> to vector<1x128xf32>
    %add3A_2521 = vector.broadcast %broadcast_in_dim3A_1987 : vector<256x1xf32> to vector<256x128xf32>
    %add3A_2522 = vector.broadcast %broadcast_in_dim3A_2520 : vector<1x128xf32> to vector<256x128xf32>
    %add3A_2523 = arith.addf %add3A_2521, %add3A_2522 : vector<256x128xf32>
    %slice3A_2524 = vector.extract_strided_slice %dot_general3A_1993 {offsets = [0, 4480], sizes = [256, 128], strides = [1, 1]} : vector<256x8192xf32> to vector<256x128xf32>
    %sub3A_2525 = arith.subf %add3A_2523, %slice3A_2524 : vector<256x128xf32>
    %lt3A_2526 = arith.cmpf olt, %sub3A_2525, %min3A_2515 : vector<256x128xf32>
    %jit3A_2527 = arith.constant 35 : i32
    %broadcast_in_dim3A_2528 = vector.broadcast %jit3A_2527 : i32 to vector<256x128xi32>
    %select_n3A_2529 = arith.select %lt3A_2526, %broadcast_in_dim3A_2528, %select_n3A_2514 : vector<256x128xi1>, vector<256x128xi32>
    %min3A_2530 = arith.minimumf %sub3A_2525, %min3A_2515 : vector<256x128xf32>
    %get3A_2531 = arith.constant 0 : index
    %get3A_2532 = arith.constant 4608 : index
    %get3A_2533 = vector.load %arg5[%get3A_2531, %get3A_2532] : memref<1x8192xf32, #tpu.memory_space<vmem>>, vector<1x128xf32>
    %get3A_2534 = vector.shape_cast %get3A_2533 : vector<1x128xf32> to vector<128xf32>
    %broadcast_in_dim3A_2535 = vector.shape_cast %get3A_2534 : vector<128xf32> to vector<1x128xf32>
    %add3A_2536 = vector.broadcast %broadcast_in_dim3A_1987 : vector<256x1xf32> to vector<256x128xf32>
    %add3A_2537 = vector.broadcast %broadcast_in_dim3A_2535 : vector<1x128xf32> to vector<256x128xf32>
    %add3A_2538 = arith.addf %add3A_2536, %add3A_2537 : vector<256x128xf32>
    %slice3A_2539 = vector.extract_strided_slice %dot_general3A_1993 {offsets = [0, 4608], sizes = [256, 128], strides = [1, 1]} : vector<256x8192xf32> to vector<256x128xf32>
    %sub3A_2540 = arith.subf %add3A_2538, %slice3A_2539 : vector<256x128xf32>
    %lt3A_2541 = arith.cmpf olt, %sub3A_2540, %min3A_2530 : vector<256x128xf32>
    %jit3A_2542 = arith.constant 36 : i32
    %broadcast_in_dim3A_2543 = vector.broadcast %jit3A_2542 : i32 to vector<256x128xi32>
    %select_n3A_2544 = arith.select %lt3A_2541, %broadcast_in_dim3A_2543, %select_n3A_2529 : vector<256x128xi1>, vector<256x128xi32>
    %min3A_2545 = arith.minimumf %sub3A_2540, %min3A_2530 : vector<256x128xf32>
    %get3A_2546 = arith.constant 0 : index
    %get3A_2547 = arith.constant 4736 : index
    %get3A_2548 = vector.load %arg5[%get3A_2546, %get3A_2547] : memref<1x8192xf32, #tpu.memory_space<vmem>>, vector<1x128xf32>
    %get3A_2549 = vector.shape_cast %get3A_2548 : vector<1x128xf32> to vector<128xf32>
    %broadcast_in_dim3A_2550 = vector.shape_cast %get3A_2549 : vector<128xf32> to vector<1x128xf32>
    %add3A_2551 = vector.broadcast %broadcast_in_dim3A_1987 : vector<256x1xf32> to vector<256x128xf32>
    %add3A_2552 = vector.broadcast %broadcast_in_dim3A_2550 : vector<1x128xf32> to vector<256x128xf32>
    %add3A_2553 = arith.addf %add3A_2551, %add3A_2552 : vector<256x128xf32>
    %slice3A_2554 = vector.extract_strided_slice %dot_general3A_1993 {offsets = [0, 4736], sizes = [256, 128], strides = [1, 1]} : vector<256x8192xf32> to vector<256x128xf32>
    %sub3A_2555 = arith.subf %add3A_2553, %slice3A_2554 : vector<256x128xf32>
    %lt3A_2556 = arith.cmpf olt, %sub3A_2555, %min3A_2545 : vector<256x128xf32>
    %jit3A_2557 = arith.constant 37 : i32
    %broadcast_in_dim3A_2558 = vector.broadcast %jit3A_2557 : i32 to vector<256x128xi32>
    %select_n3A_2559 = arith.select %lt3A_2556, %broadcast_in_dim3A_2558, %select_n3A_2544 : vector<256x128xi1>, vector<256x128xi32>
    %min3A_2560 = arith.minimumf %sub3A_2555, %min3A_2545 : vector<256x128xf32>
    %get3A_2561 = arith.constant 0 : index
    %get3A_2562 = arith.constant 4864 : index
    %get3A_2563 = vector.load %arg5[%get3A_2561, %get3A_2562] : memref<1x8192xf32, #tpu.memory_space<vmem>>, vector<1x128xf32>
    %get3A_2564 = vector.shape_cast %get3A_2563 : vector<1x128xf32> to vector<128xf32>
    %broadcast_in_dim3A_2565 = vector.shape_cast %get3A_2564 : vector<128xf32> to vector<1x128xf32>
    %add3A_2566 = vector.broadcast %broadcast_in_dim3A_1987 : vector<256x1xf32> to vector<256x128xf32>
    %add3A_2567 = vector.broadcast %broadcast_in_dim3A_2565 : vector<1x128xf32> to vector<256x128xf32>
    %add3A_2568 = arith.addf %add3A_2566, %add3A_2567 : vector<256x128xf32>
    %slice3A_2569 = vector.extract_strided_slice %dot_general3A_1993 {offsets = [0, 4864], sizes = [256, 128], strides = [1, 1]} : vector<256x8192xf32> to vector<256x128xf32>
    %sub3A_2570 = arith.subf %add3A_2568, %slice3A_2569 : vector<256x128xf32>
    %lt3A_2571 = arith.cmpf olt, %sub3A_2570, %min3A_2560 : vector<256x128xf32>
    %jit3A_2572 = arith.constant 38 : i32
    %broadcast_in_dim3A_2573 = vector.broadcast %jit3A_2572 : i32 to vector<256x128xi32>
    %select_n3A_2574 = arith.select %lt3A_2571, %broadcast_in_dim3A_2573, %select_n3A_2559 : vector<256x128xi1>, vector<256x128xi32>
    %min3A_2575 = arith.minimumf %sub3A_2570, %min3A_2560 : vector<256x128xf32>
    %get3A_2576 = arith.constant 0 : index
    %get3A_2577 = arith.constant 4992 : index
    %get3A_2578 = vector.load %arg5[%get3A_2576, %get3A_2577] : memref<1x8192xf32, #tpu.memory_space<vmem>>, vector<1x128xf32>
    %get3A_2579 = vector.shape_cast %get3A_2578 : vector<1x128xf32> to vector<128xf32>
    %broadcast_in_dim3A_2580 = vector.shape_cast %get3A_2579 : vector<128xf32> to vector<1x128xf32>
    %add3A_2581 = vector.broadcast %broadcast_in_dim3A_1987 : vector<256x1xf32> to vector<256x128xf32>
    %add3A_2582 = vector.broadcast %broadcast_in_dim3A_2580 : vector<1x128xf32> to vector<256x128xf32>
    %add3A_2583 = arith.addf %add3A_2581, %add3A_2582 : vector<256x128xf32>
    %slice3A_2584 = vector.extract_strided_slice %dot_general3A_1993 {offsets = [0, 4992], sizes = [256, 128], strides = [1, 1]} : vector<256x8192xf32> to vector<256x128xf32>
    %sub3A_2585 = arith.subf %add3A_2583, %slice3A_2584 : vector<256x128xf32>
    %lt3A_2586 = arith.cmpf olt, %sub3A_2585, %min3A_2575 : vector<256x128xf32>
    %jit3A_2587 = arith.constant 39 : i32
    %broadcast_in_dim3A_2588 = vector.broadcast %jit3A_2587 : i32 to vector<256x128xi32>
    %select_n3A_2589 = arith.select %lt3A_2586, %broadcast_in_dim3A_2588, %select_n3A_2574 : vector<256x128xi1>, vector<256x128xi32>
    %min3A_2590 = arith.minimumf %sub3A_2585, %min3A_2575 : vector<256x128xf32>
    %get3A_2591 = arith.constant 0 : index
    %get3A_2592 = arith.constant 5120 : index
    %get3A_2593 = vector.load %arg5[%get3A_2591, %get3A_2592] : memref<1x8192xf32, #tpu.memory_space<vmem>>, vector<1x128xf32>
    %get3A_2594 = vector.shape_cast %get3A_2593 : vector<1x128xf32> to vector<128xf32>
    %broadcast_in_dim3A_2595 = vector.shape_cast %get3A_2594 : vector<128xf32> to vector<1x128xf32>
    %add3A_2596 = vector.broadcast %broadcast_in_dim3A_1987 : vector<256x1xf32> to vector<256x128xf32>
    %add3A_2597 = vector.broadcast %broadcast_in_dim3A_2595 : vector<1x128xf32> to vector<256x128xf32>
    %add3A_2598 = arith.addf %add3A_2596, %add3A_2597 : vector<256x128xf32>
    %slice3A_2599 = vector.extract_strided_slice %dot_general3A_1993 {offsets = [0, 5120], sizes = [256, 128], strides = [1, 1]} : vector<256x8192xf32> to vector<256x128xf32>
    %sub3A_2600 = arith.subf %add3A_2598, %slice3A_2599 : vector<256x128xf32>
    %lt3A_2601 = arith.cmpf olt, %sub3A_2600, %min3A_2590 : vector<256x128xf32>
    %jit3A_2602 = arith.constant 40 : i32
    %broadcast_in_dim3A_2603 = vector.broadcast %jit3A_2602 : i32 to vector<256x128xi32>
    %select_n3A_2604 = arith.select %lt3A_2601, %broadcast_in_dim3A_2603, %select_n3A_2589 : vector<256x128xi1>, vector<256x128xi32>
    %min3A_2605 = arith.minimumf %sub3A_2600, %min3A_2590 : vector<256x128xf32>
    %get3A_2606 = arith.constant 0 : index
    %get3A_2607 = arith.constant 5248 : index
    %get3A_2608 = vector.load %arg5[%get3A_2606, %get3A_2607] : memref<1x8192xf32, #tpu.memory_space<vmem>>, vector<1x128xf32>
    %get3A_2609 = vector.shape_cast %get3A_2608 : vector<1x128xf32> to vector<128xf32>
    %broadcast_in_dim3A_2610 = vector.shape_cast %get3A_2609 : vector<128xf32> to vector<1x128xf32>
    %add3A_2611 = vector.broadcast %broadcast_in_dim3A_1987 : vector<256x1xf32> to vector<256x128xf32>
    %add3A_2612 = vector.broadcast %broadcast_in_dim3A_2610 : vector<1x128xf32> to vector<256x128xf32>
    %add3A_2613 = arith.addf %add3A_2611, %add3A_2612 : vector<256x128xf32>
    %slice3A_2614 = vector.extract_strided_slice %dot_general3A_1993 {offsets = [0, 5248], sizes = [256, 128], strides = [1, 1]} : vector<256x8192xf32> to vector<256x128xf32>
    %sub3A_2615 = arith.subf %add3A_2613, %slice3A_2614 : vector<256x128xf32>
    %lt3A_2616 = arith.cmpf olt, %sub3A_2615, %min3A_2605 : vector<256x128xf32>
    %jit3A_2617 = arith.constant 41 : i32
    %broadcast_in_dim3A_2618 = vector.broadcast %jit3A_2617 : i32 to vector<256x128xi32>
    %select_n3A_2619 = arith.select %lt3A_2616, %broadcast_in_dim3A_2618, %select_n3A_2604 : vector<256x128xi1>, vector<256x128xi32>
    %min3A_2620 = arith.minimumf %sub3A_2615, %min3A_2605 : vector<256x128xf32>
    %get3A_2621 = arith.constant 0 : index
    %get3A_2622 = arith.constant 5376 : index
    %get3A_2623 = vector.load %arg5[%get3A_2621, %get3A_2622] : memref<1x8192xf32, #tpu.memory_space<vmem>>, vector<1x128xf32>
    %get3A_2624 = vector.shape_cast %get3A_2623 : vector<1x128xf32> to vector<128xf32>
    %broadcast_in_dim3A_2625 = vector.shape_cast %get3A_2624 : vector<128xf32> to vector<1x128xf32>
    %add3A_2626 = vector.broadcast %broadcast_in_dim3A_1987 : vector<256x1xf32> to vector<256x128xf32>
    %add3A_2627 = vector.broadcast %broadcast_in_dim3A_2625 : vector<1x128xf32> to vector<256x128xf32>
    %add3A_2628 = arith.addf %add3A_2626, %add3A_2627 : vector<256x128xf32>
    %slice3A_2629 = vector.extract_strided_slice %dot_general3A_1993 {offsets = [0, 5376], sizes = [256, 128], strides = [1, 1]} : vector<256x8192xf32> to vector<256x128xf32>
    %sub3A_2630 = arith.subf %add3A_2628, %slice3A_2629 : vector<256x128xf32>
    %lt3A_2631 = arith.cmpf olt, %sub3A_2630, %min3A_2620 : vector<256x128xf32>
    %jit3A_2632 = arith.constant 42 : i32
    %broadcast_in_dim3A_2633 = vector.broadcast %jit3A_2632 : i32 to vector<256x128xi32>
    %select_n3A_2634 = arith.select %lt3A_2631, %broadcast_in_dim3A_2633, %select_n3A_2619 : vector<256x128xi1>, vector<256x128xi32>
    %min3A_2635 = arith.minimumf %sub3A_2630, %min3A_2620 : vector<256x128xf32>
    %get3A_2636 = arith.constant 0 : index
    %get3A_2637 = arith.constant 5504 : index
    %get3A_2638 = vector.load %arg5[%get3A_2636, %get3A_2637] : memref<1x8192xf32, #tpu.memory_space<vmem>>, vector<1x128xf32>
    %get3A_2639 = vector.shape_cast %get3A_2638 : vector<1x128xf32> to vector<128xf32>
    %broadcast_in_dim3A_2640 = vector.shape_cast %get3A_2639 : vector<128xf32> to vector<1x128xf32>
    %add3A_2641 = vector.broadcast %broadcast_in_dim3A_1987 : vector<256x1xf32> to vector<256x128xf32>
    %add3A_2642 = vector.broadcast %broadcast_in_dim3A_2640 : vector<1x128xf32> to vector<256x128xf32>
    %add3A_2643 = arith.addf %add3A_2641, %add3A_2642 : vector<256x128xf32>
    %slice3A_2644 = vector.extract_strided_slice %dot_general3A_1993 {offsets = [0, 5504], sizes = [256, 128], strides = [1, 1]} : vector<256x8192xf32> to vector<256x128xf32>
    %sub3A_2645 = arith.subf %add3A_2643, %slice3A_2644 : vector<256x128xf32>
    %lt3A_2646 = arith.cmpf olt, %sub3A_2645, %min3A_2635 : vector<256x128xf32>
    %jit3A_2647 = arith.constant 43 : i32
    %broadcast_in_dim3A_2648 = vector.broadcast %jit3A_2647 : i32 to vector<256x128xi32>
    %select_n3A_2649 = arith.select %lt3A_2646, %broadcast_in_dim3A_2648, %select_n3A_2634 : vector<256x128xi1>, vector<256x128xi32>
    %min3A_2650 = arith.minimumf %sub3A_2645, %min3A_2635 : vector<256x128xf32>
    %get3A_2651 = arith.constant 0 : index
    %get3A_2652 = arith.constant 5632 : index
    %get3A_2653 = vector.load %arg5[%get3A_2651, %get3A_2652] : memref<1x8192xf32, #tpu.memory_space<vmem>>, vector<1x128xf32>
    %get3A_2654 = vector.shape_cast %get3A_2653 : vector<1x128xf32> to vector<128xf32>
    %broadcast_in_dim3A_2655 = vector.shape_cast %get3A_2654 : vector<128xf32> to vector<1x128xf32>
    %add3A_2656 = vector.broadcast %broadcast_in_dim3A_1987 : vector<256x1xf32> to vector<256x128xf32>
    %add3A_2657 = vector.broadcast %broadcast_in_dim3A_2655 : vector<1x128xf32> to vector<256x128xf32>
    %add3A_2658 = arith.addf %add3A_2656, %add3A_2657 : vector<256x128xf32>
    %slice3A_2659 = vector.extract_strided_slice %dot_general3A_1993 {offsets = [0, 5632], sizes = [256, 128], strides = [1, 1]} : vector<256x8192xf32> to vector<256x128xf32>
    %sub3A_2660 = arith.subf %add3A_2658, %slice3A_2659 : vector<256x128xf32>
    %lt3A_2661 = arith.cmpf olt, %sub3A_2660, %min3A_2650 : vector<256x128xf32>
    %jit3A_2662 = arith.constant 44 : i32
    %broadcast_in_dim3A_2663 = vector.broadcast %jit3A_2662 : i32 to vector<256x128xi32>
    %select_n3A_2664 = arith.select %lt3A_2661, %broadcast_in_dim3A_2663, %select_n3A_2649 : vector<256x128xi1>, vector<256x128xi32>
    %min3A_2665 = arith.minimumf %sub3A_2660, %min3A_2650 : vector<256x128xf32>
    %get3A_2666 = arith.constant 0 : index
    %get3A_2667 = arith.constant 5760 : index
    %get3A_2668 = vector.load %arg5[%get3A_2666, %get3A_2667] : memref<1x8192xf32, #tpu.memory_space<vmem>>, vector<1x128xf32>
    %get3A_2669 = vector.shape_cast %get3A_2668 : vector<1x128xf32> to vector<128xf32>
    %broadcast_in_dim3A_2670 = vector.shape_cast %get3A_2669 : vector<128xf32> to vector<1x128xf32>
    %add3A_2671 = vector.broadcast %broadcast_in_dim3A_1987 : vector<256x1xf32> to vector<256x128xf32>
    %add3A_2672 = vector.broadcast %broadcast_in_dim3A_2670 : vector<1x128xf32> to vector<256x128xf32>
    %add3A_2673 = arith.addf %add3A_2671, %add3A_2672 : vector<256x128xf32>
    %slice3A_2674 = vector.extract_strided_slice %dot_general3A_1993 {offsets = [0, 5760], sizes = [256, 128], strides = [1, 1]} : vector<256x8192xf32> to vector<256x128xf32>
    %sub3A_2675 = arith.subf %add3A_2673, %slice3A_2674 : vector<256x128xf32>
    %lt3A_2676 = arith.cmpf olt, %sub3A_2675, %min3A_2665 : vector<256x128xf32>
    %jit3A_2677 = arith.constant 45 : i32
    %broadcast_in_dim3A_2678 = vector.broadcast %jit3A_2677 : i32 to vector<256x128xi32>
    %select_n3A_2679 = arith.select %lt3A_2676, %broadcast_in_dim3A_2678, %select_n3A_2664 : vector<256x128xi1>, vector<256x128xi32>
    %min3A_2680 = arith.minimumf %sub3A_2675, %min3A_2665 : vector<256x128xf32>
    %get3A_2681 = arith.constant 0 : index
    %get3A_2682 = arith.constant 5888 : index
    %get3A_2683 = vector.load %arg5[%get3A_2681, %get3A_2682] : memref<1x8192xf32, #tpu.memory_space<vmem>>, vector<1x128xf32>
    %get3A_2684 = vector.shape_cast %get3A_2683 : vector<1x128xf32> to vector<128xf32>
    %broadcast_in_dim3A_2685 = vector.shape_cast %get3A_2684 : vector<128xf32> to vector<1x128xf32>
    %add3A_2686 = vector.broadcast %broadcast_in_dim3A_1987 : vector<256x1xf32> to vector<256x128xf32>
    %add3A_2687 = vector.broadcast %broadcast_in_dim3A_2685 : vector<1x128xf32> to vector<256x128xf32>
    %add3A_2688 = arith.addf %add3A_2686, %add3A_2687 : vector<256x128xf32>
    %slice3A_2689 = vector.extract_strided_slice %dot_general3A_1993 {offsets = [0, 5888], sizes = [256, 128], strides = [1, 1]} : vector<256x8192xf32> to vector<256x128xf32>
    %sub3A_2690 = arith.subf %add3A_2688, %slice3A_2689 : vector<256x128xf32>
    %lt3A_2691 = arith.cmpf olt, %sub3A_2690, %min3A_2680 : vector<256x128xf32>
    %jit3A_2692 = arith.constant 46 : i32
    %broadcast_in_dim3A_2693 = vector.broadcast %jit3A_2692 : i32 to vector<256x128xi32>
    %select_n3A_2694 = arith.select %lt3A_2691, %broadcast_in_dim3A_2693, %select_n3A_2679 : vector<256x128xi1>, vector<256x128xi32>
    %min3A_2695 = arith.minimumf %sub3A_2690, %min3A_2680 : vector<256x128xf32>
    %get3A_2696 = arith.constant 0 : index
    %get3A_2697 = arith.constant 6016 : index
    %get3A_2698 = vector.load %arg5[%get3A_2696, %get3A_2697] : memref<1x8192xf32, #tpu.memory_space<vmem>>, vector<1x128xf32>
    %get3A_2699 = vector.shape_cast %get3A_2698 : vector<1x128xf32> to vector<128xf32>
    %broadcast_in_dim3A_2700 = vector.shape_cast %get3A_2699 : vector<128xf32> to vector<1x128xf32>
    %add3A_2701 = vector.broadcast %broadcast_in_dim3A_1987 : vector<256x1xf32> to vector<256x128xf32>
    %add3A_2702 = vector.broadcast %broadcast_in_dim3A_2700 : vector<1x128xf32> to vector<256x128xf32>
    %add3A_2703 = arith.addf %add3A_2701, %add3A_2702 : vector<256x128xf32>
    %slice3A_2704 = vector.extract_strided_slice %dot_general3A_1993 {offsets = [0, 6016], sizes = [256, 128], strides = [1, 1]} : vector<256x8192xf32> to vector<256x128xf32>
    %sub3A_2705 = arith.subf %add3A_2703, %slice3A_2704 : vector<256x128xf32>
    %lt3A_2706 = arith.cmpf olt, %sub3A_2705, %min3A_2695 : vector<256x128xf32>
    %jit3A_2707 = arith.constant 47 : i32
    %broadcast_in_dim3A_2708 = vector.broadcast %jit3A_2707 : i32 to vector<256x128xi32>
    %select_n3A_2709 = arith.select %lt3A_2706, %broadcast_in_dim3A_2708, %select_n3A_2694 : vector<256x128xi1>, vector<256x128xi32>
    %min3A_2710 = arith.minimumf %sub3A_2705, %min3A_2695 : vector<256x128xf32>
    %get3A_2711 = arith.constant 0 : index
    %get3A_2712 = arith.constant 6144 : index
    %get3A_2713 = vector.load %arg5[%get3A_2711, %get3A_2712] : memref<1x8192xf32, #tpu.memory_space<vmem>>, vector<1x128xf32>
    %get3A_2714 = vector.shape_cast %get3A_2713 : vector<1x128xf32> to vector<128xf32>
    %broadcast_in_dim3A_2715 = vector.shape_cast %get3A_2714 : vector<128xf32> to vector<1x128xf32>
    %add3A_2716 = vector.broadcast %broadcast_in_dim3A_1987 : vector<256x1xf32> to vector<256x128xf32>
    %add3A_2717 = vector.broadcast %broadcast_in_dim3A_2715 : vector<1x128xf32> to vector<256x128xf32>
    %add3A_2718 = arith.addf %add3A_2716, %add3A_2717 : vector<256x128xf32>
    %slice3A_2719 = vector.extract_strided_slice %dot_general3A_1993 {offsets = [0, 6144], sizes = [256, 128], strides = [1, 1]} : vector<256x8192xf32> to vector<256x128xf32>
    %sub3A_2720 = arith.subf %add3A_2718, %slice3A_2719 : vector<256x128xf32>
    %lt3A_2721 = arith.cmpf olt, %sub3A_2720, %min3A_2710 : vector<256x128xf32>
    %jit3A_2722 = arith.constant 48 : i32
    %broadcast_in_dim3A_2723 = vector.broadcast %jit3A_2722 : i32 to vector<256x128xi32>
    %select_n3A_2724 = arith.select %lt3A_2721, %broadcast_in_dim3A_2723, %select_n3A_2709 : vector<256x128xi1>, vector<256x128xi32>
    %min3A_2725 = arith.minimumf %sub3A_2720, %min3A_2710 : vector<256x128xf32>
    %get3A_2726 = arith.constant 0 : index
    %get3A_2727 = arith.constant 6272 : index
    %get3A_2728 = vector.load %arg5[%get3A_2726, %get3A_2727] : memref<1x8192xf32, #tpu.memory_space<vmem>>, vector<1x128xf32>
    %get3A_2729 = vector.shape_cast %get3A_2728 : vector<1x128xf32> to vector<128xf32>
    %broadcast_in_dim3A_2730 = vector.shape_cast %get3A_2729 : vector<128xf32> to vector<1x128xf32>
    %add3A_2731 = vector.broadcast %broadcast_in_dim3A_1987 : vector<256x1xf32> to vector<256x128xf32>
    %add3A_2732 = vector.broadcast %broadcast_in_dim3A_2730 : vector<1x128xf32> to vector<256x128xf32>
    %add3A_2733 = arith.addf %add3A_2731, %add3A_2732 : vector<256x128xf32>
    %slice3A_2734 = vector.extract_strided_slice %dot_general3A_1993 {offsets = [0, 6272], sizes = [256, 128], strides = [1, 1]} : vector<256x8192xf32> to vector<256x128xf32>
    %sub3A_2735 = arith.subf %add3A_2733, %slice3A_2734 : vector<256x128xf32>
    %lt3A_2736 = arith.cmpf olt, %sub3A_2735, %min3A_2725 : vector<256x128xf32>
    %jit3A_2737 = arith.constant 49 : i32
    %broadcast_in_dim3A_2738 = vector.broadcast %jit3A_2737 : i32 to vector<256x128xi32>
    %select_n3A_2739 = arith.select %lt3A_2736, %broadcast_in_dim3A_2738, %select_n3A_2724 : vector<256x128xi1>, vector<256x128xi32>
    %min3A_2740 = arith.minimumf %sub3A_2735, %min3A_2725 : vector<256x128xf32>
    %get3A_2741 = arith.constant 0 : index
    %get3A_2742 = arith.constant 6400 : index
    %get3A_2743 = vector.load %arg5[%get3A_2741, %get3A_2742] : memref<1x8192xf32, #tpu.memory_space<vmem>>, vector<1x128xf32>
    %get3A_2744 = vector.shape_cast %get3A_2743 : vector<1x128xf32> to vector<128xf32>
    %broadcast_in_dim3A_2745 = vector.shape_cast %get3A_2744 : vector<128xf32> to vector<1x128xf32>
    %add3A_2746 = vector.broadcast %broadcast_in_dim3A_1987 : vector<256x1xf32> to vector<256x128xf32>
    %add3A_2747 = vector.broadcast %broadcast_in_dim3A_2745 : vector<1x128xf32> to vector<256x128xf32>
    %add3A_2748 = arith.addf %add3A_2746, %add3A_2747 : vector<256x128xf32>
    %slice3A_2749 = vector.extract_strided_slice %dot_general3A_1993 {offsets = [0, 6400], sizes = [256, 128], strides = [1, 1]} : vector<256x8192xf32> to vector<256x128xf32>
    %sub3A_2750 = arith.subf %add3A_2748, %slice3A_2749 : vector<256x128xf32>
    %lt3A_2751 = arith.cmpf olt, %sub3A_2750, %min3A_2740 : vector<256x128xf32>
    %jit3A_2752 = arith.constant 50 : i32
    %broadcast_in_dim3A_2753 = vector.broadcast %jit3A_2752 : i32 to vector<256x128xi32>
    %select_n3A_2754 = arith.select %lt3A_2751, %broadcast_in_dim3A_2753, %select_n3A_2739 : vector<256x128xi1>, vector<256x128xi32>
    %min3A_2755 = arith.minimumf %sub3A_2750, %min3A_2740 : vector<256x128xf32>
    %get3A_2756 = arith.constant 0 : index
    %get3A_2757 = arith.constant 6528 : index
    %get3A_2758 = vector.load %arg5[%get3A_2756, %get3A_2757] : memref<1x8192xf32, #tpu.memory_space<vmem>>, vector<1x128xf32>
    %get3A_2759 = vector.shape_cast %get3A_2758 : vector<1x128xf32> to vector<128xf32>
    %broadcast_in_dim3A_2760 = vector.shape_cast %get3A_2759 : vector<128xf32> to vector<1x128xf32>
    %add3A_2761 = vector.broadcast %broadcast_in_dim3A_1987 : vector<256x1xf32> to vector<256x128xf32>
    %add3A_2762 = vector.broadcast %broadcast_in_dim3A_2760 : vector<1x128xf32> to vector<256x128xf32>
    %add3A_2763 = arith.addf %add3A_2761, %add3A_2762 : vector<256x128xf32>
    %slice3A_2764 = vector.extract_strided_slice %dot_general3A_1993 {offsets = [0, 6528], sizes = [256, 128], strides = [1, 1]} : vector<256x8192xf32> to vector<256x128xf32>
    %sub3A_2765 = arith.subf %add3A_2763, %slice3A_2764 : vector<256x128xf32>
    %lt3A_2766 = arith.cmpf olt, %sub3A_2765, %min3A_2755 : vector<256x128xf32>
    %jit3A_2767 = arith.constant 51 : i32
    %broadcast_in_dim3A_2768 = vector.broadcast %jit3A_2767 : i32 to vector<256x128xi32>
    %select_n3A_2769 = arith.select %lt3A_2766, %broadcast_in_dim3A_2768, %select_n3A_2754 : vector<256x128xi1>, vector<256x128xi32>
    %min3A_2770 = arith.minimumf %sub3A_2765, %min3A_2755 : vector<256x128xf32>
    %get3A_2771 = arith.constant 0 : index
    %get3A_2772 = arith.constant 6656 : index
    %get3A_2773 = vector.load %arg5[%get3A_2771, %get3A_2772] : memref<1x8192xf32, #tpu.memory_space<vmem>>, vector<1x128xf32>
    %get3A_2774 = vector.shape_cast %get3A_2773 : vector<1x128xf32> to vector<128xf32>
    %broadcast_in_dim3A_2775 = vector.shape_cast %get3A_2774 : vector<128xf32> to vector<1x128xf32>
    %add3A_2776 = vector.broadcast %broadcast_in_dim3A_1987 : vector<256x1xf32> to vector<256x128xf32>
    %add3A_2777 = vector.broadcast %broadcast_in_dim3A_2775 : vector<1x128xf32> to vector<256x128xf32>
    %add3A_2778 = arith.addf %add3A_2776, %add3A_2777 : vector<256x128xf32>
    %slice3A_2779 = vector.extract_strided_slice %dot_general3A_1993 {offsets = [0, 6656], sizes = [256, 128], strides = [1, 1]} : vector<256x8192xf32> to vector<256x128xf32>
    %sub3A_2780 = arith.subf %add3A_2778, %slice3A_2779 : vector<256x128xf32>
    %lt3A_2781 = arith.cmpf olt, %sub3A_2780, %min3A_2770 : vector<256x128xf32>
    %jit3A_2782 = arith.constant 52 : i32
    %broadcast_in_dim3A_2783 = vector.broadcast %jit3A_2782 : i32 to vector<256x128xi32>
    %select_n3A_2784 = arith.select %lt3A_2781, %broadcast_in_dim3A_2783, %select_n3A_2769 : vector<256x128xi1>, vector<256x128xi32>
    %min3A_2785 = arith.minimumf %sub3A_2780, %min3A_2770 : vector<256x128xf32>
    %get3A_2786 = arith.constant 0 : index
    %get3A_2787 = arith.constant 6784 : index
    %get3A_2788 = vector.load %arg5[%get3A_2786, %get3A_2787] : memref<1x8192xf32, #tpu.memory_space<vmem>>, vector<1x128xf32>
    %get3A_2789 = vector.shape_cast %get3A_2788 : vector<1x128xf32> to vector<128xf32>
    %broadcast_in_dim3A_2790 = vector.shape_cast %get3A_2789 : vector<128xf32> to vector<1x128xf32>
    %add3A_2791 = vector.broadcast %broadcast_in_dim3A_1987 : vector<256x1xf32> to vector<256x128xf32>
    %add3A_2792 = vector.broadcast %broadcast_in_dim3A_2790 : vector<1x128xf32> to vector<256x128xf32>
    %add3A_2793 = arith.addf %add3A_2791, %add3A_2792 : vector<256x128xf32>
    %slice3A_2794 = vector.extract_strided_slice %dot_general3A_1993 {offsets = [0, 6784], sizes = [256, 128], strides = [1, 1]} : vector<256x8192xf32> to vector<256x128xf32>
    %sub3A_2795 = arith.subf %add3A_2793, %slice3A_2794 : vector<256x128xf32>
    %lt3A_2796 = arith.cmpf olt, %sub3A_2795, %min3A_2785 : vector<256x128xf32>
    %jit3A_2797 = arith.constant 53 : i32
    %broadcast_in_dim3A_2798 = vector.broadcast %jit3A_2797 : i32 to vector<256x128xi32>
    %select_n3A_2799 = arith.select %lt3A_2796, %broadcast_in_dim3A_2798, %select_n3A_2784 : vector<256x128xi1>, vector<256x128xi32>
    %min3A_2800 = arith.minimumf %sub3A_2795, %min3A_2785 : vector<256x128xf32>
    %get3A_2801 = arith.constant 0 : index
    %get3A_2802 = arith.constant 6912 : index
    %get3A_2803 = vector.load %arg5[%get3A_2801, %get3A_2802] : memref<1x8192xf32, #tpu.memory_space<vmem>>, vector<1x128xf32>
    %get3A_2804 = vector.shape_cast %get3A_2803 : vector<1x128xf32> to vector<128xf32>
    %broadcast_in_dim3A_2805 = vector.shape_cast %get3A_2804 : vector<128xf32> to vector<1x128xf32>
    %add3A_2806 = vector.broadcast %broadcast_in_dim3A_1987 : vector<256x1xf32> to vector<256x128xf32>
    %add3A_2807 = vector.broadcast %broadcast_in_dim3A_2805 : vector<1x128xf32> to vector<256x128xf32>
    %add3A_2808 = arith.addf %add3A_2806, %add3A_2807 : vector<256x128xf32>
    %slice3A_2809 = vector.extract_strided_slice %dot_general3A_1993 {offsets = [0, 6912], sizes = [256, 128], strides = [1, 1]} : vector<256x8192xf32> to vector<256x128xf32>
    %sub3A_2810 = arith.subf %add3A_2808, %slice3A_2809 : vector<256x128xf32>
    %lt3A_2811 = arith.cmpf olt, %sub3A_2810, %min3A_2800 : vector<256x128xf32>
    %jit3A_2812 = arith.constant 54 : i32
    %broadcast_in_dim3A_2813 = vector.broadcast %jit3A_2812 : i32 to vector<256x128xi32>
    %select_n3A_2814 = arith.select %lt3A_2811, %broadcast_in_dim3A_2813, %select_n3A_2799 : vector<256x128xi1>, vector<256x128xi32>
    %min3A_2815 = arith.minimumf %sub3A_2810, %min3A_2800 : vector<256x128xf32>
    %get3A_2816 = arith.constant 0 : index
    %get3A_2817 = arith.constant 7040 : index
    %get3A_2818 = vector.load %arg5[%get3A_2816, %get3A_2817] : memref<1x8192xf32, #tpu.memory_space<vmem>>, vector<1x128xf32>
    %get3A_2819 = vector.shape_cast %get3A_2818 : vector<1x128xf32> to vector<128xf32>
    %broadcast_in_dim3A_2820 = vector.shape_cast %get3A_2819 : vector<128xf32> to vector<1x128xf32>
    %add3A_2821 = vector.broadcast %broadcast_in_dim3A_1987 : vector<256x1xf32> to vector<256x128xf32>
    %add3A_2822 = vector.broadcast %broadcast_in_dim3A_2820 : vector<1x128xf32> to vector<256x128xf32>
    %add3A_2823 = arith.addf %add3A_2821, %add3A_2822 : vector<256x128xf32>
    %slice3A_2824 = vector.extract_strided_slice %dot_general3A_1993 {offsets = [0, 7040], sizes = [256, 128], strides = [1, 1]} : vector<256x8192xf32> to vector<256x128xf32>
    %sub3A_2825 = arith.subf %add3A_2823, %slice3A_2824 : vector<256x128xf32>
    %lt3A_2826 = arith.cmpf olt, %sub3A_2825, %min3A_2815 : vector<256x128xf32>
    %jit3A_2827 = arith.constant 55 : i32
    %broadcast_in_dim3A_2828 = vector.broadcast %jit3A_2827 : i32 to vector<256x128xi32>
    %select_n3A_2829 = arith.select %lt3A_2826, %broadcast_in_dim3A_2828, %select_n3A_2814 : vector<256x128xi1>, vector<256x128xi32>
    %min3A_2830 = arith.minimumf %sub3A_2825, %min3A_2815 : vector<256x128xf32>
    %get3A_2831 = arith.constant 0 : index
    %get3A_2832 = arith.constant 7168 : index
    %get3A_2833 = vector.load %arg5[%get3A_2831, %get3A_2832] : memref<1x8192xf32, #tpu.memory_space<vmem>>, vector<1x128xf32>
    %get3A_2834 = vector.shape_cast %get3A_2833 : vector<1x128xf32> to vector<128xf32>
    %broadcast_in_dim3A_2835 = vector.shape_cast %get3A_2834 : vector<128xf32> to vector<1x128xf32>
    %add3A_2836 = vector.broadcast %broadcast_in_dim3A_1987 : vector<256x1xf32> to vector<256x128xf32>
    %add3A_2837 = vector.broadcast %broadcast_in_dim3A_2835 : vector<1x128xf32> to vector<256x128xf32>
    %add3A_2838 = arith.addf %add3A_2836, %add3A_2837 : vector<256x128xf32>
    %slice3A_2839 = vector.extract_strided_slice %dot_general3A_1993 {offsets = [0, 7168], sizes = [256, 128], strides = [1, 1]} : vector<256x8192xf32> to vector<256x128xf32>
    %sub3A_2840 = arith.subf %add3A_2838, %slice3A_2839 : vector<256x128xf32>
    %lt3A_2841 = arith.cmpf olt, %sub3A_2840, %min3A_2830 : vector<256x128xf32>
    %jit3A_2842 = arith.constant 56 : i32
    %broadcast_in_dim3A_2843 = vector.broadcast %jit3A_2842 : i32 to vector<256x128xi32>
    %select_n3A_2844 = arith.select %lt3A_2841, %broadcast_in_dim3A_2843, %select_n3A_2829 : vector<256x128xi1>, vector<256x128xi32>
    %min3A_2845 = arith.minimumf %sub3A_2840, %min3A_2830 : vector<256x128xf32>
    %get3A_2846 = arith.constant 0 : index
    %get3A_2847 = arith.constant 7296 : index
    %get3A_2848 = vector.load %arg5[%get3A_2846, %get3A_2847] : memref<1x8192xf32, #tpu.memory_space<vmem>>, vector<1x128xf32>
    %get3A_2849 = vector.shape_cast %get3A_2848 : vector<1x128xf32> to vector<128xf32>
    %broadcast_in_dim3A_2850 = vector.shape_cast %get3A_2849 : vector<128xf32> to vector<1x128xf32>
    %add3A_2851 = vector.broadcast %broadcast_in_dim3A_1987 : vector<256x1xf32> to vector<256x128xf32>
    %add3A_2852 = vector.broadcast %broadcast_in_dim3A_2850 : vector<1x128xf32> to vector<256x128xf32>
    %add3A_2853 = arith.addf %add3A_2851, %add3A_2852 : vector<256x128xf32>
    %slice3A_2854 = vector.extract_strided_slice %dot_general3A_1993 {offsets = [0, 7296], sizes = [256, 128], strides = [1, 1]} : vector<256x8192xf32> to vector<256x128xf32>
    %sub3A_2855 = arith.subf %add3A_2853, %slice3A_2854 : vector<256x128xf32>
    %lt3A_2856 = arith.cmpf olt, %sub3A_2855, %min3A_2845 : vector<256x128xf32>
    %jit3A_2857 = arith.constant 57 : i32
    %broadcast_in_dim3A_2858 = vector.broadcast %jit3A_2857 : i32 to vector<256x128xi32>
    %select_n3A_2859 = arith.select %lt3A_2856, %broadcast_in_dim3A_2858, %select_n3A_2844 : vector<256x128xi1>, vector<256x128xi32>
    %min3A_2860 = arith.minimumf %sub3A_2855, %min3A_2845 : vector<256x128xf32>
    %get3A_2861 = arith.constant 0 : index
    %get3A_2862 = arith.constant 7424 : index
    %get3A_2863 = vector.load %arg5[%get3A_2861, %get3A_2862] : memref<1x8192xf32, #tpu.memory_space<vmem>>, vector<1x128xf32>
    %get3A_2864 = vector.shape_cast %get3A_2863 : vector<1x128xf32> to vector<128xf32>
    %broadcast_in_dim3A_2865 = vector.shape_cast %get3A_2864 : vector<128xf32> to vector<1x128xf32>
    %add3A_2866 = vector.broadcast %broadcast_in_dim3A_1987 : vector<256x1xf32> to vector<256x128xf32>
    %add3A_2867 = vector.broadcast %broadcast_in_dim3A_2865 : vector<1x128xf32> to vector<256x128xf32>
    %add3A_2868 = arith.addf %add3A_2866, %add3A_2867 : vector<256x128xf32>
    %slice3A_2869 = vector.extract_strided_slice %dot_general3A_1993 {offsets = [0, 7424], sizes = [256, 128], strides = [1, 1]} : vector<256x8192xf32> to vector<256x128xf32>
    %sub3A_2870 = arith.subf %add3A_2868, %slice3A_2869 : vector<256x128xf32>
    %lt3A_2871 = arith.cmpf olt, %sub3A_2870, %min3A_2860 : vector<256x128xf32>
    %jit3A_2872 = arith.constant 58 : i32
    %broadcast_in_dim3A_2873 = vector.broadcast %jit3A_2872 : i32 to vector<256x128xi32>
    %select_n3A_2874 = arith.select %lt3A_2871, %broadcast_in_dim3A_2873, %select_n3A_2859 : vector<256x128xi1>, vector<256x128xi32>
    %min3A_2875 = arith.minimumf %sub3A_2870, %min3A_2860 : vector<256x128xf32>
    %get3A_2876 = arith.constant 0 : index
    %get3A_2877 = arith.constant 7552 : index
    %get3A_2878 = vector.load %arg5[%get3A_2876, %get3A_2877] : memref<1x8192xf32, #tpu.memory_space<vmem>>, vector<1x128xf32>
    %get3A_2879 = vector.shape_cast %get3A_2878 : vector<1x128xf32> to vector<128xf32>
    %broadcast_in_dim3A_2880 = vector.shape_cast %get3A_2879 : vector<128xf32> to vector<1x128xf32>
    %add3A_2881 = vector.broadcast %broadcast_in_dim3A_1987 : vector<256x1xf32> to vector<256x128xf32>
    %add3A_2882 = vector.broadcast %broadcast_in_dim3A_2880 : vector<1x128xf32> to vector<256x128xf32>
    %add3A_2883 = arith.addf %add3A_2881, %add3A_2882 : vector<256x128xf32>
    %slice3A_2884 = vector.extract_strided_slice %dot_general3A_1993 {offsets = [0, 7552], sizes = [256, 128], strides = [1, 1]} : vector<256x8192xf32> to vector<256x128xf32>
    %sub3A_2885 = arith.subf %add3A_2883, %slice3A_2884 : vector<256x128xf32>
    %lt3A_2886 = arith.cmpf olt, %sub3A_2885, %min3A_2875 : vector<256x128xf32>
    %jit3A_2887 = arith.constant 59 : i32
    %broadcast_in_dim3A_2888 = vector.broadcast %jit3A_2887 : i32 to vector<256x128xi32>
    %select_n3A_2889 = arith.select %lt3A_2886, %broadcast_in_dim3A_2888, %select_n3A_2874 : vector<256x128xi1>, vector<256x128xi32>
    %min3A_2890 = arith.minimumf %sub3A_2885, %min3A_2875 : vector<256x128xf32>
    %get3A_2891 = arith.constant 0 : index
    %get3A_2892 = arith.constant 7680 : index
    %get3A_2893 = vector.load %arg5[%get3A_2891, %get3A_2892] : memref<1x8192xf32, #tpu.memory_space<vmem>>, vector<1x128xf32>
    %get3A_2894 = vector.shape_cast %get3A_2893 : vector<1x128xf32> to vector<128xf32>
    %broadcast_in_dim3A_2895 = vector.shape_cast %get3A_2894 : vector<128xf32> to vector<1x128xf32>
    %add3A_2896 = vector.broadcast %broadcast_in_dim3A_1987 : vector<256x1xf32> to vector<256x128xf32>
    %add3A_2897 = vector.broadcast %broadcast_in_dim3A_2895 : vector<1x128xf32> to vector<256x128xf32>
    %add3A_2898 = arith.addf %add3A_2896, %add3A_2897 : vector<256x128xf32>
    %slice3A_2899 = vector.extract_strided_slice %dot_general3A_1993 {offsets = [0, 7680], sizes = [256, 128], strides = [1, 1]} : vector<256x8192xf32> to vector<256x128xf32>
    %sub3A_2900 = arith.subf %add3A_2898, %slice3A_2899 : vector<256x128xf32>
    %lt3A_2901 = arith.cmpf olt, %sub3A_2900, %min3A_2890 : vector<256x128xf32>
    %jit3A_2902 = arith.constant 60 : i32
    %broadcast_in_dim3A_2903 = vector.broadcast %jit3A_2902 : i32 to vector<256x128xi32>
    %select_n3A_2904 = arith.select %lt3A_2901, %broadcast_in_dim3A_2903, %select_n3A_2889 : vector<256x128xi1>, vector<256x128xi32>
    %min3A_2905 = arith.minimumf %sub3A_2900, %min3A_2890 : vector<256x128xf32>
    %get3A_2906 = arith.constant 0 : index
    %get3A_2907 = arith.constant 7808 : index
    %get3A_2908 = vector.load %arg5[%get3A_2906, %get3A_2907] : memref<1x8192xf32, #tpu.memory_space<vmem>>, vector<1x128xf32>
    %get3A_2909 = vector.shape_cast %get3A_2908 : vector<1x128xf32> to vector<128xf32>
    %broadcast_in_dim3A_2910 = vector.shape_cast %get3A_2909 : vector<128xf32> to vector<1x128xf32>
    %add3A_2911 = vector.broadcast %broadcast_in_dim3A_1987 : vector<256x1xf32> to vector<256x128xf32>
    %add3A_2912 = vector.broadcast %broadcast_in_dim3A_2910 : vector<1x128xf32> to vector<256x128xf32>
    %add3A_2913 = arith.addf %add3A_2911, %add3A_2912 : vector<256x128xf32>
    %slice3A_2914 = vector.extract_strided_slice %dot_general3A_1993 {offsets = [0, 7808], sizes = [256, 128], strides = [1, 1]} : vector<256x8192xf32> to vector<256x128xf32>
    %sub3A_2915 = arith.subf %add3A_2913, %slice3A_2914 : vector<256x128xf32>
    %lt3A_2916 = arith.cmpf olt, %sub3A_2915, %min3A_2905 : vector<256x128xf32>
    %jit3A_2917 = arith.constant 61 : i32
    %broadcast_in_dim3A_2918 = vector.broadcast %jit3A_2917 : i32 to vector<256x128xi32>
    %select_n3A_2919 = arith.select %lt3A_2916, %broadcast_in_dim3A_2918, %select_n3A_2904 : vector<256x128xi1>, vector<256x128xi32>
    %min3A_2920 = arith.minimumf %sub3A_2915, %min3A_2905 : vector<256x128xf32>
    %get3A_2921 = arith.constant 0 : index
    %get3A_2922 = arith.constant 7936 : index
    %get3A_2923 = vector.load %arg5[%get3A_2921, %get3A_2922] : memref<1x8192xf32, #tpu.memory_space<vmem>>, vector<1x128xf32>
    %get3A_2924 = vector.shape_cast %get3A_2923 : vector<1x128xf32> to vector<128xf32>
    %broadcast_in_dim3A_2925 = vector.shape_cast %get3A_2924 : vector<128xf32> to vector<1x128xf32>
    %add3A_2926 = vector.broadcast %broadcast_in_dim3A_1987 : vector<256x1xf32> to vector<256x128xf32>
    %add3A_2927 = vector.broadcast %broadcast_in_dim3A_2925 : vector<1x128xf32> to vector<256x128xf32>
    %add3A_2928 = arith.addf %add3A_2926, %add3A_2927 : vector<256x128xf32>
    %slice3A_2929 = vector.extract_strided_slice %dot_general3A_1993 {offsets = [0, 7936], sizes = [256, 128], strides = [1, 1]} : vector<256x8192xf32> to vector<256x128xf32>
    %sub3A_2930 = arith.subf %add3A_2928, %slice3A_2929 : vector<256x128xf32>
    %lt3A_2931 = arith.cmpf olt, %sub3A_2930, %min3A_2920 : vector<256x128xf32>
    %jit3A_2932 = arith.constant 62 : i32
    %broadcast_in_dim3A_2933 = vector.broadcast %jit3A_2932 : i32 to vector<256x128xi32>
    %select_n3A_2934 = arith.select %lt3A_2931, %broadcast_in_dim3A_2933, %select_n3A_2919 : vector<256x128xi1>, vector<256x128xi32>
    %min3A_2935 = arith.minimumf %sub3A_2930, %min3A_2920 : vector<256x128xf32>
    %get3A_2936 = arith.constant 0 : index
    %get3A_2937 = arith.constant 8064 : index
    %get3A_2938 = vector.load %arg5[%get3A_2936, %get3A_2937] : memref<1x8192xf32, #tpu.memory_space<vmem>>, vector<1x128xf32>
    %get3A_2939 = vector.shape_cast %get3A_2938 : vector<1x128xf32> to vector<128xf32>
    %broadcast_in_dim3A_2940 = vector.shape_cast %get3A_2939 : vector<128xf32> to vector<1x128xf32>
    %add3A_2941 = vector.broadcast %broadcast_in_dim3A_1987 : vector<256x1xf32> to vector<256x128xf32>
    %add3A_2942 = vector.broadcast %broadcast_in_dim3A_2940 : vector<1x128xf32> to vector<256x128xf32>
    %add3A_2943 = arith.addf %add3A_2941, %add3A_2942 : vector<256x128xf32>
    %slice3A_2944 = vector.extract_strided_slice %dot_general3A_1993 {offsets = [0, 8064], sizes = [256, 128], strides = [1, 1]} : vector<256x8192xf32> to vector<256x128xf32>
    %sub3A_2945 = arith.subf %add3A_2943, %slice3A_2944 : vector<256x128xf32>
    %lt3A_2946 = arith.cmpf olt, %sub3A_2945, %min3A_2935 : vector<256x128xf32>
    %jit3A_2947 = arith.constant 63 : i32
    %broadcast_in_dim3A_2948 = vector.broadcast %jit3A_2947 : i32 to vector<256x128xi32>
    %select_n3A_2949 = arith.select %lt3A_2946, %broadcast_in_dim3A_2948, %select_n3A_2934 : vector<256x128xi1>, vector<256x128xi32>
    %min3A_2950 = arith.minimumf %sub3A_2945, %min3A_2935 : vector<256x128xf32>
    %mul3A_2951 = arith.constant 128 : i32
    %mul3A_2952 = vector.broadcast %mul3A_2951 : i32 to vector<256x128xi32>
    %mul3A_2953 = arith.muli %select_n3A_2949, %mul3A_2952 : vector<256x128xi32>
    %iota3A_2954 = tpu.iota {dimensions = array<i32: 1>} : vector<256x128xi32>
    %add3A_2955 = arith.addi %mul3A_2953, %iota3A_2954 : vector<256x128xi32>
    %reduce_min3A_2956 = arith.constant dense<0x7F800000> : vector<256xf32>
    %reduce_min3A_2957 = vector.multi_reduction <minimumf>, %min3A_2950, %reduce_min3A_2956 [1] : vector<256x128xf32> to vector<256xf32>
    %broadcast_in_dim3A_2958 = vector.shape_cast %reduce_min3A_2957 : vector<256xf32> to vector<256x1xf32>
    %eq3A_2959 = vector.broadcast %broadcast_in_dim3A_2958 : vector<256x1xf32> to vector<256x128xf32>
    %eq3A_2960 = arith.cmpf oeq, %min3A_2950, %eq3A_2959 : vector<256x128xf32>
    %jit3A_2961 = arith.constant 1073741824 : i32
    %broadcast_in_dim3A_2962 = vector.broadcast %jit3A_2961 : i32 to vector<256x128xi32>
    %select_n3A_2963 = arith.select %eq3A_2960, %add3A_2955, %broadcast_in_dim3A_2962 : vector<256x128xi1>, vector<256x128xi32>
    %reduce_min3A_2964 = arith.constant dense<2147483647> : vector<256xi32>
    %reduce_min3A_2965 = vector.multi_reduction <minsi>, %select_n3A_2963, %reduce_min3A_2964 [1] : vector<256x128xi32> to vector<256xi32>
    %swap3A_2966 = arith.constant 0 : index
    %swap3A_2967 = arith.constant 0 : index
    %swap3A_2968 = arith.constant 512 : index
    %swap3A_2969 = vector.load %arg3[%swap3A_2966, %swap3A_2967, %swap3A_2968] : memref<1x1x1024xi32, #tpu.memory_space<vmem>>, vector<1x1x256xi32>
    %swap3A_2970 = vector.shape_cast %swap3A_2969 : vector<1x1x256xi32> to vector<256xi32>
    %swap3A_2971 = vector.shape_cast %reduce_min3A_2965 : vector<256xi32> to vector<1x1x256xi32>
    tpu.vector_store %arg3[%swap3A_2966, %swap3A_2967, %swap3A_2968], %swap3A_2971 {strides = array<i32>} : memref<1x1x1024xi32, #tpu.memory_space<vmem>>, vector<1x1x256xi32>,
    %squeeze3A_2972 = vector.shape_cast %broadcast_in_dim3A_2958 : vector<256x1xf32> to vector<256xf32>
    %swap3A_2973 = arith.constant 0 : index
    %swap3A_2974 = arith.constant 0 : index
    %swap3A_2975 = arith.constant 512 : index
    %swap3A_2976 = vector.load %arg4[%swap3A_2973, %swap3A_2974, %swap3A_2975] : memref<1x1x1024xf32, #tpu.memory_space<vmem>>, vector<1x1x256xf32>
    %swap3A_2977 = vector.shape_cast %swap3A_2976 : vector<1x1x256xf32> to vector<256xf32>
    %swap3A_2978 = vector.shape_cast %squeeze3A_2972 : vector<256xf32> to vector<1x1x256xf32>
    tpu.vector_store %arg4[%swap3A_2973, %swap3A_2974, %swap3A_2975], %swap3A_2978 {strides = array<i32>} : memref<1x1x1024xf32, #tpu.memory_space<vmem>>, vector<1x1x256xf32>,
    %slice3A_2979 = vector.extract_strided_slice %transpose3A {offsets = [768, 0], sizes = [256, 256], strides = [1, 1]} : vector<1024x256xf32> to vector<256x256xf32>
    %mul3A_2980 = arith.mulf %slice3A_2979, %slice3A_2979 : vector<256x256xf32>
    %reduce_sum3A_2981 = arith.constant dense<0.000000e+00> : vector<256xf32>
    %reduce_sum3A_2982 = vector.multi_reduction <add>, %mul3A_2980, %reduce_sum3A_2981 [1] : vector<256x256xf32> to vector<256xf32>
    %broadcast_in_dim3A_2983 = vector.shape_cast %reduce_sum3A_2982 : vector<256xf32> to vector<256x1xf32>
    %add3A_2984 = arith.addf %slice3A_2979, %slice3A_2979 : vector<256x256xf32>
    %get3A_2985 = arith.constant 0 : index
    %get3A_2986 = arith.constant 0 : index
    %get3A_2987 = vector.load %arg2[%get3A_2985, %get3A_2986] : memref<8192x256xf32, #tpu.memory_space<vmem>>, vector<8192x256xf32>
    %dot_general3A_2988 = arith.constant dense<0.000000e+00> : vector<256x8192xf32>
    %dot_general3A_2989 = tpu.matmul %add3A_2984, %get3A_2987, %dot_general3A_2988 {dimension_numbers = #tpu.dot_dimension_numbers<[1], [1], [0], [0], [0, 0, 1, 0], [], []>, transpose_lhs_hint = false} : vector<256x256xf32>, vector<8192x256xf32>, vector<256x8192xf32> -> vector<256x8192xf32>
    %get3A_2990 = arith.constant 0 : index
    %get3A_2991 = arith.constant 0 : index
    %get3A_2992 = vector.load %arg5[%get3A_2990, %get3A_2991] : memref<1x8192xf32, #tpu.memory_space<vmem>>, vector<1x128xf32>
    %get3A_2993 = vector.shape_cast %get3A_2992 : vector<1x128xf32> to vector<128xf32>
    %broadcast_in_dim3A_2994 = vector.shape_cast %get3A_2993 : vector<128xf32> to vector<1x128xf32>
    %add3A_2995 = vector.broadcast %broadcast_in_dim3A_2983 : vector<256x1xf32> to vector<256x128xf32>
    %add3A_2996 = vector.broadcast %broadcast_in_dim3A_2994 : vector<1x128xf32> to vector<256x128xf32>
    %add3A_2997 = arith.addf %add3A_2995, %add3A_2996 : vector<256x128xf32>
    %slice3A_2998 = vector.extract_strided_slice %dot_general3A_2989 {offsets = [0, 0], sizes = [256, 128], strides = [1, 1]} : vector<256x8192xf32> to vector<256x128xf32>
    %sub3A_2999 = arith.subf %add3A_2997, %slice3A_2998 : vector<256x128xf32>
    %broadcast_in_dim3A_3000 = arith.constant 0 : i32
    %broadcast_in_dim3A_3001 = vector.broadcast %broadcast_in_dim3A_3000 : i32 to vector<256x128xi32>
    %get3A_3002 = arith.constant 0 : index
    %get3A_3003 = arith.constant 128 : index
    %get3A_3004 = vector.load %arg5[%get3A_3002, %get3A_3003] : memref<1x8192xf32, #tpu.memory_space<vmem>>, vector<1x128xf32>
    %get3A_3005 = vector.shape_cast %get3A_3004 : vector<1x128xf32> to vector<128xf32>
    %broadcast_in_dim3A_3006 = vector.shape_cast %get3A_3005 : vector<128xf32> to vector<1x128xf32>
    %add3A_3007 = vector.broadcast %broadcast_in_dim3A_2983 : vector<256x1xf32> to vector<256x128xf32>
    %add3A_3008 = vector.broadcast %broadcast_in_dim3A_3006 : vector<1x128xf32> to vector<256x128xf32>
    %add3A_3009 = arith.addf %add3A_3007, %add3A_3008 : vector<256x128xf32>
    %slice3A_3010 = vector.extract_strided_slice %dot_general3A_2989 {offsets = [0, 128], sizes = [256, 128], strides = [1, 1]} : vector<256x8192xf32> to vector<256x128xf32>
    %sub3A_3011 = arith.subf %add3A_3009, %slice3A_3010 : vector<256x128xf32>
    %lt3A_3012 = arith.cmpf olt, %sub3A_3011, %sub3A_2999 : vector<256x128xf32>
    %jit3A_3013 = arith.constant 1 : i32
    %broadcast_in_dim3A_3014 = vector.broadcast %jit3A_3013 : i32 to vector<256x128xi32>
    %select_n3A_3015 = arith.select %lt3A_3012, %broadcast_in_dim3A_3014, %broadcast_in_dim3A_3001 : vector<256x128xi1>, vector<256x128xi32>
    %min3A_3016 = arith.minimumf %sub3A_3011, %sub3A_2999 : vector<256x128xf32>
    %get3A_3017 = arith.constant 0 : index
    %get3A_3018 = arith.constant 256 : index
    %get3A_3019 = vector.load %arg5[%get3A_3017, %get3A_3018] : memref<1x8192xf32, #tpu.memory_space<vmem>>, vector<1x128xf32>
    %get3A_3020 = vector.shape_cast %get3A_3019 : vector<1x128xf32> to vector<128xf32>
    %broadcast_in_dim3A_3021 = vector.shape_cast %get3A_3020 : vector<128xf32> to vector<1x128xf32>
    %add3A_3022 = vector.broadcast %broadcast_in_dim3A_2983 : vector<256x1xf32> to vector<256x128xf32>
    %add3A_3023 = vector.broadcast %broadcast_in_dim3A_3021 : vector<1x128xf32> to vector<256x128xf32>
    %add3A_3024 = arith.addf %add3A_3022, %add3A_3023 : vector<256x128xf32>
    %slice3A_3025 = vector.extract_strided_slice %dot_general3A_2989 {offsets = [0, 256], sizes = [256, 128], strides = [1, 1]} : vector<256x8192xf32> to vector<256x128xf32>
    %sub3A_3026 = arith.subf %add3A_3024, %slice3A_3025 : vector<256x128xf32>
    %lt3A_3027 = arith.cmpf olt, %sub3A_3026, %min3A_3016 : vector<256x128xf32>
    %jit3A_3028 = arith.constant 2 : i32
    %broadcast_in_dim3A_3029 = vector.broadcast %jit3A_3028 : i32 to vector<256x128xi32>
    %select_n3A_3030 = arith.select %lt3A_3027, %broadcast_in_dim3A_3029, %select_n3A_3015 : vector<256x128xi1>, vector<256x128xi32>
    %min3A_3031 = arith.minimumf %sub3A_3026, %min3A_3016 : vector<256x128xf32>
    %get3A_3032 = arith.constant 0 : index
    %get3A_3033 = arith.constant 384 : index
    %get3A_3034 = vector.load %arg5[%get3A_3032, %get3A_3033] : memref<1x8192xf32, #tpu.memory_space<vmem>>, vector<1x128xf32>
    %get3A_3035 = vector.shape_cast %get3A_3034 : vector<1x128xf32> to vector<128xf32>
    %broadcast_in_dim3A_3036 = vector.shape_cast %get3A_3035 : vector<128xf32> to vector<1x128xf32>
    %add3A_3037 = vector.broadcast %broadcast_in_dim3A_2983 : vector<256x1xf32> to vector<256x128xf32>
    %add3A_3038 = vector.broadcast %broadcast_in_dim3A_3036 : vector<1x128xf32> to vector<256x128xf32>
    %add3A_3039 = arith.addf %add3A_3037, %add3A_3038 : vector<256x128xf32>
    %slice3A_3040 = vector.extract_strided_slice %dot_general3A_2989 {offsets = [0, 384], sizes = [256, 128], strides = [1, 1]} : vector<256x8192xf32> to vector<256x128xf32>
    %sub3A_3041 = arith.subf %add3A_3039, %slice3A_3040 : vector<256x128xf32>
    %lt3A_3042 = arith.cmpf olt, %sub3A_3041, %min3A_3031 : vector<256x128xf32>
    %jit3A_3043 = arith.constant 3 : i32
    %broadcast_in_dim3A_3044 = vector.broadcast %jit3A_3043 : i32 to vector<256x128xi32>
    %select_n3A_3045 = arith.select %lt3A_3042, %broadcast_in_dim3A_3044, %select_n3A_3030 : vector<256x128xi1>, vector<256x128xi32>
    %min3A_3046 = arith.minimumf %sub3A_3041, %min3A_3031 : vector<256x128xf32>
    %get3A_3047 = arith.constant 0 : index
    %get3A_3048 = arith.constant 512 : index
    %get3A_3049 = vector.load %arg5[%get3A_3047, %get3A_3048] : memref<1x8192xf32, #tpu.memory_space<vmem>>, vector<1x128xf32>
    %get3A_3050 = vector.shape_cast %get3A_3049 : vector<1x128xf32> to vector<128xf32>
    %broadcast_in_dim3A_3051 = vector.shape_cast %get3A_3050 : vector<128xf32> to vector<1x128xf32>
    %add3A_3052 = vector.broadcast %broadcast_in_dim3A_2983 : vector<256x1xf32> to vector<256x128xf32>
    %add3A_3053 = vector.broadcast %broadcast_in_dim3A_3051 : vector<1x128xf32> to vector<256x128xf32>
    %add3A_3054 = arith.addf %add3A_3052, %add3A_3053 : vector<256x128xf32>
    %slice3A_3055 = vector.extract_strided_slice %dot_general3A_2989 {offsets = [0, 512], sizes = [256, 128], strides = [1, 1]} : vector<256x8192xf32> to vector<256x128xf32>
    %sub3A_3056 = arith.subf %add3A_3054, %slice3A_3055 : vector<256x128xf32>
    %lt3A_3057 = arith.cmpf olt, %sub3A_3056, %min3A_3046 : vector<256x128xf32>
    %jit3A_3058 = arith.constant 4 : i32
    %broadcast_in_dim3A_3059 = vector.broadcast %jit3A_3058 : i32 to vector<256x128xi32>
    %select_n3A_3060 = arith.select %lt3A_3057, %broadcast_in_dim3A_3059, %select_n3A_3045 : vector<256x128xi1>, vector<256x128xi32>
    %min3A_3061 = arith.minimumf %sub3A_3056, %min3A_3046 : vector<256x128xf32>
    %get3A_3062 = arith.constant 0 : index
    %get3A_3063 = arith.constant 640 : index
    %get3A_3064 = vector.load %arg5[%get3A_3062, %get3A_3063] : memref<1x8192xf32, #tpu.memory_space<vmem>>, vector<1x128xf32>
    %get3A_3065 = vector.shape_cast %get3A_3064 : vector<1x128xf32> to vector<128xf32>
    %broadcast_in_dim3A_3066 = vector.shape_cast %get3A_3065 : vector<128xf32> to vector<1x128xf32>
    %add3A_3067 = vector.broadcast %broadcast_in_dim3A_2983 : vector<256x1xf32> to vector<256x128xf32>
    %add3A_3068 = vector.broadcast %broadcast_in_dim3A_3066 : vector<1x128xf32> to vector<256x128xf32>
    %add3A_3069 = arith.addf %add3A_3067, %add3A_3068 : vector<256x128xf32>
    %slice3A_3070 = vector.extract_strided_slice %dot_general3A_2989 {offsets = [0, 640], sizes = [256, 128], strides = [1, 1]} : vector<256x8192xf32> to vector<256x128xf32>
    %sub3A_3071 = arith.subf %add3A_3069, %slice3A_3070 : vector<256x128xf32>
    %lt3A_3072 = arith.cmpf olt, %sub3A_3071, %min3A_3061 : vector<256x128xf32>
    %jit3A_3073 = arith.constant 5 : i32
    %broadcast_in_dim3A_3074 = vector.broadcast %jit3A_3073 : i32 to vector<256x128xi32>
    %select_n3A_3075 = arith.select %lt3A_3072, %broadcast_in_dim3A_3074, %select_n3A_3060 : vector<256x128xi1>, vector<256x128xi32>
    %min3A_3076 = arith.minimumf %sub3A_3071, %min3A_3061 : vector<256x128xf32>
    %get3A_3077 = arith.constant 0 : index
    %get3A_3078 = arith.constant 768 : index
    %get3A_3079 = vector.load %arg5[%get3A_3077, %get3A_3078] : memref<1x8192xf32, #tpu.memory_space<vmem>>, vector<1x128xf32>
    %get3A_3080 = vector.shape_cast %get3A_3079 : vector<1x128xf32> to vector<128xf32>
    %broadcast_in_dim3A_3081 = vector.shape_cast %get3A_3080 : vector<128xf32> to vector<1x128xf32>
    %add3A_3082 = vector.broadcast %broadcast_in_dim3A_2983 : vector<256x1xf32> to vector<256x128xf32>
    %add3A_3083 = vector.broadcast %broadcast_in_dim3A_3081 : vector<1x128xf32> to vector<256x128xf32>
    %add3A_3084 = arith.addf %add3A_3082, %add3A_3083 : vector<256x128xf32>
    %slice3A_3085 = vector.extract_strided_slice %dot_general3A_2989 {offsets = [0, 768], sizes = [256, 128], strides = [1, 1]} : vector<256x8192xf32> to vector<256x128xf32>
    %sub3A_3086 = arith.subf %add3A_3084, %slice3A_3085 : vector<256x128xf32>
    %lt3A_3087 = arith.cmpf olt, %sub3A_3086, %min3A_3076 : vector<256x128xf32>
    %jit3A_3088 = arith.constant 6 : i32
    %broadcast_in_dim3A_3089 = vector.broadcast %jit3A_3088 : i32 to vector<256x128xi32>
    %select_n3A_3090 = arith.select %lt3A_3087, %broadcast_in_dim3A_3089, %select_n3A_3075 : vector<256x128xi1>, vector<256x128xi32>
    %min3A_3091 = arith.minimumf %sub3A_3086, %min3A_3076 : vector<256x128xf32>
    %get3A_3092 = arith.constant 0 : index
    %get3A_3093 = arith.constant 896 : index
    %get3A_3094 = vector.load %arg5[%get3A_3092, %get3A_3093] : memref<1x8192xf32, #tpu.memory_space<vmem>>, vector<1x128xf32>
    %get3A_3095 = vector.shape_cast %get3A_3094 : vector<1x128xf32> to vector<128xf32>
    %broadcast_in_dim3A_3096 = vector.shape_cast %get3A_3095 : vector<128xf32> to vector<1x128xf32>
    %add3A_3097 = vector.broadcast %broadcast_in_dim3A_2983 : vector<256x1xf32> to vector<256x128xf32>
    %add3A_3098 = vector.broadcast %broadcast_in_dim3A_3096 : vector<1x128xf32> to vector<256x128xf32>
    %add3A_3099 = arith.addf %add3A_3097, %add3A_3098 : vector<256x128xf32>
    %slice3A_3100 = vector.extract_strided_slice %dot_general3A_2989 {offsets = [0, 896], sizes = [256, 128], strides = [1, 1]} : vector<256x8192xf32> to vector<256x128xf32>
    %sub3A_3101 = arith.subf %add3A_3099, %slice3A_3100 : vector<256x128xf32>
    %lt3A_3102 = arith.cmpf olt, %sub3A_3101, %min3A_3091 : vector<256x128xf32>
    %jit3A_3103 = arith.constant 7 : i32
    %broadcast_in_dim3A_3104 = vector.broadcast %jit3A_3103 : i32 to vector<256x128xi32>
    %select_n3A_3105 = arith.select %lt3A_3102, %broadcast_in_dim3A_3104, %select_n3A_3090 : vector<256x128xi1>, vector<256x128xi32>
    %min3A_3106 = arith.minimumf %sub3A_3101, %min3A_3091 : vector<256x128xf32>
    %get3A_3107 = arith.constant 0 : index
    %get3A_3108 = arith.constant 1024 : index
    %get3A_3109 = vector.load %arg5[%get3A_3107, %get3A_3108] : memref<1x8192xf32, #tpu.memory_space<vmem>>, vector<1x128xf32>
    %get3A_3110 = vector.shape_cast %get3A_3109 : vector<1x128xf32> to vector<128xf32>
    %broadcast_in_dim3A_3111 = vector.shape_cast %get3A_3110 : vector<128xf32> to vector<1x128xf32>
    %add3A_3112 = vector.broadcast %broadcast_in_dim3A_2983 : vector<256x1xf32> to vector<256x128xf32>
    %add3A_3113 = vector.broadcast %broadcast_in_dim3A_3111 : vector<1x128xf32> to vector<256x128xf32>
    %add3A_3114 = arith.addf %add3A_3112, %add3A_3113 : vector<256x128xf32>
    %slice3A_3115 = vector.extract_strided_slice %dot_general3A_2989 {offsets = [0, 1024], sizes = [256, 128], strides = [1, 1]} : vector<256x8192xf32> to vector<256x128xf32>
    %sub3A_3116 = arith.subf %add3A_3114, %slice3A_3115 : vector<256x128xf32>
    %lt3A_3117 = arith.cmpf olt, %sub3A_3116, %min3A_3106 : vector<256x128xf32>
    %jit3A_3118 = arith.constant 8 : i32
    %broadcast_in_dim3A_3119 = vector.broadcast %jit3A_3118 : i32 to vector<256x128xi32>
    %select_n3A_3120 = arith.select %lt3A_3117, %broadcast_in_dim3A_3119, %select_n3A_3105 : vector<256x128xi1>, vector<256x128xi32>
    %min3A_3121 = arith.minimumf %sub3A_3116, %min3A_3106 : vector<256x128xf32>
    %get3A_3122 = arith.constant 0 : index
    %get3A_3123 = arith.constant 1152 : index
    %get3A_3124 = vector.load %arg5[%get3A_3122, %get3A_3123] : memref<1x8192xf32, #tpu.memory_space<vmem>>, vector<1x128xf32>
    %get3A_3125 = vector.shape_cast %get3A_3124 : vector<1x128xf32> to vector<128xf32>
    %broadcast_in_dim3A_3126 = vector.shape_cast %get3A_3125 : vector<128xf32> to vector<1x128xf32>
    %add3A_3127 = vector.broadcast %broadcast_in_dim3A_2983 : vector<256x1xf32> to vector<256x128xf32>
    %add3A_3128 = vector.broadcast %broadcast_in_dim3A_3126 : vector<1x128xf32> to vector<256x128xf32>
    %add3A_3129 = arith.addf %add3A_3127, %add3A_3128 : vector<256x128xf32>
    %slice3A_3130 = vector.extract_strided_slice %dot_general3A_2989 {offsets = [0, 1152], sizes = [256, 128], strides = [1, 1]} : vector<256x8192xf32> to vector<256x128xf32>
    %sub3A_3131 = arith.subf %add3A_3129, %slice3A_3130 : vector<256x128xf32>
    %lt3A_3132 = arith.cmpf olt, %sub3A_3131, %min3A_3121 : vector<256x128xf32>
    %jit3A_3133 = arith.constant 9 : i32
    %broadcast_in_dim3A_3134 = vector.broadcast %jit3A_3133 : i32 to vector<256x128xi32>
    %select_n3A_3135 = arith.select %lt3A_3132, %broadcast_in_dim3A_3134, %select_n3A_3120 : vector<256x128xi1>, vector<256x128xi32>
    %min3A_3136 = arith.minimumf %sub3A_3131, %min3A_3121 : vector<256x128xf32>
    %get3A_3137 = arith.constant 0 : index
    %get3A_3138 = arith.constant 1280 : index
    %get3A_3139 = vector.load %arg5[%get3A_3137, %get3A_3138] : memref<1x8192xf32, #tpu.memory_space<vmem>>, vector<1x128xf32>
    %get3A_3140 = vector.shape_cast %get3A_3139 : vector<1x128xf32> to vector<128xf32>
    %broadcast_in_dim3A_3141 = vector.shape_cast %get3A_3140 : vector<128xf32> to vector<1x128xf32>
    %add3A_3142 = vector.broadcast %broadcast_in_dim3A_2983 : vector<256x1xf32> to vector<256x128xf32>
    %add3A_3143 = vector.broadcast %broadcast_in_dim3A_3141 : vector<1x128xf32> to vector<256x128xf32>
    %add3A_3144 = arith.addf %add3A_3142, %add3A_3143 : vector<256x128xf32>
    %slice3A_3145 = vector.extract_strided_slice %dot_general3A_2989 {offsets = [0, 1280], sizes = [256, 128], strides = [1, 1]} : vector<256x8192xf32> to vector<256x128xf32>
    %sub3A_3146 = arith.subf %add3A_3144, %slice3A_3145 : vector<256x128xf32>
    %lt3A_3147 = arith.cmpf olt, %sub3A_3146, %min3A_3136 : vector<256x128xf32>
    %jit3A_3148 = arith.constant 10 : i32
    %broadcast_in_dim3A_3149 = vector.broadcast %jit3A_3148 : i32 to vector<256x128xi32>
    %select_n3A_3150 = arith.select %lt3A_3147, %broadcast_in_dim3A_3149, %select_n3A_3135 : vector<256x128xi1>, vector<256x128xi32>
    %min3A_3151 = arith.minimumf %sub3A_3146, %min3A_3136 : vector<256x128xf32>
    %get3A_3152 = arith.constant 0 : index
    %get3A_3153 = arith.constant 1408 : index
    %get3A_3154 = vector.load %arg5[%get3A_3152, %get3A_3153] : memref<1x8192xf32, #tpu.memory_space<vmem>>, vector<1x128xf32>
    %get3A_3155 = vector.shape_cast %get3A_3154 : vector<1x128xf32> to vector<128xf32>
    %broadcast_in_dim3A_3156 = vector.shape_cast %get3A_3155 : vector<128xf32> to vector<1x128xf32>
    %add3A_3157 = vector.broadcast %broadcast_in_dim3A_2983 : vector<256x1xf32> to vector<256x128xf32>
    %add3A_3158 = vector.broadcast %broadcast_in_dim3A_3156 : vector<1x128xf32> to vector<256x128xf32>
    %add3A_3159 = arith.addf %add3A_3157, %add3A_3158 : vector<256x128xf32>
    %slice3A_3160 = vector.extract_strided_slice %dot_general3A_2989 {offsets = [0, 1408], sizes = [256, 128], strides = [1, 1]} : vector<256x8192xf32> to vector<256x128xf32>
    %sub3A_3161 = arith.subf %add3A_3159, %slice3A_3160 : vector<256x128xf32>
    %lt3A_3162 = arith.cmpf olt, %sub3A_3161, %min3A_3151 : vector<256x128xf32>
    %jit3A_3163 = arith.constant 11 : i32
    %broadcast_in_dim3A_3164 = vector.broadcast %jit3A_3163 : i32 to vector<256x128xi32>
    %select_n3A_3165 = arith.select %lt3A_3162, %broadcast_in_dim3A_3164, %select_n3A_3150 : vector<256x128xi1>, vector<256x128xi32>
    %min3A_3166 = arith.minimumf %sub3A_3161, %min3A_3151 : vector<256x128xf32>
    %get3A_3167 = arith.constant 0 : index
    %get3A_3168 = arith.constant 1536 : index
    %get3A_3169 = vector.load %arg5[%get3A_3167, %get3A_3168] : memref<1x8192xf32, #tpu.memory_space<vmem>>, vector<1x128xf32>
    %get3A_3170 = vector.shape_cast %get3A_3169 : vector<1x128xf32> to vector<128xf32>
    %broadcast_in_dim3A_3171 = vector.shape_cast %get3A_3170 : vector<128xf32> to vector<1x128xf32>
    %add3A_3172 = vector.broadcast %broadcast_in_dim3A_2983 : vector<256x1xf32> to vector<256x128xf32>
    %add3A_3173 = vector.broadcast %broadcast_in_dim3A_3171 : vector<1x128xf32> to vector<256x128xf32>
    %add3A_3174 = arith.addf %add3A_3172, %add3A_3173 : vector<256x128xf32>
    %slice3A_3175 = vector.extract_strided_slice %dot_general3A_2989 {offsets = [0, 1536], sizes = [256, 128], strides = [1, 1]} : vector<256x8192xf32> to vector<256x128xf32>
    %sub3A_3176 = arith.subf %add3A_3174, %slice3A_3175 : vector<256x128xf32>
    %lt3A_3177 = arith.cmpf olt, %sub3A_3176, %min3A_3166 : vector<256x128xf32>
    %jit3A_3178 = arith.constant 12 : i32
    %broadcast_in_dim3A_3179 = vector.broadcast %jit3A_3178 : i32 to vector<256x128xi32>
    %select_n3A_3180 = arith.select %lt3A_3177, %broadcast_in_dim3A_3179, %select_n3A_3165 : vector<256x128xi1>, vector<256x128xi32>
    %min3A_3181 = arith.minimumf %sub3A_3176, %min3A_3166 : vector<256x128xf32>
    %get3A_3182 = arith.constant 0 : index
    %get3A_3183 = arith.constant 1664 : index
    %get3A_3184 = vector.load %arg5[%get3A_3182, %get3A_3183] : memref<1x8192xf32, #tpu.memory_space<vmem>>, vector<1x128xf32>
    %get3A_3185 = vector.shape_cast %get3A_3184 : vector<1x128xf32> to vector<128xf32>
    %broadcast_in_dim3A_3186 = vector.shape_cast %get3A_3185 : vector<128xf32> to vector<1x128xf32>
    %add3A_3187 = vector.broadcast %broadcast_in_dim3A_2983 : vector<256x1xf32> to vector<256x128xf32>
    %add3A_3188 = vector.broadcast %broadcast_in_dim3A_3186 : vector<1x128xf32> to vector<256x128xf32>
    %add3A_3189 = arith.addf %add3A_3187, %add3A_3188 : vector<256x128xf32>
    %slice3A_3190 = vector.extract_strided_slice %dot_general3A_2989 {offsets = [0, 1664], sizes = [256, 128], strides = [1, 1]} : vector<256x8192xf32> to vector<256x128xf32>
    %sub3A_3191 = arith.subf %add3A_3189, %slice3A_3190 : vector<256x128xf32>
    %lt3A_3192 = arith.cmpf olt, %sub3A_3191, %min3A_3181 : vector<256x128xf32>
    %jit3A_3193 = arith.constant 13 : i32
    %broadcast_in_dim3A_3194 = vector.broadcast %jit3A_3193 : i32 to vector<256x128xi32>
    %select_n3A_3195 = arith.select %lt3A_3192, %broadcast_in_dim3A_3194, %select_n3A_3180 : vector<256x128xi1>, vector<256x128xi32>
    %min3A_3196 = arith.minimumf %sub3A_3191, %min3A_3181 : vector<256x128xf32>
    %get3A_3197 = arith.constant 0 : index
    %get3A_3198 = arith.constant 1792 : index
    %get3A_3199 = vector.load %arg5[%get3A_3197, %get3A_3198] : memref<1x8192xf32, #tpu.memory_space<vmem>>, vector<1x128xf32>
    %get3A_3200 = vector.shape_cast %get3A_3199 : vector<1x128xf32> to vector<128xf32>
    %broadcast_in_dim3A_3201 = vector.shape_cast %get3A_3200 : vector<128xf32> to vector<1x128xf32>
    %add3A_3202 = vector.broadcast %broadcast_in_dim3A_2983 : vector<256x1xf32> to vector<256x128xf32>
    %add3A_3203 = vector.broadcast %broadcast_in_dim3A_3201 : vector<1x128xf32> to vector<256x128xf32>
    %add3A_3204 = arith.addf %add3A_3202, %add3A_3203 : vector<256x128xf32>
    %slice3A_3205 = vector.extract_strided_slice %dot_general3A_2989 {offsets = [0, 1792], sizes = [256, 128], strides = [1, 1]} : vector<256x8192xf32> to vector<256x128xf32>
    %sub3A_3206 = arith.subf %add3A_3204, %slice3A_3205 : vector<256x128xf32>
    %lt3A_3207 = arith.cmpf olt, %sub3A_3206, %min3A_3196 : vector<256x128xf32>
    %jit3A_3208 = arith.constant 14 : i32
    %broadcast_in_dim3A_3209 = vector.broadcast %jit3A_3208 : i32 to vector<256x128xi32>
    %select_n3A_3210 = arith.select %lt3A_3207, %broadcast_in_dim3A_3209, %select_n3A_3195 : vector<256x128xi1>, vector<256x128xi32>
    %min3A_3211 = arith.minimumf %sub3A_3206, %min3A_3196 : vector<256x128xf32>
    %get3A_3212 = arith.constant 0 : index
    %get3A_3213 = arith.constant 1920 : index
    %get3A_3214 = vector.load %arg5[%get3A_3212, %get3A_3213] : memref<1x8192xf32, #tpu.memory_space<vmem>>, vector<1x128xf32>
    %get3A_3215 = vector.shape_cast %get3A_3214 : vector<1x128xf32> to vector<128xf32>
    %broadcast_in_dim3A_3216 = vector.shape_cast %get3A_3215 : vector<128xf32> to vector<1x128xf32>
    %add3A_3217 = vector.broadcast %broadcast_in_dim3A_2983 : vector<256x1xf32> to vector<256x128xf32>
    %add3A_3218 = vector.broadcast %broadcast_in_dim3A_3216 : vector<1x128xf32> to vector<256x128xf32>
    %add3A_3219 = arith.addf %add3A_3217, %add3A_3218 : vector<256x128xf32>
    %slice3A_3220 = vector.extract_strided_slice %dot_general3A_2989 {offsets = [0, 1920], sizes = [256, 128], strides = [1, 1]} : vector<256x8192xf32> to vector<256x128xf32>
    %sub3A_3221 = arith.subf %add3A_3219, %slice3A_3220 : vector<256x128xf32>
    %lt3A_3222 = arith.cmpf olt, %sub3A_3221, %min3A_3211 : vector<256x128xf32>
    %jit3A_3223 = arith.constant 15 : i32
    %broadcast_in_dim3A_3224 = vector.broadcast %jit3A_3223 : i32 to vector<256x128xi32>
    %select_n3A_3225 = arith.select %lt3A_3222, %broadcast_in_dim3A_3224, %select_n3A_3210 : vector<256x128xi1>, vector<256x128xi32>
    %min3A_3226 = arith.minimumf %sub3A_3221, %min3A_3211 : vector<256x128xf32>
    %get3A_3227 = arith.constant 0 : index
    %get3A_3228 = arith.constant 2048 : index
    %get3A_3229 = vector.load %arg5[%get3A_3227, %get3A_3228] : memref<1x8192xf32, #tpu.memory_space<vmem>>, vector<1x128xf32>
    %get3A_3230 = vector.shape_cast %get3A_3229 : vector<1x128xf32> to vector<128xf32>
    %broadcast_in_dim3A_3231 = vector.shape_cast %get3A_3230 : vector<128xf32> to vector<1x128xf32>
    %add3A_3232 = vector.broadcast %broadcast_in_dim3A_2983 : vector<256x1xf32> to vector<256x128xf32>
    %add3A_3233 = vector.broadcast %broadcast_in_dim3A_3231 : vector<1x128xf32> to vector<256x128xf32>
    %add3A_3234 = arith.addf %add3A_3232, %add3A_3233 : vector<256x128xf32>
    %slice3A_3235 = vector.extract_strided_slice %dot_general3A_2989 {offsets = [0, 2048], sizes = [256, 128], strides = [1, 1]} : vector<256x8192xf32> to vector<256x128xf32>
    %sub3A_3236 = arith.subf %add3A_3234, %slice3A_3235 : vector<256x128xf32>
    %lt3A_3237 = arith.cmpf olt, %sub3A_3236, %min3A_3226 : vector<256x128xf32>
    %jit3A_3238 = arith.constant 16 : i32
    %broadcast_in_dim3A_3239 = vector.broadcast %jit3A_3238 : i32 to vector<256x128xi32>
    %select_n3A_3240 = arith.select %lt3A_3237, %broadcast_in_dim3A_3239, %select_n3A_3225 : vector<256x128xi1>, vector<256x128xi32>
    %min3A_3241 = arith.minimumf %sub3A_3236, %min3A_3226 : vector<256x128xf32>
    %get3A_3242 = arith.constant 0 : index
    %get3A_3243 = arith.constant 2176 : index
    %get3A_3244 = vector.load %arg5[%get3A_3242, %get3A_3243] : memref<1x8192xf32, #tpu.memory_space<vmem>>, vector<1x128xf32>
    %get3A_3245 = vector.shape_cast %get3A_3244 : vector<1x128xf32> to vector<128xf32>
    %broadcast_in_dim3A_3246 = vector.shape_cast %get3A_3245 : vector<128xf32> to vector<1x128xf32>
    %add3A_3247 = vector.broadcast %broadcast_in_dim3A_2983 : vector<256x1xf32> to vector<256x128xf32>
    %add3A_3248 = vector.broadcast %broadcast_in_dim3A_3246 : vector<1x128xf32> to vector<256x128xf32>
    %add3A_3249 = arith.addf %add3A_3247, %add3A_3248 : vector<256x128xf32>
    %slice3A_3250 = vector.extract_strided_slice %dot_general3A_2989 {offsets = [0, 2176], sizes = [256, 128], strides = [1, 1]} : vector<256x8192xf32> to vector<256x128xf32>
    %sub3A_3251 = arith.subf %add3A_3249, %slice3A_3250 : vector<256x128xf32>
    %lt3A_3252 = arith.cmpf olt, %sub3A_3251, %min3A_3241 : vector<256x128xf32>
    %jit3A_3253 = arith.constant 17 : i32
    %broadcast_in_dim3A_3254 = vector.broadcast %jit3A_3253 : i32 to vector<256x128xi32>
    %select_n3A_3255 = arith.select %lt3A_3252, %broadcast_in_dim3A_3254, %select_n3A_3240 : vector<256x128xi1>, vector<256x128xi32>
    %min3A_3256 = arith.minimumf %sub3A_3251, %min3A_3241 : vector<256x128xf32>
    %get3A_3257 = arith.constant 0 : index
    %get3A_3258 = arith.constant 2304 : index
    %get3A_3259 = vector.load %arg5[%get3A_3257, %get3A_3258] : memref<1x8192xf32, #tpu.memory_space<vmem>>, vector<1x128xf32>
    %get3A_3260 = vector.shape_cast %get3A_3259 : vector<1x128xf32> to vector<128xf32>
    %broadcast_in_dim3A_3261 = vector.shape_cast %get3A_3260 : vector<128xf32> to vector<1x128xf32>
    %add3A_3262 = vector.broadcast %broadcast_in_dim3A_2983 : vector<256x1xf32> to vector<256x128xf32>
    %add3A_3263 = vector.broadcast %broadcast_in_dim3A_3261 : vector<1x128xf32> to vector<256x128xf32>
    %add3A_3264 = arith.addf %add3A_3262, %add3A_3263 : vector<256x128xf32>
    %slice3A_3265 = vector.extract_strided_slice %dot_general3A_2989 {offsets = [0, 2304], sizes = [256, 128], strides = [1, 1]} : vector<256x8192xf32> to vector<256x128xf32>
    %sub3A_3266 = arith.subf %add3A_3264, %slice3A_3265 : vector<256x128xf32>
    %lt3A_3267 = arith.cmpf olt, %sub3A_3266, %min3A_3256 : vector<256x128xf32>
    %jit3A_3268 = arith.constant 18 : i32
    %broadcast_in_dim3A_3269 = vector.broadcast %jit3A_3268 : i32 to vector<256x128xi32>
    %select_n3A_3270 = arith.select %lt3A_3267, %broadcast_in_dim3A_3269, %select_n3A_3255 : vector<256x128xi1>, vector<256x128xi32>
    %min3A_3271 = arith.minimumf %sub3A_3266, %min3A_3256 : vector<256x128xf32>
    %get3A_3272 = arith.constant 0 : index
    %get3A_3273 = arith.constant 2432 : index
    %get3A_3274 = vector.load %arg5[%get3A_3272, %get3A_3273] : memref<1x8192xf32, #tpu.memory_space<vmem>>, vector<1x128xf32>
    %get3A_3275 = vector.shape_cast %get3A_3274 : vector<1x128xf32> to vector<128xf32>
    %broadcast_in_dim3A_3276 = vector.shape_cast %get3A_3275 : vector<128xf32> to vector<1x128xf32>
    %add3A_3277 = vector.broadcast %broadcast_in_dim3A_2983 : vector<256x1xf32> to vector<256x128xf32>
    %add3A_3278 = vector.broadcast %broadcast_in_dim3A_3276 : vector<1x128xf32> to vector<256x128xf32>
    %add3A_3279 = arith.addf %add3A_3277, %add3A_3278 : vector<256x128xf32>
    %slice3A_3280 = vector.extract_strided_slice %dot_general3A_2989 {offsets = [0, 2432], sizes = [256, 128], strides = [1, 1]} : vector<256x8192xf32> to vector<256x128xf32>
    %sub3A_3281 = arith.subf %add3A_3279, %slice3A_3280 : vector<256x128xf32>
    %lt3A_3282 = arith.cmpf olt, %sub3A_3281, %min3A_3271 : vector<256x128xf32>
    %jit3A_3283 = arith.constant 19 : i32
    %broadcast_in_dim3A_3284 = vector.broadcast %jit3A_3283 : i32 to vector<256x128xi32>
    %select_n3A_3285 = arith.select %lt3A_3282, %broadcast_in_dim3A_3284, %select_n3A_3270 : vector<256x128xi1>, vector<256x128xi32>
    %min3A_3286 = arith.minimumf %sub3A_3281, %min3A_3271 : vector<256x128xf32>
    %get3A_3287 = arith.constant 0 : index
    %get3A_3288 = arith.constant 2560 : index
    %get3A_3289 = vector.load %arg5[%get3A_3287, %get3A_3288] : memref<1x8192xf32, #tpu.memory_space<vmem>>, vector<1x128xf32>
    %get3A_3290 = vector.shape_cast %get3A_3289 : vector<1x128xf32> to vector<128xf32>
    %broadcast_in_dim3A_3291 = vector.shape_cast %get3A_3290 : vector<128xf32> to vector<1x128xf32>
    %add3A_3292 = vector.broadcast %broadcast_in_dim3A_2983 : vector<256x1xf32> to vector<256x128xf32>
    %add3A_3293 = vector.broadcast %broadcast_in_dim3A_3291 : vector<1x128xf32> to vector<256x128xf32>
    %add3A_3294 = arith.addf %add3A_3292, %add3A_3293 : vector<256x128xf32>
    %slice3A_3295 = vector.extract_strided_slice %dot_general3A_2989 {offsets = [0, 2560], sizes = [256, 128], strides = [1, 1]} : vector<256x8192xf32> to vector<256x128xf32>
    %sub3A_3296 = arith.subf %add3A_3294, %slice3A_3295 : vector<256x128xf32>
    %lt3A_3297 = arith.cmpf olt, %sub3A_3296, %min3A_3286 : vector<256x128xf32>
    %jit3A_3298 = arith.constant 20 : i32
    %broadcast_in_dim3A_3299 = vector.broadcast %jit3A_3298 : i32 to vector<256x128xi32>
    %select_n3A_3300 = arith.select %lt3A_3297, %broadcast_in_dim3A_3299, %select_n3A_3285 : vector<256x128xi1>, vector<256x128xi32>
    %min3A_3301 = arith.minimumf %sub3A_3296, %min3A_3286 : vector<256x128xf32>
    %get3A_3302 = arith.constant 0 : index
    %get3A_3303 = arith.constant 2688 : index
    %get3A_3304 = vector.load %arg5[%get3A_3302, %get3A_3303] : memref<1x8192xf32, #tpu.memory_space<vmem>>, vector<1x128xf32>
    %get3A_3305 = vector.shape_cast %get3A_3304 : vector<1x128xf32> to vector<128xf32>
    %broadcast_in_dim3A_3306 = vector.shape_cast %get3A_3305 : vector<128xf32> to vector<1x128xf32>
    %add3A_3307 = vector.broadcast %broadcast_in_dim3A_2983 : vector<256x1xf32> to vector<256x128xf32>
    %add3A_3308 = vector.broadcast %broadcast_in_dim3A_3306 : vector<1x128xf32> to vector<256x128xf32>
    %add3A_3309 = arith.addf %add3A_3307, %add3A_3308 : vector<256x128xf32>
    %slice3A_3310 = vector.extract_strided_slice %dot_general3A_2989 {offsets = [0, 2688], sizes = [256, 128], strides = [1, 1]} : vector<256x8192xf32> to vector<256x128xf32>
    %sub3A_3311 = arith.subf %add3A_3309, %slice3A_3310 : vector<256x128xf32>
    %lt3A_3312 = arith.cmpf olt, %sub3A_3311, %min3A_3301 : vector<256x128xf32>
    %jit3A_3313 = arith.constant 21 : i32
    %broadcast_in_dim3A_3314 = vector.broadcast %jit3A_3313 : i32 to vector<256x128xi32>
    %select_n3A_3315 = arith.select %lt3A_3312, %broadcast_in_dim3A_3314, %select_n3A_3300 : vector<256x128xi1>, vector<256x128xi32>
    %min3A_3316 = arith.minimumf %sub3A_3311, %min3A_3301 : vector<256x128xf32>
    %get3A_3317 = arith.constant 0 : index
    %get3A_3318 = arith.constant 2816 : index
    %get3A_3319 = vector.load %arg5[%get3A_3317, %get3A_3318] : memref<1x8192xf32, #tpu.memory_space<vmem>>, vector<1x128xf32>
    %get3A_3320 = vector.shape_cast %get3A_3319 : vector<1x128xf32> to vector<128xf32>
    %broadcast_in_dim3A_3321 = vector.shape_cast %get3A_3320 : vector<128xf32> to vector<1x128xf32>
    %add3A_3322 = vector.broadcast %broadcast_in_dim3A_2983 : vector<256x1xf32> to vector<256x128xf32>
    %add3A_3323 = vector.broadcast %broadcast_in_dim3A_3321 : vector<1x128xf32> to vector<256x128xf32>
    %add3A_3324 = arith.addf %add3A_3322, %add3A_3323 : vector<256x128xf32>
    %slice3A_3325 = vector.extract_strided_slice %dot_general3A_2989 {offsets = [0, 2816], sizes = [256, 128], strides = [1, 1]} : vector<256x8192xf32> to vector<256x128xf32>
    %sub3A_3326 = arith.subf %add3A_3324, %slice3A_3325 : vector<256x128xf32>
    %lt3A_3327 = arith.cmpf olt, %sub3A_3326, %min3A_3316 : vector<256x128xf32>
    %jit3A_3328 = arith.constant 22 : i32
    %broadcast_in_dim3A_3329 = vector.broadcast %jit3A_3328 : i32 to vector<256x128xi32>
    %select_n3A_3330 = arith.select %lt3A_3327, %broadcast_in_dim3A_3329, %select_n3A_3315 : vector<256x128xi1>, vector<256x128xi32>
    %min3A_3331 = arith.minimumf %sub3A_3326, %min3A_3316 : vector<256x128xf32>
    %get3A_3332 = arith.constant 0 : index
    %get3A_3333 = arith.constant 2944 : index
    %get3A_3334 = vector.load %arg5[%get3A_3332, %get3A_3333] : memref<1x8192xf32, #tpu.memory_space<vmem>>, vector<1x128xf32>
    %get3A_3335 = vector.shape_cast %get3A_3334 : vector<1x128xf32> to vector<128xf32>
    %broadcast_in_dim3A_3336 = vector.shape_cast %get3A_3335 : vector<128xf32> to vector<1x128xf32>
    %add3A_3337 = vector.broadcast %broadcast_in_dim3A_2983 : vector<256x1xf32> to vector<256x128xf32>
    %add3A_3338 = vector.broadcast %broadcast_in_dim3A_3336 : vector<1x128xf32> to vector<256x128xf32>
    %add3A_3339 = arith.addf %add3A_3337, %add3A_3338 : vector<256x128xf32>
    %slice3A_3340 = vector.extract_strided_slice %dot_general3A_2989 {offsets = [0, 2944], sizes = [256, 128], strides = [1, 1]} : vector<256x8192xf32> to vector<256x128xf32>
    %sub3A_3341 = arith.subf %add3A_3339, %slice3A_3340 : vector<256x128xf32>
    %lt3A_3342 = arith.cmpf olt, %sub3A_3341, %min3A_3331 : vector<256x128xf32>
    %jit3A_3343 = arith.constant 23 : i32
    %broadcast_in_dim3A_3344 = vector.broadcast %jit3A_3343 : i32 to vector<256x128xi32>
    %select_n3A_3345 = arith.select %lt3A_3342, %broadcast_in_dim3A_3344, %select_n3A_3330 : vector<256x128xi1>, vector<256x128xi32>
    %min3A_3346 = arith.minimumf %sub3A_3341, %min3A_3331 : vector<256x128xf32>
    %get3A_3347 = arith.constant 0 : index
    %get3A_3348 = arith.constant 3072 : index
    %get3A_3349 = vector.load %arg5[%get3A_3347, %get3A_3348] : memref<1x8192xf32, #tpu.memory_space<vmem>>, vector<1x128xf32>
    %get3A_3350 = vector.shape_cast %get3A_3349 : vector<1x128xf32> to vector<128xf32>
    %broadcast_in_dim3A_3351 = vector.shape_cast %get3A_3350 : vector<128xf32> to vector<1x128xf32>
    %add3A_3352 = vector.broadcast %broadcast_in_dim3A_2983 : vector<256x1xf32> to vector<256x128xf32>
    %add3A_3353 = vector.broadcast %broadcast_in_dim3A_3351 : vector<1x128xf32> to vector<256x128xf32>
    %add3A_3354 = arith.addf %add3A_3352, %add3A_3353 : vector<256x128xf32>
    %slice3A_3355 = vector.extract_strided_slice %dot_general3A_2989 {offsets = [0, 3072], sizes = [256, 128], strides = [1, 1]} : vector<256x8192xf32> to vector<256x128xf32>
    %sub3A_3356 = arith.subf %add3A_3354, %slice3A_3355 : vector<256x128xf32>
    %lt3A_3357 = arith.cmpf olt, %sub3A_3356, %min3A_3346 : vector<256x128xf32>
    %jit3A_3358 = arith.constant 24 : i32
    %broadcast_in_dim3A_3359 = vector.broadcast %jit3A_3358 : i32 to vector<256x128xi32>
    %select_n3A_3360 = arith.select %lt3A_3357, %broadcast_in_dim3A_3359, %select_n3A_3345 : vector<256x128xi1>, vector<256x128xi32>
    %min3A_3361 = arith.minimumf %sub3A_3356, %min3A_3346 : vector<256x128xf32>
    %get3A_3362 = arith.constant 0 : index
    %get3A_3363 = arith.constant 3200 : index
    %get3A_3364 = vector.load %arg5[%get3A_3362, %get3A_3363] : memref<1x8192xf32, #tpu.memory_space<vmem>>, vector<1x128xf32>
    %get3A_3365 = vector.shape_cast %get3A_3364 : vector<1x128xf32> to vector<128xf32>
    %broadcast_in_dim3A_3366 = vector.shape_cast %get3A_3365 : vector<128xf32> to vector<1x128xf32>
    %add3A_3367 = vector.broadcast %broadcast_in_dim3A_2983 : vector<256x1xf32> to vector<256x128xf32>
    %add3A_3368 = vector.broadcast %broadcast_in_dim3A_3366 : vector<1x128xf32> to vector<256x128xf32>
    %add3A_3369 = arith.addf %add3A_3367, %add3A_3368 : vector<256x128xf32>
    %slice3A_3370 = vector.extract_strided_slice %dot_general3A_2989 {offsets = [0, 3200], sizes = [256, 128], strides = [1, 1]} : vector<256x8192xf32> to vector<256x128xf32>
    %sub3A_3371 = arith.subf %add3A_3369, %slice3A_3370 : vector<256x128xf32>
    %lt3A_3372 = arith.cmpf olt, %sub3A_3371, %min3A_3361 : vector<256x128xf32>
    %jit3A_3373 = arith.constant 25 : i32
    %broadcast_in_dim3A_3374 = vector.broadcast %jit3A_3373 : i32 to vector<256x128xi32>
    %select_n3A_3375 = arith.select %lt3A_3372, %broadcast_in_dim3A_3374, %select_n3A_3360 : vector<256x128xi1>, vector<256x128xi32>
    %min3A_3376 = arith.minimumf %sub3A_3371, %min3A_3361 : vector<256x128xf32>
    %get3A_3377 = arith.constant 0 : index
    %get3A_3378 = arith.constant 3328 : index
    %get3A_3379 = vector.load %arg5[%get3A_3377, %get3A_3378] : memref<1x8192xf32, #tpu.memory_space<vmem>>, vector<1x128xf32>
    %get3A_3380 = vector.shape_cast %get3A_3379 : vector<1x128xf32> to vector<128xf32>
    %broadcast_in_dim3A_3381 = vector.shape_cast %get3A_3380 : vector<128xf32> to vector<1x128xf32>
    %add3A_3382 = vector.broadcast %broadcast_in_dim3A_2983 : vector<256x1xf32> to vector<256x128xf32>
    %add3A_3383 = vector.broadcast %broadcast_in_dim3A_3381 : vector<1x128xf32> to vector<256x128xf32>
    %add3A_3384 = arith.addf %add3A_3382, %add3A_3383 : vector<256x128xf32>
    %slice3A_3385 = vector.extract_strided_slice %dot_general3A_2989 {offsets = [0, 3328], sizes = [256, 128], strides = [1, 1]} : vector<256x8192xf32> to vector<256x128xf32>
    %sub3A_3386 = arith.subf %add3A_3384, %slice3A_3385 : vector<256x128xf32>
    %lt3A_3387 = arith.cmpf olt, %sub3A_3386, %min3A_3376 : vector<256x128xf32>
    %jit3A_3388 = arith.constant 26 : i32
    %broadcast_in_dim3A_3389 = vector.broadcast %jit3A_3388 : i32 to vector<256x128xi32>
    %select_n3A_3390 = arith.select %lt3A_3387, %broadcast_in_dim3A_3389, %select_n3A_3375 : vector<256x128xi1>, vector<256x128xi32>
    %min3A_3391 = arith.minimumf %sub3A_3386, %min3A_3376 : vector<256x128xf32>
    %get3A_3392 = arith.constant 0 : index
    %get3A_3393 = arith.constant 3456 : index
    %get3A_3394 = vector.load %arg5[%get3A_3392, %get3A_3393] : memref<1x8192xf32, #tpu.memory_space<vmem>>, vector<1x128xf32>
    %get3A_3395 = vector.shape_cast %get3A_3394 : vector<1x128xf32> to vector<128xf32>
    %broadcast_in_dim3A_3396 = vector.shape_cast %get3A_3395 : vector<128xf32> to vector<1x128xf32>
    %add3A_3397 = vector.broadcast %broadcast_in_dim3A_2983 : vector<256x1xf32> to vector<256x128xf32>
    %add3A_3398 = vector.broadcast %broadcast_in_dim3A_3396 : vector<1x128xf32> to vector<256x128xf32>
    %add3A_3399 = arith.addf %add3A_3397, %add3A_3398 : vector<256x128xf32>
    %slice3A_3400 = vector.extract_strided_slice %dot_general3A_2989 {offsets = [0, 3456], sizes = [256, 128], strides = [1, 1]} : vector<256x8192xf32> to vector<256x128xf32>
    %sub3A_3401 = arith.subf %add3A_3399, %slice3A_3400 : vector<256x128xf32>
    %lt3A_3402 = arith.cmpf olt, %sub3A_3401, %min3A_3391 : vector<256x128xf32>
    %jit3A_3403 = arith.constant 27 : i32
    %broadcast_in_dim3A_3404 = vector.broadcast %jit3A_3403 : i32 to vector<256x128xi32>
    %select_n3A_3405 = arith.select %lt3A_3402, %broadcast_in_dim3A_3404, %select_n3A_3390 : vector<256x128xi1>, vector<256x128xi32>
    %min3A_3406 = arith.minimumf %sub3A_3401, %min3A_3391 : vector<256x128xf32>
    %get3A_3407 = arith.constant 0 : index
    %get3A_3408 = arith.constant 3584 : index
    %get3A_3409 = vector.load %arg5[%get3A_3407, %get3A_3408] : memref<1x8192xf32, #tpu.memory_space<vmem>>, vector<1x128xf32>
    %get3A_3410 = vector.shape_cast %get3A_3409 : vector<1x128xf32> to vector<128xf32>
    %broadcast_in_dim3A_3411 = vector.shape_cast %get3A_3410 : vector<128xf32> to vector<1x128xf32>
    %add3A_3412 = vector.broadcast %broadcast_in_dim3A_2983 : vector<256x1xf32> to vector<256x128xf32>
    %add3A_3413 = vector.broadcast %broadcast_in_dim3A_3411 : vector<1x128xf32> to vector<256x128xf32>
    %add3A_3414 = arith.addf %add3A_3412, %add3A_3413 : vector<256x128xf32>
    %slice3A_3415 = vector.extract_strided_slice %dot_general3A_2989 {offsets = [0, 3584], sizes = [256, 128], strides = [1, 1]} : vector<256x8192xf32> to vector<256x128xf32>
    %sub3A_3416 = arith.subf %add3A_3414, %slice3A_3415 : vector<256x128xf32>
    %lt3A_3417 = arith.cmpf olt, %sub3A_3416, %min3A_3406 : vector<256x128xf32>
    %jit3A_3418 = arith.constant 28 : i32
    %broadcast_in_dim3A_3419 = vector.broadcast %jit3A_3418 : i32 to vector<256x128xi32>
    %select_n3A_3420 = arith.select %lt3A_3417, %broadcast_in_dim3A_3419, %select_n3A_3405 : vector<256x128xi1>, vector<256x128xi32>
    %min3A_3421 = arith.minimumf %sub3A_3416, %min3A_3406 : vector<256x128xf32>
    %get3A_3422 = arith.constant 0 : index
    %get3A_3423 = arith.constant 3712 : index
    %get3A_3424 = vector.load %arg5[%get3A_3422, %get3A_3423] : memref<1x8192xf32, #tpu.memory_space<vmem>>, vector<1x128xf32>
    %get3A_3425 = vector.shape_cast %get3A_3424 : vector<1x128xf32> to vector<128xf32>
    %broadcast_in_dim3A_3426 = vector.shape_cast %get3A_3425 : vector<128xf32> to vector<1x128xf32>
    %add3A_3427 = vector.broadcast %broadcast_in_dim3A_2983 : vector<256x1xf32> to vector<256x128xf32>
    %add3A_3428 = vector.broadcast %broadcast_in_dim3A_3426 : vector<1x128xf32> to vector<256x128xf32>
    %add3A_3429 = arith.addf %add3A_3427, %add3A_3428 : vector<256x128xf32>
    %slice3A_3430 = vector.extract_strided_slice %dot_general3A_2989 {offsets = [0, 3712], sizes = [256, 128], strides = [1, 1]} : vector<256x8192xf32> to vector<256x128xf32>
    %sub3A_3431 = arith.subf %add3A_3429, %slice3A_3430 : vector<256x128xf32>
    %lt3A_3432 = arith.cmpf olt, %sub3A_3431, %min3A_3421 : vector<256x128xf32>
    %jit3A_3433 = arith.constant 29 : i32
    %broadcast_in_dim3A_3434 = vector.broadcast %jit3A_3433 : i32 to vector<256x128xi32>
    %select_n3A_3435 = arith.select %lt3A_3432, %broadcast_in_dim3A_3434, %select_n3A_3420 : vector<256x128xi1>, vector<256x128xi32>
    %min3A_3436 = arith.minimumf %sub3A_3431, %min3A_3421 : vector<256x128xf32>
    %get3A_3437 = arith.constant 0 : index
    %get3A_3438 = arith.constant 3840 : index
    %get3A_3439 = vector.load %arg5[%get3A_3437, %get3A_3438] : memref<1x8192xf32, #tpu.memory_space<vmem>>, vector<1x128xf32>
    %get3A_3440 = vector.shape_cast %get3A_3439 : vector<1x128xf32> to vector<128xf32>
    %broadcast_in_dim3A_3441 = vector.shape_cast %get3A_3440 : vector<128xf32> to vector<1x128xf32>
    %add3A_3442 = vector.broadcast %broadcast_in_dim3A_2983 : vector<256x1xf32> to vector<256x128xf32>
    %add3A_3443 = vector.broadcast %broadcast_in_dim3A_3441 : vector<1x128xf32> to vector<256x128xf32>
    %add3A_3444 = arith.addf %add3A_3442, %add3A_3443 : vector<256x128xf32>
    %slice3A_3445 = vector.extract_strided_slice %dot_general3A_2989 {offsets = [0, 3840], sizes = [256, 128], strides = [1, 1]} : vector<256x8192xf32> to vector<256x128xf32>
    %sub3A_3446 = arith.subf %add3A_3444, %slice3A_3445 : vector<256x128xf32>
    %lt3A_3447 = arith.cmpf olt, %sub3A_3446, %min3A_3436 : vector<256x128xf32>
    %jit3A_3448 = arith.constant 30 : i32
    %broadcast_in_dim3A_3449 = vector.broadcast %jit3A_3448 : i32 to vector<256x128xi32>
    %select_n3A_3450 = arith.select %lt3A_3447, %broadcast_in_dim3A_3449, %select_n3A_3435 : vector<256x128xi1>, vector<256x128xi32>
    %min3A_3451 = arith.minimumf %sub3A_3446, %min3A_3436 : vector<256x128xf32>
    %get3A_3452 = arith.constant 0 : index
    %get3A_3453 = arith.constant 3968 : index
    %get3A_3454 = vector.load %arg5[%get3A_3452, %get3A_3453] : memref<1x8192xf32, #tpu.memory_space<vmem>>, vector<1x128xf32>
    %get3A_3455 = vector.shape_cast %get3A_3454 : vector<1x128xf32> to vector<128xf32>
    %broadcast_in_dim3A_3456 = vector.shape_cast %get3A_3455 : vector<128xf32> to vector<1x128xf32>
    %add3A_3457 = vector.broadcast %broadcast_in_dim3A_2983 : vector<256x1xf32> to vector<256x128xf32>
    %add3A_3458 = vector.broadcast %broadcast_in_dim3A_3456 : vector<1x128xf32> to vector<256x128xf32>
    %add3A_3459 = arith.addf %add3A_3457, %add3A_3458 : vector<256x128xf32>
    %slice3A_3460 = vector.extract_strided_slice %dot_general3A_2989 {offsets = [0, 3968], sizes = [256, 128], strides = [1, 1]} : vector<256x8192xf32> to vector<256x128xf32>
    %sub3A_3461 = arith.subf %add3A_3459, %slice3A_3460 : vector<256x128xf32>
    %lt3A_3462 = arith.cmpf olt, %sub3A_3461, %min3A_3451 : vector<256x128xf32>
    %jit3A_3463 = arith.constant 31 : i32
    %broadcast_in_dim3A_3464 = vector.broadcast %jit3A_3463 : i32 to vector<256x128xi32>
    %select_n3A_3465 = arith.select %lt3A_3462, %broadcast_in_dim3A_3464, %select_n3A_3450 : vector<256x128xi1>, vector<256x128xi32>
    %min3A_3466 = arith.minimumf %sub3A_3461, %min3A_3451 : vector<256x128xf32>
    %get3A_3467 = arith.constant 0 : index
    %get3A_3468 = arith.constant 4096 : index
    %get3A_3469 = vector.load %arg5[%get3A_3467, %get3A_3468] : memref<1x8192xf32, #tpu.memory_space<vmem>>, vector<1x128xf32>
    %get3A_3470 = vector.shape_cast %get3A_3469 : vector<1x128xf32> to vector<128xf32>
    %broadcast_in_dim3A_3471 = vector.shape_cast %get3A_3470 : vector<128xf32> to vector<1x128xf32>
    %add3A_3472 = vector.broadcast %broadcast_in_dim3A_2983 : vector<256x1xf32> to vector<256x128xf32>
    %add3A_3473 = vector.broadcast %broadcast_in_dim3A_3471 : vector<1x128xf32> to vector<256x128xf32>
    %add3A_3474 = arith.addf %add3A_3472, %add3A_3473 : vector<256x128xf32>
    %slice3A_3475 = vector.extract_strided_slice %dot_general3A_2989 {offsets = [0, 4096], sizes = [256, 128], strides = [1, 1]} : vector<256x8192xf32> to vector<256x128xf32>
    %sub3A_3476 = arith.subf %add3A_3474, %slice3A_3475 : vector<256x128xf32>
    %lt3A_3477 = arith.cmpf olt, %sub3A_3476, %min3A_3466 : vector<256x128xf32>
    %jit3A_3478 = arith.constant 32 : i32
    %broadcast_in_dim3A_3479 = vector.broadcast %jit3A_3478 : i32 to vector<256x128xi32>
    %select_n3A_3480 = arith.select %lt3A_3477, %broadcast_in_dim3A_3479, %select_n3A_3465 : vector<256x128xi1>, vector<256x128xi32>
    %min3A_3481 = arith.minimumf %sub3A_3476, %min3A_3466 : vector<256x128xf32>
    %get3A_3482 = arith.constant 0 : index
    %get3A_3483 = arith.constant 4224 : index
    %get3A_3484 = vector.load %arg5[%get3A_3482, %get3A_3483] : memref<1x8192xf32, #tpu.memory_space<vmem>>, vector<1x128xf32>
    %get3A_3485 = vector.shape_cast %get3A_3484 : vector<1x128xf32> to vector<128xf32>
    %broadcast_in_dim3A_3486 = vector.shape_cast %get3A_3485 : vector<128xf32> to vector<1x128xf32>
    %add3A_3487 = vector.broadcast %broadcast_in_dim3A_2983 : vector<256x1xf32> to vector<256x128xf32>
    %add3A_3488 = vector.broadcast %broadcast_in_dim3A_3486 : vector<1x128xf32> to vector<256x128xf32>
    %add3A_3489 = arith.addf %add3A_3487, %add3A_3488 : vector<256x128xf32>
    %slice3A_3490 = vector.extract_strided_slice %dot_general3A_2989 {offsets = [0, 4224], sizes = [256, 128], strides = [1, 1]} : vector<256x8192xf32> to vector<256x128xf32>
    %sub3A_3491 = arith.subf %add3A_3489, %slice3A_3490 : vector<256x128xf32>
    %lt3A_3492 = arith.cmpf olt, %sub3A_3491, %min3A_3481 : vector<256x128xf32>
    %jit3A_3493 = arith.constant 33 : i32
    %broadcast_in_dim3A_3494 = vector.broadcast %jit3A_3493 : i32 to vector<256x128xi32>
    %select_n3A_3495 = arith.select %lt3A_3492, %broadcast_in_dim3A_3494, %select_n3A_3480 : vector<256x128xi1>, vector<256x128xi32>
    %min3A_3496 = arith.minimumf %sub3A_3491, %min3A_3481 : vector<256x128xf32>
    %get3A_3497 = arith.constant 0 : index
    %get3A_3498 = arith.constant 4352 : index
    %get3A_3499 = vector.load %arg5[%get3A_3497, %get3A_3498] : memref<1x8192xf32, #tpu.memory_space<vmem>>, vector<1x128xf32>
    %get3A_3500 = vector.shape_cast %get3A_3499 : vector<1x128xf32> to vector<128xf32>
    %broadcast_in_dim3A_3501 = vector.shape_cast %get3A_3500 : vector<128xf32> to vector<1x128xf32>
    %add3A_3502 = vector.broadcast %broadcast_in_dim3A_2983 : vector<256x1xf32> to vector<256x128xf32>
    %add3A_3503 = vector.broadcast %broadcast_in_dim3A_3501 : vector<1x128xf32> to vector<256x128xf32>
    %add3A_3504 = arith.addf %add3A_3502, %add3A_3503 : vector<256x128xf32>
    %slice3A_3505 = vector.extract_strided_slice %dot_general3A_2989 {offsets = [0, 4352], sizes = [256, 128], strides = [1, 1]} : vector<256x8192xf32> to vector<256x128xf32>
    %sub3A_3506 = arith.subf %add3A_3504, %slice3A_3505 : vector<256x128xf32>
    %lt3A_3507 = arith.cmpf olt, %sub3A_3506, %min3A_3496 : vector<256x128xf32>
    %jit3A_3508 = arith.constant 34 : i32
    %broadcast_in_dim3A_3509 = vector.broadcast %jit3A_3508 : i32 to vector<256x128xi32>
    %select_n3A_3510 = arith.select %lt3A_3507, %broadcast_in_dim3A_3509, %select_n3A_3495 : vector<256x128xi1>, vector<256x128xi32>
    %min3A_3511 = arith.minimumf %sub3A_3506, %min3A_3496 : vector<256x128xf32>
    %get3A_3512 = arith.constant 0 : index
    %get3A_3513 = arith.constant 4480 : index
    %get3A_3514 = vector.load %arg5[%get3A_3512, %get3A_3513] : memref<1x8192xf32, #tpu.memory_space<vmem>>, vector<1x128xf32>
    %get3A_3515 = vector.shape_cast %get3A_3514 : vector<1x128xf32> to vector<128xf32>
    %broadcast_in_dim3A_3516 = vector.shape_cast %get3A_3515 : vector<128xf32> to vector<1x128xf32>
    %add3A_3517 = vector.broadcast %broadcast_in_dim3A_2983 : vector<256x1xf32> to vector<256x128xf32>
    %add3A_3518 = vector.broadcast %broadcast_in_dim3A_3516 : vector<1x128xf32> to vector<256x128xf32>
    %add3A_3519 = arith.addf %add3A_3517, %add3A_3518 : vector<256x128xf32>
    %slice3A_3520 = vector.extract_strided_slice %dot_general3A_2989 {offsets = [0, 4480], sizes = [256, 128], strides = [1, 1]} : vector<256x8192xf32> to vector<256x128xf32>
    %sub3A_3521 = arith.subf %add3A_3519, %slice3A_3520 : vector<256x128xf32>
    %lt3A_3522 = arith.cmpf olt, %sub3A_3521, %min3A_3511 : vector<256x128xf32>
    %jit3A_3523 = arith.constant 35 : i32
    %broadcast_in_dim3A_3524 = vector.broadcast %jit3A_3523 : i32 to vector<256x128xi32>
    %select_n3A_3525 = arith.select %lt3A_3522, %broadcast_in_dim3A_3524, %select_n3A_3510 : vector<256x128xi1>, vector<256x128xi32>
    %min3A_3526 = arith.minimumf %sub3A_3521, %min3A_3511 : vector<256x128xf32>
    %get3A_3527 = arith.constant 0 : index
    %get3A_3528 = arith.constant 4608 : index
    %get3A_3529 = vector.load %arg5[%get3A_3527, %get3A_3528] : memref<1x8192xf32, #tpu.memory_space<vmem>>, vector<1x128xf32>
    %get3A_3530 = vector.shape_cast %get3A_3529 : vector<1x128xf32> to vector<128xf32>
    %broadcast_in_dim3A_3531 = vector.shape_cast %get3A_3530 : vector<128xf32> to vector<1x128xf32>
    %add3A_3532 = vector.broadcast %broadcast_in_dim3A_2983 : vector<256x1xf32> to vector<256x128xf32>
    %add3A_3533 = vector.broadcast %broadcast_in_dim3A_3531 : vector<1x128xf32> to vector<256x128xf32>
    %add3A_3534 = arith.addf %add3A_3532, %add3A_3533 : vector<256x128xf32>
    %slice3A_3535 = vector.extract_strided_slice %dot_general3A_2989 {offsets = [0, 4608], sizes = [256, 128], strides = [1, 1]} : vector<256x8192xf32> to vector<256x128xf32>
    %sub3A_3536 = arith.subf %add3A_3534, %slice3A_3535 : vector<256x128xf32>
    %lt3A_3537 = arith.cmpf olt, %sub3A_3536, %min3A_3526 : vector<256x128xf32>
    %jit3A_3538 = arith.constant 36 : i32
    %broadcast_in_dim3A_3539 = vector.broadcast %jit3A_3538 : i32 to vector<256x128xi32>
    %select_n3A_3540 = arith.select %lt3A_3537, %broadcast_in_dim3A_3539, %select_n3A_3525 : vector<256x128xi1>, vector<256x128xi32>
    %min3A_3541 = arith.minimumf %sub3A_3536, %min3A_3526 : vector<256x128xf32>
    %get3A_3542 = arith.constant 0 : index
    %get3A_3543 = arith.constant 4736 : index
    %get3A_3544 = vector.load %arg5[%get3A_3542, %get3A_3543] : memref<1x8192xf32, #tpu.memory_space<vmem>>, vector<1x128xf32>
    %get3A_3545 = vector.shape_cast %get3A_3544 : vector<1x128xf32> to vector<128xf32>
    %broadcast_in_dim3A_3546 = vector.shape_cast %get3A_3545 : vector<128xf32> to vector<1x128xf32>
    %add3A_3547 = vector.broadcast %broadcast_in_dim3A_2983 : vector<256x1xf32> to vector<256x128xf32>
    %add3A_3548 = vector.broadcast %broadcast_in_dim3A_3546 : vector<1x128xf32> to vector<256x128xf32>
    %add3A_3549 = arith.addf %add3A_3547, %add3A_3548 : vector<256x128xf32>
    %slice3A_3550 = vector.extract_strided_slice %dot_general3A_2989 {offsets = [0, 4736], sizes = [256, 128], strides = [1, 1]} : vector<256x8192xf32> to vector<256x128xf32>
    %sub3A_3551 = arith.subf %add3A_3549, %slice3A_3550 : vector<256x128xf32>
    %lt3A_3552 = arith.cmpf olt, %sub3A_3551, %min3A_3541 : vector<256x128xf32>
    %jit3A_3553 = arith.constant 37 : i32
    %broadcast_in_dim3A_3554 = vector.broadcast %jit3A_3553 : i32 to vector<256x128xi32>
    %select_n3A_3555 = arith.select %lt3A_3552, %broadcast_in_dim3A_3554, %select_n3A_3540 : vector<256x128xi1>, vector<256x128xi32>
    %min3A_3556 = arith.minimumf %sub3A_3551, %min3A_3541 : vector<256x128xf32>
    %get3A_3557 = arith.constant 0 : index
    %get3A_3558 = arith.constant 4864 : index
    %get3A_3559 = vector.load %arg5[%get3A_3557, %get3A_3558] : memref<1x8192xf32, #tpu.memory_space<vmem>>, vector<1x128xf32>
    %get3A_3560 = vector.shape_cast %get3A_3559 : vector<1x128xf32> to vector<128xf32>
    %broadcast_in_dim3A_3561 = vector.shape_cast %get3A_3560 : vector<128xf32> to vector<1x128xf32>
    %add3A_3562 = vector.broadcast %broadcast_in_dim3A_2983 : vector<256x1xf32> to vector<256x128xf32>
    %add3A_3563 = vector.broadcast %broadcast_in_dim3A_3561 : vector<1x128xf32> to vector<256x128xf32>
    %add3A_3564 = arith.addf %add3A_3562, %add3A_3563 : vector<256x128xf32>
    %slice3A_3565 = vector.extract_strided_slice %dot_general3A_2989 {offsets = [0, 4864], sizes = [256, 128], strides = [1, 1]} : vector<256x8192xf32> to vector<256x128xf32>
    %sub3A_3566 = arith.subf %add3A_3564, %slice3A_3565 : vector<256x128xf32>
    %lt3A_3567 = arith.cmpf olt, %sub3A_3566, %min3A_3556 : vector<256x128xf32>
    %jit3A_3568 = arith.constant 38 : i32
    %broadcast_in_dim3A_3569 = vector.broadcast %jit3A_3568 : i32 to vector<256x128xi32>
    %select_n3A_3570 = arith.select %lt3A_3567, %broadcast_in_dim3A_3569, %select_n3A_3555 : vector<256x128xi1>, vector<256x128xi32>
    %min3A_3571 = arith.minimumf %sub3A_3566, %min3A_3556 : vector<256x128xf32>
    %get3A_3572 = arith.constant 0 : index
    %get3A_3573 = arith.constant 4992 : index
    %get3A_3574 = vector.load %arg5[%get3A_3572, %get3A_3573] : memref<1x8192xf32, #tpu.memory_space<vmem>>, vector<1x128xf32>
    %get3A_3575 = vector.shape_cast %get3A_3574 : vector<1x128xf32> to vector<128xf32>
    %broadcast_in_dim3A_3576 = vector.shape_cast %get3A_3575 : vector<128xf32> to vector<1x128xf32>
    %add3A_3577 = vector.broadcast %broadcast_in_dim3A_2983 : vector<256x1xf32> to vector<256x128xf32>
    %add3A_3578 = vector.broadcast %broadcast_in_dim3A_3576 : vector<1x128xf32> to vector<256x128xf32>
    %add3A_3579 = arith.addf %add3A_3577, %add3A_3578 : vector<256x128xf32>
    %slice3A_3580 = vector.extract_strided_slice %dot_general3A_2989 {offsets = [0, 4992], sizes = [256, 128], strides = [1, 1]} : vector<256x8192xf32> to vector<256x128xf32>
    %sub3A_3581 = arith.subf %add3A_3579, %slice3A_3580 : vector<256x128xf32>
    %lt3A_3582 = arith.cmpf olt, %sub3A_3581, %min3A_3571 : vector<256x128xf32>
    %jit3A_3583 = arith.constant 39 : i32
    %broadcast_in_dim3A_3584 = vector.broadcast %jit3A_3583 : i32 to vector<256x128xi32>
    %select_n3A_3585 = arith.select %lt3A_3582, %broadcast_in_dim3A_3584, %select_n3A_3570 : vector<256x128xi1>, vector<256x128xi32>
    %min3A_3586 = arith.minimumf %sub3A_3581, %min3A_3571 : vector<256x128xf32>
    %get3A_3587 = arith.constant 0 : index
    %get3A_3588 = arith.constant 5120 : index
    %get3A_3589 = vector.load %arg5[%get3A_3587, %get3A_3588] : memref<1x8192xf32, #tpu.memory_space<vmem>>, vector<1x128xf32>
    %get3A_3590 = vector.shape_cast %get3A_3589 : vector<1x128xf32> to vector<128xf32>
    %broadcast_in_dim3A_3591 = vector.shape_cast %get3A_3590 : vector<128xf32> to vector<1x128xf32>
    %add3A_3592 = vector.broadcast %broadcast_in_dim3A_2983 : vector<256x1xf32> to vector<256x128xf32>
    %add3A_3593 = vector.broadcast %broadcast_in_dim3A_3591 : vector<1x128xf32> to vector<256x128xf32>
    %add3A_3594 = arith.addf %add3A_3592, %add3A_3593 : vector<256x128xf32>
    %slice3A_3595 = vector.extract_strided_slice %dot_general3A_2989 {offsets = [0, 5120], sizes = [256, 128], strides = [1, 1]} : vector<256x8192xf32> to vector<256x128xf32>
    %sub3A_3596 = arith.subf %add3A_3594, %slice3A_3595 : vector<256x128xf32>
    %lt3A_3597 = arith.cmpf olt, %sub3A_3596, %min3A_3586 : vector<256x128xf32>
    %jit3A_3598 = arith.constant 40 : i32
    %broadcast_in_dim3A_3599 = vector.broadcast %jit3A_3598 : i32 to vector<256x128xi32>
    %select_n3A_3600 = arith.select %lt3A_3597, %broadcast_in_dim3A_3599, %select_n3A_3585 : vector<256x128xi1>, vector<256x128xi32>
    %min3A_3601 = arith.minimumf %sub3A_3596, %min3A_3586 : vector<256x128xf32>
    %get3A_3602 = arith.constant 0 : index
    %get3A_3603 = arith.constant 5248 : index
    %get3A_3604 = vector.load %arg5[%get3A_3602, %get3A_3603] : memref<1x8192xf32, #tpu.memory_space<vmem>>, vector<1x128xf32>
    %get3A_3605 = vector.shape_cast %get3A_3604 : vector<1x128xf32> to vector<128xf32>
    %broadcast_in_dim3A_3606 = vector.shape_cast %get3A_3605 : vector<128xf32> to vector<1x128xf32>
    %add3A_3607 = vector.broadcast %broadcast_in_dim3A_2983 : vector<256x1xf32> to vector<256x128xf32>
    %add3A_3608 = vector.broadcast %broadcast_in_dim3A_3606 : vector<1x128xf32> to vector<256x128xf32>
    %add3A_3609 = arith.addf %add3A_3607, %add3A_3608 : vector<256x128xf32>
    %slice3A_3610 = vector.extract_strided_slice %dot_general3A_2989 {offsets = [0, 5248], sizes = [256, 128], strides = [1, 1]} : vector<256x8192xf32> to vector<256x128xf32>
    %sub3A_3611 = arith.subf %add3A_3609, %slice3A_3610 : vector<256x128xf32>
    %lt3A_3612 = arith.cmpf olt, %sub3A_3611, %min3A_3601 : vector<256x128xf32>
    %jit3A_3613 = arith.constant 41 : i32
    %broadcast_in_dim3A_3614 = vector.broadcast %jit3A_3613 : i32 to vector<256x128xi32>
    %select_n3A_3615 = arith.select %lt3A_3612, %broadcast_in_dim3A_3614, %select_n3A_3600 : vector<256x128xi1>, vector<256x128xi32>
    %min3A_3616 = arith.minimumf %sub3A_3611, %min3A_3601 : vector<256x128xf32>
    %get3A_3617 = arith.constant 0 : index
    %get3A_3618 = arith.constant 5376 : index
    %get3A_3619 = vector.load %arg5[%get3A_3617, %get3A_3618] : memref<1x8192xf32, #tpu.memory_space<vmem>>, vector<1x128xf32>
    %get3A_3620 = vector.shape_cast %get3A_3619 : vector<1x128xf32> to vector<128xf32>
    %broadcast_in_dim3A_3621 = vector.shape_cast %get3A_3620 : vector<128xf32> to vector<1x128xf32>
    %add3A_3622 = vector.broadcast %broadcast_in_dim3A_2983 : vector<256x1xf32> to vector<256x128xf32>
    %add3A_3623 = vector.broadcast %broadcast_in_dim3A_3621 : vector<1x128xf32> to vector<256x128xf32>
    %add3A_3624 = arith.addf %add3A_3622, %add3A_3623 : vector<256x128xf32>
    %slice3A_3625 = vector.extract_strided_slice %dot_general3A_2989 {offsets = [0, 5376], sizes = [256, 128], strides = [1, 1]} : vector<256x8192xf32> to vector<256x128xf32>
    %sub3A_3626 = arith.subf %add3A_3624, %slice3A_3625 : vector<256x128xf32>
    %lt3A_3627 = arith.cmpf olt, %sub3A_3626, %min3A_3616 : vector<256x128xf32>
    %jit3A_3628 = arith.constant 42 : i32
    %broadcast_in_dim3A_3629 = vector.broadcast %jit3A_3628 : i32 to vector<256x128xi32>
    %select_n3A_3630 = arith.select %lt3A_3627, %broadcast_in_dim3A_3629, %select_n3A_3615 : vector<256x128xi1>, vector<256x128xi32>
    %min3A_3631 = arith.minimumf %sub3A_3626, %min3A_3616 : vector<256x128xf32>
    %get3A_3632 = arith.constant 0 : index
    %get3A_3633 = arith.constant 5504 : index
    %get3A_3634 = vector.load %arg5[%get3A_3632, %get3A_3633] : memref<1x8192xf32, #tpu.memory_space<vmem>>, vector<1x128xf32>
    %get3A_3635 = vector.shape_cast %get3A_3634 : vector<1x128xf32> to vector<128xf32>
    %broadcast_in_dim3A_3636 = vector.shape_cast %get3A_3635 : vector<128xf32> to vector<1x128xf32>
    %add3A_3637 = vector.broadcast %broadcast_in_dim3A_2983 : vector<256x1xf32> to vector<256x128xf32>
    %add3A_3638 = vector.broadcast %broadcast_in_dim3A_3636 : vector<1x128xf32> to vector<256x128xf32>
    %add3A_3639 = arith.addf %add3A_3637, %add3A_3638 : vector<256x128xf32>
    %slice3A_3640 = vector.extract_strided_slice %dot_general3A_2989 {offsets = [0, 5504], sizes = [256, 128], strides = [1, 1]} : vector<256x8192xf32> to vector<256x128xf32>
    %sub3A_3641 = arith.subf %add3A_3639, %slice3A_3640 : vector<256x128xf32>
    %lt3A_3642 = arith.cmpf olt, %sub3A_3641, %min3A_3631 : vector<256x128xf32>
    %jit3A_3643 = arith.constant 43 : i32
    %broadcast_in_dim3A_3644 = vector.broadcast %jit3A_3643 : i32 to vector<256x128xi32>
    %select_n3A_3645 = arith.select %lt3A_3642, %broadcast_in_dim3A_3644, %select_n3A_3630 : vector<256x128xi1>, vector<256x128xi32>
    %min3A_3646 = arith.minimumf %sub3A_3641, %min3A_3631 : vector<256x128xf32>
    %get3A_3647 = arith.constant 0 : index
    %get3A_3648 = arith.constant 5632 : index
    %get3A_3649 = vector.load %arg5[%get3A_3647, %get3A_3648] : memref<1x8192xf32, #tpu.memory_space<vmem>>, vector<1x128xf32>
    %get3A_3650 = vector.shape_cast %get3A_3649 : vector<1x128xf32> to vector<128xf32>
    %broadcast_in_dim3A_3651 = vector.shape_cast %get3A_3650 : vector<128xf32> to vector<1x128xf32>
    %add3A_3652 = vector.broadcast %broadcast_in_dim3A_2983 : vector<256x1xf32> to vector<256x128xf32>
    %add3A_3653 = vector.broadcast %broadcast_in_dim3A_3651 : vector<1x128xf32> to vector<256x128xf32>
    %add3A_3654 = arith.addf %add3A_3652, %add3A_3653 : vector<256x128xf32>
    %slice3A_3655 = vector.extract_strided_slice %dot_general3A_2989 {offsets = [0, 5632], sizes = [256, 128], strides = [1, 1]} : vector<256x8192xf32> to vector<256x128xf32>
    %sub3A_3656 = arith.subf %add3A_3654, %slice3A_3655 : vector<256x128xf32>
    %lt3A_3657 = arith.cmpf olt, %sub3A_3656, %min3A_3646 : vector<256x128xf32>
    %jit3A_3658 = arith.constant 44 : i32
    %broadcast_in_dim3A_3659 = vector.broadcast %jit3A_3658 : i32 to vector<256x128xi32>
    %select_n3A_3660 = arith.select %lt3A_3657, %broadcast_in_dim3A_3659, %select_n3A_3645 : vector<256x128xi1>, vector<256x128xi32>
    %min3A_3661 = arith.minimumf %sub3A_3656, %min3A_3646 : vector<256x128xf32>
    %get3A_3662 = arith.constant 0 : index
    %get3A_3663 = arith.constant 5760 : index
    %get3A_3664 = vector.load %arg5[%get3A_3662, %get3A_3663] : memref<1x8192xf32, #tpu.memory_space<vmem>>, vector<1x128xf32>
    %get3A_3665 = vector.shape_cast %get3A_3664 : vector<1x128xf32> to vector<128xf32>
    %broadcast_in_dim3A_3666 = vector.shape_cast %get3A_3665 : vector<128xf32> to vector<1x128xf32>
    %add3A_3667 = vector.broadcast %broadcast_in_dim3A_2983 : vector<256x1xf32> to vector<256x128xf32>
    %add3A_3668 = vector.broadcast %broadcast_in_dim3A_3666 : vector<1x128xf32> to vector<256x128xf32>
    %add3A_3669 = arith.addf %add3A_3667, %add3A_3668 : vector<256x128xf32>
    %slice3A_3670 = vector.extract_strided_slice %dot_general3A_2989 {offsets = [0, 5760], sizes = [256, 128], strides = [1, 1]} : vector<256x8192xf32> to vector<256x128xf32>
    %sub3A_3671 = arith.subf %add3A_3669, %slice3A_3670 : vector<256x128xf32>
    %lt3A_3672 = arith.cmpf olt, %sub3A_3671, %min3A_3661 : vector<256x128xf32>
    %jit3A_3673 = arith.constant 45 : i32
    %broadcast_in_dim3A_3674 = vector.broadcast %jit3A_3673 : i32 to vector<256x128xi32>
    %select_n3A_3675 = arith.select %lt3A_3672, %broadcast_in_dim3A_3674, %select_n3A_3660 : vector<256x128xi1>, vector<256x128xi32>
    %min3A_3676 = arith.minimumf %sub3A_3671, %min3A_3661 : vector<256x128xf32>
    %get3A_3677 = arith.constant 0 : index
    %get3A_3678 = arith.constant 5888 : index
    %get3A_3679 = vector.load %arg5[%get3A_3677, %get3A_3678] : memref<1x8192xf32, #tpu.memory_space<vmem>>, vector<1x128xf32>
    %get3A_3680 = vector.shape_cast %get3A_3679 : vector<1x128xf32> to vector<128xf32>
    %broadcast_in_dim3A_3681 = vector.shape_cast %get3A_3680 : vector<128xf32> to vector<1x128xf32>
    %add3A_3682 = vector.broadcast %broadcast_in_dim3A_2983 : vector<256x1xf32> to vector<256x128xf32>
    %add3A_3683 = vector.broadcast %broadcast_in_dim3A_3681 : vector<1x128xf32> to vector<256x128xf32>
    %add3A_3684 = arith.addf %add3A_3682, %add3A_3683 : vector<256x128xf32>
    %slice3A_3685 = vector.extract_strided_slice %dot_general3A_2989 {offsets = [0, 5888], sizes = [256, 128], strides = [1, 1]} : vector<256x8192xf32> to vector<256x128xf32>
    %sub3A_3686 = arith.subf %add3A_3684, %slice3A_3685 : vector<256x128xf32>
    %lt3A_3687 = arith.cmpf olt, %sub3A_3686, %min3A_3676 : vector<256x128xf32>
    %jit3A_3688 = arith.constant 46 : i32
    %broadcast_in_dim3A_3689 = vector.broadcast %jit3A_3688 : i32 to vector<256x128xi32>
    %select_n3A_3690 = arith.select %lt3A_3687, %broadcast_in_dim3A_3689, %select_n3A_3675 : vector<256x128xi1>, vector<256x128xi32>
    %min3A_3691 = arith.minimumf %sub3A_3686, %min3A_3676 : vector<256x128xf32>
    %get3A_3692 = arith.constant 0 : index
    %get3A_3693 = arith.constant 6016 : index
    %get3A_3694 = vector.load %arg5[%get3A_3692, %get3A_3693] : memref<1x8192xf32, #tpu.memory_space<vmem>>, vector<1x128xf32>
    %get3A_3695 = vector.shape_cast %get3A_3694 : vector<1x128xf32> to vector<128xf32>
    %broadcast_in_dim3A_3696 = vector.shape_cast %get3A_3695 : vector<128xf32> to vector<1x128xf32>
    %add3A_3697 = vector.broadcast %broadcast_in_dim3A_2983 : vector<256x1xf32> to vector<256x128xf32>
    %add3A_3698 = vector.broadcast %broadcast_in_dim3A_3696 : vector<1x128xf32> to vector<256x128xf32>
    %add3A_3699 = arith.addf %add3A_3697, %add3A_3698 : vector<256x128xf32>
    %slice3A_3700 = vector.extract_strided_slice %dot_general3A_2989 {offsets = [0, 6016], sizes = [256, 128], strides = [1, 1]} : vector<256x8192xf32> to vector<256x128xf32>
    %sub3A_3701 = arith.subf %add3A_3699, %slice3A_3700 : vector<256x128xf32>
    %lt3A_3702 = arith.cmpf olt, %sub3A_3701, %min3A_3691 : vector<256x128xf32>
    %jit3A_3703 = arith.constant 47 : i32
    %broadcast_in_dim3A_3704 = vector.broadcast %jit3A_3703 : i32 to vector<256x128xi32>
    %select_n3A_3705 = arith.select %lt3A_3702, %broadcast_in_dim3A_3704, %select_n3A_3690 : vector<256x128xi1>, vector<256x128xi32>
    %min3A_3706 = arith.minimumf %sub3A_3701, %min3A_3691 : vector<256x128xf32>
    %get3A_3707 = arith.constant 0 : index
    %get3A_3708 = arith.constant 6144 : index
    %get3A_3709 = vector.load %arg5[%get3A_3707, %get3A_3708] : memref<1x8192xf32, #tpu.memory_space<vmem>>, vector<1x128xf32>
    %get3A_3710 = vector.shape_cast %get3A_3709 : vector<1x128xf32> to vector<128xf32>
    %broadcast_in_dim3A_3711 = vector.shape_cast %get3A_3710 : vector<128xf32> to vector<1x128xf32>
    %add3A_3712 = vector.broadcast %broadcast_in_dim3A_2983 : vector<256x1xf32> to vector<256x128xf32>
    %add3A_3713 = vector.broadcast %broadcast_in_dim3A_3711 : vector<1x128xf32> to vector<256x128xf32>
    %add3A_3714 = arith.addf %add3A_3712, %add3A_3713 : vector<256x128xf32>
    %slice3A_3715 = vector.extract_strided_slice %dot_general3A_2989 {offsets = [0, 6144], sizes = [256, 128], strides = [1, 1]} : vector<256x8192xf32> to vector<256x128xf32>
    %sub3A_3716 = arith.subf %add3A_3714, %slice3A_3715 : vector<256x128xf32>
    %lt3A_3717 = arith.cmpf olt, %sub3A_3716, %min3A_3706 : vector<256x128xf32>
    %jit3A_3718 = arith.constant 48 : i32
    %broadcast_in_dim3A_3719 = vector.broadcast %jit3A_3718 : i32 to vector<256x128xi32>
    %select_n3A_3720 = arith.select %lt3A_3717, %broadcast_in_dim3A_3719, %select_n3A_3705 : vector<256x128xi1>, vector<256x128xi32>
    %min3A_3721 = arith.minimumf %sub3A_3716, %min3A_3706 : vector<256x128xf32>
    %get3A_3722 = arith.constant 0 : index
    %get3A_3723 = arith.constant 6272 : index
    %get3A_3724 = vector.load %arg5[%get3A_3722, %get3A_3723] : memref<1x8192xf32, #tpu.memory_space<vmem>>, vector<1x128xf32>
    %get3A_3725 = vector.shape_cast %get3A_3724 : vector<1x128xf32> to vector<128xf32>
    %broadcast_in_dim3A_3726 = vector.shape_cast %get3A_3725 : vector<128xf32> to vector<1x128xf32>
    %add3A_3727 = vector.broadcast %broadcast_in_dim3A_2983 : vector<256x1xf32> to vector<256x128xf32>
    %add3A_3728 = vector.broadcast %broadcast_in_dim3A_3726 : vector<1x128xf32> to vector<256x128xf32>
    %add3A_3729 = arith.addf %add3A_3727, %add3A_3728 : vector<256x128xf32>
    %slice3A_3730 = vector.extract_strided_slice %dot_general3A_2989 {offsets = [0, 6272], sizes = [256, 128], strides = [1, 1]} : vector<256x8192xf32> to vector<256x128xf32>
    %sub3A_3731 = arith.subf %add3A_3729, %slice3A_3730 : vector<256x128xf32>
    %lt3A_3732 = arith.cmpf olt, %sub3A_3731, %min3A_3721 : vector<256x128xf32>
    %jit3A_3733 = arith.constant 49 : i32
    %broadcast_in_dim3A_3734 = vector.broadcast %jit3A_3733 : i32 to vector<256x128xi32>
    %select_n3A_3735 = arith.select %lt3A_3732, %broadcast_in_dim3A_3734, %select_n3A_3720 : vector<256x128xi1>, vector<256x128xi32>
    %min3A_3736 = arith.minimumf %sub3A_3731, %min3A_3721 : vector<256x128xf32>
    %get3A_3737 = arith.constant 0 : index
    %get3A_3738 = arith.constant 6400 : index
    %get3A_3739 = vector.load %arg5[%get3A_3737, %get3A_3738] : memref<1x8192xf32, #tpu.memory_space<vmem>>, vector<1x128xf32>
    %get3A_3740 = vector.shape_cast %get3A_3739 : vector<1x128xf32> to vector<128xf32>
    %broadcast_in_dim3A_3741 = vector.shape_cast %get3A_3740 : vector<128xf32> to vector<1x128xf32>
    %add3A_3742 = vector.broadcast %broadcast_in_dim3A_2983 : vector<256x1xf32> to vector<256x128xf32>
    %add3A_3743 = vector.broadcast %broadcast_in_dim3A_3741 : vector<1x128xf32> to vector<256x128xf32>
    %add3A_3744 = arith.addf %add3A_3742, %add3A_3743 : vector<256x128xf32>
    %slice3A_3745 = vector.extract_strided_slice %dot_general3A_2989 {offsets = [0, 6400], sizes = [256, 128], strides = [1, 1]} : vector<256x8192xf32> to vector<256x128xf32>
    %sub3A_3746 = arith.subf %add3A_3744, %slice3A_3745 : vector<256x128xf32>
    %lt3A_3747 = arith.cmpf olt, %sub3A_3746, %min3A_3736 : vector<256x128xf32>
    %jit3A_3748 = arith.constant 50 : i32
    %broadcast_in_dim3A_3749 = vector.broadcast %jit3A_3748 : i32 to vector<256x128xi32>
    %select_n3A_3750 = arith.select %lt3A_3747, %broadcast_in_dim3A_3749, %select_n3A_3735 : vector<256x128xi1>, vector<256x128xi32>
    %min3A_3751 = arith.minimumf %sub3A_3746, %min3A_3736 : vector<256x128xf32>
    %get3A_3752 = arith.constant 0 : index
    %get3A_3753 = arith.constant 6528 : index
    %get3A_3754 = vector.load %arg5[%get3A_3752, %get3A_3753] : memref<1x8192xf32, #tpu.memory_space<vmem>>, vector<1x128xf32>
    %get3A_3755 = vector.shape_cast %get3A_3754 : vector<1x128xf32> to vector<128xf32>
    %broadcast_in_dim3A_3756 = vector.shape_cast %get3A_3755 : vector<128xf32> to vector<1x128xf32>
    %add3A_3757 = vector.broadcast %broadcast_in_dim3A_2983 : vector<256x1xf32> to vector<256x128xf32>
    %add3A_3758 = vector.broadcast %broadcast_in_dim3A_3756 : vector<1x128xf32> to vector<256x128xf32>
    %add3A_3759 = arith.addf %add3A_3757, %add3A_3758 : vector<256x128xf32>
    %slice3A_3760 = vector.extract_strided_slice %dot_general3A_2989 {offsets = [0, 6528], sizes = [256, 128], strides = [1, 1]} : vector<256x8192xf32> to vector<256x128xf32>
    %sub3A_3761 = arith.subf %add3A_3759, %slice3A_3760 : vector<256x128xf32>
    %lt3A_3762 = arith.cmpf olt, %sub3A_3761, %min3A_3751 : vector<256x128xf32>
    %jit3A_3763 = arith.constant 51 : i32
    %broadcast_in_dim3A_3764 = vector.broadcast %jit3A_3763 : i32 to vector<256x128xi32>
    %select_n3A_3765 = arith.select %lt3A_3762, %broadcast_in_dim3A_3764, %select_n3A_3750 : vector<256x128xi1>, vector<256x128xi32>
    %min3A_3766 = arith.minimumf %sub3A_3761, %min3A_3751 : vector<256x128xf32>
    %get3A_3767 = arith.constant 0 : index
    %get3A_3768 = arith.constant 6656 : index
    %get3A_3769 = vector.load %arg5[%get3A_3767, %get3A_3768] : memref<1x8192xf32, #tpu.memory_space<vmem>>, vector<1x128xf32>
    %get3A_3770 = vector.shape_cast %get3A_3769 : vector<1x128xf32> to vector<128xf32>
    %broadcast_in_dim3A_3771 = vector.shape_cast %get3A_3770 : vector<128xf32> to vector<1x128xf32>
    %add3A_3772 = vector.broadcast %broadcast_in_dim3A_2983 : vector<256x1xf32> to vector<256x128xf32>
    %add3A_3773 = vector.broadcast %broadcast_in_dim3A_3771 : vector<1x128xf32> to vector<256x128xf32>
    %add3A_3774 = arith.addf %add3A_3772, %add3A_3773 : vector<256x128xf32>
    %slice3A_3775 = vector.extract_strided_slice %dot_general3A_2989 {offsets = [0, 6656], sizes = [256, 128], strides = [1, 1]} : vector<256x8192xf32> to vector<256x128xf32>
    %sub3A_3776 = arith.subf %add3A_3774, %slice3A_3775 : vector<256x128xf32>
    %lt3A_3777 = arith.cmpf olt, %sub3A_3776, %min3A_3766 : vector<256x128xf32>
    %jit3A_3778 = arith.constant 52 : i32
    %broadcast_in_dim3A_3779 = vector.broadcast %jit3A_3778 : i32 to vector<256x128xi32>
    %select_n3A_3780 = arith.select %lt3A_3777, %broadcast_in_dim3A_3779, %select_n3A_3765 : vector<256x128xi1>, vector<256x128xi32>
    %min3A_3781 = arith.minimumf %sub3A_3776, %min3A_3766 : vector<256x128xf32>
    %get3A_3782 = arith.constant 0 : index
    %get3A_3783 = arith.constant 6784 : index
    %get3A_3784 = vector.load %arg5[%get3A_3782, %get3A_3783] : memref<1x8192xf32, #tpu.memory_space<vmem>>, vector<1x128xf32>
    %get3A_3785 = vector.shape_cast %get3A_3784 : vector<1x128xf32> to vector<128xf32>
    %broadcast_in_dim3A_3786 = vector.shape_cast %get3A_3785 : vector<128xf32> to vector<1x128xf32>
    %add3A_3787 = vector.broadcast %broadcast_in_dim3A_2983 : vector<256x1xf32> to vector<256x128xf32>
    %add3A_3788 = vector.broadcast %broadcast_in_dim3A_3786 : vector<1x128xf32> to vector<256x128xf32>
    %add3A_3789 = arith.addf %add3A_3787, %add3A_3788 : vector<256x128xf32>
    %slice3A_3790 = vector.extract_strided_slice %dot_general3A_2989 {offsets = [0, 6784], sizes = [256, 128], strides = [1, 1]} : vector<256x8192xf32> to vector<256x128xf32>
    %sub3A_3791 = arith.subf %add3A_3789, %slice3A_3790 : vector<256x128xf32>
    %lt3A_3792 = arith.cmpf olt, %sub3A_3791, %min3A_3781 : vector<256x128xf32>
    %jit3A_3793 = arith.constant 53 : i32
    %broadcast_in_dim3A_3794 = vector.broadcast %jit3A_3793 : i32 to vector<256x128xi32>
    %select_n3A_3795 = arith.select %lt3A_3792, %broadcast_in_dim3A_3794, %select_n3A_3780 : vector<256x128xi1>, vector<256x128xi32>
    %min3A_3796 = arith.minimumf %sub3A_3791, %min3A_3781 : vector<256x128xf32>
    %get3A_3797 = arith.constant 0 : index
    %get3A_3798 = arith.constant 6912 : index
    %get3A_3799 = vector.load %arg5[%get3A_3797, %get3A_3798] : memref<1x8192xf32, #tpu.memory_space<vmem>>, vector<1x128xf32>
    %get3A_3800 = vector.shape_cast %get3A_3799 : vector<1x128xf32> to vector<128xf32>
    %broadcast_in_dim3A_3801 = vector.shape_cast %get3A_3800 : vector<128xf32> to vector<1x128xf32>
    %add3A_3802 = vector.broadcast %broadcast_in_dim3A_2983 : vector<256x1xf32> to vector<256x128xf32>
    %add3A_3803 = vector.broadcast %broadcast_in_dim3A_3801 : vector<1x128xf32> to vector<256x128xf32>
    %add3A_3804 = arith.addf %add3A_3802, %add3A_3803 : vector<256x128xf32>
    %slice3A_3805 = vector.extract_strided_slice %dot_general3A_2989 {offsets = [0, 6912], sizes = [256, 128], strides = [1, 1]} : vector<256x8192xf32> to vector<256x128xf32>
    %sub3A_3806 = arith.subf %add3A_3804, %slice3A_3805 : vector<256x128xf32>
    %lt3A_3807 = arith.cmpf olt, %sub3A_3806, %min3A_3796 : vector<256x128xf32>
    %jit3A_3808 = arith.constant 54 : i32
    %broadcast_in_dim3A_3809 = vector.broadcast %jit3A_3808 : i32 to vector<256x128xi32>
    %select_n3A_3810 = arith.select %lt3A_3807, %broadcast_in_dim3A_3809, %select_n3A_3795 : vector<256x128xi1>, vector<256x128xi32>
    %min3A_3811 = arith.minimumf %sub3A_3806, %min3A_3796 : vector<256x128xf32>
    %get3A_3812 = arith.constant 0 : index
    %get3A_3813 = arith.constant 7040 : index
    %get3A_3814 = vector.load %arg5[%get3A_3812, %get3A_3813] : memref<1x8192xf32, #tpu.memory_space<vmem>>, vector<1x128xf32>
    %get3A_3815 = vector.shape_cast %get3A_3814 : vector<1x128xf32> to vector<128xf32>
    %broadcast_in_dim3A_3816 = vector.shape_cast %get3A_3815 : vector<128xf32> to vector<1x128xf32>
    %add3A_3817 = vector.broadcast %broadcast_in_dim3A_2983 : vector<256x1xf32> to vector<256x128xf32>
    %add3A_3818 = vector.broadcast %broadcast_in_dim3A_3816 : vector<1x128xf32> to vector<256x128xf32>
    %add3A_3819 = arith.addf %add3A_3817, %add3A_3818 : vector<256x128xf32>
    %slice3A_3820 = vector.extract_strided_slice %dot_general3A_2989 {offsets = [0, 7040], sizes = [256, 128], strides = [1, 1]} : vector<256x8192xf32> to vector<256x128xf32>
    %sub3A_3821 = arith.subf %add3A_3819, %slice3A_3820 : vector<256x128xf32>
    %lt3A_3822 = arith.cmpf olt, %sub3A_3821, %min3A_3811 : vector<256x128xf32>
    %jit3A_3823 = arith.constant 55 : i32
    %broadcast_in_dim3A_3824 = vector.broadcast %jit3A_3823 : i32 to vector<256x128xi32>
    %select_n3A_3825 = arith.select %lt3A_3822, %broadcast_in_dim3A_3824, %select_n3A_3810 : vector<256x128xi1>, vector<256x128xi32>
    %min3A_3826 = arith.minimumf %sub3A_3821, %min3A_3811 : vector<256x128xf32>
    %get3A_3827 = arith.constant 0 : index
    %get3A_3828 = arith.constant 7168 : index
    %get3A_3829 = vector.load %arg5[%get3A_3827, %get3A_3828] : memref<1x8192xf32, #tpu.memory_space<vmem>>, vector<1x128xf32>
    %get3A_3830 = vector.shape_cast %get3A_3829 : vector<1x128xf32> to vector<128xf32>
    %broadcast_in_dim3A_3831 = vector.shape_cast %get3A_3830 : vector<128xf32> to vector<1x128xf32>
    %add3A_3832 = vector.broadcast %broadcast_in_dim3A_2983 : vector<256x1xf32> to vector<256x128xf32>
    %add3A_3833 = vector.broadcast %broadcast_in_dim3A_3831 : vector<1x128xf32> to vector<256x128xf32>
    %add3A_3834 = arith.addf %add3A_3832, %add3A_3833 : vector<256x128xf32>
    %slice3A_3835 = vector.extract_strided_slice %dot_general3A_2989 {offsets = [0, 7168], sizes = [256, 128], strides = [1, 1]} : vector<256x8192xf32> to vector<256x128xf32>
    %sub3A_3836 = arith.subf %add3A_3834, %slice3A_3835 : vector<256x128xf32>
    %lt3A_3837 = arith.cmpf olt, %sub3A_3836, %min3A_3826 : vector<256x128xf32>
    %jit3A_3838 = arith.constant 56 : i32
    %broadcast_in_dim3A_3839 = vector.broadcast %jit3A_3838 : i32 to vector<256x128xi32>
    %select_n3A_3840 = arith.select %lt3A_3837, %broadcast_in_dim3A_3839, %select_n3A_3825 : vector<256x128xi1>, vector<256x128xi32>
    %min3A_3841 = arith.minimumf %sub3A_3836, %min3A_3826 : vector<256x128xf32>
    %get3A_3842 = arith.constant 0 : index
    %get3A_3843 = arith.constant 7296 : index
    %get3A_3844 = vector.load %arg5[%get3A_3842, %get3A_3843] : memref<1x8192xf32, #tpu.memory_space<vmem>>, vector<1x128xf32>
    %get3A_3845 = vector.shape_cast %get3A_3844 : vector<1x128xf32> to vector<128xf32>
    %broadcast_in_dim3A_3846 = vector.shape_cast %get3A_3845 : vector<128xf32> to vector<1x128xf32>
    %add3A_3847 = vector.broadcast %broadcast_in_dim3A_2983 : vector<256x1xf32> to vector<256x128xf32>
    %add3A_3848 = vector.broadcast %broadcast_in_dim3A_3846 : vector<1x128xf32> to vector<256x128xf32>
    %add3A_3849 = arith.addf %add3A_3847, %add3A_3848 : vector<256x128xf32>
    %slice3A_3850 = vector.extract_strided_slice %dot_general3A_2989 {offsets = [0, 7296], sizes = [256, 128], strides = [1, 1]} : vector<256x8192xf32> to vector<256x128xf32>
    %sub3A_3851 = arith.subf %add3A_3849, %slice3A_3850 : vector<256x128xf32>
    %lt3A_3852 = arith.cmpf olt, %sub3A_3851, %min3A_3841 : vector<256x128xf32>
    %jit3A_3853 = arith.constant 57 : i32
    %broadcast_in_dim3A_3854 = vector.broadcast %jit3A_3853 : i32 to vector<256x128xi32>
    %select_n3A_3855 = arith.select %lt3A_3852, %broadcast_in_dim3A_3854, %select_n3A_3840 : vector<256x128xi1>, vector<256x128xi32>
    %min3A_3856 = arith.minimumf %sub3A_3851, %min3A_3841 : vector<256x128xf32>
    %get3A_3857 = arith.constant 0 : index
    %get3A_3858 = arith.constant 7424 : index
    %get3A_3859 = vector.load %arg5[%get3A_3857, %get3A_3858] : memref<1x8192xf32, #tpu.memory_space<vmem>>, vector<1x128xf32>
    %get3A_3860 = vector.shape_cast %get3A_3859 : vector<1x128xf32> to vector<128xf32>
    %broadcast_in_dim3A_3861 = vector.shape_cast %get3A_3860 : vector<128xf32> to vector<1x128xf32>
    %add3A_3862 = vector.broadcast %broadcast_in_dim3A_2983 : vector<256x1xf32> to vector<256x128xf32>
    %add3A_3863 = vector.broadcast %broadcast_in_dim3A_3861 : vector<1x128xf32> to vector<256x128xf32>
    %add3A_3864 = arith.addf %add3A_3862, %add3A_3863 : vector<256x128xf32>
    %slice3A_3865 = vector.extract_strided_slice %dot_general3A_2989 {offsets = [0, 7424], sizes = [256, 128], strides = [1, 1]} : vector<256x8192xf32> to vector<256x128xf32>
    %sub3A_3866 = arith.subf %add3A_3864, %slice3A_3865 : vector<256x128xf32>
    %lt3A_3867 = arith.cmpf olt, %sub3A_3866, %min3A_3856 : vector<256x128xf32>
    %jit3A_3868 = arith.constant 58 : i32
    %broadcast_in_dim3A_3869 = vector.broadcast %jit3A_3868 : i32 to vector<256x128xi32>
    %select_n3A_3870 = arith.select %lt3A_3867, %broadcast_in_dim3A_3869, %select_n3A_3855 : vector<256x128xi1>, vector<256x128xi32>
    %min3A_3871 = arith.minimumf %sub3A_3866, %min3A_3856 : vector<256x128xf32>
    %get3A_3872 = arith.constant 0 : index
    %get3A_3873 = arith.constant 7552 : index
    %get3A_3874 = vector.load %arg5[%get3A_3872, %get3A_3873] : memref<1x8192xf32, #tpu.memory_space<vmem>>, vector<1x128xf32>
    %get3A_3875 = vector.shape_cast %get3A_3874 : vector<1x128xf32> to vector<128xf32>
    %broadcast_in_dim3A_3876 = vector.shape_cast %get3A_3875 : vector<128xf32> to vector<1x128xf32>
    %add3A_3877 = vector.broadcast %broadcast_in_dim3A_2983 : vector<256x1xf32> to vector<256x128xf32>
    %add3A_3878 = vector.broadcast %broadcast_in_dim3A_3876 : vector<1x128xf32> to vector<256x128xf32>
    %add3A_3879 = arith.addf %add3A_3877, %add3A_3878 : vector<256x128xf32>
    %slice3A_3880 = vector.extract_strided_slice %dot_general3A_2989 {offsets = [0, 7552], sizes = [256, 128], strides = [1, 1]} : vector<256x8192xf32> to vector<256x128xf32>
    %sub3A_3881 = arith.subf %add3A_3879, %slice3A_3880 : vector<256x128xf32>
    %lt3A_3882 = arith.cmpf olt, %sub3A_3881, %min3A_3871 : vector<256x128xf32>
    %jit3A_3883 = arith.constant 59 : i32
    %broadcast_in_dim3A_3884 = vector.broadcast %jit3A_3883 : i32 to vector<256x128xi32>
    %select_n3A_3885 = arith.select %lt3A_3882, %broadcast_in_dim3A_3884, %select_n3A_3870 : vector<256x128xi1>, vector<256x128xi32>
    %min3A_3886 = arith.minimumf %sub3A_3881, %min3A_3871 : vector<256x128xf32>
    %get3A_3887 = arith.constant 0 : index
    %get3A_3888 = arith.constant 7680 : index
    %get3A_3889 = vector.load %arg5[%get3A_3887, %get3A_3888] : memref<1x8192xf32, #tpu.memory_space<vmem>>, vector<1x128xf32>
    %get3A_3890 = vector.shape_cast %get3A_3889 : vector<1x128xf32> to vector<128xf32>
    %broadcast_in_dim3A_3891 = vector.shape_cast %get3A_3890 : vector<128xf32> to vector<1x128xf32>
    %add3A_3892 = vector.broadcast %broadcast_in_dim3A_2983 : vector<256x1xf32> to vector<256x128xf32>
    %add3A_3893 = vector.broadcast %broadcast_in_dim3A_3891 : vector<1x128xf32> to vector<256x128xf32>
    %add3A_3894 = arith.addf %add3A_3892, %add3A_3893 : vector<256x128xf32>
    %slice3A_3895 = vector.extract_strided_slice %dot_general3A_2989 {offsets = [0, 7680], sizes = [256, 128], strides = [1, 1]} : vector<256x8192xf32> to vector<256x128xf32>
    %sub3A_3896 = arith.subf %add3A_3894, %slice3A_3895 : vector<256x128xf32>
    %lt3A_3897 = arith.cmpf olt, %sub3A_3896, %min3A_3886 : vector<256x128xf32>
    %jit3A_3898 = arith.constant 60 : i32
    %broadcast_in_dim3A_3899 = vector.broadcast %jit3A_3898 : i32 to vector<256x128xi32>
    %select_n3A_3900 = arith.select %lt3A_3897, %broadcast_in_dim3A_3899, %select_n3A_3885 : vector<256x128xi1>, vector<256x128xi32>
    %min3A_3901 = arith.minimumf %sub3A_3896, %min3A_3886 : vector<256x128xf32>
    %get3A_3902 = arith.constant 0 : index
    %get3A_3903 = arith.constant 7808 : index
    %get3A_3904 = vector.load %arg5[%get3A_3902, %get3A_3903] : memref<1x8192xf32, #tpu.memory_space<vmem>>, vector<1x128xf32>
    %get3A_3905 = vector.shape_cast %get3A_3904 : vector<1x128xf32> to vector<128xf32>
    %broadcast_in_dim3A_3906 = vector.shape_cast %get3A_3905 : vector<128xf32> to vector<1x128xf32>
    %add3A_3907 = vector.broadcast %broadcast_in_dim3A_2983 : vector<256x1xf32> to vector<256x128xf32>
    %add3A_3908 = vector.broadcast %broadcast_in_dim3A_3906 : vector<1x128xf32> to vector<256x128xf32>
    %add3A_3909 = arith.addf %add3A_3907, %add3A_3908 : vector<256x128xf32>
    %slice3A_3910 = vector.extract_strided_slice %dot_general3A_2989 {offsets = [0, 7808], sizes = [256, 128], strides = [1, 1]} : vector<256x8192xf32> to vector<256x128xf32>
    %sub3A_3911 = arith.subf %add3A_3909, %slice3A_3910 : vector<256x128xf32>
    %lt3A_3912 = arith.cmpf olt, %sub3A_3911, %min3A_3901 : vector<256x128xf32>
    %jit3A_3913 = arith.constant 61 : i32
    %broadcast_in_dim3A_3914 = vector.broadcast %jit3A_3913 : i32 to vector<256x128xi32>
    %select_n3A_3915 = arith.select %lt3A_3912, %broadcast_in_dim3A_3914, %select_n3A_3900 : vector<256x128xi1>, vector<256x128xi32>
    %min3A_3916 = arith.minimumf %sub3A_3911, %min3A_3901 : vector<256x128xf32>
    %get3A_3917 = arith.constant 0 : index
    %get3A_3918 = arith.constant 7936 : index
    %get3A_3919 = vector.load %arg5[%get3A_3917, %get3A_3918] : memref<1x8192xf32, #tpu.memory_space<vmem>>, vector<1x128xf32>
    %get3A_3920 = vector.shape_cast %get3A_3919 : vector<1x128xf32> to vector<128xf32>
    %broadcast_in_dim3A_3921 = vector.shape_cast %get3A_3920 : vector<128xf32> to vector<1x128xf32>
    %add3A_3922 = vector.broadcast %broadcast_in_dim3A_2983 : vector<256x1xf32> to vector<256x128xf32>
    %add3A_3923 = vector.broadcast %broadcast_in_dim3A_3921 : vector<1x128xf32> to vector<256x128xf32>
    %add3A_3924 = arith.addf %add3A_3922, %add3A_3923 : vector<256x128xf32>
    %slice3A_3925 = vector.extract_strided_slice %dot_general3A_2989 {offsets = [0, 7936], sizes = [256, 128], strides = [1, 1]} : vector<256x8192xf32> to vector<256x128xf32>
    %sub3A_3926 = arith.subf %add3A_3924, %slice3A_3925 : vector<256x128xf32>
    %lt3A_3927 = arith.cmpf olt, %sub3A_3926, %min3A_3916 : vector<256x128xf32>
    %jit3A_3928 = arith.constant 62 : i32
    %broadcast_in_dim3A_3929 = vector.broadcast %jit3A_3928 : i32 to vector<256x128xi32>
    %select_n3A_3930 = arith.select %lt3A_3927, %broadcast_in_dim3A_3929, %select_n3A_3915 : vector<256x128xi1>, vector<256x128xi32>
    %min3A_3931 = arith.minimumf %sub3A_3926, %min3A_3916 : vector<256x128xf32>
    %get3A_3932 = arith.constant 0 : index
    %get3A_3933 = arith.constant 8064 : index
    %get3A_3934 = vector.load %arg5[%get3A_3932, %get3A_3933] : memref<1x8192xf32, #tpu.memory_space<vmem>>, vector<1x128xf32>
    %get3A_3935 = vector.shape_cast %get3A_3934 : vector<1x128xf32> to vector<128xf32>
    %broadcast_in_dim3A_3936 = vector.shape_cast %get3A_3935 : vector<128xf32> to vector<1x128xf32>
    %add3A_3937 = vector.broadcast %broadcast_in_dim3A_2983 : vector<256x1xf32> to vector<256x128xf32>
    %add3A_3938 = vector.broadcast %broadcast_in_dim3A_3936 : vector<1x128xf32> to vector<256x128xf32>
    %add3A_3939 = arith.addf %add3A_3937, %add3A_3938 : vector<256x128xf32>
    %slice3A_3940 = vector.extract_strided_slice %dot_general3A_2989 {offsets = [0, 8064], sizes = [256, 128], strides = [1, 1]} : vector<256x8192xf32> to vector<256x128xf32>
    %sub3A_3941 = arith.subf %add3A_3939, %slice3A_3940 : vector<256x128xf32>
    %lt3A_3942 = arith.cmpf olt, %sub3A_3941, %min3A_3931 : vector<256x128xf32>
    %jit3A_3943 = arith.constant 63 : i32
    %broadcast_in_dim3A_3944 = vector.broadcast %jit3A_3943 : i32 to vector<256x128xi32>
    %select_n3A_3945 = arith.select %lt3A_3942, %broadcast_in_dim3A_3944, %select_n3A_3930 : vector<256x128xi1>, vector<256x128xi32>
    %min3A_3946 = arith.minimumf %sub3A_3941, %min3A_3931 : vector<256x128xf32>
    %mul3A_3947 = arith.constant 128 : i32
    %mul3A_3948 = vector.broadcast %mul3A_3947 : i32 to vector<256x128xi32>
    %mul3A_3949 = arith.muli %select_n3A_3945, %mul3A_3948 : vector<256x128xi32>
    %iota3A_3950 = tpu.iota {dimensions = array<i32: 1>} : vector<256x128xi32>
    %add3A_3951 = arith.addi %mul3A_3949, %iota3A_3950 : vector<256x128xi32>
    %reduce_min3A_3952 = arith.constant dense<0x7F800000> : vector<256xf32>
    %reduce_min3A_3953 = vector.multi_reduction <minimumf>, %min3A_3946, %reduce_min3A_3952 [1] : vector<256x128xf32> to vector<256xf32>
    %broadcast_in_dim3A_3954 = vector.shape_cast %reduce_min3A_3953 : vector<256xf32> to vector<256x1xf32>
    %eq3A_3955 = vector.broadcast %broadcast_in_dim3A_3954 : vector<256x1xf32> to vector<256x128xf32>
    %eq3A_3956 = arith.cmpf oeq, %min3A_3946, %eq3A_3955 : vector<256x128xf32>
    %jit3A_3957 = arith.constant 1073741824 : i32
    %broadcast_in_dim3A_3958 = vector.broadcast %jit3A_3957 : i32 to vector<256x128xi32>
    %select_n3A_3959 = arith.select %eq3A_3956, %add3A_3951, %broadcast_in_dim3A_3958 : vector<256x128xi1>, vector<256x128xi32>
    %reduce_min3A_3960 = arith.constant dense<2147483647> : vector<256xi32>
    %reduce_min3A_3961 = vector.multi_reduction <minsi>, %select_n3A_3959, %reduce_min3A_3960 [1] : vector<256x128xi32> to vector<256xi32>
    %swap3A_3962 = arith.constant 0 : index
    %swap3A_3963 = arith.constant 0 : index
    %swap3A_3964 = arith.constant 768 : index
    %swap3A_3965 = vector.load %arg3[%swap3A_3962, %swap3A_3963, %swap3A_3964] : memref<1x1x1024xi32, #tpu.memory_space<vmem>>, vector<1x1x256xi32>
    %swap3A_3966 = vector.shape_cast %swap3A_3965 : vector<1x1x256xi32> to vector<256xi32>
    %swap3A_3967 = vector.shape_cast %reduce_min3A_3961 : vector<256xi32> to vector<1x1x256xi32>
    tpu.vector_store %arg3[%swap3A_3962, %swap3A_3963, %swap3A_3964], %swap3A_3967 {strides = array<i32>} : memref<1x1x1024xi32, #tpu.memory_space<vmem>>, vector<1x1x256xi32>,
    %squeeze3A_3968 = vector.shape_cast %broadcast_in_dim3A_3954 : vector<256x1xf32> to vector<256xf32>
    %swap3A_3969 = arith.constant 0 : index
    %swap3A_3970 = arith.constant 0 : index
    %swap3A_3971 = arith.constant 768 : index
    %swap3A_3972 = vector.load %arg4[%swap3A_3969, %swap3A_3970, %swap3A_3971] : memref<1x1x1024xf32, #tpu.memory_space<vmem>>, vector<1x1x256xf32>
    %swap3A_3973 = vector.shape_cast %swap3A_3972 : vector<1x1x256xf32> to vector<256xf32>
    %swap3A_3974 = vector.shape_cast %squeeze3A_3968 : vector<256xf32> to vector<1x1x256xf32>
    tpu.vector_store %arg4[%swap3A_3969, %swap3A_3970, %swap3A_3971], %swap3A_3974 {strides = array<i32>} : memref<1x1x1024xf32, #tpu.memory_space<vmem>>, vector<1x1x256xf32>,
    return
  }
  func.func @transform_0(%arg0: i32) -> (i32, i32, i32) {
    %c0_i32 = arith.constant 0 : i32
    %c0_i32_0 = arith.constant 0 : i32
    %c0_i32_1 = arith.constant 0 : i32
    return %arg0, %c0_i32, %c0_i32_0 : i32, i32, i32
  }
  func.func @transform_1(%arg0: i32) -> (i32, i32) {
    %c0_i32 = arith.constant 0 : i32
    %c0_i32_0 = arith.constant 0 : i32
    %c0_i32_1 = arith.constant 0 : i32
    return %c0_i32, %c0_i32_0 : i32, i32
  }
  func.func @transform_2(%arg0: i32) -> (i32, i32, i32) {
    %c0_i32 = arith.constant 0 : i32
    %c0_i32_0 = arith.constant 0 : i32
    %c0_i32_1 = arith.constant 0 : i32
    return %arg0, %c0_i32, %c0_i32_0 : i32, i32, i32
  }
  func.func @transform_3(%arg0: i32) -> (i32, i32, i32) {
    %c0_i32 = arith.constant 0 : i32
    %c0_i32_0 = arith.constant 0 : i32
    %c0_i32_1 = arith.constant 0 : i32
    return %arg0, %c0_i32, %c0_i32_0 : i32, i32, i32
  }
}

</mosaic_0001>

<sc_bundles>
// kernel: kernel.4.cloned.1.call-start
scs
__scs_entry_jumppad:
0x0: {  	(pc) =	sbr.rel $0x88, $3  }
0x1: {  	(tag) =	ssettag $0x0;
	lr =	simm.s32 $0x1  }
0x2: {  	[smem:$0x3F9F] =	sst lr;
	_ =	strace $0xD0000000  }
0x3: {  	_ = 	snop  }
0x4: {  	_ = 	snop  }
0x5: {  	_ = 	snop  }
0x6: {  	_ = 	snop  }
0x7: {  	_ = 	snop  }
__scs_overlays_trampoline_lowered:
0x8: {  	[smem:$0x3FAE] =	sst s0  }
0x9: {  	[smem:$0x3FAF] =	sst s1  }
0xa: {  	[smem:$0x3FB0] =	sst s2  }
0xb: {  	[smem:$0x3FB1] =	sst s3  }
0xc: {  	[smem:$0x3FB2] =	sst s4  }
0xd: {  	[smem:$0x3FB3] =	sst s5  }
0xe: {  	[smem:$0x3FB4] =	sst s6  }
0xf: {  	[smem:$0x3FB5] =	sst s7  }
0x10: {  	[smem:$0x3FB6] =	sst s8  }
0x11: {  	[smem:$0x3FB7] =	sst s9;
	s0 =	simm.s32 @!p0 $0x0  }
0x12: {  	s1 =	sld [smem:$0x3F9D];
	s0 =	simm.s32 @p0 $0x1  }
0x13: {  	[smem:$0x3FB8] =	sst s0;
	s0 =	simm.s32 @!p1 $0x0  }
0x14: {  	s2 =	sld [smem:$0x3F9C];
	s0 =	simm.s32 @p1 $0x1  }
0x15: {  	[smem:$0x3FB9] =	sst s0;
	s0 =	simm.s32 @!p2 $0x0  }
0x16: {  	s3 =	sld [smem:$0x3FDB];
	s0 =	simm.s32 @p2 $0x1  }
0x17: {  	s4 =	simm.s32 $0x1BF5;
	[smem:$0x3FBB] =	sst s0  }
0x18: {  	s0 =	sld [smem:$0x3F9E];
	_ =	swait.ge [sflag:s4], $0x0  }
0x19: {  	s7 =	sld [smem:$0x3F9F]  }
0x1a: {  	s8 =	sadd.s32 $0xFFFFE003, lr  }
0x1b: {  	s9 =	sadd.s32 $0xFFFFFEF7, lr;
	s5 =	simm.s32 $0xFFFFFFFF;
	p2 =	slt.u32 s8, $0xFFFFF086  }
0x1c: {  	p1 =	slt.u32 s9, $0xF7A;
	s5 =	simm.s32 @!p2 $0x0  }
0x1d: {  	s5 =	simm.s32 @p1 $0x1;
	p0 =	seq.s32 s7, s2  }
0x1e: {  	s7 =	smul.u32 @!p0 $0xF7A, s2;
	p2 =	seq.s32 @!p0 s5, $0x0  }
0x1f: {  	s9 =	smul.u32 $0xF7A, s1;
	s8 =	simm.s32 @!p0 $0x1BF5;
	p2 =	por !p2, p0  }
0x20: {  	[sflag:s8] =	ssyncset.s32 @!p0 $0xFFFFF086;
	s6 =	sadd.s32 @!p0 s3, s7;
	s7 =	simm.s32 @!p0 $0x108  }
0x21: {  	s3 =	sadd.s32 s3, s9;
	s6 =	sadd.s32 @!p0 $0x88, s6;
	s7 =	simm.s32 @p2 $0x1082  }
0x22: {  	[simem:s7], [sflag:s8] =	dma.local @!p0 [hbm:s6], $0xF7A  }
0x23: {  	s9 =	sor.u32 $0xD0000000, s2;
	s6 =	simm.s32 $0x108;
	_ =	swait.ge @!p0 [sflag:s8], $0x0  }
0x24: {  	s3 =	sadd.s32 $0x88, s3;
	s6 =	simm.s32 @!p1 $0x1082;
	[sflag:s4] =	ssyncset.s32 $0xFFFFF086  }
0x25: {  	[simem:s6], [sflag:s4] =	dma.local [hbm:s3], $0xF7A  }
0x26: {  	[smem:$0x3F9F] =	sst s1;
	(tag) =	ssettag s2;
	_ =	strace s9  }
0x27: {  	s1 =	sld [smem:$0x3FAF]  }
0x28: {  	s2 =	sld [smem:$0x3FB0]  }
0x29: {  	s4 =	sld [smem:$0x3FB2]  }
0x2a: {  	p0 =	seq.s32 s5, $0x0;
	s5 =	sld [smem:$0x3FB3]  }
0x2b: {  	s6 =	sld [smem:$0x3FB4]  }
0x2c: {  	s7 =	sld [smem:$0x3FB5]  }
0x2d: {  	s3 =	simm.s32 $0x108;
	s8 =	sld [smem:$0x3FB6]  }
0x2e: {  	s3 =	simm.s32 @!p0 $0x1082;
	s9 =	sld [smem:$0x3FB7]  }
0x2f: {  	lr =	sadd.s32 s0, s3;
	s0 =	sld [smem:$0x3FAE]  }
0x30: {  	s3 =	sld [smem:$0x3FB1]  }
0x31: {  	[smem:$0x3FBA] =	sst s10  }
0x32: {  	s10 =	sld [smem:$0x3FB8];
	_ =	sdelay $0x3  }
0x33: {  	p0 =	seq.s32 s10, $0x1;
	s10 =	sld [smem:$0x3FBA];
	_ =	sdelay $0x3  }
0x34: {  	[smem:$0x3FBA] =	sst s10  }
0x35: {  	s10 =	sld [smem:$0x3FB9];
	_ =	sdelay $0x3  }
0x36: {  	p1 =	seq.s32 s10, $0x1;
	s10 =	sld [smem:$0x3FBA];
	_ =	sdelay $0x3  }
0x37: {  	[smem:$0x3FBA] =	sst s10  }
0x38: {  	s10 =	sld [smem:$0x3FBB]  }
0x39: {  	_ = 	snop;
	(pc) =	sbr.ind lr, $3  }
0x3a: {  	_ = 	snop  }
0x3b: {  	_ = 	snop  }
0x3c: {  	p2 =	seq.s32 s10, $0x1;
	s10 =	sld [smem:$0x3FBA]  }
0x3d: {  	_ =	shalt  }
0x3e: {  	_ =	shalt  }
0x3f: {  	_ =	shalt  }
0x40: {  	_ =	shalt  }
0x41: {  	_ =	shalt  }
0x42: {  	_ =	shalt  }
0x43: {  	_ =	shalt  }
0x44: {  	_ =	shalt  }
0x45: {  	_ =	shalt  }
0x46: {  	_ =	shalt  }
0x47: {  	_ =	shalt  }
0x48: {  	_ =	shalt  }
0x49: {  	_ =	shalt  }
0x4a: {  	_ =	shalt  }
0x4b: {  	_ =	shalt  }
0x4c: {  	_ =	shalt  }
0x4d: {  	_ =	shalt  }
0x4e: {  	_ =	shalt  }
0x4f: {  	_ =	shalt  }
0x50: {  	_ =	shalt  }
0x51: {  	_ =	shalt  }
0x52: {  	_ =	shalt  }
0x53: {  	_ =	shalt  }
0x54: {  	_ =	shalt  }
0x55: {  	_ =	shalt  }
0x56: {  	_ =	shalt  }
0x57: {  	_ =	shalt  }
0x58: {  	_ =	shalt  }
0x59: {  	_ =	shalt  }
0x5a: {  	_ =	shalt  }
0x5b: {  	_ =	shalt  }
0x5c: {  	_ =	shalt  }
0x5d: {  	_ =	shalt  }
0x5e: {  	_ =	shalt  }
0x5f: {  	_ =	shalt  }
0x60: {  	_ =	shalt  }
0x61: {  	_ =	shalt  }
0x62: {  	_ =	shalt  }
0x63: {  	_ =	shalt  }
0x64: {  	_ =	shalt  }
0x65: {  	_ =	shalt  }
0x66: {  	_ =	shalt  }
0x67: {  	_ =	shalt  }
0x68: {  	_ =	shalt  }
0x69: {  	_ =	shalt  }
0x6a: {  	_ =	shalt  }
0x6b: {  	_ =	shalt  }
0x6c: {  	_ =	shalt  }
0x6d: {  	_ =	shalt  }
0x6e: {  	_ =	shalt  }
0x6f: {  	_ =	shalt  }
0x70: {  	_ =	shalt  }
0x71: {  	_ =	shalt  }
0x72: {  	_ =	shalt  }
0x73: {  	_ =	shalt  }
0x74: {  	_ =	shalt  }
0x75: {  	_ =	shalt  }
0x76: {  	_ =	shalt  }
0x77: {  	_ =	shalt  }
0x78: {  	_ =	shalt  }
0x79: {  	_ =	shalt  }
0x7a: {  	_ =	shalt  }
0x7b: {  	_ =	shalt  }
0x7c: {  	_ =	shalt  }
0x7d: {  	_ =	shalt  }
0x7e: {  	_ =	shalt  }
0x7f: {  	_ =	shalt  }
0x80: {  	_ =	shalt  }
0x81: {  	_ =	shalt  }
0x82: {  	_ =	shalt  }
0x83: {  	_ =	shalt  }
0x84: {  	_ =	shalt  }
0x85: {  	_ =	shalt  }
0x86: {  	_ =	shalt  }
0x87: {  	_ =	shalt  }
.Lfunc_end0:
.L_simem_size_0:
called_computation_lowered:
.L_overlay_start_0:
0x88: {  	s2 =	sld [smem:$0x3FD9]  }
0x89: {  	s3 =	sld [smem:$0x3FFE];
	_ =	sdelay $0x1  }
0x8a: {  	s1 =	srdreg.scid  }
0x8b: {  	s0 =	sand.u32 $0x1, s1  }
0x8c: {  	s14 =	sshll.u32 s0, $0xA;
	s2 =	sadd.s32 s3, s2  }
0x8d: {  	s2 =	sadd.s32 s2, s14  }
0x8e: {  	[smem:$0x3FC6] =	sst s2  }
0x8f: {  	_ = 	snop  }
0x90: {  	s2 =	sld [smem:$0x3FD0];
	_ =	sdelay $0x2  }
0x91: {  	s4 =	simm.s32 $0xA;
	s5 =	simm.s32 $0x10;
	s15 =	sld [smem:$0x3FC8]  }
0x92: {  	[smem:s5], [sflag:s4] =	dma.local [hbm:s2], $0x1  }
0x93: {  	_ =	swait.eq [sflag:s4], $0x1  }
0x94: {  	[sflag:s4] =	ssyncset.done $0x0  }
0x95: {  	[sflag:s4] =	ssyncadd.s32 $0xFFFFFFFF  }
0x96: {  	s16 =	sld [smem:$0x10];
	(tm) =	ssettm $0x1  }
0x97: {  	s17 =	sld [smem:$0x3FFB];
	_ =	sdelay $0x3  }
0x98: {  	_ =	strace s17  }
0x99: {  	s4 =	sld [smem:$0x3FFC];
	_ =	sdelay $0x3  }
0x9a: {  	_ =	strace s4  }
0x9b: {  	s4 =	sld [smem:$0x3FFD];
	_ =	sdelay $0x3  }
0x9c: {  	_ =	strace s4  }
0x9d: {  	_ =	strace $0x8FFFFFFF  }
0x9e: {  	s18 =	sld [smem:$0x3FDB];
	_ =	sdelay $0x1  }
0x9f: {  	s19 =	simm.s32 $_scs_section_size  }
0xa0: {  	s6 =	simm.s32 $_size__tile_overlayer_lowered;
	s7 =	simm.s32 $_tile_overlayer_lowered  }
0xa1: {  	s22 =	simm.s32 $0x1BFF;
	s21 =	sshll.u32 s7, $0x1;
	s4 =	sadd.s32 s19, s18  }
0xa2: {  	s8 =	simm.s32 $0x0;
	s20 =	sshll.u32 s6, $0x1;
	s6 =	sadd.s32 s21, s4  }
0xa3: {  	[timem:s8], [sflag:s22] =	dma.local [hbm:s6], s20  }
0xa4: {  	_ =	swait.ge [sflag:s22], s20  }
0xa5: {  	s5 =	ssub.s32 $0x0, s20;
	[sflag:s22] =	ssyncset.done $0x0  }
0xa6: {  	[sflag:s22] =	ssyncadd.s32 s5;
	_ =	sdelay $0x1  }
0xa7: {  	s23 =	simm.s32 $0x1B8B  }
0xa8: {  	_ =	swait.ge [sflag:s23], $0x1  }
0xa9: {  	[sflag:s23] =	ssyncset.done $0x0  }
0xaa: {  	s25 =	simm.s32 $0x1B8E;
	s24 =	sld [smem:$0x3FFE];
	[sflag:s23] =	ssyncadd.s32 $0xFFFFFFFF  }
0xab: {  	s26 =	simm.s32 $execute0_lowered;
	[smem:$0x3FD2] =	sst s25  }
0xac: {  	s6 =	sshll.u32 s26, $0x1;
	_ =	strace $0x80000046;
	[dreg:$0x1] =	wrdreg $0xFFFFFFFF  }
0xad: {  	s28 =	simm.s32 $_size_execute0_lowered;
	s4 =	sadd.s32 s4, s6;
	[dreg:$0x0] =	wrdreg $0x0  }
0xae: {  	s6 =	sshll.u32 s28, $0x1;
	[dreg:$0x2] =	wrdreg s4  }
0xaf: {  	[dreg:$0x3] =	wrdreg s6  }
0xb0: {  	[dreg:$0x4] =	wrdreg $0xC0  }
0xb1: {  	_ =	task [dreg:s8], $0x5FFFF  }
0xb2: {  	[dreg:$0x1] =	wrdreg $0xFFFFFFFF  }
0xb3: {  	[dreg:$0x0] =	wrdreg $0x60  }
0xb4: {  	[dreg:$0x2] =	wrdreg s15  }
0xb5: {  	[dreg:$0x3] =	wrdreg s24  }
0xb6: {  	[dreg:$0x4] =	wrdreg s16  }
0xb7: {  	[dreg:$0x5] =	wrdreg $0x9  }
0xb8: {  	_ =	task.clear_ibuf [dreg:s8], $0x6FFFF;
	_ =	strace $0x90000046  }
0xb9: {  	s29 =	simm.s32 $0x9;
	_ =	strace $0x80000048  }
0xba: {  	_ =	swait.ge [sflag:s29], $0x1  }
0xbb: {  	[sflag:s29] =	ssyncadd.s32 $0xFFFFFFFF  }
0xbc: {  	_ =	strace $0x90000048  }
0xbd: {  	_ =	sfence  }
0xbe: {  	s30 =	sld [smem:$0x0];
	_ =	sdelay $0x2  }
0xbf: {  	s31 =	sshll.u32 s1, $0xD;
	s1 =	sshrl.u32 s1, $0x2  }
0xc0: {  	s3 =	sand.u32 $0x4000, s31;
	s1 =	sadd.s32 s1, s30  }
0xc1: {  	s0 =	sor.u32 s3, s0;
	s1 =	sshll.u32 s1, $0x11  }
0xc2: {  	s0 =	sor.u32 s1, s0  }
0xc3: {  	s0 =	sadd.s32 $0x8F2B, s0  }
0xc4: {  	[sflag:s0] =	ssyncadd.remote.s32 $0x1  }
0xc5: {  	_ =	sfence.sel $0xFFFF  }
0xc6: {  	[dreg:$0x0] =	wrdreg $0xFFFFFFFF;
	(pc) =	sbr.abs _section_cstart, $3  }
0xc7: {  	[dreg:$0x1] =	wrdreg $0xFFFFFFFF  }
0xc8: {  	_ =	task.clear_ibuf [dreg:s8], $0x2FFFF;
	_ =	strace $0x9FFFFFFF  }
0xc9: {  	(tm) =	ssettm $0x7FFFFFFF  }
tec
execute0_lowered:
.L_overlay_start_1:
0x0: {  	(tag) =	ssettag $0x1  }
0x1: {  	s1 =	rddreg [dreg:$0x0]  }
0x2: {  	s2 =	srdreg.scid;
	s4 =	rddreg [dreg:$0x1]  }
0x3: {  	s0 =	stileid.u32;
	s6 =	rddreg [dreg:$0x2];
	s19 =	simm.s32 $0x900  }
0x4: {  	s20 =	simm.s32 $0x1100;
	s21 =	simm.s32 $0x1900;
	s23 =	simm.s32 $0x2100  }
0x5: {  	s24 =	simm.s32 $0x2900;
	s25 =	simm.s32 $0x3100;
	s26 =	simm.s32 $0x3900  }
0x6: {  	s8 =	simm.s32 $0x4900;
	s9 =	simm.s32 $0x5100;
	s10 =	simm.s32 $0x5900  }
0x7: {  	s11 =	simm.s32 $0x6100;
	s12 =	simm.s32 $0x6900;
	s13 =	simm.s32 $0x7100  }
0x8: {  	s14 =	simm.s32 $0x7900;
	s15 =	simm.s32 $0x8100;
	s2 =	sand.u32 $0x1, s2  }
0x9: {  	s16 =	simm.s32 $0x8900;
	s3 =	sshll.u32 s0, $0x9;
	s5 =	sshll.u32 s2, $0x8  }
0xa: {  	s17 =	simm.s32 $0x9100;
	s5 =	sor.u32 s5, s3;
	s3 =	simm.s32 $0x0  }
0xb: {  	s28 =	simm.s32 $0xE100;
	s29 =	simm.s32 $0xE900;
	[smem:$0x7FF] =	sst s3  }
0xc: {  	s30 =	simm.s32 $0xF100;
	_ =	strace $0x80000047;
	[dreg:$0x6] =	wrdreg s19  }
0xd: {  	s31 =	simm.s32 $0xF900;
	s2 =	ssub.s32 $0x2, s2;
	[dreg:$0x7] =	wrdreg s20  }
0xe: {  	s22 =	sshrl.u32 s2, $0x1;
	s7 =	sshrl.u32 s5, $0x3;
	[dreg:$0x8] =	wrdreg s21  }
0xf: {  	s5 =	sshll.u32 s5, $0x5;
	s2 =	ssub.s32 s2, s22;
	[dreg:$0x9] =	wrdreg s23  }
0x10: {  	s22 =	simm.s32 $0xB900;
	s4 =	sadd.s32 s7, s4;
	[dreg:$0xa] =	wrdreg s24  }
0x11: {  	s18 =	sadd.s32 s6, s5;
	s5 =	simm.s32 $0x2;
	[dreg:$0xb] =	wrdreg s25  }
0x12: {  	s6 =	simm.s32 $0x100;
	[dreg:$0xc] =	wrdreg s26;
	s19 =	simm.s32 $0xA100  }
0x13: {  	s20 =	simm.s32 $0xA900;
	s21 =	simm.s32 $0xB100;
	s23 =	simm.s32 $0xC100  }
0x14: {  	v2 =	vlaneseq.u32;
	s24 =	simm.s32 $0xC900;
	s25 =	simm.s32 $0xD100;
	s26 =	simm.s32 $0xD900  }
0x15: {  	vm0 =	vmmov $0xffff;
	v1 =	vshrl.u32 v2, $0x3;
	s4 =	sadd.s32 $0x600, s4;
	[dreg:$0x5] =	wrdreg s18;
	s18 =	simm.s32 $0x9900  }
0x16: {  	v0 =	vand.u32 $0x7, v2;
	v2 =	vor.u32 $0x8, v2;
	v1 =	vmul.u32 $0x8, v1;
	[dreg:$0x4] =	wrdreg s4;
	s4 =	smax.u32 s2, $0x1;
	s2 =	simm.s32 $0x1  }
.LBB2_1:
0x17: {  	s0 =	rddreg [dreg:$0x4]  }
0x18: {  	[tilespmem:s3], [sflag:$0x2] =	stream.linear.gather [hbm4b:s0+s3], $0x100, $0x38;
	[tilespmem:$0x10100] =	vst v63  }
0x19: {  	_ =	swait.ge [sflag:s5], $0x100  }
0x1a: {  	[sflag:s5] =	ssyncset.done $0x0  }
0x1b: {  	[sflag:s5] =	ssyncadd.s32 $0xFFFFFF00  }
0x1c: {  	v3 =	vld [tilespmem:$0x0];
	_ =	sdelay $0x4  }
0x1d: {  	v4 =	vshll.u32 v3, $0x1  }
0x1e: {  	v3 =	vand.u32 $0x7, v3;
	v4 =	vand.u32 $0xFFFFFFF0, v4  }
0x1f: {  	v3 =	vor.u32 v3, v4  }
0x20: {  	v4 =	vperm.xlane v3, v0;
	_ =	sdelay $0x1  }
0x21: {  	v3 =	vperm.xlane v3, v2;
	v4 =	vadd.s32 v1, v4;
	_ =	sdelay $0x1  }
0x22: {  	v3 =	vadd.s32 v1, v3;
	_ =	sdelay $0x2  }
0x23: {  	[tilespmem:s6], [sflag:$0x1] =	stream.indirect_vreg.gather [hbm4b:s1+s3], $0x80, v4, vm0, $0xb8;
	[tilespmem:$0x10100] =	vst v63  }
0x24: {  	s7 =	rddreg [dreg:$0x6]  }
0x25: {  	[tilespmem:s7], [sflag:$0x1] =	stream.indirect_vreg.gather [hbm4b:s1+s3], $0x80, v3, vm0, $0xb8;
	[tilespmem:$0x10100] =	vst v63  }
0x26: {  	v3 =	vld [tilespmem:$0x10];
	_ =	sdelay $0x4  }
0x27: {  	v49 =	vshll.u32 v3, $0x1  }
0x28: {  	v3 =	vand.u32 $0x7, v3;
	v4 =	vand.u32 $0xFFFFFFF0, v49  }
0x29: {  	v3 =	vor.u32 v3, v4  }
0x2a: {  	v4 =	vperm.xlane v3, v0;
	_ =	sdelay $0x1  }
0x2b: {  	v3 =	vperm.xlane v3, v2;
	v4 =	vadd.s32 v1, v4;
	_ =	sdelay $0x1  }
0x2c: {  	v3 =	vadd.s32 v1, v3;
	_ =	sdelay $0x1  }
0x2d: {  	s0 =	rddreg [dreg:$0x7]  }
0x2e: {  	[tilespmem:s0], [sflag:$0x1] =	stream.indirect_vreg.gather [hbm4b:s1+s3], $0x80, v4, vm0, $0xb8;
	[tilespmem:$0x10100] =	vst v63  }
0x2f: {  	s7 =	rddreg [dreg:$0x8]  }
0x30: {  	[tilespmem:s7], [sflag:$0x1] =	stream.indirect_vreg.gather [hbm4b:s1+s3], $0x80, v3, vm0, $0xb8;
	[tilespmem:$0x10100] =	vst v63  }
0x31: {  	v3 =	vld [tilespmem:$0x20];
	_ =	sdelay $0x4  }
0x32: {  	v50 =	vshll.u32 v3, $0x1  }
0x33: {  	v3 =	vand.u32 $0x7, v3;
	v4 =	vand.u32 $0xFFFFFFF0, v50  }
0x34: {  	v3 =	vor.u32 v3, v4  }
0x35: {  	v4 =	vperm.xlane v3, v0;
	_ =	sdelay $0x1  }
0x36: {  	v3 =	vperm.xlane v3, v2;
	v4 =	vadd.s32 v1, v4;
	_ =	sdelay $0x1  }
0x37: {  	v3 =	vadd.s32 v1, v3;
	_ =	sdelay $0x1  }
0x38: {  	s0 =	rddreg [dreg:$0x9]  }
0x39: {  	[tilespmem:s0], [sflag:$0x1] =	stream.indirect_vreg.gather [hbm4b:s1+s3], $0x80, v4, vm0, $0xb8;
	[tilespmem:$0x10100] =	vst v63  }
0x3a: {  	s7 =	rddreg [dreg:$0xa]  }
0x3b: {  	[tilespmem:s7], [sflag:$0x1] =	stream.indirect_vreg.gather [hbm4b:s1+s3], $0x80, v3, vm0, $0xb8;
	[tilespmem:$0x10100] =	vst v63  }
0x3c: {  	v3 =	vld [tilespmem:$0x30];
	_ =	sdelay $0x4  }
0x3d: {  	v51 =	vshll.u32 v3, $0x1  }
0x3e: {  	v3 =	vand.u32 $0x7, v3;
	v4 =	vand.u32 $0xFFFFFFF0, v51  }
0x3f: {  	v3 =	vor.u32 v3, v4  }
0x40: {  	v4 =	vperm.xlane v3, v0;
	_ =	sdelay $0x1  }
0x41: {  	v3 =	vperm.xlane v3, v2;
	v4 =	vadd.s32 v1, v4;
	_ =	sdelay $0x1  }
0x42: {  	v3 =	vadd.s32 v1, v3;
	_ =	sdelay $0x1  }
0x43: {  	s0 =	rddreg [dreg:$0xb]  }
0x44: {  	[tilespmem:s0], [sflag:$0x1] =	stream.indirect_vreg.gather [hbm4b:s1+s3], $0x80, v4, vm0, $0xb8;
	[tilespmem:$0x10100] =	vst v63  }
0x45: {  	s7 =	rddreg [dreg:$0xc]  }
0x46: {  	[tilespmem:s7], [sflag:$0x1] =	stream.indirect_vreg.gather [hbm4b:s1+s3], $0x80, v3, vm0, $0xb8;
	[tilespmem:$0x10100] =	vst v63  }
0x47: {  	v3 =	vld [tilespmem:$0x40];
	_ =	sdelay $0x4  }
0x48: {  	v52 =	vshll.u32 v3, $0x1  }
0x49: {  	v3 =	vand.u32 $0x7, v3;
	v4 =	vand.u32 $0xFFFFFFF0, v52  }
0x4a: {  	v3 =	vor.u32 v3, v4  }
0x4b: {  	v4 =	vperm.xlane v3, v0;
	_ =	sdelay $0x1  }
0x4c: {  	v3 =	vperm.xlane v3, v2;
	v4 =	vadd.s32 v1, v4;
	_ =	sdelay $0x1  }
0x4d: {  	v3 =	vadd.s32 v1, v3;
	_ =	sdelay $0x1  }
0x4e: {  	s7 =	simm.s32 $0x4100  }
0x4f: {  	[tilespmem:s7], [sflag:$0x1] =	stream.indirect_vreg.gather [hbm4b:s1+s3], $0x80, v4, vm0, $0xb8;
	[tilespmem:$0x10100] =	vst v63  }
0x50: {  	_ = 	snop  }
0x51: {  	[tilespmem:s8], [sflag:$0x1] =	stream.indirect_vreg.gather [hbm4b:s1+s3], $0x80, v3, vm0, $0xb8;
	[tilespmem:$0x10100] =	vst v63  }
0x52: {  	v3 =	vld [tilespmem:$0x50];
	_ =	sdelay $0x4  }
0x53: {  	v53 =	vshll.u32 v3, $0x1  }
0x54: {  	v3 =	vand.u32 $0x7, v3;
	v4 =	vand.u32 $0xFFFFFFF0, v53  }
0x55: {  	v3 =	vor.u32 v3, v4  }
0x56: {  	v4 =	vperm.xlane v3, v0;
	_ =	sdelay $0x1  }
0x57: {  	v3 =	vperm.xlane v3, v2;
	v4 =	vadd.s32 v1, v4;
	_ =	sdelay $0x1  }
0x58: {  	v3 =	vadd.s32 v1, v3;
	_ =	sdelay $0x2  }
0x59: {  	[tilespmem:s9], [sflag:$0x1] =	stream.indirect_vreg.gather [hbm4b:s1+s3], $0x80, v4, vm0, $0xb8;
	[tilespmem:$0x10100] =	vst v63  }
0x5a: {  	_ = 	snop  }
0x5b: {  	[tilespmem:s10], [sflag:$0x1] =	stream.indirect_vreg.gather [hbm4b:s1+s3], $0x80, v3, vm0, $0xb8;
	[tilespmem:$0x10100] =	vst v63  }
0x5c: {  	v3 =	vld [tilespmem:$0x60];
	_ =	sdelay $0x4  }
0x5d: {  	v54 =	vshll.u32 v3, $0x1  }
0x5e: {  	v3 =	vand.u32 $0x7, v3;
	v4 =	vand.u32 $0xFFFFFFF0, v54  }
0x5f: {  	v3 =	vor.u32 v3, v4  }
0x60: {  	v4 =	vperm.xlane v3, v0;
	_ =	sdelay $0x1  }
0x61: {  	v3 =	vperm.xlane v3, v2;
	v4 =	vadd.s32 v1, v4;
	_ =	sdelay $0x1  }
0x62: {  	v3 =	vadd.s32 v1, v3;
	_ =	sdelay $0x2  }
0x63: {  	[tilespmem:s11], [sflag:$0x1] =	stream.indirect_vreg.gather [hbm4b:s1+s3], $0x80, v4, vm0, $0xb8;
	[tilespmem:$0x10100] =	vst v63  }
0x64: {  	_ = 	snop  }
0x65: {  	[tilespmem:s12], [sflag:$0x1] =	stream.indirect_vreg.gather [hbm4b:s1+s3], $0x80, v3, vm0, $0xb8;
	[tilespmem:$0x10100] =	vst v63  }
0x66: {  	v3 =	vld [tilespmem:$0x70];
	_ =	sdelay $0x4  }
0x67: {  	v55 =	vshll.u32 v3, $0x1  }
0x68: {  	v3 =	vand.u32 $0x7, v3;
	v4 =	vand.u32 $0xFFFFFFF0, v55  }
0x69: {  	v3 =	vor.u32 v3, v4  }
0x6a: {  	v4 =	vperm.xlane v3, v0;
	_ =	sdelay $0x1  }
0x6b: {  	v3 =	vperm.xlane v3, v2;
	v4 =	vadd.s32 v1, v4;
	_ =	sdelay $0x1  }
0x6c: {  	v3 =	vadd.s32 v1, v3;
	_ =	sdelay $0x2  }
0x6d: {  	[tilespmem:s13], [sflag:$0x1] =	stream.indirect_vreg.gather [hbm4b:s1+s3], $0x80, v4, vm0, $0xb8;
	[tilespmem:$0x10100] =	vst v63  }
0x6e: {  	_ = 	snop  }
0x6f: {  	[tilespmem:s14], [sflag:$0x1] =	stream.indirect_vreg.gather [hbm4b:s1+s3], $0x80, v3, vm0, $0xb8;
	[tilespmem:$0x10100] =	vst v63  }
0x70: {  	v3 =	vld [tilespmem:$0x80];
	_ =	sdelay $0x4  }
0x71: {  	v56 =	vshll.u32 v3, $0x1  }
0x72: {  	v3 =	vand.u32 $0x7, v3;
	v4 =	vand.u32 $0xFFFFFFF0, v56  }
0x73: {  	v3 =	vor.u32 v3, v4  }
0x74: {  	v4 =	vperm.xlane v3, v0;
	_ =	sdelay $0x1  }
0x75: {  	v3 =	vperm.xlane v3, v2;
	v4 =	vadd.s32 v1, v4;
	_ =	sdelay $0x1  }
0x76: {  	v3 =	vadd.s32 v1, v3;
	_ =	sdelay $0x2  }
0x77: {  	[tilespmem:s15], [sflag:$0x1] =	stream.indirect_vreg.gather [hbm4b:s1+s3], $0x80, v4, vm0, $0xb8;
	[tilespmem:$0x10100] =	vst v63  }
0x78: {  	_ = 	snop  }
0x79: {  	[tilespmem:s16], [sflag:$0x1] =	stream.indirect_vreg.gather [hbm4b:s1+s3], $0x80, v3, vm0, $0xb8;
	[tilespmem:$0x10100] =	vst v63  }
0x7a: {  	v3 =	vld [tilespmem:$0x90];
	_ =	sdelay $0x4  }
0x7b: {  	v57 =	vshll.u32 v3, $0x1  }
0x7c: {  	v3 =	vand.u32 $0x7, v3;
	v4 =	vand.u32 $0xFFFFFFF0, v57  }
0x7d: {  	v3 =	vor.u32 v3, v4  }
0x7e: {  	v4 =	vperm.xlane v3, v0;
	_ =	sdelay $0x1  }
0x7f: {  	v3 =	vperm.xlane v3, v2;
	v4 =	vadd.s32 v1, v4;
	_ =	sdelay $0x1  }
0x80: {  	v3 =	vadd.s32 v1, v3;
	_ =	sdelay $0x2  }
0x81: {  	[tilespmem:s17], [sflag:$0x1] =	stream.indirect_vreg.gather [hbm4b:s1+s3], $0x80, v4, vm0, $0xb8;
	[tilespmem:$0x10100] =	vst v63  }
0x82: {  	_ = 	snop  }
0x83: {  	[tilespmem:s18], [sflag:$0x1] =	stream.indirect_vreg.gather [hbm4b:s1+s3], $0x80, v3, vm0, $0xb8;
	[tilespmem:$0x10100] =	vst v63  }
0x84: {  	v3 =	vld [tilespmem:$0xA0];
	_ =	sdelay $0x4  }
0x85: {  	v58 =	vshll.u32 v3, $0x1  }
0x86: {  	v3 =	vand.u32 $0x7, v3;
	v4 =	vand.u32 $0xFFFFFFF0, v58  }
0x87: {  	v3 =	vor.u32 v3, v4  }
0x88: {  	v4 =	vperm.xlane v3, v0;
	_ =	sdelay $0x1  }
0x89: {  	v3 =	vperm.xlane v3, v2;
	v4 =	vadd.s32 v1, v4;
	_ =	sdelay $0x1  }
0x8a: {  	v3 =	vadd.s32 v1, v3;
	_ =	sdelay $0x2  }
0x8b: {  	[tilespmem:s19], [sflag:$0x1] =	stream.indirect_vreg.gather [hbm4b:s1+s3], $0x80, v4, vm0, $0xb8;
	[tilespmem:$0x10100] =	vst v63  }
0x8c: {  	_ = 	snop  }
0x8d: {  	[tilespmem:s20], [sflag:$0x1] =	stream.indirect_vreg.gather [hbm4b:s1+s3], $0x80, v3, vm0, $0xb8;
	[tilespmem:$0x10100] =	vst v63  }
0x8e: {  	v3 =	vld [tilespmem:$0xB0];
	_ =	sdelay $0x4  }
0x8f: {  	v59 =	vshll.u32 v3, $0x1  }
0x90: {  	v3 =	vand.u32 $0x7, v3;
	v4 =	vand.u32 $0xFFFFFFF0, v59  }
0x91: {  	v3 =	vor.u32 v3, v4  }
0x92: {  	v4 =	vperm.xlane v3, v0;
	_ =	sdelay $0x1  }
0x93: {  	v3 =	vperm.xlane v3, v2;
	v4 =	vadd.s32 v1, v4;
	_ =	sdelay $0x1  }
0x94: {  	v3 =	vadd.s32 v1, v3;
	_ =	sdelay $0x2  }
0x95: {  	[tilespmem:s21], [sflag:$0x1] =	stream.indirect_vreg.gather [hbm4b:s1+s3], $0x80, v4, vm0, $0xb8;
	[tilespmem:$0x10100] =	vst v63  }
0x96: {  	_ = 	snop  }
0x97: {  	[tilespmem:s22], [sflag:$0x1] =	stream.indirect_vreg.gather [hbm4b:s1+s3], $0x80, v3, vm0, $0xb8;
	[tilespmem:$0x10100] =	vst v63  }
0x98: {  	v3 =	vld [tilespmem:$0xC0];
	_ =	sdelay $0x4  }
0x99: {  	v60 =	vshll.u32 v3, $0x1  }
0x9a: {  	v3 =	vand.u32 $0x7, v3;
	v4 =	vand.u32 $0xFFFFFFF0, v60  }
0x9b: {  	v3 =	vor.u32 v3, v4  }
0x9c: {  	v4 =	vperm.xlane v3, v0;
	_ =	sdelay $0x1  }
0x9d: {  	v3 =	vperm.xlane v3, v2;
	v4 =	vadd.s32 v1, v4;
	_ =	sdelay $0x1  }
0x9e: {  	v3 =	vadd.s32 v1, v3;
	_ =	sdelay $0x2  }
0x9f: {  	[tilespmem:s23], [sflag:$0x1] =	stream.indirect_vreg.gather [hbm4b:s1+s3], $0x80, v4, vm0, $0xb8;
	[tilespmem:$0x10100] =	vst v63  }
0xa0: {  	_ = 	snop  }
0xa1: {  	[tilespmem:s24], [sflag:$0x1] =	stream.indirect_vreg.gather [hbm4b:s1+s3], $0x80, v3, vm0, $0xb8;
	[tilespmem:$0x10100] =	vst v63  }
0xa2: {  	v3 =	vld [tilespmem:$0xD0];
	_ =	sdelay $0x4  }
0xa3: {  	v61 =	vshll.u32 v3, $0x1  }
0xa4: {  	v3 =	vand.u32 $0x7, v3;
	v4 =	vand.u32 $0xFFFFFFF0, v61  }
0xa5: {  	v3 =	vor.u32 v3, v4  }
0xa6: {  	v4 =	vperm.xlane v3, v0;
	_ =	sdelay $0x1  }
0xa7: {  	v3 =	vperm.xlane v3, v2;
	v4 =	vadd.s32 v1, v4;
	_ =	sdelay $0x1  }
0xa8: {  	v3 =	vadd.s32 v1, v3;
	_ =	sdelay $0x2  }
0xa9: {  	[tilespmem:s25], [sflag:$0x1] =	stream.indirect_vreg.gather [hbm4b:s1+s3], $0x80, v4, vm0, $0xb8;
	[tilespmem:$0x10100] =	vst v63  }
0xaa: {  	_ = 	snop  }
0xab: {  	[tilespmem:s26], [sflag:$0x1] =	stream.indirect_vreg.gather [hbm4b:s1+s3], $0x80, v3, vm0, $0xb8;
	[tilespmem:$0x10100] =	vst v63  }
0xac: {  	v3 =	vld [tilespmem:$0xE0];
	_ =	sdelay $0x4  }
0xad: {  	v62 =	vshll.u32 v3, $0x1  }
0xae: {  	v3 =	vand.u32 $0x7, v3;
	v4 =	vand.u32 $0xFFFFFFF0, v62  }
0xaf: {  	v3 =	vor.u32 v3, v4  }
0xb0: {  	v4 =	vperm.xlane v3, v0;
	_ =	sdelay $0x1  }
0xb1: {  	v3 =	vperm.xlane v3, v2;
	v4 =	vadd.s32 v1, v4;
	_ =	sdelay $0x1  }
0xb2: {  	v3 =	vadd.s32 v1, v3;
	_ =	sdelay $0x2  }
0xb3: {  	[tilespmem:s28], [sflag:$0x1] =	stream.indirect_vreg.gather [hbm4b:s1+s3], $0x80, v4, vm0, $0xb8;
	[tilespmem:$0x10100] =	vst v63  }
0xb4: {  	_ = 	snop  }
0xb5: {  	[tilespmem:s29], [sflag:$0x1] =	stream.indirect_vreg.gather [hbm4b:s1+s3], $0x80, v3, vm0, $0xb8;
	[tilespmem:$0x10100] =	vst v63  }
0xb6: {  	v3 =	vld [tilespmem:$0xF0];
	_ =	sdelay $0x4  }
0xb7: {  	v63 =	vshll.u32 v3, $0x1  }
0xb8: {  	v3 =	vand.u32 $0x7, v3;
	v4 =	vand.u32 $0xFFFFFFF0, v63  }
0xb9: {  	v3 =	vor.u32 v3, v4  }
0xba: {  	v4 =	vperm.xlane v3, v0;
	_ =	sdelay $0x1  }
0xbb: {  	v3 =	vperm.xlane v3, v2;
	v4 =	vadd.s32 v1, v4;
	_ =	sdelay $0x1  }
0xbc: {  	v3 =	vadd.s32 v1, v3;
	_ =	sdelay $0x2  }
0xbd: {  	[tilespmem:s30], [sflag:$0x1] =	stream.indirect_vreg.gather [hbm4b:s1+s3], $0x80, v4, vm0, $0xb8;
	[tilespmem:$0x10100] =	vst v63  }
0xbe: {  	_ = 	snop  }
0xbf: {  	[tilespmem:s31], [sflag:$0x1] =	stream.indirect_vreg.gather [hbm4b:s1+s3], $0x80, v3, vm0, $0xb8;
	[tilespmem:$0x10100] =	vst v63  }
0xc0: {  	_ =	swait.ge [sflag:s2], $0x10000  }
0xc1: {  	p0 =	sne.s32 s4, $0x1;
	[sflag:s2] =	ssyncset.done $0x0  }
.Ltmp0:
0xc2: {  	s7 =	rddreg [dreg:$0x5];
	[sflag:s2] =	ssyncadd.s32 $0xFFFF0000;
	(pc) =	sbr.rel @p0 .LBB2_1-.Ltmp0, $4  }
0xc3: {  	[hbm4b:s7+s3] =	stream.linear.scatter [tilespmem:s6], [sflag:$0x2], $0x10000, $0x38;
	[tilespmem:$0x10100] =	vst v63  }
0xc4: {  	_ =	swait.ge [sflag:s5], $0x10000  }
0xc5: {  	[sflag:s5] =	ssyncset.done $0x0  }
0xc6: {  	s4 =	sadd.s32 $0xFFFFFFFF, s4;
	[sflag:s5] =	ssyncadd.s32 $0xFFFF0000  }
0xc7: {  	_ =	sfence.sel $0x180000  }
0xc8: {  	[bflag:$0x0] =	sbarrier.arrive $0xFFFF  }
0xc9: {  	_ =	strace $0x90000047  }
0xca: {  	s0 =	stileid.u32;
	[bflag:$0x2] =	sbarrier.arrive $0xFFFF  }
0xcb: {  	p0 =	sne.s32 s0, $0x0;
	s0 =	rddreg [dreg:$0x3]  }
0xcc: {  	s0 =	sadd.s32 @!p0 $0x100000, s0  }
0xcd: {  	[sflag:s0] =	ssyncadd.tile.s32 @!p0 $0x1;
	_ =	shalt  }
.Lfunc_end2:
_tile_overlayer_lowered:
.L_overlay_start_2:
0xce: {  	(tag) =	ssettag $0x2  }
0xcf: {  	s0 =	rddreg [dreg:$0x0];
	s2 =	stileid.u32  }
0xd0: {  	s1 =	rddreg [dreg:$0x1];
	p0 =	sne.s32 s2, $0x0  }
0xd1: {  	s3 =	rddreg [dreg:$0x2];
	[bflag:$0x3] =	sbarrier.arrive $0xFFFF;
	s2 =	simm.s32 @!p0 $0x1C02  }
0xd2: {  	[timem:s3], [sflag:s2] =	dma.local @!p0 [hbm:s0], s1  }
0xd3: {  	s0 =	simm.s32 @!p0 $0x2  }
0xd4: {  	_ =	swait.ge @!p0 [sflag:s0], s1  }
0xd5: {  	s1 =	ssub.s32 @!p0 $0x0, s1;
	[sflag:s0] =	ssyncset.done @!p0 $0x0  }
0xd6: {  	[sflag:s0] =	ssyncadd.s32 @!p0 s1  }
0xd7: {  	[bflag:$0x3] =	sbarrier.arrive $0xFFFF  }
0xd8: {  	_ =	shalt  }

</sc_bundles>
